<compile_context>
chip_gen: v7x
topology: tpu7x:2x2x1
jax: 0.10.2.dev20260603
libtpu: 0.0.44.dev20260713+nightly
codegen_flags: <defaults>
</compile_context>

<pallas_src>
import functools

import jax
import jax.numpy as jnp
from jax import lax
from jax.experimental import pallas as pl
from jax.experimental.pallas import tpu as pltpu

B, C, H, W = 16, 80, 128, 128
K = 100
MAX_OBJS = 128
M = 512

PLANES = B * C
NROW = C * H
BLK = 16
HW = H * W


def _a_kernel(hm_ref, gt_ref, cmax_ref, carg_ref, cg_ref, part_ref):
    i = pl.program_id(0)
    x = hm_ref[...]
    g = gt_ref[...]
    s = jnp.clip(jax.nn.sigmoid(x), 1e-4, 1.0 - 1e-4)

    zc = jnp.zeros((BLK, H, 1), jnp.float32)
    left = jnp.concatenate([s[:, :, 1:], zc], axis=2)
    right = jnp.concatenate([zc, s[:, :, :-1]], axis=2)
    hx = jnp.maximum(jnp.maximum(left, right), s)
    zr = jnp.zeros((BLK, 1, W), jnp.float32)
    up = jnp.concatenate([hx[:, 1:, :], zr], axis=1)
    dn = jnp.concatenate([zr, hx[:, :-1, :]], axis=1)
    hmax = jnp.maximum(jnp.maximum(up, dn), hx)
    nm = jnp.where(hmax == s, s, 0.0)

    rmax = jnp.max(nm, axis=2)
    lane = lax.broadcasted_iota(jnp.int32, (BLK, H, W), 2)
    rarg = jnp.min(jnp.where(nm == rmax[:, :, None], lane, W), axis=2)
    onehot = lane == rarg[:, :, None]
    gsel = jnp.sum(jnp.where(onehot, g, 0.0), axis=2)
    cmax_ref[...] = rmax
    carg_ref[...] = rarg
    cg_ref[...] = gsel

    pos = (g == 1.0).astype(jnp.float32)
    one_m_g = 1.0 - g
    nw = one_m_g * one_m_g
    nw = nw * nw
    pos_loss = jnp.log(s) * (1.0 - s) * (1.0 - s) * pos
    neg_loss = jnp.log(1.0 - s) * s * s * nw * (1.0 - pos)

    def r(v):
        t = jnp.sum(v, axis=0)
        return jnp.sum(t.reshape(16, 8, 128), axis=0)

    part = jnp.stack([r(pos_loss), r(neg_loss), r(pos)], axis=0)

    @pl.when(i == 0)
    def _():
        part_ref[...] = jnp.zeros_like(part_ref)

    part_ref[...] += part


def _run_a(hm, gt_hm):
    return pl.pallas_call(
        _a_kernel,
        grid=(PLANES // BLK,),
        in_specs=[
            pl.BlockSpec((BLK, H, W), lambda i: (i, 0, 0)),
            pl.BlockSpec((BLK, H, W), lambda i: (i, 0, 0)),
        ],
        out_specs=[
            pl.BlockSpec((BLK, H), lambda i: (i, 0)),
            pl.BlockSpec((BLK, H), lambda i: (i, 0)),
            pl.BlockSpec((BLK, H), lambda i: (i, 0)),
            pl.BlockSpec((3, 8, 128), lambda i: (0, 0, 0)),
        ],
        out_shape=[
            jax.ShapeDtypeStruct((PLANES, H), jnp.float32),
            jax.ShapeDtypeStruct((PLANES, H), jnp.int32),
            jax.ShapeDtypeStruct((PLANES, H), jnp.float32),
            jax.ShapeDtypeStruct((3, 8, 128), jnp.float32),
        ],
    )(hm.reshape(PLANES, H, W), gt_hm.reshape(PLANES, H, W))


def _s_kernel(cm_ref, t_ref):
    v = cm_ref[...]
    bits = lax.bitcast_convert_type(v, jnp.int32)

    def body(_, lohi):
        lo, hi = lohi
        mid = (lo + hi) // 2
        cnt = jnp.sum((bits >= mid).astype(jnp.int32))
        take = cnt >= K
        return jnp.where(take, mid, lo), jnp.where(take, hi, mid)

    lo, _ = lax.fori_loop(0, 31, body, (jnp.int32(0), jnp.int32(0x3F800001)))
    t_ref[...] = jnp.full((1, 8, 128), lo, jnp.int32)


def _run_s(cmax):
    return pl.pallas_call(
        _s_kernel,
        grid=(B,),
        in_specs=[pl.BlockSpec((1, C, H), lambda i: (i, 0, 0))],
        out_specs=pl.BlockSpec((1, 8, 128), lambda i: (i, 0, 0)),
        out_shape=jax.ShapeDtypeStruct((B, 8, 128), jnp.int32),
    )(cmax.reshape(B, C, H))


def _d_kernel(part_ref, bx1_ref, by1_ref, bx2_ref, by2_ref, valid_ref,
              val_ref, gold_ref, tb_ref,
              pw0_ref, pw1_ref, pr0_ref, pr1_ref,
              tw0_ref, tw1_ref, tr0_ref, tr1_ref, rm_ref, o_ref):
    part = part_ref[...]
    pos_sum = jnp.sum(part[0])
    neg_sum = jnp.sum(part[1])
    num_pos = jnp.sum(part[2])

    tb = tb_ref[...]
    tx1 = tb[0]
    ty1 = tb[1]
    tx2 = tb[2]
    ty2 = tb[3]
    tbi = tb[4]
    a2 = (tx2 - tx1) * (ty2 - ty1)

    bx1 = bx1_ref[...]
    by1 = by1_ref[...]
    bx2 = bx2_ref[...]
    by2 = by2_ref[...]
    valid = valid_ref[...]

    ious = []
    for i in range(B):
        m = (tbi == float(i)).astype(jnp.float32)
        a1 = (bx2[i] - bx1[i]) * (by2[i] - by1[i])
        ltx = jnp.maximum(bx1[i][:, None], tx1[None, :])
        lty = jnp.maximum(by1[i][:, None], ty1[None, :])
        rbx = jnp.minimum(bx2[i][:, None], tx2[None, :])
        rby = jnp.minimum(by2[i][:, None], ty2[None, :])
        iw = jnp.maximum(rbx - ltx, 0.0)
        ih = jnp.maximum(rby - lty, 0.0)
        inter = iw * ih
        union = a1[:, None] + a2[None, :] - inter
        iou_all = jnp.where(inter > 0, inter / union, 0.0)
        ious.append(jnp.max(iou_all * m[None, :], axis=1))
    iou = jnp.stack(ious, axis=0) * valid

    p = jnp.clip(val_ref[...], 1e-4, 1.0 - 1e-4)
    g_old = jnp.clip(gold_ref[...], 0.0, 1.0)
    g_new = jnp.clip(g_old + iou * 0.1, 0.0, 1.0)

    def terms(pp, gg):
        po = (gg == 1.0).astype(jnp.float32)
        omg = 1.0 - gg
        nw = omg * omg
        nw = nw * nw
        t_pos = jnp.log(pp) * (1.0 - pp) * (1.0 - pp) * po
        t_neg = jnp.log(1.0 - pp) * pp * pp * nw * (1.0 - po)
        return t_pos, t_neg, po

    pl_o, nl_o, po_o = terms(p, g_old)
    pl_n, nl_n, po_n = terms(p, g_new)
    pos_sum = pos_sum + jnp.sum((pl_n - pl_o) * valid)
    neg_sum = neg_sum + jnp.sum((nl_n - nl_o) * valid)
    num_pos = num_pos + jnp.sum((po_n - po_o) * valid)
    hm_loss = jnp.where(num_pos == 0.0, -neg_sum,
                        -(pos_sum + neg_sum) / jnp.maximum(num_pos, 1.0))

    rm = rm_ref[...]
    wh_sum = (jnp.sum(jnp.abs(pw0_ref[...] * rm - tw0_ref[...] * rm)) +
              jnp.sum(jnp.abs(pw1_ref[...] * rm - tw1_ref[...] * rm)))
    off_sum = (jnp.sum(jnp.abs(pr0_ref[...] * rm - tr0_ref[...] * rm)) +
               jnp.sum(jnp.abs(pr1_ref[...] * rm - tr1_ref[...] * rm)))
    msum = 2.0 * jnp.sum(rm)
    wh_loss = wh_sum / (msum + 1e-4)
    off_loss = off_sum / (msum + 1e-4)
    total = hm_loss + 0.1 * wh_loss + 1.0 * off_loss
    o_ref[...] = jnp.broadcast_to(total, (1, 1))


def _run_d(part, bx1, by1, bx2, by2, valid, val, gold, tb8,
           pw0, pw1, pr0, pr1, tw0, tw1, tr0, tr1, rm):
    return pl.pallas_call(
        _d_kernel,
        out_shape=jax.ShapeDtypeStruct((1, 1), jnp.float32),
    )(part, bx1, by1, bx2, by2, valid, val, gold, tb8,
      pw0, pw1, pr0, pr1, tw0, tw1, tr0, tr1, rm)


def kernel(hm, wh, reg, gt_hm, gt_wh, gt_reg, reg_mask, target_box, ind):
    cmax, carg, cg, part = _run_a(hm, gt_hm)
    thr = _run_s(cmax)

    cmax_i = cmax.reshape(B, NROW)
    carg_i = carg.reshape(B, NROW)
    cg_i = cg.reshape(B, NROW)
    bits = lax.bitcast_convert_type(cmax_i, jnp.int32)
    sel = bits >= thr[:, 0, 0][:, None]
    rank = jnp.cumsum(sel.astype(jnp.int32), axis=1) - 1
    slot = jnp.where(sel, rank, MAX_OBJS)
    rowids = jnp.broadcast_to(jnp.arange(NROW, dtype=jnp.int32)[None, :],
                              (B, NROW))
    rows = jnp.zeros((B, MAX_OBJS), jnp.int32).at[
        jnp.arange(B)[:, None], slot].set(rowids, mode="drop")
    nsel = jnp.minimum(jnp.sum(sel, axis=1), MAX_OBJS)
    valid = (jnp.arange(MAX_OBJS)[None, :] < nsel[:, None]).astype(jnp.float32)

    take = jnp.take_along_axis
    val = take(cmax_i, rows, axis=1)
    argx = take(carg_i, rows, axis=1)
    gold = take(cg_i, rows, axis=1)
    y = rows % H
    x = argx
    flat = y * W + x
    wh_f = wh.reshape(B, 2, HW)
    reg_f = reg.reshape(B, 2, HW)
    w0 = take(wh_f[:, 0], flat, axis=1)
    w1 = take(wh_f[:, 1], flat, axis=1)
    r0 = take(reg_f[:, 0], flat, axis=1)
    r1 = take(reg_f[:, 1], flat, axis=1)
    xs = x.astype(jnp.float32) + r0
    ys = y.astype(jnp.float32) + r1
    bx1 = xs - w0 * 0.5
    by1 = ys - w1 * 0.5
    bx2 = xs + w0 * 0.5
    by2 = ys + w1 * 0.5

    tb8 = jnp.concatenate(
        [jnp.transpose(target_box), jnp.zeros((3, M), jnp.float32)], axis=0)

    indc = ind.astype(jnp.int32)
    pw0 = take(wh_f[:, 0], indc, axis=1)
    pw1 = take(wh_f[:, 1], indc, axis=1)
    pr0 = take(reg_f[:, 0], indc, axis=1)
    pr1 = take(reg_f[:, 1], indc, axis=1)
    tw0 = gt_wh[:, :, 0]
    tw1 = gt_wh[:, :, 1]
    tr0 = gt_reg[:, :, 0]
    tr1 = gt_reg[:, :, 1]

    out = _run_d(part, bx1, by1, bx2, by2, valid, val, gold, tb8,
                 pw0, pw1, pr0, pr1, tw0, tw1, tr0, tr1, reg_mask)
    return out[0, 0]

# --- scband reference (transcript-rebuilt; emitter-appended) ---
"""Pipeline reference for scband-ct-io-uloss-64707977282025 (READ-ONLY COPY).

The authoritative reference and input builder live on the scoring server;
editing this copy changes nothing except your own understanding.
"""

import jax, jax.numpy as jnp
import numpy as np

B, C, H, W = 16, 80, 128, 128
K = 100
MAX_OBJS = 128
M = 512

def _sigmoid(x):
    return jnp.clip(jax.nn.sigmoid(x), 1e-4, 1.0 - 1e-4)

def _nms(heat):
    hmax = jax.lax.reduce_window(heat, -jnp.inf, jax.lax.max, (1, 1, 3, 3), (1, 1, 1, 1), 'SAME')
    keep = (hmax == heat).astype(heat.dtype)
    return heat * keep

def _gather_feat(feat, ind):
    b, n, c = feat.shape[0], ind.shape[1], feat.shape[2]
    idx = jnp.broadcast_to(ind[:, :, None], (b, n, c))
    return jnp.take_along_axis(feat, idx, axis=1)

def _transpose_and_gather_feat(feat, ind):
    b, c, h, w = feat.shape
    f = jnp.transpose(feat, (0, 2, 3, 1)).reshape(b, h * w, c)
    return _gather_feat(f, ind)

def _topk(scores, k):
    b, c, h, w = scores.shape
    topk_scores, topk_inds = jax.lax.top_k(scores.reshape(b, c, -1), k)
    topk_inds = topk_inds % (h * w)
    topk_ys = (topk_inds // w).astype(jnp.float32)
    topk_xs = (topk_inds % w).astype(jnp.float32)
    topk_score, topk_ind = jax.lax.top_k(topk_scores.reshape(b, -1), k)
    topk_clses = (topk_ind // k).astype(jnp.float32)
    topk_inds = jnp.take_along_axis(topk_inds.reshape(b, -1), topk_ind, axis=1)
    topk_ys = jnp.take_along_axis(topk_ys.reshape(b, -1), topk_ind, axis=1)
    topk_xs = jnp.take_along_axis(topk_xs.reshape(b, -1), topk_ind, axis=1)
    return topk_score, topk_inds, topk_clses, topk_ys, topk_xs

def new_ctdet_decode(heat, wh, reg, k):
    b = heat.shape[0]
    heat = _nms(heat)
    scores, inds, clses, ys, xs = _topk(heat, k)
    reg_g = _transpose_and_gather_feat(reg, inds).reshape(b, k, 2)
    xs_f = xs.reshape(b, k, 1) + reg_g[:, :, 0:1]
    ys_f = ys.reshape(b, k, 1) + reg_g[:, :, 1:2]
    wh_g = _transpose_and_gather_feat(wh, inds).reshape(b, k, 2)
    bboxes = jnp.concatenate([xs_f - wh_g[:, :, 0:1] / 2, ys_f - wh_g[:, :, 1:2] / 2, xs_f + wh_g[:, :, 0:1] / 2, ys_f + wh_g[:, :, 1:2] / 2], axis=2)
    dets = jnp.concatenate([bboxes, scores.reshape(b, k, 1), clses.reshape(b, k, 1)], axis=2)
    return dets, ys.reshape(b, k, 1), xs.reshape(b, k, 1)

def pairwise_iou(boxes1, boxes2):
    area1 = (boxes1[:, 2] - boxes1[:, 0]) * (boxes1[:, 3] - boxes1[:, 1])
    area2 = (boxes2[:, 2] - boxes2[:, 0]) * (boxes2[:, 3] - boxes2[:, 1])
    lt = jnp.maximum(boxes1[:, None, :2], boxes2[None, :, :2])
    rb = jnp.minimum(boxes1[:, None, 2:4], boxes2[None, :, 2:4])
    whi = jnp.clip(rb - lt, 0.0, None)
    inter = whi[:, :, 0] * whi[:, :, 1]
    union = area1[:, None] + area2[None, :] - inter
    return jnp.where(inter > 0, inter / union, 0.0)

def cal_gtpred_iou(target, dets):
    b = dets.shape[0]
    ious = []
    for i in range(b):
        mask = target[:, -1] == i
        iou_all = pairwise_iou(dets[i][:, :4], target[:, :4])
        ious.append(jnp.where(mask[None, :], iou_all, 0.0).max(axis=-1))
    return jnp.stack(ious, 0)

def focal_loss(pred, gt):
    pos_inds = (gt == 1.0).astype(pred.dtype)
    neg_inds = (gt < 1.0).astype(pred.dtype)
    neg_weights = jnp.power(1.0 - gt, 4)
    pos_loss = (jnp.log(pred) * jnp.power(1.0 - pred, 2) * pos_inds).sum()
    neg_loss = (jnp.log(1.0 - pred) * jnp.power(pred, 2) * neg_weights * neg_inds).sum()
    num_pos = pos_inds.sum()
    return jnp.where(num_pos == 0, -neg_loss, -(pos_loss + neg_loss) / jnp.maximum(num_pos, 1.0))

def reg_l1_loss(output, mask, ind, target):
    pred = _transpose_and_gather_feat(output, ind)
    mask_e = jnp.broadcast_to(mask[:, :, None], pred.shape).astype(pred.dtype)
    loss = jnp.abs(pred * mask_e - target * mask_e).sum()
    return loss / (mask_e.sum() + 1e-4)

def setup_inputs(seed: int = 0):
    key = jax.random.key(seed)
    ks = jax.random.split(key, 14)
    hm = jax.random.normal(ks[0], (B, C, H, W), dtype=jnp.float32)
    wh = jax.random.uniform(ks[1], (B, 2, H, W), dtype=jnp.float32) * 8.0 + 2.0
    reg = jax.random.normal(ks[2], (B, 2, H, W), dtype=jnp.float32) * 0.1
    gt_hm = jax.random.uniform(ks[3], (B, C, H, W), dtype=jnp.float32) * 0.5
    ind = jax.random.randint(ks[6], (B, MAX_OBJS), 0, H * W)
    cls_r = jax.random.randint(ks[12], (B, MAX_OBJS), 0, C)
    gt_hm = gt_hm.reshape(B, C, H * W).at[jnp.arange(B)[:, None], cls_r, ind].set(1.0).reshape(B, C, H, W)
    gt_wh = jax.random.uniform(ks[4], (B, MAX_OBJS, 2), dtype=jnp.float32) * 32.0
    gt_reg = jax.random.uniform(ks[5], (B, MAX_OBJS, 2), dtype=jnp.float32)
    reg_mask = jnp.ones((B, MAX_OBJS), dtype=jnp.float32)
    x1 = jax.random.uniform(ks[7], (M, 1), dtype=jnp.float32) * (W - 20)
    y1 = jax.random.uniform(ks[8], (M, 1), dtype=jnp.float32) * (H - 20)
    bw = jax.random.uniform(ks[9], (M, 1), dtype=jnp.float32) * 16.0 + 2.0
    bh = jax.random.uniform(ks[10], (M, 1), dtype=jnp.float32) * 16.0 + 2.0
    bi = jax.random.randint(ks[11], (M, 1), 0, B).astype(jnp.float32)
    target_box = jnp.concatenate([x1, y1, x1 + bw, y1 + bh, bi], axis=1)
    return {"hm": hm, "wh": wh, "reg": reg, "gt_hm": gt_hm, "gt_wh": gt_wh, "gt_reg": gt_reg, "reg_mask": reg_mask, "target_box": target_box, "ind": ind}

def reference(hm, wh, reg, gt_hm, gt_wh, gt_reg, reg_mask, target_box, ind):
    hm_s = _sigmoid(hm)
    dets, ys, xs = new_ctdet_decode(hm_s, wh, reg, K)
    iou = cal_gtpred_iou(target_box, dets).reshape(-1)
    b_idx = jnp.repeat(jnp.arange(B), K)
    cls_idx = jnp.clip(dets[:, :, -1].astype(jnp.int32).reshape(-1), 0, C - 1)
    y_idx = jnp.clip(ys.astype(jnp.int32).reshape(-1), 0, H - 1)
    x_idx = jnp.clip(xs.astype(jnp.int32).reshape(-1), 0, W - 1)
    iou_map = jnp.zeros_like(hm_s).at[b_idx, cls_idx, y_idx, x_idx].set(iou)
    new_gt = jnp.clip(gt_hm + iou_map * 0.1, 0.0, 1.0)
    hm_loss = focal_loss(hm_s, new_gt)
    wh_loss = reg_l1_loss(wh, reg_mask, ind, gt_wh)
    off_loss = reg_l1_loss(reg, reg_mask, ind, gt_reg)
    loss = 1.0 * hm_loss + 0.1 * wh_loss + 1.0 * off_loss
    return loss

if __name__ == "__main__":
    import jax
    _d = setup_inputs()
    print(jax.jit(kernel)(*tuple(_d.values())))

</pallas_src>

<mosaic_0001>
module attributes {stable_mosaic.version = 14 : i64} {
  func.func @_a_kernel(%arg0: i32, %arg1: memref<16x128x128xf32, #tpu.memory_space<vmem>>, %arg2: memref<16x128x128xf32, #tpu.memory_space<vmem>>, %arg3: memref<16x128xf32, #tpu.memory_space<vmem>>, %arg4: memref<16x128xi32, #tpu.memory_space<vmem>>, %arg5: memref<16x128xf32, #tpu.memory_space<vmem>>, %arg6: memref<3x8x128xf32, #tpu.memory_space<vmem>>) attributes {dimension_semantics = [#tpu.dimension_semantics<arbitrary>], iteration_bounds = array<i64: 80>, scalar_prefetch = 0 : i64, scratch_operands = 0 : i64, tpu.core_type = #tpu.core_type<tc>, window_params = [{transform_indices = @transform_0, window_bounds = array<i64: 16, 128, 128>}, {transform_indices = @transform_1, window_bounds = array<i64: 16, 128, 128>}, {transform_indices = @transform_2, window_bounds = array<i64: 16, 128>}, {transform_indices = @transform_3, window_bounds = array<i64: 16, 128>}, {transform_indices = @transform_4, window_bounds = array<i64: 16, 128>}, {pipeline_mode = #tpu.pipeline_mode<synchronous>, transform_indices = @transform_5, window_bounds = array<i64: 3, 8, 128>}]} {
    %get3A = arith.constant 0 : index
    %get3A_0 = arith.constant 0 : index
    %get3A_1 = arith.constant 0 : index
    %get3A_2 = vector.load %arg1[%get3A, %get3A_0, %get3A_1] : memref<16x128x128xf32, #tpu.memory_space<vmem>>, vector<16x128x128xf32>
    %get3A_3 = arith.constant 0 : index
    %get3A_4 = arith.constant 0 : index
    %get3A_5 = arith.constant 0 : index
    %get3A_6 = vector.load %arg2[%get3A_3, %get3A_4, %get3A_5] : memref<16x128x128xf32, #tpu.memory_space<vmem>>, vector<16x128x128xf32>
    %logistic3A = arith.negf %get3A_2 : vector<16x128x128xf32>
    %logistic3A_7 = math.exp %logistic3A : vector<16x128x128xf32>
    %logistic3A_8 = arith.constant 1.000000e+00 : f32
    %logistic3A_9 = vector.broadcast %logistic3A_8 : f32 to vector<16x128x128xf32>
    %logistic3A_10 = arith.addf %logistic3A_9, %logistic3A_7 : vector<16x128x128xf32>
    %logistic3A_11 = arith.divf %logistic3A_9, %logistic3A_10 : vector<16x128x128xf32>
    %jit3A = arith.constant 9.99999974E-5 : f32
    %jit3A_12 = arith.constant 0.999899983 : f32
    %max3A = vector.broadcast %jit3A : f32 to vector<16x128x128xf32>
    %max3A_13 = arith.maximumf %max3A, %logistic3A_11 : vector<16x128x128xf32>
    %min3A = vector.broadcast %jit3A_12 : f32 to vector<16x128x128xf32>
    %min3A_14 = arith.minimumf %min3A, %max3A_13 : vector<16x128x128xf32>
    %broadcast_in_dim3A = arith.constant 0.000000e+00 : f32
    %broadcast_in_dim3A_15 = vector.broadcast %broadcast_in_dim3A : f32 to vector<16x128x1xf32>
    %slice3A = vector.extract_strided_slice %min3A_14 {offsets = [0, 0, 1], sizes = [16, 128, 127], strides = [1, 1, 1]} : vector<16x128x128xf32> to vector<16x128x127xf32>
    %concatenate3A = tpu.concatenate %slice3A, %broadcast_in_dim3A_15 in 2 : vector<16x128x127xf32>, vector<16x128x1xf32> -> vector<16x128x128xf32>
    %slice3A_16 = vector.extract_strided_slice %min3A_14 {offsets = [0, 0, 0], sizes = [16, 128, 127], strides = [1, 1, 1]} : vector<16x128x128xf32> to vector<16x128x127xf32>
    %concatenate3A_17 = tpu.concatenate %broadcast_in_dim3A_15, %slice3A_16 in 2 : vector<16x128x1xf32>, vector<16x128x127xf32> -> vector<16x128x128xf32>
    %max3A_18 = arith.maximumf %concatenate3A, %concatenate3A_17 : vector<16x128x128xf32>
    %max3A_19 = arith.maximumf %max3A_18, %min3A_14 : vector<16x128x128xf32>
    %broadcast_in_dim3A_20 = arith.constant 0.000000e+00 : f32
    %broadcast_in_dim3A_21 = vector.broadcast %broadcast_in_dim3A_20 : f32 to vector<16x1x128xf32>
    %slice3A_22 = vector.extract_strided_slice %max3A_19 {offsets = [0, 1, 0], sizes = [16, 127, 128], strides = [1, 1, 1]} : vector<16x128x128xf32> to vector<16x127x128xf32>
    %concatenate3A_23 = tpu.concatenate %slice3A_22, %broadcast_in_dim3A_21 in 1 : vector<16x127x128xf32>, vector<16x1x128xf32> -> vector<16x128x128xf32>
    %slice3A_24 = vector.extract_strided_slice %max3A_19 {offsets = [0, 0, 0], sizes = [16, 127, 128], strides = [1, 1, 1]} : vector<16x128x128xf32> to vector<16x127x128xf32>
    %concatenate3A_25 = tpu.concatenate %broadcast_in_dim3A_21, %slice3A_24 in 1 : vector<16x1x128xf32>, vector<16x127x128xf32> -> vector<16x128x128xf32>
    %max3A_26 = arith.maximumf %concatenate3A_23, %concatenate3A_25 : vector<16x128x128xf32>
    %max3A_27 = arith.maximumf %max3A_26, %max3A_19 : vector<16x128x128xf32>
    %eq3A = arith.cmpf oeq, %max3A_27, %min3A_14 : vector<16x128x128xf32>
    %jit3A_28 = arith.constant 0.000000e+00 : f32
    %broadcast_in_dim3A_29 = vector.broadcast %jit3A_28 : f32 to vector<16x128x128xf32>
    %select_n3A = arith.select %eq3A, %min3A_14, %broadcast_in_dim3A_29 : vector<16x128x128xi1>, vector<16x128x128xf32>
    %reduce_max3A = arith.constant dense<0xFF800000> : vector<16x128xf32>
    %reduce_max3A_30 = vector.multi_reduction <maximumf>, %select_n3A, %reduce_max3A [2] : vector<16x128x128xf32> to vector<16x128xf32>
    %iota3A = tpu.iota {dimensions = array<i32: 2>} : vector<16x128x128xi32>
    %broadcast_in_dim3A_31 = vector.shape_cast %reduce_max3A_30 : vector<16x128xf32> to vector<16x128x1xf32>
    %eq3A_32 = vector.broadcast %broadcast_in_dim3A_31 : vector<16x128x1xf32> to vector<16x128x128xf32>
    %eq3A_33 = arith.cmpf oeq, %select_n3A, %eq3A_32 : vector<16x128x128xf32>
    %jit3A_34 = arith.constant 128 : i32
    %broadcast_in_dim3A_35 = vector.broadcast %jit3A_34 : i32 to vector<16x128x128xi32>
    %select_n3A_36 = arith.select %eq3A_33, %iota3A, %broadcast_in_dim3A_35 : vector<16x128x128xi1>, vector<16x128x128xi32>
    %reduce_min3A = arith.constant dense<2147483647> : vector<16x128xi32>
    %reduce_min3A_37 = vector.multi_reduction <minsi>, %select_n3A_36, %reduce_min3A [2] : vector<16x128x128xi32> to vector<16x128xi32>
    %broadcast_in_dim3A_38 = vector.shape_cast %reduce_min3A_37 : vector<16x128xi32> to vector<16x128x1xi32>
    %eq3A_39 = vector.broadcast %broadcast_in_dim3A_38 : vector<16x128x1xi32> to vector<16x128x128xi32>
    %eq3A_40 = arith.cmpi eq, %iota3A, %eq3A_39 : vector<16x128x128xi32>
    %jit3A_41 = arith.constant 0.000000e+00 : f32
    %broadcast_in_dim3A_42 = vector.broadcast %jit3A_41 : f32 to vector<16x128x128xf32>
    %select_n3A_43 = arith.select %eq3A_40, %get3A_6, %broadcast_in_dim3A_42 : vector<16x128x128xi1>, vector<16x128x128xf32>
    %reduce_sum3A = arith.constant dense<0.000000e+00> : vector<16x128xf32>
    %reduce_sum3A_44 = vector.multi_reduction <add>, %select_n3A_43, %reduce_sum3A [2] : vector<16x128x128xf32> to vector<16x128xf32>
    %swap3A = arith.constant 0 : index
    %swap3A_45 = arith.constant 0 : index
    %swap3A_46 = vector.load %arg3[%swap3A, %swap3A_45] : memref<16x128xf32, #tpu.memory_space<vmem>>, vector<16x128xf32>
    tpu.vector_store %arg3[%swap3A, %swap3A_45], %reduce_max3A_30 {strides = array<i32>} : memref<16x128xf32, #tpu.memory_space<vmem>>, vector<16x128xf32>,
    %swap3A_47 = arith.constant 0 : index
    %swap3A_48 = arith.constant 0 : index
    %swap3A_49 = vector.load %arg4[%swap3A_47, %swap3A_48] : memref<16x128xi32, #tpu.memory_space<vmem>>, vector<16x128xi32>
    tpu.vector_store %arg4[%swap3A_47, %swap3A_48], %reduce_min3A_37 {strides = array<i32>} : memref<16x128xi32, #tpu.memory_space<vmem>>, vector<16x128xi32>,
    %swap3A_50 = arith.constant 0 : index
    %swap3A_51 = arith.constant 0 : index
    %swap3A_52 = vector.load %arg5[%swap3A_50, %swap3A_51] : memref<16x128xf32, #tpu.memory_space<vmem>>, vector<16x128xf32>
    tpu.vector_store %arg5[%swap3A_50, %swap3A_51], %reduce_sum3A_44 {strides = array<i32>} : memref<16x128xf32, #tpu.memory_space<vmem>>, vector<16x128xf32>,
    %eq3A_53 = arith.constant 1.000000e+00 : f32
    %eq3A_54 = vector.broadcast %eq3A_53 : f32 to vector<16x128x128xf32>
    %eq3A_55 = arith.cmpf oeq, %get3A_6, %eq3A_54 : vector<16x128x128xf32>
    %convert_element_type3A = arith.extui %eq3A_55 : vector<16x128x128xi1> to vector<16x128x128xi32>
    %convert_element_type3A_56 = arith.sitofp %convert_element_type3A : vector<16x128x128xi32> to vector<16x128x128xf32>
    %sub3A = arith.constant 1.000000e+00 : f32
    %sub3A_57 = vector.broadcast %sub3A : f32 to vector<16x128x128xf32>
    %sub3A_58 = arith.subf %sub3A_57, %get3A_6 : vector<16x128x128xf32>
    %mul3A = arith.mulf %sub3A_58, %sub3A_58 : vector<16x128x128xf32>
    %mul3A_59 = arith.mulf %mul3A, %mul3A : vector<16x128x128xf32>
    %log3A = math.log %min3A_14 : vector<16x128x128xf32>
    %sub3A_60 = arith.constant 1.000000e+00 : f32
    %sub3A_61 = vector.broadcast %sub3A_60 : f32 to vector<16x128x128xf32>
    %sub3A_62 = arith.subf %sub3A_61, %min3A_14 : vector<16x128x128xf32>
    %mul3A_63 = arith.mulf %log3A, %sub3A_62 : vector<16x128x128xf32>
    %sub3A_64 = arith.constant 1.000000e+00 : f32
    %sub3A_65 = vector.broadcast %sub3A_64 : f32 to vector<16x128x128xf32>
    %sub3A_66 = arith.subf %sub3A_65, %min3A_14 : vector<16x128x128xf32>
    %mul3A_67 = arith.mulf %mul3A_63, %sub3A_66 : vector<16x128x128xf32>
    %mul3A_68 = arith.mulf %mul3A_67, %convert_element_type3A_56 : vector<16x128x128xf32>
    %sub3A_69 = arith.constant 1.000000e+00 : f32
    %sub3A_70 = vector.broadcast %sub3A_69 : f32 to vector<16x128x128xf32>
    %sub3A_71 = arith.subf %sub3A_70, %min3A_14 : vector<16x128x128xf32>
    %log3A_72 = math.log %sub3A_71 : vector<16x128x128xf32>
    %mul3A_73 = arith.mulf %log3A_72, %min3A_14 : vector<16x128x128xf32>
    %mul3A_74 = arith.mulf %mul3A_73, %min3A_14 : vector<16x128x128xf32>
    %mul3A_75 = arith.mulf %mul3A_74, %mul3A_59 : vector<16x128x128xf32>
    %sub3A_76 = arith.constant 1.000000e+00 : f32
    %sub3A_77 = vector.broadcast %sub3A_76 : f32 to vector<16x128x128xf32>
    %sub3A_78 = arith.subf %sub3A_77, %convert_element_type3A_56 : vector<16x128x128xf32>
    %mul3A_79 = arith.mulf %mul3A_75, %sub3A_78 : vector<16x128x128xf32>
    %reduce_sum3A_80 = arith.constant dense<0.000000e+00> : vector<128x128xf32>
    %reduce_sum3A_81 = vector.multi_reduction <add>, %mul3A_68, %reduce_sum3A_80 [0] : vector<16x128x128xf32> to vector<128x128xf32>
    %reshape3A = vector.shape_cast %reduce_sum3A_81 : vector<128x128xf32> to vector<16x8x128xf32>
    %reduce_sum3A_82 = arith.constant dense<0.000000e+00> : vector<8x128xf32>
    %reduce_sum3A_83 = vector.multi_reduction <add>, %reshape3A, %reduce_sum3A_82 [0] : vector<16x8x128xf32> to vector<8x128xf32>
    %reduce_sum3A_84 = arith.constant dense<0.000000e+00> : vector<128x128xf32>
    %reduce_sum3A_85 = vector.multi_reduction <add>, %mul3A_79, %reduce_sum3A_84 [0] : vector<16x128x128xf32> to vector<128x128xf32>
    %reshape3A_86 = vector.shape_cast %reduce_sum3A_85 : vector<128x128xf32> to vector<16x8x128xf32>
    %reduce_sum3A_87 = arith.constant dense<0.000000e+00> : vector<8x128xf32>
    %reduce_sum3A_88 = vector.multi_reduction <add>, %reshape3A_86, %reduce_sum3A_87 [0] : vector<16x8x128xf32> to vector<8x128xf32>
    %reduce_sum3A_89 = arith.constant dense<0.000000e+00> : vector<128x128xf32>
    %reduce_sum3A_90 = vector.multi_reduction <add>, %convert_element_type3A_56, %reduce_sum3A_89 [0] : vector<16x128x128xf32> to vector<128x128xf32>
    %reshape3A_91 = vector.shape_cast %reduce_sum3A_90 : vector<128x128xf32> to vector<16x8x128xf32>
    %reduce_sum3A_92 = arith.constant dense<0.000000e+00> : vector<8x128xf32>
    %reduce_sum3A_93 = vector.multi_reduction <add>, %reshape3A_91, %reduce_sum3A_92 [0] : vector<16x8x128xf32> to vector<8x128xf32>
    %stack3A = vector.shape_cast %reduce_sum3A_83 : vector<8x128xf32> to vector<1x8x128xf32>
    %stack3A_94 = vector.shape_cast %reduce_sum3A_88 : vector<8x128xf32> to vector<1x8x128xf32>
    %stack3A_95 = vector.shape_cast %reduce_sum3A_93 : vector<8x128xf32> to vector<1x8x128xf32>
    %stack3A_96 = tpu.concatenate %stack3A, %stack3A_94, %stack3A_95 in 0 : vector<1x8x128xf32>, vector<1x8x128xf32>, vector<1x8x128xf32> -> vector<3x8x128xf32>
    %eq3A_97 = arith.constant 0 : i32
    %eq3A_98 = arith.cmpi eq, %arg0, %eq3A_97 : i32
    %convert_element_type3A_99 = arith.extui %eq3A_98 : i1 to i32
    %cond3A = arith.constant 0 : i32
    %cond3A_100 = arith.cmpi ne, %convert_element_type3A_99, %cond3A : i32
    scf.if %cond3A_100 {
      %broadcast_in_dim3A_109 = arith.constant 0.000000e+00 : f32
      %broadcast_in_dim3A_110 = vector.broadcast %broadcast_in_dim3A_109 : f32 to vector<3x8x128xf32>
      %swap3A_111 = arith.constant 0 : index
      %swap3A_112 = arith.constant 0 : index
      %swap3A_113 = arith.constant 0 : index
      %swap3A_114 = vector.load %arg6[%swap3A_111, %swap3A_112, %swap3A_113] : memref<3x8x128xf32, #tpu.memory_space<vmem>>, vector<3x8x128xf32>
      tpu.vector_store %arg6[%swap3A_111, %swap3A_112, %swap3A_113], %broadcast_in_dim3A_110 {strides = array<i32>} : memref<3x8x128xf32, #tpu.memory_space<vmem>>, vector<3x8x128xf32>,
    } else {
    }
    %get3A_101 = arith.constant 0 : index
    %get3A_102 = arith.constant 0 : index
    %get3A_103 = arith.constant 0 : index
    %get3A_104 = vector.load %arg6[%get3A_101, %get3A_102, %get3A_103] : memref<3x8x128xf32, #tpu.memory_space<vmem>>, vector<3x8x128xf32>
    %add3A = arith.addf %get3A_104, %stack3A_96 : vector<3x8x128xf32>
    %swap3A_105 = arith.constant 0 : index
    %swap3A_106 = arith.constant 0 : index
    %swap3A_107 = arith.constant 0 : index
    %swap3A_108 = vector.load %arg6[%swap3A_105, %swap3A_106, %swap3A_107] : memref<3x8x128xf32, #tpu.memory_space<vmem>>, vector<3x8x128xf32>
    tpu.vector_store %arg6[%swap3A_105, %swap3A_106, %swap3A_107], %add3A {strides = array<i32>} : memref<3x8x128xf32, #tpu.memory_space<vmem>>, vector<3x8x128xf32>,
    return
  }
  func.func @transform_0(%arg0: i32) -> (i32, i32, i32) {
    %c0_i32 = arith.constant 0 : i32
    %c0_i32_0 = arith.constant 0 : i32
    %c0_i32_1 = arith.constant 0 : i32
    return %arg0, %c0_i32, %c0_i32_0 : i32, i32, i32
  }
  func.func @transform_1(%arg0: i32) -> (i32, i32, i32) {
    %c0_i32 = arith.constant 0 : i32
    %c0_i32_0 = arith.constant 0 : i32
    %c0_i32_1 = arith.constant 0 : i32
    return %arg0, %c0_i32, %c0_i32_0 : i32, i32, i32
  }
  func.func @transform_2(%arg0: i32) -> (i32, i32) {
    %c0_i32 = arith.constant 0 : i32
    %c0_i32_0 = arith.constant 0 : i32
    return %arg0, %c0_i32 : i32, i32
  }
  func.func @transform_3(%arg0: i32) -> (i32, i32) {
    %c0_i32 = arith.constant 0 : i32
    %c0_i32_0 = arith.constant 0 : i32
    return %arg0, %c0_i32 : i32, i32
  }
  func.func @transform_4(%arg0: i32) -> (i32, i32) {
    %c0_i32 = arith.constant 0 : i32
    %c0_i32_0 = arith.constant 0 : i32
    return %arg0, %c0_i32 : i32, i32
  }
  func.func @transform_5(%arg0: i32) -> (i32, i32, i32) {
    %c0_i32 = arith.constant 0 : i32
    %c0_i32_0 = arith.constant 0 : i32
    %c0_i32_1 = arith.constant 0 : i32
    %c0_i32_2 = arith.constant 0 : i32
    return %c0_i32, %c0_i32_0, %c0_i32_1 : i32, i32, i32
  }
}

module attributes {stable_mosaic.version = 14 : i64} {
  func.func @_s_kernel(%arg0: i32, %arg1: memref<1x80x128xf32, #tpu.memory_space<vmem>>, %arg2: memref<1x8x128xi32, #tpu.memory_space<vmem>>) attributes {dimension_semantics = [#tpu.dimension_semantics<arbitrary>], iteration_bounds = array<i64: 16>, scalar_prefetch = 0 : i64, scratch_operands = 0 : i64, tpu.core_type = #tpu.core_type<tc>, window_params = [{transform_indices = @transform_0, window_bounds = array<i64: 1, 80, 128>}, {transform_indices = @transform_1, window_bounds = array<i64: 1, 8, 128>}]} {
    %get3A = arith.constant 0 : index
    %get3A_0 = arith.constant 0 : index
    %get3A_1 = arith.constant 0 : index
    %get3A_2 = vector.load %arg1[%get3A, %get3A_0, %get3A_1] : memref<1x80x128xf32, #tpu.memory_space<vmem>>, vector<1x80x128xf32>
    %bitcast_convert_type3A = tpu.bitcast %get3A_2 : vector<1x80x128xf32> -> vector<1x80x128xi32>
    %scan3A = arith.constant 0 : i32
    %scan3A_3 = arith.constant 1065353217 : i32
    %scan3A_4 = arith.constant 0 : i32
    %scan3A_5 = arith.constant 31 : i32
    %scan3A_6 = arith.addi %scan3A_4, %scan3A_5 : i32
    %scan3A_7 = arith.constant 1 : i32
    %scan3A_8:2 = scf.for %scan3A_12 = %scan3A_4 to %scan3A_6 step %scan3A_7 iter_args(%scan3A_13 = %scan3A, %scan3A_14 = %scan3A_3) -> (i32, i32)  : i32 {
      %add3A = arith.addi %scan3A_13, %scan3A_14 : i32
      %jit3A = arith.constant 2 : i32
      %div3A = arith.divsi %add3A, %jit3A : i32
      %sign3A = arith.constant 0 : i32
      %sign3A_15 = arith.cmpi sgt, %add3A, %sign3A : i32
      %sign3A_16 = arith.extui %sign3A_15 : i1 to i32
      %sign3A_17 = arith.constant 0 : i32
      %sign3A_18 = arith.cmpi slt, %add3A, %sign3A_17 : i32
      %sign3A_19 = arith.extui %sign3A_18 : i1 to i32
      %sign3A_20 = arith.subi %sign3A_16, %sign3A_19 : i32
      %sign3A_21 = arith.constant 0 : i32
      %sign3A_22 = arith.cmpi sgt, %jit3A, %sign3A_21 : i32
      %sign3A_23 = arith.extui %sign3A_22 : i1 to i32
      %sign3A_24 = arith.constant 0 : i32
      %sign3A_25 = arith.cmpi slt, %jit3A, %sign3A_24 : i32
      %sign3A_26 = arith.extui %sign3A_25 : i1 to i32
      %sign3A_27 = arith.subi %sign3A_23, %sign3A_26 : i32
      %ne3A = arith.cmpi ne, %sign3A_20, %sign3A_27 : i32
      %rem3A = arith.remsi %add3A, %jit3A : i32
      %ne3A_28 = arith.constant 0 : i32
      %ne3A_29 = arith.cmpi ne, %rem3A, %ne3A_28 : i32
      %and3A = arith.andi %ne3A, %ne3A_29 : i1
      %sub3A = arith.constant 1 : i32
      %sub3A_30 = arith.subi %div3A, %sub3A : i32
      %select_n3A = arith.select %and3A, %sub3A_30, %div3A : i32
      %ge3A = vector.broadcast %select_n3A : i32 to vector<1x80x128xi32>
      %ge3A_31 = arith.cmpi sge, %bitcast_convert_type3A, %ge3A : vector<1x80x128xi32>
      %convert_element_type3A = arith.extui %ge3A_31 : vector<1x80x128xi1> to vector<1x80x128xi32>
      %reduce_sum3A = vector.shape_cast %convert_element_type3A : vector<1x80x128xi32> to vector<1x1x80x128xi32>
      %reduce_sum3A_32 = arith.constant dense<0> : vector<1xi32>
      %reduce_sum3A_33 = vector.multi_reduction <add>, %reduce_sum3A, %reduce_sum3A_32 [1, 2, 3] : vector<1x1x80x128xi32> to vector<1xi32>
      %reduce_sum3A_34 = vector.shape_cast %reduce_sum3A_33 : vector<1xi32> to vector<1x1x1x1xi32>
      %reduce_sum3A_35 = vector.extract %reduce_sum3A_34[0, 0, 0, 0] : i32 from vector<1x1x1x1xi32>
      %ge3A_36 = arith.constant 100 : i32
      %ge3A_37 = arith.cmpi sge, %reduce_sum3A_35, %ge3A_36 : i32
      %select_n3A_38 = arith.select %ge3A_37, %select_n3A, %scan3A_13 : i32
      %select_n3A_39 = arith.select %ge3A_37, %scan3A_14, %select_n3A : i32
      scf.yield %select_n3A_38, %select_n3A_39 : i32, i32
    }
    %broadcast_in_dim3A = vector.broadcast %scan3A_8#0 : i32 to vector<1x8x128xi32>
    %swap3A = arith.constant 0 : index
    %swap3A_9 = arith.constant 0 : index
    %swap3A_10 = arith.constant 0 : index
    %swap3A_11 = vector.load %arg2[%swap3A, %swap3A_9, %swap3A_10] : memref<1x8x128xi32, #tpu.memory_space<vmem>>, vector<1x8x128xi32>
    tpu.vector_store %arg2[%swap3A, %swap3A_9, %swap3A_10], %broadcast_in_dim3A {strides = array<i32>} : memref<1x8x128xi32, #tpu.memory_space<vmem>>, vector<1x8x128xi32>,
    return
  }
  func.func @transform_0(%arg0: i32) -> (i32, i32, i32) {
    %c0_i32 = arith.constant 0 : i32
    %c0_i32_0 = arith.constant 0 : i32
    %c0_i32_1 = arith.constant 0 : i32
    return %arg0, %c0_i32, %c0_i32_0 : i32, i32, i32
  }
  func.func @transform_1(%arg0: i32) -> (i32, i32, i32) {
    %c0_i32 = arith.constant 0 : i32
    %c0_i32_0 = arith.constant 0 : i32
    %c0_i32_1 = arith.constant 0 : i32
    return %arg0, %c0_i32, %c0_i32_0 : i32, i32, i32
  }
}

module attributes {stable_mosaic.version = 14 : i64} {
  func.func @_d_kernel(%arg0: memref<3x8x128xf32, #tpu.memory_space<vmem>>, %arg1: memref<16x128xf32, #tpu.memory_space<vmem>>, %arg2: memref<16x128xf32, #tpu.memory_space<vmem>>, %arg3: memref<16x128xf32, #tpu.memory_space<vmem>>, %arg4: memref<16x128xf32, #tpu.memory_space<vmem>>, %arg5: memref<16x128xf32, #tpu.memory_space<vmem>>, %arg6: memref<16x128xf32, #tpu.memory_space<vmem>>, %arg7: memref<16x128xf32, #tpu.memory_space<vmem>>, %arg8: memref<8x512xf32, #tpu.memory_space<vmem>>, %arg9: memref<16x128xf32, #tpu.memory_space<vmem>>, %arg10: memref<16x128xf32, #tpu.memory_space<vmem>>, %arg11: memref<16x128xf32, #tpu.memory_space<vmem>>, %arg12: memref<16x128xf32, #tpu.memory_space<vmem>>, %arg13: memref<16x128xf32, #tpu.memory_space<vmem>>, %arg14: memref<16x128xf32, #tpu.memory_space<vmem>>, %arg15: memref<16x128xf32, #tpu.memory_space<vmem>>, %arg16: memref<16x128xf32, #tpu.memory_space<vmem>>, %arg17: memref<16x128xf32, #tpu.memory_space<vmem>>, %arg18: memref<1x1xf32, #tpu.memory_space<vmem>>) attributes {dimension_semantics = [], scalar_prefetch = 0 : i64, scratch_operands = 0 : i64, tpu.core_type = #tpu.core_type<tc>} {
    %get3A = arith.constant 0 : index
    %get3A_0 = arith.constant 0 : index
    %get3A_1 = arith.constant 0 : index
    %get3A_2 = vector.load %arg0[%get3A, %get3A_0, %get3A_1] : memref<3x8x128xf32, #tpu.memory_space<vmem>>, vector<3x8x128xf32>
    %slice3A = vector.extract_strided_slice %get3A_2 {offsets = [0, 0, 0], sizes = [1, 8, 128], strides = [1, 1, 1]} : vector<3x8x128xf32> to vector<1x8x128xf32>
    %squeeze3A = vector.shape_cast %slice3A : vector<1x8x128xf32> to vector<8x128xf32>
    %reduce_sum3A = vector.shape_cast %squeeze3A : vector<8x128xf32> to vector<1x8x128xf32>
    %reduce_sum3A_3 = arith.constant dense<0.000000e+00> : vector<1xf32>
    %reduce_sum3A_4 = vector.multi_reduction <add>, %reduce_sum3A, %reduce_sum3A_3 [1, 2] : vector<1x8x128xf32> to vector<1xf32>
    %reduce_sum3A_5 = vector.shape_cast %reduce_sum3A_4 : vector<1xf32> to vector<1x1x1xf32>
    %reduce_sum3A_6 = vector.extract %reduce_sum3A_5[0, 0, 0] : f32 from vector<1x1x1xf32>
    %slice3A_7 = vector.extract_strided_slice %get3A_2 {offsets = [1, 0, 0], sizes = [1, 8, 128], strides = [1, 1, 1]} : vector<3x8x128xf32> to vector<1x8x128xf32>
    %squeeze3A_8 = vector.shape_cast %slice3A_7 : vector<1x8x128xf32> to vector<8x128xf32>
    %reduce_sum3A_9 = vector.shape_cast %squeeze3A_8 : vector<8x128xf32> to vector<1x8x128xf32>
    %reduce_sum3A_10 = arith.constant dense<0.000000e+00> : vector<1xf32>
    %reduce_sum3A_11 = vector.multi_reduction <add>, %reduce_sum3A_9, %reduce_sum3A_10 [1, 2] : vector<1x8x128xf32> to vector<1xf32>
    %reduce_sum3A_12 = vector.shape_cast %reduce_sum3A_11 : vector<1xf32> to vector<1x1x1xf32>
    %reduce_sum3A_13 = vector.extract %reduce_sum3A_12[0, 0, 0] : f32 from vector<1x1x1xf32>
    %slice3A_14 = vector.extract_strided_slice %get3A_2 {offsets = [2, 0, 0], sizes = [1, 8, 128], strides = [1, 1, 1]} : vector<3x8x128xf32> to vector<1x8x128xf32>
    %squeeze3A_15 = vector.shape_cast %slice3A_14 : vector<1x8x128xf32> to vector<8x128xf32>
    %reduce_sum3A_16 = vector.shape_cast %squeeze3A_15 : vector<8x128xf32> to vector<1x8x128xf32>
    %reduce_sum3A_17 = arith.constant dense<0.000000e+00> : vector<1xf32>
    %reduce_sum3A_18 = vector.multi_reduction <add>, %reduce_sum3A_16, %reduce_sum3A_17 [1, 2] : vector<1x8x128xf32> to vector<1xf32>
    %reduce_sum3A_19 = vector.shape_cast %reduce_sum3A_18 : vector<1xf32> to vector<1x1x1xf32>
    %reduce_sum3A_20 = vector.extract %reduce_sum3A_19[0, 0, 0] : f32 from vector<1x1x1xf32>
    %get3A_21 = arith.constant 0 : index
    %get3A_22 = arith.constant 0 : index
    %get3A_23 = vector.load %arg8[%get3A_21, %get3A_22] : memref<8x512xf32, #tpu.memory_space<vmem>>, vector<8x512xf32>
    %slice3A_24 = vector.extract_strided_slice %get3A_23 {offsets = [0, 0], sizes = [1, 512], strides = [1, 1]} : vector<8x512xf32> to vector<1x512xf32>
    %squeeze3A_25 = vector.shape_cast %slice3A_24 : vector<1x512xf32> to vector<512xf32>
    %slice3A_26 = vector.extract_strided_slice %get3A_23 {offsets = [1, 0], sizes = [1, 512], strides = [1, 1]} : vector<8x512xf32> to vector<1x512xf32>
    %squeeze3A_27 = vector.shape_cast %slice3A_26 : vector<1x512xf32> to vector<512xf32>
    %slice3A_28 = vector.extract_strided_slice %get3A_23 {offsets = [2, 0], sizes = [1, 512], strides = [1, 1]} : vector<8x512xf32> to vector<1x512xf32>
    %squeeze3A_29 = vector.shape_cast %slice3A_28 : vector<1x512xf32> to vector<512xf32>
    %slice3A_30 = vector.extract_strided_slice %get3A_23 {offsets = [3, 0], sizes = [1, 512], strides = [1, 1]} : vector<8x512xf32> to vector<1x512xf32>
    %squeeze3A_31 = vector.shape_cast %slice3A_30 : vector<1x512xf32> to vector<512xf32>
    %slice3A_32 = vector.extract_strided_slice %get3A_23 {offsets = [4, 0], sizes = [1, 512], strides = [1, 1]} : vector<8x512xf32> to vector<1x512xf32>
    %squeeze3A_33 = vector.shape_cast %slice3A_32 : vector<1x512xf32> to vector<512xf32>
    %sub3A = arith.subf %squeeze3A_29, %squeeze3A_25 : vector<512xf32>
    %sub3A_34 = arith.subf %squeeze3A_31, %squeeze3A_27 : vector<512xf32>
    %mul3A = arith.mulf %sub3A, %sub3A_34 : vector<512xf32>
    %get3A_35 = arith.constant 0 : index
    %get3A_36 = arith.constant 0 : index
    %get3A_37 = vector.load %arg1[%get3A_35, %get3A_36] : memref<16x128xf32, #tpu.memory_space<vmem>>, vector<16x128xf32>
    %get3A_38 = arith.constant 0 : index
    %get3A_39 = arith.constant 0 : index
    %get3A_40 = vector.load %arg2[%get3A_38, %get3A_39] : memref<16x128xf32, #tpu.memory_space<vmem>>, vector<16x128xf32>
    %get3A_41 = arith.constant 0 : index
    %get3A_42 = arith.constant 0 : index
    %get3A_43 = vector.load %arg3[%get3A_41, %get3A_42] : memref<16x128xf32, #tpu.memory_space<vmem>>, vector<16x128xf32>
    %get3A_44 = arith.constant 0 : index
    %get3A_45 = arith.constant 0 : index
    %get3A_46 = vector.load %arg4[%get3A_44, %get3A_45] : memref<16x128xf32, #tpu.memory_space<vmem>>, vector<16x128xf32>
    %get3A_47 = arith.constant 0 : index
    %get3A_48 = arith.constant 0 : index
    %get3A_49 = vector.load %arg5[%get3A_47, %get3A_48] : memref<16x128xf32, #tpu.memory_space<vmem>>, vector<16x128xf32>
    %eq3A = arith.constant 0.000000e+00 : f32
    %eq3A_50 = vector.broadcast %eq3A : f32 to vector<512xf32>
    %eq3A_51 = arith.cmpf oeq, %squeeze3A_33, %eq3A_50 : vector<512xf32>
    %convert_element_type3A = arith.extui %eq3A_51 : vector<512xi1> to vector<512xi32>
    %convert_element_type3A_52 = arith.sitofp %convert_element_type3A : vector<512xi32> to vector<512xf32>
    %slice3A_53 = vector.extract_strided_slice %get3A_43 {offsets = [0, 0], sizes = [1, 128], strides = [1, 1]} : vector<16x128xf32> to vector<1x128xf32>
    %squeeze3A_54 = vector.shape_cast %slice3A_53 : vector<1x128xf32> to vector<128xf32>
    %slice3A_55 = vector.extract_strided_slice %get3A_37 {offsets = [0, 0], sizes = [1, 128], strides = [1, 1]} : vector<16x128xf32> to vector<1x128xf32>
    %squeeze3A_56 = vector.shape_cast %slice3A_55 : vector<1x128xf32> to vector<128xf32>
    %sub3A_57 = arith.subf %squeeze3A_54, %squeeze3A_56 : vector<128xf32>
    %slice3A_58 = vector.extract_strided_slice %get3A_46 {offsets = [0, 0], sizes = [1, 128], strides = [1, 1]} : vector<16x128xf32> to vector<1x128xf32>
    %squeeze3A_59 = vector.shape_cast %slice3A_58 : vector<1x128xf32> to vector<128xf32>
    %slice3A_60 = vector.extract_strided_slice %get3A_40 {offsets = [0, 0], sizes = [1, 128], strides = [1, 1]} : vector<16x128xf32> to vector<1x128xf32>
    %squeeze3A_61 = vector.shape_cast %slice3A_60 : vector<1x128xf32> to vector<128xf32>
    %sub3A_62 = arith.subf %squeeze3A_59, %squeeze3A_61 : vector<128xf32>
    %mul3A_63 = arith.mulf %sub3A_57, %sub3A_62 : vector<128xf32>
    %slice3A_64 = vector.extract_strided_slice %get3A_37 {offsets = [0, 0], sizes = [1, 128], strides = [1, 1]} : vector<16x128xf32> to vector<1x128xf32>
    %squeeze3A_65 = vector.shape_cast %slice3A_64 : vector<1x128xf32> to vector<128xf32>
    %broadcast_in_dim3A = vector.shape_cast %squeeze3A_65 : vector<128xf32> to vector<128x1xf32>
    %broadcast_in_dim3A_66 = vector.shape_cast %squeeze3A_25 : vector<512xf32> to vector<1x512xf32>
    %max3A = vector.broadcast %broadcast_in_dim3A : vector<128x1xf32> to vector<128x512xf32>
    %max3A_67 = vector.broadcast %broadcast_in_dim3A_66 : vector<1x512xf32> to vector<128x512xf32>
    %max3A_68 = arith.maximumf %max3A, %max3A_67 : vector<128x512xf32>
    %slice3A_69 = vector.extract_strided_slice %get3A_40 {offsets = [0, 0], sizes = [1, 128], strides = [1, 1]} : vector<16x128xf32> to vector<1x128xf32>
    %squeeze3A_70 = vector.shape_cast %slice3A_69 : vector<1x128xf32> to vector<128xf32>
    %broadcast_in_dim3A_71 = vector.shape_cast %squeeze3A_70 : vector<128xf32> to vector<128x1xf32>
    %broadcast_in_dim3A_72 = vector.shape_cast %squeeze3A_27 : vector<512xf32> to vector<1x512xf32>
    %max3A_73 = vector.broadcast %broadcast_in_dim3A_71 : vector<128x1xf32> to vector<128x512xf32>
    %max3A_74 = vector.broadcast %broadcast_in_dim3A_72 : vector<1x512xf32> to vector<128x512xf32>
    %max3A_75 = arith.maximumf %max3A_73, %max3A_74 : vector<128x512xf32>
    %slice3A_76 = vector.extract_strided_slice %get3A_43 {offsets = [0, 0], sizes = [1, 128], strides = [1, 1]} : vector<16x128xf32> to vector<1x128xf32>
    %squeeze3A_77 = vector.shape_cast %slice3A_76 : vector<1x128xf32> to vector<128xf32>
    %broadcast_in_dim3A_78 = vector.shape_cast %squeeze3A_77 : vector<128xf32> to vector<128x1xf32>
    %broadcast_in_dim3A_79 = vector.shape_cast %squeeze3A_29 : vector<512xf32> to vector<1x512xf32>
    %min3A = vector.broadcast %broadcast_in_dim3A_78 : vector<128x1xf32> to vector<128x512xf32>
    %min3A_80 = vector.broadcast %broadcast_in_dim3A_79 : vector<1x512xf32> to vector<128x512xf32>
    %min3A_81 = arith.minimumf %min3A, %min3A_80 : vector<128x512xf32>
    %slice3A_82 = vector.extract_strided_slice %get3A_46 {offsets = [0, 0], sizes = [1, 128], strides = [1, 1]} : vector<16x128xf32> to vector<1x128xf32>
    %squeeze3A_83 = vector.shape_cast %slice3A_82 : vector<1x128xf32> to vector<128xf32>
    %broadcast_in_dim3A_84 = vector.shape_cast %squeeze3A_83 : vector<128xf32> to vector<128x1xf32>
    %broadcast_in_dim3A_85 = vector.shape_cast %squeeze3A_31 : vector<512xf32> to vector<1x512xf32>
    %min3A_86 = vector.broadcast %broadcast_in_dim3A_84 : vector<128x1xf32> to vector<128x512xf32>
    %min3A_87 = vector.broadcast %broadcast_in_dim3A_85 : vector<1x512xf32> to vector<128x512xf32>
    %min3A_88 = arith.minimumf %min3A_86, %min3A_87 : vector<128x512xf32>
    %sub3A_89 = arith.subf %min3A_81, %max3A_68 : vector<128x512xf32>
    %max3A_90 = arith.constant 0.000000e+00 : f32
    %max3A_91 = vector.broadcast %max3A_90 : f32 to vector<128x512xf32>
    %max3A_92 = arith.maximumf %sub3A_89, %max3A_91 : vector<128x512xf32>
    %sub3A_93 = arith.subf %min3A_88, %max3A_75 : vector<128x512xf32>
    %max3A_94 = arith.constant 0.000000e+00 : f32
    %max3A_95 = vector.broadcast %max3A_94 : f32 to vector<128x512xf32>
    %max3A_96 = arith.maximumf %sub3A_93, %max3A_95 : vector<128x512xf32>
    %mul3A_97 = arith.mulf %max3A_92, %max3A_96 : vector<128x512xf32>
    %broadcast_in_dim3A_98 = vector.shape_cast %mul3A_63 : vector<128xf32> to vector<128x1xf32>
    %broadcast_in_dim3A_99 = vector.shape_cast %mul3A : vector<512xf32> to vector<1x512xf32>
    %add3A = vector.broadcast %broadcast_in_dim3A_98 : vector<128x1xf32> to vector<128x512xf32>
    %add3A_100 = vector.broadcast %broadcast_in_dim3A_99 : vector<1x512xf32> to vector<128x512xf32>
    %add3A_101 = arith.addf %add3A, %add3A_100 : vector<128x512xf32>
    %sub3A_102 = arith.subf %add3A_101, %mul3A_97 : vector<128x512xf32>
    %gt3A = arith.constant 0.000000e+00 : f32
    %gt3A_103 = vector.broadcast %gt3A : f32 to vector<128x512xf32>
    %gt3A_104 = arith.cmpf ogt, %mul3A_97, %gt3A_103 : vector<128x512xf32>
    %div3A = arith.divf %mul3A_97, %sub3A_102 : vector<128x512xf32>
    %jit3A = arith.constant 0.000000e+00 : f32
    %broadcast_in_dim3A_105 = vector.broadcast %jit3A : f32 to vector<128x512xf32>
    %select_n3A = arith.select %gt3A_104, %div3A, %broadcast_in_dim3A_105 : vector<128x512xi1>, vector<128x512xf32>
    %broadcast_in_dim3A_106 = vector.shape_cast %convert_element_type3A_52 : vector<512xf32> to vector<1x512xf32>
    %mul3A_107 = vector.broadcast %broadcast_in_dim3A_106 : vector<1x512xf32> to vector<128x512xf32>
    %mul3A_108 = arith.mulf %select_n3A, %mul3A_107 : vector<128x512xf32>
    %reduce_max3A = arith.constant dense<0xFF800000> : vector<128xf32>
    %reduce_max3A_109 = vector.multi_reduction <maximumf>, %mul3A_108, %reduce_max3A [1] : vector<128x512xf32> to vector<128xf32>
    %eq3A_110 = arith.constant 1.000000e+00 : f32
    %eq3A_111 = vector.broadcast %eq3A_110 : f32 to vector<512xf32>
    %eq3A_112 = arith.cmpf oeq, %squeeze3A_33, %eq3A_111 : vector<512xf32>
    %convert_element_type3A_113 = arith.extui %eq3A_112 : vector<512xi1> to vector<512xi32>
    %convert_element_type3A_114 = arith.sitofp %convert_element_type3A_113 : vector<512xi32> to vector<512xf32>
    %slice3A_115 = vector.extract_strided_slice %get3A_43 {offsets = [1, 0], sizes = [1, 128], strides = [1, 1]} : vector<16x128xf32> to vector<1x128xf32>
    %squeeze3A_116 = vector.shape_cast %slice3A_115 : vector<1x128xf32> to vector<128xf32>
    %slice3A_117 = vector.extract_strided_slice %get3A_37 {offsets = [1, 0], sizes = [1, 128], strides = [1, 1]} : vector<16x128xf32> to vector<1x128xf32>
    %squeeze3A_118 = vector.shape_cast %slice3A_117 : vector<1x128xf32> to vector<128xf32>
    %sub3A_119 = arith.subf %squeeze3A_116, %squeeze3A_118 : vector<128xf32>
    %slice3A_120 = vector.extract_strided_slice %get3A_46 {offsets = [1, 0], sizes = [1, 128], strides = [1, 1]} : vector<16x128xf32> to vector<1x128xf32>
    %squeeze3A_121 = vector.shape_cast %slice3A_120 : vector<1x128xf32> to vector<128xf32>
    %slice3A_122 = vector.extract_strided_slice %get3A_40 {offsets = [1, 0], sizes = [1, 128], strides = [1, 1]} : vector<16x128xf32> to vector<1x128xf32>
    %squeeze3A_123 = vector.shape_cast %slice3A_122 : vector<1x128xf32> to vector<128xf32>
    %sub3A_124 = arith.subf %squeeze3A_121, %squeeze3A_123 : vector<128xf32>
    %mul3A_125 = arith.mulf %sub3A_119, %sub3A_124 : vector<128xf32>
    %slice3A_126 = vector.extract_strided_slice %get3A_37 {offsets = [1, 0], sizes = [1, 128], strides = [1, 1]} : vector<16x128xf32> to vector<1x128xf32>
    %squeeze3A_127 = vector.shape_cast %slice3A_126 : vector<1x128xf32> to vector<128xf32>
    %broadcast_in_dim3A_128 = vector.shape_cast %squeeze3A_127 : vector<128xf32> to vector<128x1xf32>
    %broadcast_in_dim3A_129 = vector.shape_cast %squeeze3A_25 : vector<512xf32> to vector<1x512xf32>
    %max3A_130 = vector.broadcast %broadcast_in_dim3A_128 : vector<128x1xf32> to vector<128x512xf32>
    %max3A_131 = vector.broadcast %broadcast_in_dim3A_129 : vector<1x512xf32> to vector<128x512xf32>
    %max3A_132 = arith.maximumf %max3A_130, %max3A_131 : vector<128x512xf32>
    %slice3A_133 = vector.extract_strided_slice %get3A_40 {offsets = [1, 0], sizes = [1, 128], strides = [1, 1]} : vector<16x128xf32> to vector<1x128xf32>
    %squeeze3A_134 = vector.shape_cast %slice3A_133 : vector<1x128xf32> to vector<128xf32>
    %broadcast_in_dim3A_135 = vector.shape_cast %squeeze3A_134 : vector<128xf32> to vector<128x1xf32>
    %broadcast_in_dim3A_136 = vector.shape_cast %squeeze3A_27 : vector<512xf32> to vector<1x512xf32>
    %max3A_137 = vector.broadcast %broadcast_in_dim3A_135 : vector<128x1xf32> to vector<128x512xf32>
    %max3A_138 = vector.broadcast %broadcast_in_dim3A_136 : vector<1x512xf32> to vector<128x512xf32>
    %max3A_139 = arith.maximumf %max3A_137, %max3A_138 : vector<128x512xf32>
    %slice3A_140 = vector.extract_strided_slice %get3A_43 {offsets = [1, 0], sizes = [1, 128], strides = [1, 1]} : vector<16x128xf32> to vector<1x128xf32>
    %squeeze3A_141 = vector.shape_cast %slice3A_140 : vector<1x128xf32> to vector<128xf32>
    %broadcast_in_dim3A_142 = vector.shape_cast %squeeze3A_141 : vector<128xf32> to vector<128x1xf32>
    %broadcast_in_dim3A_143 = vector.shape_cast %squeeze3A_29 : vector<512xf32> to vector<1x512xf32>
    %min3A_144 = vector.broadcast %broadcast_in_dim3A_142 : vector<128x1xf32> to vector<128x512xf32>
    %min3A_145 = vector.broadcast %broadcast_in_dim3A_143 : vector<1x512xf32> to vector<128x512xf32>
    %min3A_146 = arith.minimumf %min3A_144, %min3A_145 : vector<128x512xf32>
    %slice3A_147 = vector.extract_strided_slice %get3A_46 {offsets = [1, 0], sizes = [1, 128], strides = [1, 1]} : vector<16x128xf32> to vector<1x128xf32>
    %squeeze3A_148 = vector.shape_cast %slice3A_147 : vector<1x128xf32> to vector<128xf32>
    %broadcast_in_dim3A_149 = vector.shape_cast %squeeze3A_148 : vector<128xf32> to vector<128x1xf32>
    %broadcast_in_dim3A_150 = vector.shape_cast %squeeze3A_31 : vector<512xf32> to vector<1x512xf32>
    %min3A_151 = vector.broadcast %broadcast_in_dim3A_149 : vector<128x1xf32> to vector<128x512xf32>
    %min3A_152 = vector.broadcast %broadcast_in_dim3A_150 : vector<1x512xf32> to vector<128x512xf32>
    %min3A_153 = arith.minimumf %min3A_151, %min3A_152 : vector<128x512xf32>
    %sub3A_154 = arith.subf %min3A_146, %max3A_132 : vector<128x512xf32>
    %max3A_155 = arith.constant 0.000000e+00 : f32
    %max3A_156 = vector.broadcast %max3A_155 : f32 to vector<128x512xf32>
    %max3A_157 = arith.maximumf %sub3A_154, %max3A_156 : vector<128x512xf32>
    %sub3A_158 = arith.subf %min3A_153, %max3A_139 : vector<128x512xf32>
    %max3A_159 = arith.constant 0.000000e+00 : f32
    %max3A_160 = vector.broadcast %max3A_159 : f32 to vector<128x512xf32>
    %max3A_161 = arith.maximumf %sub3A_158, %max3A_160 : vector<128x512xf32>
    %mul3A_162 = arith.mulf %max3A_157, %max3A_161 : vector<128x512xf32>
    %broadcast_in_dim3A_163 = vector.shape_cast %mul3A_125 : vector<128xf32> to vector<128x1xf32>
    %broadcast_in_dim3A_164 = vector.shape_cast %mul3A : vector<512xf32> to vector<1x512xf32>
    %add3A_165 = vector.broadcast %broadcast_in_dim3A_163 : vector<128x1xf32> to vector<128x512xf32>
    %add3A_166 = vector.broadcast %broadcast_in_dim3A_164 : vector<1x512xf32> to vector<128x512xf32>
    %add3A_167 = arith.addf %add3A_165, %add3A_166 : vector<128x512xf32>
    %sub3A_168 = arith.subf %add3A_167, %mul3A_162 : vector<128x512xf32>
    %gt3A_169 = arith.constant 0.000000e+00 : f32
    %gt3A_170 = vector.broadcast %gt3A_169 : f32 to vector<128x512xf32>
    %gt3A_171 = arith.cmpf ogt, %mul3A_162, %gt3A_170 : vector<128x512xf32>
    %div3A_172 = arith.divf %mul3A_162, %sub3A_168 : vector<128x512xf32>
    %jit3A_173 = arith.constant 0.000000e+00 : f32
    %broadcast_in_dim3A_174 = vector.broadcast %jit3A_173 : f32 to vector<128x512xf32>
    %select_n3A_175 = arith.select %gt3A_171, %div3A_172, %broadcast_in_dim3A_174 : vector<128x512xi1>, vector<128x512xf32>
    %broadcast_in_dim3A_176 = vector.shape_cast %convert_element_type3A_114 : vector<512xf32> to vector<1x512xf32>
    %mul3A_177 = vector.broadcast %broadcast_in_dim3A_176 : vector<1x512xf32> to vector<128x512xf32>
    %mul3A_178 = arith.mulf %select_n3A_175, %mul3A_177 : vector<128x512xf32>
    %reduce_max3A_179 = arith.constant dense<0xFF800000> : vector<128xf32>
    %reduce_max3A_180 = vector.multi_reduction <maximumf>, %mul3A_178, %reduce_max3A_179 [1] : vector<128x512xf32> to vector<128xf32>
    %eq3A_181 = arith.constant 2.000000e+00 : f32
    %eq3A_182 = vector.broadcast %eq3A_181 : f32 to vector<512xf32>
    %eq3A_183 = arith.cmpf oeq, %squeeze3A_33, %eq3A_182 : vector<512xf32>
    %convert_element_type3A_184 = arith.extui %eq3A_183 : vector<512xi1> to vector<512xi32>
    %convert_element_type3A_185 = arith.sitofp %convert_element_type3A_184 : vector<512xi32> to vector<512xf32>
    %slice3A_186 = vector.extract_strided_slice %get3A_43 {offsets = [2, 0], sizes = [1, 128], strides = [1, 1]} : vector<16x128xf32> to vector<1x128xf32>
    %squeeze3A_187 = vector.shape_cast %slice3A_186 : vector<1x128xf32> to vector<128xf32>
    %slice3A_188 = vector.extract_strided_slice %get3A_37 {offsets = [2, 0], sizes = [1, 128], strides = [1, 1]} : vector<16x128xf32> to vector<1x128xf32>
    %squeeze3A_189 = vector.shape_cast %slice3A_188 : vector<1x128xf32> to vector<128xf32>
    %sub3A_190 = arith.subf %squeeze3A_187, %squeeze3A_189 : vector<128xf32>
    %slice3A_191 = vector.extract_strided_slice %get3A_46 {offsets = [2, 0], sizes = [1, 128], strides = [1, 1]} : vector<16x128xf32> to vector<1x128xf32>
    %squeeze3A_192 = vector.shape_cast %slice3A_191 : vector<1x128xf32> to vector<128xf32>
    %slice3A_193 = vector.extract_strided_slice %get3A_40 {offsets = [2, 0], sizes = [1, 128], strides = [1, 1]} : vector<16x128xf32> to vector<1x128xf32>
    %squeeze3A_194 = vector.shape_cast %slice3A_193 : vector<1x128xf32> to vector<128xf32>
    %sub3A_195 = arith.subf %squeeze3A_192, %squeeze3A_194 : vector<128xf32>
    %mul3A_196 = arith.mulf %sub3A_190, %sub3A_195 : vector<128xf32>
    %slice3A_197 = vector.extract_strided_slice %get3A_37 {offsets = [2, 0], sizes = [1, 128], strides = [1, 1]} : vector<16x128xf32> to vector<1x128xf32>
    %squeeze3A_198 = vector.shape_cast %slice3A_197 : vector<1x128xf32> to vector<128xf32>
    %broadcast_in_dim3A_199 = vector.shape_cast %squeeze3A_198 : vector<128xf32> to vector<128x1xf32>
    %broadcast_in_dim3A_200 = vector.shape_cast %squeeze3A_25 : vector<512xf32> to vector<1x512xf32>
    %max3A_201 = vector.broadcast %broadcast_in_dim3A_199 : vector<128x1xf32> to vector<128x512xf32>
    %max3A_202 = vector.broadcast %broadcast_in_dim3A_200 : vector<1x512xf32> to vector<128x512xf32>
    %max3A_203 = arith.maximumf %max3A_201, %max3A_202 : vector<128x512xf32>
    %slice3A_204 = vector.extract_strided_slice %get3A_40 {offsets = [2, 0], sizes = [1, 128], strides = [1, 1]} : vector<16x128xf32> to vector<1x128xf32>
    %squeeze3A_205 = vector.shape_cast %slice3A_204 : vector<1x128xf32> to vector<128xf32>
    %broadcast_in_dim3A_206 = vector.shape_cast %squeeze3A_205 : vector<128xf32> to vector<128x1xf32>
    %broadcast_in_dim3A_207 = vector.shape_cast %squeeze3A_27 : vector<512xf32> to vector<1x512xf32>
    %max3A_208 = vector.broadcast %broadcast_in_dim3A_206 : vector<128x1xf32> to vector<128x512xf32>
    %max3A_209 = vector.broadcast %broadcast_in_dim3A_207 : vector<1x512xf32> to vector<128x512xf32>
    %max3A_210 = arith.maximumf %max3A_208, %max3A_209 : vector<128x512xf32>
    %slice3A_211 = vector.extract_strided_slice %get3A_43 {offsets = [2, 0], sizes = [1, 128], strides = [1, 1]} : vector<16x128xf32> to vector<1x128xf32>
    %squeeze3A_212 = vector.shape_cast %slice3A_211 : vector<1x128xf32> to vector<128xf32>
    %broadcast_in_dim3A_213 = vector.shape_cast %squeeze3A_212 : vector<128xf32> to vector<128x1xf32>
    %broadcast_in_dim3A_214 = vector.shape_cast %squeeze3A_29 : vector<512xf32> to vector<1x512xf32>
    %min3A_215 = vector.broadcast %broadcast_in_dim3A_213 : vector<128x1xf32> to vector<128x512xf32>
    %min3A_216 = vector.broadcast %broadcast_in_dim3A_214 : vector<1x512xf32> to vector<128x512xf32>
    %min3A_217 = arith.minimumf %min3A_215, %min3A_216 : vector<128x512xf32>
    %slice3A_218 = vector.extract_strided_slice %get3A_46 {offsets = [2, 0], sizes = [1, 128], strides = [1, 1]} : vector<16x128xf32> to vector<1x128xf32>
    %squeeze3A_219 = vector.shape_cast %slice3A_218 : vector<1x128xf32> to vector<128xf32>
    %broadcast_in_dim3A_220 = vector.shape_cast %squeeze3A_219 : vector<128xf32> to vector<128x1xf32>
    %broadcast_in_dim3A_221 = vector.shape_cast %squeeze3A_31 : vector<512xf32> to vector<1x512xf32>
    %min3A_222 = vector.broadcast %broadcast_in_dim3A_220 : vector<128x1xf32> to vector<128x512xf32>
    %min3A_223 = vector.broadcast %broadcast_in_dim3A_221 : vector<1x512xf32> to vector<128x512xf32>
    %min3A_224 = arith.minimumf %min3A_222, %min3A_223 : vector<128x512xf32>
    %sub3A_225 = arith.subf %min3A_217, %max3A_203 : vector<128x512xf32>
    %max3A_226 = arith.constant 0.000000e+00 : f32
    %max3A_227 = vector.broadcast %max3A_226 : f32 to vector<128x512xf32>
    %max3A_228 = arith.maximumf %sub3A_225, %max3A_227 : vector<128x512xf32>
    %sub3A_229 = arith.subf %min3A_224, %max3A_210 : vector<128x512xf32>
    %max3A_230 = arith.constant 0.000000e+00 : f32
    %max3A_231 = vector.broadcast %max3A_230 : f32 to vector<128x512xf32>
    %max3A_232 = arith.maximumf %sub3A_229, %max3A_231 : vector<128x512xf32>
    %mul3A_233 = arith.mulf %max3A_228, %max3A_232 : vector<128x512xf32>
    %broadcast_in_dim3A_234 = vector.shape_cast %mul3A_196 : vector<128xf32> to vector<128x1xf32>
    %broadcast_in_dim3A_235 = vector.shape_cast %mul3A : vector<512xf32> to vector<1x512xf32>
    %add3A_236 = vector.broadcast %broadcast_in_dim3A_234 : vector<128x1xf32> to vector<128x512xf32>
    %add3A_237 = vector.broadcast %broadcast_in_dim3A_235 : vector<1x512xf32> to vector<128x512xf32>
    %add3A_238 = arith.addf %add3A_236, %add3A_237 : vector<128x512xf32>
    %sub3A_239 = arith.subf %add3A_238, %mul3A_233 : vector<128x512xf32>
    %gt3A_240 = arith.constant 0.000000e+00 : f32
    %gt3A_241 = vector.broadcast %gt3A_240 : f32 to vector<128x512xf32>
    %gt3A_242 = arith.cmpf ogt, %mul3A_233, %gt3A_241 : vector<128x512xf32>
    %div3A_243 = arith.divf %mul3A_233, %sub3A_239 : vector<128x512xf32>
    %jit3A_244 = arith.constant 0.000000e+00 : f32
    %broadcast_in_dim3A_245 = vector.broadcast %jit3A_244 : f32 to vector<128x512xf32>
    %select_n3A_246 = arith.select %gt3A_242, %div3A_243, %broadcast_in_dim3A_245 : vector<128x512xi1>, vector<128x512xf32>
    %broadcast_in_dim3A_247 = vector.shape_cast %convert_element_type3A_185 : vector<512xf32> to vector<1x512xf32>
    %mul3A_248 = vector.broadcast %broadcast_in_dim3A_247 : vector<1x512xf32> to vector<128x512xf32>
    %mul3A_249 = arith.mulf %select_n3A_246, %mul3A_248 : vector<128x512xf32>
    %reduce_max3A_250 = arith.constant dense<0xFF800000> : vector<128xf32>
    %reduce_max3A_251 = vector.multi_reduction <maximumf>, %mul3A_249, %reduce_max3A_250 [1] : vector<128x512xf32> to vector<128xf32>
    %eq3A_252 = arith.constant 3.000000e+00 : f32
    %eq3A_253 = vector.broadcast %eq3A_252 : f32 to vector<512xf32>
    %eq3A_254 = arith.cmpf oeq, %squeeze3A_33, %eq3A_253 : vector<512xf32>
    %convert_element_type3A_255 = arith.extui %eq3A_254 : vector<512xi1> to vector<512xi32>
    %convert_element_type3A_256 = arith.sitofp %convert_element_type3A_255 : vector<512xi32> to vector<512xf32>
    %slice3A_257 = vector.extract_strided_slice %get3A_43 {offsets = [3, 0], sizes = [1, 128], strides = [1, 1]} : vector<16x128xf32> to vector<1x128xf32>
    %squeeze3A_258 = vector.shape_cast %slice3A_257 : vector<1x128xf32> to vector<128xf32>
    %slice3A_259 = vector.extract_strided_slice %get3A_37 {offsets = [3, 0], sizes = [1, 128], strides = [1, 1]} : vector<16x128xf32> to vector<1x128xf32>
    %squeeze3A_260 = vector.shape_cast %slice3A_259 : vector<1x128xf32> to vector<128xf32>
    %sub3A_261 = arith.subf %squeeze3A_258, %squeeze3A_260 : vector<128xf32>
    %slice3A_262 = vector.extract_strided_slice %get3A_46 {offsets = [3, 0], sizes = [1, 128], strides = [1, 1]} : vector<16x128xf32> to vector<1x128xf32>
    %squeeze3A_263 = vector.shape_cast %slice3A_262 : vector<1x128xf32> to vector<128xf32>
    %slice3A_264 = vector.extract_strided_slice %get3A_40 {offsets = [3, 0], sizes = [1, 128], strides = [1, 1]} : vector<16x128xf32> to vector<1x128xf32>
    %squeeze3A_265 = vector.shape_cast %slice3A_264 : vector<1x128xf32> to vector<128xf32>
    %sub3A_266 = arith.subf %squeeze3A_263, %squeeze3A_265 : vector<128xf32>
    %mul3A_267 = arith.mulf %sub3A_261, %sub3A_266 : vector<128xf32>
    %slice3A_268 = vector.extract_strided_slice %get3A_37 {offsets = [3, 0], sizes = [1, 128], strides = [1, 1]} : vector<16x128xf32> to vector<1x128xf32>
    %squeeze3A_269 = vector.shape_cast %slice3A_268 : vector<1x128xf32> to vector<128xf32>
    %broadcast_in_dim3A_270 = vector.shape_cast %squeeze3A_269 : vector<128xf32> to vector<128x1xf32>
    %broadcast_in_dim3A_271 = vector.shape_cast %squeeze3A_25 : vector<512xf32> to vector<1x512xf32>
    %max3A_272 = vector.broadcast %broadcast_in_dim3A_270 : vector<128x1xf32> to vector<128x512xf32>
    %max3A_273 = vector.broadcast %broadcast_in_dim3A_271 : vector<1x512xf32> to vector<128x512xf32>
    %max3A_274 = arith.maximumf %max3A_272, %max3A_273 : vector<128x512xf32>
    %slice3A_275 = vector.extract_strided_slice %get3A_40 {offsets = [3, 0], sizes = [1, 128], strides = [1, 1]} : vector<16x128xf32> to vector<1x128xf32>
    %squeeze3A_276 = vector.shape_cast %slice3A_275 : vector<1x128xf32> to vector<128xf32>
    %broadcast_in_dim3A_277 = vector.shape_cast %squeeze3A_276 : vector<128xf32> to vector<128x1xf32>
    %broadcast_in_dim3A_278 = vector.shape_cast %squeeze3A_27 : vector<512xf32> to vector<1x512xf32>
    %max3A_279 = vector.broadcast %broadcast_in_dim3A_277 : vector<128x1xf32> to vector<128x512xf32>
    %max3A_280 = vector.broadcast %broadcast_in_dim3A_278 : vector<1x512xf32> to vector<128x512xf32>
    %max3A_281 = arith.maximumf %max3A_279, %max3A_280 : vector<128x512xf32>
    %slice3A_282 = vector.extract_strided_slice %get3A_43 {offsets = [3, 0], sizes = [1, 128], strides = [1, 1]} : vector<16x128xf32> to vector<1x128xf32>
    %squeeze3A_283 = vector.shape_cast %slice3A_282 : vector<1x128xf32> to vector<128xf32>
    %broadcast_in_dim3A_284 = vector.shape_cast %squeeze3A_283 : vector<128xf32> to vector<128x1xf32>
    %broadcast_in_dim3A_285 = vector.shape_cast %squeeze3A_29 : vector<512xf32> to vector<1x512xf32>
    %min3A_286 = vector.broadcast %broadcast_in_dim3A_284 : vector<128x1xf32> to vector<128x512xf32>
    %min3A_287 = vector.broadcast %broadcast_in_dim3A_285 : vector<1x512xf32> to vector<128x512xf32>
    %min3A_288 = arith.minimumf %min3A_286, %min3A_287 : vector<128x512xf32>
    %slice3A_289 = vector.extract_strided_slice %get3A_46 {offsets = [3, 0], sizes = [1, 128], strides = [1, 1]} : vector<16x128xf32> to vector<1x128xf32>
    %squeeze3A_290 = vector.shape_cast %slice3A_289 : vector<1x128xf32> to vector<128xf32>
    %broadcast_in_dim3A_291 = vector.shape_cast %squeeze3A_290 : vector<128xf32> to vector<128x1xf32>
    %broadcast_in_dim3A_292 = vector.shape_cast %squeeze3A_31 : vector<512xf32> to vector<1x512xf32>
    %min3A_293 = vector.broadcast %broadcast_in_dim3A_291 : vector<128x1xf32> to vector<128x512xf32>
    %min3A_294 = vector.broadcast %broadcast_in_dim3A_292 : vector<1x512xf32> to vector<128x512xf32>
    %min3A_295 = arith.minimumf %min3A_293, %min3A_294 : vector<128x512xf32>
    %sub3A_296 = arith.subf %min3A_288, %max3A_274 : vector<128x512xf32>
    %max3A_297 = arith.constant 0.000000e+00 : f32
    %max3A_298 = vector.broadcast %max3A_297 : f32 to vector<128x512xf32>
    %max3A_299 = arith.maximumf %sub3A_296, %max3A_298 : vector<128x512xf32>
    %sub3A_300 = arith.subf %min3A_295, %max3A_281 : vector<128x512xf32>
    %max3A_301 = arith.constant 0.000000e+00 : f32
    %max3A_302 = vector.broadcast %max3A_301 : f32 to vector<128x512xf32>
    %max3A_303 = arith.maximumf %sub3A_300, %max3A_302 : vector<128x512xf32>
    %mul3A_304 = arith.mulf %max3A_299, %max3A_303 : vector<128x512xf32>
    %broadcast_in_dim3A_305 = vector.shape_cast %mul3A_267 : vector<128xf32> to vector<128x1xf32>
    %broadcast_in_dim3A_306 = vector.shape_cast %mul3A : vector<512xf32> to vector<1x512xf32>
    %add3A_307 = vector.broadcast %broadcast_in_dim3A_305 : vector<128x1xf32> to vector<128x512xf32>
    %add3A_308 = vector.broadcast %broadcast_in_dim3A_306 : vector<1x512xf32> to vector<128x512xf32>
    %add3A_309 = arith.addf %add3A_307, %add3A_308 : vector<128x512xf32>
    %sub3A_310 = arith.subf %add3A_309, %mul3A_304 : vector<128x512xf32>
    %gt3A_311 = arith.constant 0.000000e+00 : f32
    %gt3A_312 = vector.broadcast %gt3A_311 : f32 to vector<128x512xf32>
    %gt3A_313 = arith.cmpf ogt, %mul3A_304, %gt3A_312 : vector<128x512xf32>
    %div3A_314 = arith.divf %mul3A_304, %sub3A_310 : vector<128x512xf32>
    %jit3A_315 = arith.constant 0.000000e+00 : f32
    %broadcast_in_dim3A_316 = vector.broadcast %jit3A_315 : f32 to vector<128x512xf32>
    %select_n3A_317 = arith.select %gt3A_313, %div3A_314, %broadcast_in_dim3A_316 : vector<128x512xi1>, vector<128x512xf32>
    %broadcast_in_dim3A_318 = vector.shape_cast %convert_element_type3A_256 : vector<512xf32> to vector<1x512xf32>
    %mul3A_319 = vector.broadcast %broadcast_in_dim3A_318 : vector<1x512xf32> to vector<128x512xf32>
    %mul3A_320 = arith.mulf %select_n3A_317, %mul3A_319 : vector<128x512xf32>
    %reduce_max3A_321 = arith.constant dense<0xFF800000> : vector<128xf32>
    %reduce_max3A_322 = vector.multi_reduction <maximumf>, %mul3A_320, %reduce_max3A_321 [1] : vector<128x512xf32> to vector<128xf32>
    %eq3A_323 = arith.constant 4.000000e+00 : f32
    %eq3A_324 = vector.broadcast %eq3A_323 : f32 to vector<512xf32>
    %eq3A_325 = arith.cmpf oeq, %squeeze3A_33, %eq3A_324 : vector<512xf32>
    %convert_element_type3A_326 = arith.extui %eq3A_325 : vector<512xi1> to vector<512xi32>
    %convert_element_type3A_327 = arith.sitofp %convert_element_type3A_326 : vector<512xi32> to vector<512xf32>
    %slice3A_328 = vector.extract_strided_slice %get3A_43 {offsets = [4, 0], sizes = [1, 128], strides = [1, 1]} : vector<16x128xf32> to vector<1x128xf32>
    %squeeze3A_329 = vector.shape_cast %slice3A_328 : vector<1x128xf32> to vector<128xf32>
    %slice3A_330 = vector.extract_strided_slice %get3A_37 {offsets = [4, 0], sizes = [1, 128], strides = [1, 1]} : vector<16x128xf32> to vector<1x128xf32>
    %squeeze3A_331 = vector.shape_cast %slice3A_330 : vector<1x128xf32> to vector<128xf32>
    %sub3A_332 = arith.subf %squeeze3A_329, %squeeze3A_331 : vector<128xf32>
    %slice3A_333 = vector.extract_strided_slice %get3A_46 {offsets = [4, 0], sizes = [1, 128], strides = [1, 1]} : vector<16x128xf32> to vector<1x128xf32>
    %squeeze3A_334 = vector.shape_cast %slice3A_333 : vector<1x128xf32> to vector<128xf32>
    %slice3A_335 = vector.extract_strided_slice %get3A_40 {offsets = [4, 0], sizes = [1, 128], strides = [1, 1]} : vector<16x128xf32> to vector<1x128xf32>
    %squeeze3A_336 = vector.shape_cast %slice3A_335 : vector<1x128xf32> to vector<128xf32>
    %sub3A_337 = arith.subf %squeeze3A_334, %squeeze3A_336 : vector<128xf32>
    %mul3A_338 = arith.mulf %sub3A_332, %sub3A_337 : vector<128xf32>
    %slice3A_339 = vector.extract_strided_slice %get3A_37 {offsets = [4, 0], sizes = [1, 128], strides = [1, 1]} : vector<16x128xf32> to vector<1x128xf32>
    %squeeze3A_340 = vector.shape_cast %slice3A_339 : vector<1x128xf32> to vector<128xf32>
    %broadcast_in_dim3A_341 = vector.shape_cast %squeeze3A_340 : vector<128xf32> to vector<128x1xf32>
    %broadcast_in_dim3A_342 = vector.shape_cast %squeeze3A_25 : vector<512xf32> to vector<1x512xf32>
    %max3A_343 = vector.broadcast %broadcast_in_dim3A_341 : vector<128x1xf32> to vector<128x512xf32>
    %max3A_344 = vector.broadcast %broadcast_in_dim3A_342 : vector<1x512xf32> to vector<128x512xf32>
    %max3A_345 = arith.maximumf %max3A_343, %max3A_344 : vector<128x512xf32>
    %slice3A_346 = vector.extract_strided_slice %get3A_40 {offsets = [4, 0], sizes = [1, 128], strides = [1, 1]} : vector<16x128xf32> to vector<1x128xf32>
    %squeeze3A_347 = vector.shape_cast %slice3A_346 : vector<1x128xf32> to vector<128xf32>
    %broadcast_in_dim3A_348 = vector.shape_cast %squeeze3A_347 : vector<128xf32> to vector<128x1xf32>
    %broadcast_in_dim3A_349 = vector.shape_cast %squeeze3A_27 : vector<512xf32> to vector<1x512xf32>
    %max3A_350 = vector.broadcast %broadcast_in_dim3A_348 : vector<128x1xf32> to vector<128x512xf32>
    %max3A_351 = vector.broadcast %broadcast_in_dim3A_349 : vector<1x512xf32> to vector<128x512xf32>
    %max3A_352 = arith.maximumf %max3A_350, %max3A_351 : vector<128x512xf32>
    %slice3A_353 = vector.extract_strided_slice %get3A_43 {offsets = [4, 0], sizes = [1, 128], strides = [1, 1]} : vector<16x128xf32> to vector<1x128xf32>
    %squeeze3A_354 = vector.shape_cast %slice3A_353 : vector<1x128xf32> to vector<128xf32>
    %broadcast_in_dim3A_355 = vector.shape_cast %squeeze3A_354 : vector<128xf32> to vector<128x1xf32>
    %broadcast_in_dim3A_356 = vector.shape_cast %squeeze3A_29 : vector<512xf32> to vector<1x512xf32>
    %min3A_357 = vector.broadcast %broadcast_in_dim3A_355 : vector<128x1xf32> to vector<128x512xf32>
    %min3A_358 = vector.broadcast %broadcast_in_dim3A_356 : vector<1x512xf32> to vector<128x512xf32>
    %min3A_359 = arith.minimumf %min3A_357, %min3A_358 : vector<128x512xf32>
    %slice3A_360 = vector.extract_strided_slice %get3A_46 {offsets = [4, 0], sizes = [1, 128], strides = [1, 1]} : vector<16x128xf32> to vector<1x128xf32>
    %squeeze3A_361 = vector.shape_cast %slice3A_360 : vector<1x128xf32> to vector<128xf32>
    %broadcast_in_dim3A_362 = vector.shape_cast %squeeze3A_361 : vector<128xf32> to vector<128x1xf32>
    %broadcast_in_dim3A_363 = vector.shape_cast %squeeze3A_31 : vector<512xf32> to vector<1x512xf32>
    %min3A_364 = vector.broadcast %broadcast_in_dim3A_362 : vector<128x1xf32> to vector<128x512xf32>
    %min3A_365 = vector.broadcast %broadcast_in_dim3A_363 : vector<1x512xf32> to vector<128x512xf32>
    %min3A_366 = arith.minimumf %min3A_364, %min3A_365 : vector<128x512xf32>
    %sub3A_367 = arith.subf %min3A_359, %max3A_345 : vector<128x512xf32>
    %max3A_368 = arith.constant 0.000000e+00 : f32
    %max3A_369 = vector.broadcast %max3A_368 : f32 to vector<128x512xf32>
    %max3A_370 = arith.maximumf %sub3A_367, %max3A_369 : vector<128x512xf32>
    %sub3A_371 = arith.subf %min3A_366, %max3A_352 : vector<128x512xf32>
    %max3A_372 = arith.constant 0.000000e+00 : f32
    %max3A_373 = vector.broadcast %max3A_372 : f32 to vector<128x512xf32>
    %max3A_374 = arith.maximumf %sub3A_371, %max3A_373 : vector<128x512xf32>
    %mul3A_375 = arith.mulf %max3A_370, %max3A_374 : vector<128x512xf32>
    %broadcast_in_dim3A_376 = vector.shape_cast %mul3A_338 : vector<128xf32> to vector<128x1xf32>
    %broadcast_in_dim3A_377 = vector.shape_cast %mul3A : vector<512xf32> to vector<1x512xf32>
    %add3A_378 = vector.broadcast %broadcast_in_dim3A_376 : vector<128x1xf32> to vector<128x512xf32>
    %add3A_379 = vector.broadcast %broadcast_in_dim3A_377 : vector<1x512xf32> to vector<128x512xf32>
    %add3A_380 = arith.addf %add3A_378, %add3A_379 : vector<128x512xf32>
    %sub3A_381 = arith.subf %add3A_380, %mul3A_375 : vector<128x512xf32>
    %gt3A_382 = arith.constant 0.000000e+00 : f32
    %gt3A_383 = vector.broadcast %gt3A_382 : f32 to vector<128x512xf32>
    %gt3A_384 = arith.cmpf ogt, %mul3A_375, %gt3A_383 : vector<128x512xf32>
    %div3A_385 = arith.divf %mul3A_375, %sub3A_381 : vector<128x512xf32>
    %jit3A_386 = arith.constant 0.000000e+00 : f32
    %broadcast_in_dim3A_387 = vector.broadcast %jit3A_386 : f32 to vector<128x512xf32>
    %select_n3A_388 = arith.select %gt3A_384, %div3A_385, %broadcast_in_dim3A_387 : vector<128x512xi1>, vector<128x512xf32>
    %broadcast_in_dim3A_389 = vector.shape_cast %convert_element_type3A_327 : vector<512xf32> to vector<1x512xf32>
    %mul3A_390 = vector.broadcast %broadcast_in_dim3A_389 : vector<1x512xf32> to vector<128x512xf32>
    %mul3A_391 = arith.mulf %select_n3A_388, %mul3A_390 : vector<128x512xf32>
    %reduce_max3A_392 = arith.constant dense<0xFF800000> : vector<128xf32>
    %reduce_max3A_393 = vector.multi_reduction <maximumf>, %mul3A_391, %reduce_max3A_392 [1] : vector<128x512xf32> to vector<128xf32>
    %eq3A_394 = arith.constant 5.000000e+00 : f32
    %eq3A_395 = vector.broadcast %eq3A_394 : f32 to vector<512xf32>
    %eq3A_396 = arith.cmpf oeq, %squeeze3A_33, %eq3A_395 : vector<512xf32>
    %convert_element_type3A_397 = arith.extui %eq3A_396 : vector<512xi1> to vector<512xi32>
    %convert_element_type3A_398 = arith.sitofp %convert_element_type3A_397 : vector<512xi32> to vector<512xf32>
    %slice3A_399 = vector.extract_strided_slice %get3A_43 {offsets = [5, 0], sizes = [1, 128], strides = [1, 1]} : vector<16x128xf32> to vector<1x128xf32>
    %squeeze3A_400 = vector.shape_cast %slice3A_399 : vector<1x128xf32> to vector<128xf32>
    %slice3A_401 = vector.extract_strided_slice %get3A_37 {offsets = [5, 0], sizes = [1, 128], strides = [1, 1]} : vector<16x128xf32> to vector<1x128xf32>
    %squeeze3A_402 = vector.shape_cast %slice3A_401 : vector<1x128xf32> to vector<128xf32>
    %sub3A_403 = arith.subf %squeeze3A_400, %squeeze3A_402 : vector<128xf32>
    %slice3A_404 = vector.extract_strided_slice %get3A_46 {offsets = [5, 0], sizes = [1, 128], strides = [1, 1]} : vector<16x128xf32> to vector<1x128xf32>
    %squeeze3A_405 = vector.shape_cast %slice3A_404 : vector<1x128xf32> to vector<128xf32>
    %slice3A_406 = vector.extract_strided_slice %get3A_40 {offsets = [5, 0], sizes = [1, 128], strides = [1, 1]} : vector<16x128xf32> to vector<1x128xf32>
    %squeeze3A_407 = vector.shape_cast %slice3A_406 : vector<1x128xf32> to vector<128xf32>
    %sub3A_408 = arith.subf %squeeze3A_405, %squeeze3A_407 : vector<128xf32>
    %mul3A_409 = arith.mulf %sub3A_403, %sub3A_408 : vector<128xf32>
    %slice3A_410 = vector.extract_strided_slice %get3A_37 {offsets = [5, 0], sizes = [1, 128], strides = [1, 1]} : vector<16x128xf32> to vector<1x128xf32>
    %squeeze3A_411 = vector.shape_cast %slice3A_410 : vector<1x128xf32> to vector<128xf32>
    %broadcast_in_dim3A_412 = vector.shape_cast %squeeze3A_411 : vector<128xf32> to vector<128x1xf32>
    %broadcast_in_dim3A_413 = vector.shape_cast %squeeze3A_25 : vector<512xf32> to vector<1x512xf32>
    %max3A_414 = vector.broadcast %broadcast_in_dim3A_412 : vector<128x1xf32> to vector<128x512xf32>
    %max3A_415 = vector.broadcast %broadcast_in_dim3A_413 : vector<1x512xf32> to vector<128x512xf32>
    %max3A_416 = arith.maximumf %max3A_414, %max3A_415 : vector<128x512xf32>
    %slice3A_417 = vector.extract_strided_slice %get3A_40 {offsets = [5, 0], sizes = [1, 128], strides = [1, 1]} : vector<16x128xf32> to vector<1x128xf32>
    %squeeze3A_418 = vector.shape_cast %slice3A_417 : vector<1x128xf32> to vector<128xf32>
    %broadcast_in_dim3A_419 = vector.shape_cast %squeeze3A_418 : vector<128xf32> to vector<128x1xf32>
    %broadcast_in_dim3A_420 = vector.shape_cast %squeeze3A_27 : vector<512xf32> to vector<1x512xf32>
    %max3A_421 = vector.broadcast %broadcast_in_dim3A_419 : vector<128x1xf32> to vector<128x512xf32>
    %max3A_422 = vector.broadcast %broadcast_in_dim3A_420 : vector<1x512xf32> to vector<128x512xf32>
    %max3A_423 = arith.maximumf %max3A_421, %max3A_422 : vector<128x512xf32>
    %slice3A_424 = vector.extract_strided_slice %get3A_43 {offsets = [5, 0], sizes = [1, 128], strides = [1, 1]} : vector<16x128xf32> to vector<1x128xf32>
    %squeeze3A_425 = vector.shape_cast %slice3A_424 : vector<1x128xf32> to vector<128xf32>
    %broadcast_in_dim3A_426 = vector.shape_cast %squeeze3A_425 : vector<128xf32> to vector<128x1xf32>
    %broadcast_in_dim3A_427 = vector.shape_cast %squeeze3A_29 : vector<512xf32> to vector<1x512xf32>
    %min3A_428 = vector.broadcast %broadcast_in_dim3A_426 : vector<128x1xf32> to vector<128x512xf32>
    %min3A_429 = vector.broadcast %broadcast_in_dim3A_427 : vector<1x512xf32> to vector<128x512xf32>
    %min3A_430 = arith.minimumf %min3A_428, %min3A_429 : vector<128x512xf32>
    %slice3A_431 = vector.extract_strided_slice %get3A_46 {offsets = [5, 0], sizes = [1, 128], strides = [1, 1]} : vector<16x128xf32> to vector<1x128xf32>
    %squeeze3A_432 = vector.shape_cast %slice3A_431 : vector<1x128xf32> to vector<128xf32>
    %broadcast_in_dim3A_433 = vector.shape_cast %squeeze3A_432 : vector<128xf32> to vector<128x1xf32>
    %broadcast_in_dim3A_434 = vector.shape_cast %squeeze3A_31 : vector<512xf32> to vector<1x512xf32>
    %min3A_435 = vector.broadcast %broadcast_in_dim3A_433 : vector<128x1xf32> to vector<128x512xf32>
    %min3A_436 = vector.broadcast %broadcast_in_dim3A_434 : vector<1x512xf32> to vector<128x512xf32>
    %min3A_437 = arith.minimumf %min3A_435, %min3A_436 : vector<128x512xf32>
    %sub3A_438 = arith.subf %min3A_430, %max3A_416 : vector<128x512xf32>
    %max3A_439 = arith.constant 0.000000e+00 : f32
    %max3A_440 = vector.broadcast %max3A_439 : f32 to vector<128x512xf32>
    %max3A_441 = arith.maximumf %sub3A_438, %max3A_440 : vector<128x512xf32>
    %sub3A_442 = arith.subf %min3A_437, %max3A_423 : vector<128x512xf32>
    %max3A_443 = arith.constant 0.000000e+00 : f32
    %max3A_444 = vector.broadcast %max3A_443 : f32 to vector<128x512xf32>
    %max3A_445 = arith.maximumf %sub3A_442, %max3A_444 : vector<128x512xf32>
    %mul3A_446 = arith.mulf %max3A_441, %max3A_445 : vector<128x512xf32>
    %broadcast_in_dim3A_447 = vector.shape_cast %mul3A_409 : vector<128xf32> to vector<128x1xf32>
    %broadcast_in_dim3A_448 = vector.shape_cast %mul3A : vector<512xf32> to vector<1x512xf32>
    %add3A_449 = vector.broadcast %broadcast_in_dim3A_447 : vector<128x1xf32> to vector<128x512xf32>
    %add3A_450 = vector.broadcast %broadcast_in_dim3A_448 : vector<1x512xf32> to vector<128x512xf32>
    %add3A_451 = arith.addf %add3A_449, %add3A_450 : vector<128x512xf32>
    %sub3A_452 = arith.subf %add3A_451, %mul3A_446 : vector<128x512xf32>
    %gt3A_453 = arith.constant 0.000000e+00 : f32
    %gt3A_454 = vector.broadcast %gt3A_453 : f32 to vector<128x512xf32>
    %gt3A_455 = arith.cmpf ogt, %mul3A_446, %gt3A_454 : vector<128x512xf32>
    %div3A_456 = arith.divf %mul3A_446, %sub3A_452 : vector<128x512xf32>
    %jit3A_457 = arith.constant 0.000000e+00 : f32
    %broadcast_in_dim3A_458 = vector.broadcast %jit3A_457 : f32 to vector<128x512xf32>
    %select_n3A_459 = arith.select %gt3A_455, %div3A_456, %broadcast_in_dim3A_458 : vector<128x512xi1>, vector<128x512xf32>
    %broadcast_in_dim3A_460 = vector.shape_cast %convert_element_type3A_398 : vector<512xf32> to vector<1x512xf32>
    %mul3A_461 = vector.broadcast %broadcast_in_dim3A_460 : vector<1x512xf32> to vector<128x512xf32>
    %mul3A_462 = arith.mulf %select_n3A_459, %mul3A_461 : vector<128x512xf32>
    %reduce_max3A_463 = arith.constant dense<0xFF800000> : vector<128xf32>
    %reduce_max3A_464 = vector.multi_reduction <maximumf>, %mul3A_462, %reduce_max3A_463 [1] : vector<128x512xf32> to vector<128xf32>
    %eq3A_465 = arith.constant 6.000000e+00 : f32
    %eq3A_466 = vector.broadcast %eq3A_465 : f32 to vector<512xf32>
    %eq3A_467 = arith.cmpf oeq, %squeeze3A_33, %eq3A_466 : vector<512xf32>
    %convert_element_type3A_468 = arith.extui %eq3A_467 : vector<512xi1> to vector<512xi32>
    %convert_element_type3A_469 = arith.sitofp %convert_element_type3A_468 : vector<512xi32> to vector<512xf32>
    %slice3A_470 = vector.extract_strided_slice %get3A_43 {offsets = [6, 0], sizes = [1, 128], strides = [1, 1]} : vector<16x128xf32> to vector<1x128xf32>
    %squeeze3A_471 = vector.shape_cast %slice3A_470 : vector<1x128xf32> to vector<128xf32>
    %slice3A_472 = vector.extract_strided_slice %get3A_37 {offsets = [6, 0], sizes = [1, 128], strides = [1, 1]} : vector<16x128xf32> to vector<1x128xf32>
    %squeeze3A_473 = vector.shape_cast %slice3A_472 : vector<1x128xf32> to vector<128xf32>
    %sub3A_474 = arith.subf %squeeze3A_471, %squeeze3A_473 : vector<128xf32>
    %slice3A_475 = vector.extract_strided_slice %get3A_46 {offsets = [6, 0], sizes = [1, 128], strides = [1, 1]} : vector<16x128xf32> to vector<1x128xf32>
    %squeeze3A_476 = vector.shape_cast %slice3A_475 : vector<1x128xf32> to vector<128xf32>
    %slice3A_477 = vector.extract_strided_slice %get3A_40 {offsets = [6, 0], sizes = [1, 128], strides = [1, 1]} : vector<16x128xf32> to vector<1x128xf32>
    %squeeze3A_478 = vector.shape_cast %slice3A_477 : vector<1x128xf32> to vector<128xf32>
    %sub3A_479 = arith.subf %squeeze3A_476, %squeeze3A_478 : vector<128xf32>
    %mul3A_480 = arith.mulf %sub3A_474, %sub3A_479 : vector<128xf32>
    %slice3A_481 = vector.extract_strided_slice %get3A_37 {offsets = [6, 0], sizes = [1, 128], strides = [1, 1]} : vector<16x128xf32> to vector<1x128xf32>
    %squeeze3A_482 = vector.shape_cast %slice3A_481 : vector<1x128xf32> to vector<128xf32>
    %broadcast_in_dim3A_483 = vector.shape_cast %squeeze3A_482 : vector<128xf32> to vector<128x1xf32>
    %broadcast_in_dim3A_484 = vector.shape_cast %squeeze3A_25 : vector<512xf32> to vector<1x512xf32>
    %max3A_485 = vector.broadcast %broadcast_in_dim3A_483 : vector<128x1xf32> to vector<128x512xf32>
    %max3A_486 = vector.broadcast %broadcast_in_dim3A_484 : vector<1x512xf32> to vector<128x512xf32>
    %max3A_487 = arith.maximumf %max3A_485, %max3A_486 : vector<128x512xf32>
    %slice3A_488 = vector.extract_strided_slice %get3A_40 {offsets = [6, 0], sizes = [1, 128], strides = [1, 1]} : vector<16x128xf32> to vector<1x128xf32>
    %squeeze3A_489 = vector.shape_cast %slice3A_488 : vector<1x128xf32> to vector<128xf32>
    %broadcast_in_dim3A_490 = vector.shape_cast %squeeze3A_489 : vector<128xf32> to vector<128x1xf32>
    %broadcast_in_dim3A_491 = vector.shape_cast %squeeze3A_27 : vector<512xf32> to vector<1x512xf32>
    %max3A_492 = vector.broadcast %broadcast_in_dim3A_490 : vector<128x1xf32> to vector<128x512xf32>
    %max3A_493 = vector.broadcast %broadcast_in_dim3A_491 : vector<1x512xf32> to vector<128x512xf32>
    %max3A_494 = arith.maximumf %max3A_492, %max3A_493 : vector<128x512xf32>
    %slice3A_495 = vector.extract_strided_slice %get3A_43 {offsets = [6, 0], sizes = [1, 128], strides = [1, 1]} : vector<16x128xf32> to vector<1x128xf32>
    %squeeze3A_496 = vector.shape_cast %slice3A_495 : vector<1x128xf32> to vector<128xf32>
    %broadcast_in_dim3A_497 = vector.shape_cast %squeeze3A_496 : vector<128xf32> to vector<128x1xf32>
    %broadcast_in_dim3A_498 = vector.shape_cast %squeeze3A_29 : vector<512xf32> to vector<1x512xf32>
    %min3A_499 = vector.broadcast %broadcast_in_dim3A_497 : vector<128x1xf32> to vector<128x512xf32>
    %min3A_500 = vector.broadcast %broadcast_in_dim3A_498 : vector<1x512xf32> to vector<128x512xf32>
    %min3A_501 = arith.minimumf %min3A_499, %min3A_500 : vector<128x512xf32>
    %slice3A_502 = vector.extract_strided_slice %get3A_46 {offsets = [6, 0], sizes = [1, 128], strides = [1, 1]} : vector<16x128xf32> to vector<1x128xf32>
    %squeeze3A_503 = vector.shape_cast %slice3A_502 : vector<1x128xf32> to vector<128xf32>
    %broadcast_in_dim3A_504 = vector.shape_cast %squeeze3A_503 : vector<128xf32> to vector<128x1xf32>
    %broadcast_in_dim3A_505 = vector.shape_cast %squeeze3A_31 : vector<512xf32> to vector<1x512xf32>
    %min3A_506 = vector.broadcast %broadcast_in_dim3A_504 : vector<128x1xf32> to vector<128x512xf32>
    %min3A_507 = vector.broadcast %broadcast_in_dim3A_505 : vector<1x512xf32> to vector<128x512xf32>
    %min3A_508 = arith.minimumf %min3A_506, %min3A_507 : vector<128x512xf32>
    %sub3A_509 = arith.subf %min3A_501, %max3A_487 : vector<128x512xf32>
    %max3A_510 = arith.constant 0.000000e+00 : f32
    %max3A_511 = vector.broadcast %max3A_510 : f32 to vector<128x512xf32>
    %max3A_512 = arith.maximumf %sub3A_509, %max3A_511 : vector<128x512xf32>
    %sub3A_513 = arith.subf %min3A_508, %max3A_494 : vector<128x512xf32>
    %max3A_514 = arith.constant 0.000000e+00 : f32
    %max3A_515 = vector.broadcast %max3A_514 : f32 to vector<128x512xf32>
    %max3A_516 = arith.maximumf %sub3A_513, %max3A_515 : vector<128x512xf32>
    %mul3A_517 = arith.mulf %max3A_512, %max3A_516 : vector<128x512xf32>
    %broadcast_in_dim3A_518 = vector.shape_cast %mul3A_480 : vector<128xf32> to vector<128x1xf32>
    %broadcast_in_dim3A_519 = vector.shape_cast %mul3A : vector<512xf32> to vector<1x512xf32>
    %add3A_520 = vector.broadcast %broadcast_in_dim3A_518 : vector<128x1xf32> to vector<128x512xf32>
    %add3A_521 = vector.broadcast %broadcast_in_dim3A_519 : vector<1x512xf32> to vector<128x512xf32>
    %add3A_522 = arith.addf %add3A_520, %add3A_521 : vector<128x512xf32>
    %sub3A_523 = arith.subf %add3A_522, %mul3A_517 : vector<128x512xf32>
    %gt3A_524 = arith.constant 0.000000e+00 : f32
    %gt3A_525 = vector.broadcast %gt3A_524 : f32 to vector<128x512xf32>
    %gt3A_526 = arith.cmpf ogt, %mul3A_517, %gt3A_525 : vector<128x512xf32>
    %div3A_527 = arith.divf %mul3A_517, %sub3A_523 : vector<128x512xf32>
    %jit3A_528 = arith.constant 0.000000e+00 : f32
    %broadcast_in_dim3A_529 = vector.broadcast %jit3A_528 : f32 to vector<128x512xf32>
    %select_n3A_530 = arith.select %gt3A_526, %div3A_527, %broadcast_in_dim3A_529 : vector<128x512xi1>, vector<128x512xf32>
    %broadcast_in_dim3A_531 = vector.shape_cast %convert_element_type3A_469 : vector<512xf32> to vector<1x512xf32>
    %mul3A_532 = vector.broadcast %broadcast_in_dim3A_531 : vector<1x512xf32> to vector<128x512xf32>
    %mul3A_533 = arith.mulf %select_n3A_530, %mul3A_532 : vector<128x512xf32>
    %reduce_max3A_534 = arith.constant dense<0xFF800000> : vector<128xf32>
    %reduce_max3A_535 = vector.multi_reduction <maximumf>, %mul3A_533, %reduce_max3A_534 [1] : vector<128x512xf32> to vector<128xf32>
    %eq3A_536 = arith.constant 7.000000e+00 : f32
    %eq3A_537 = vector.broadcast %eq3A_536 : f32 to vector<512xf32>
    %eq3A_538 = arith.cmpf oeq, %squeeze3A_33, %eq3A_537 : vector<512xf32>
    %convert_element_type3A_539 = arith.extui %eq3A_538 : vector<512xi1> to vector<512xi32>
    %convert_element_type3A_540 = arith.sitofp %convert_element_type3A_539 : vector<512xi32> to vector<512xf32>
    %slice3A_541 = vector.extract_strided_slice %get3A_43 {offsets = [7, 0], sizes = [1, 128], strides = [1, 1]} : vector<16x128xf32> to vector<1x128xf32>
    %squeeze3A_542 = vector.shape_cast %slice3A_541 : vector<1x128xf32> to vector<128xf32>
    %slice3A_543 = vector.extract_strided_slice %get3A_37 {offsets = [7, 0], sizes = [1, 128], strides = [1, 1]} : vector<16x128xf32> to vector<1x128xf32>
    %squeeze3A_544 = vector.shape_cast %slice3A_543 : vector<1x128xf32> to vector<128xf32>
    %sub3A_545 = arith.subf %squeeze3A_542, %squeeze3A_544 : vector<128xf32>
    %slice3A_546 = vector.extract_strided_slice %get3A_46 {offsets = [7, 0], sizes = [1, 128], strides = [1, 1]} : vector<16x128xf32> to vector<1x128xf32>
    %squeeze3A_547 = vector.shape_cast %slice3A_546 : vector<1x128xf32> to vector<128xf32>
    %slice3A_548 = vector.extract_strided_slice %get3A_40 {offsets = [7, 0], sizes = [1, 128], strides = [1, 1]} : vector<16x128xf32> to vector<1x128xf32>
    %squeeze3A_549 = vector.shape_cast %slice3A_548 : vector<1x128xf32> to vector<128xf32>
    %sub3A_550 = arith.subf %squeeze3A_547, %squeeze3A_549 : vector<128xf32>
    %mul3A_551 = arith.mulf %sub3A_545, %sub3A_550 : vector<128xf32>
    %slice3A_552 = vector.extract_strided_slice %get3A_37 {offsets = [7, 0], sizes = [1, 128], strides = [1, 1]} : vector<16x128xf32> to vector<1x128xf32>
    %squeeze3A_553 = vector.shape_cast %slice3A_552 : vector<1x128xf32> to vector<128xf32>
    %broadcast_in_dim3A_554 = vector.shape_cast %squeeze3A_553 : vector<128xf32> to vector<128x1xf32>
    %broadcast_in_dim3A_555 = vector.shape_cast %squeeze3A_25 : vector<512xf32> to vector<1x512xf32>
    %max3A_556 = vector.broadcast %broadcast_in_dim3A_554 : vector<128x1xf32> to vector<128x512xf32>
    %max3A_557 = vector.broadcast %broadcast_in_dim3A_555 : vector<1x512xf32> to vector<128x512xf32>
    %max3A_558 = arith.maximumf %max3A_556, %max3A_557 : vector<128x512xf32>
    %slice3A_559 = vector.extract_strided_slice %get3A_40 {offsets = [7, 0], sizes = [1, 128], strides = [1, 1]} : vector<16x128xf32> to vector<1x128xf32>
    %squeeze3A_560 = vector.shape_cast %slice3A_559 : vector<1x128xf32> to vector<128xf32>
    %broadcast_in_dim3A_561 = vector.shape_cast %squeeze3A_560 : vector<128xf32> to vector<128x1xf32>
    %broadcast_in_dim3A_562 = vector.shape_cast %squeeze3A_27 : vector<512xf32> to vector<1x512xf32>
    %max3A_563 = vector.broadcast %broadcast_in_dim3A_561 : vector<128x1xf32> to vector<128x512xf32>
    %max3A_564 = vector.broadcast %broadcast_in_dim3A_562 : vector<1x512xf32> to vector<128x512xf32>
    %max3A_565 = arith.maximumf %max3A_563, %max3A_564 : vector<128x512xf32>
    %slice3A_566 = vector.extract_strided_slice %get3A_43 {offsets = [7, 0], sizes = [1, 128], strides = [1, 1]} : vector<16x128xf32> to vector<1x128xf32>
    %squeeze3A_567 = vector.shape_cast %slice3A_566 : vector<1x128xf32> to vector<128xf32>
    %broadcast_in_dim3A_568 = vector.shape_cast %squeeze3A_567 : vector<128xf32> to vector<128x1xf32>
    %broadcast_in_dim3A_569 = vector.shape_cast %squeeze3A_29 : vector<512xf32> to vector<1x512xf32>
    %min3A_570 = vector.broadcast %broadcast_in_dim3A_568 : vector<128x1xf32> to vector<128x512xf32>
    %min3A_571 = vector.broadcast %broadcast_in_dim3A_569 : vector<1x512xf32> to vector<128x512xf32>
    %min3A_572 = arith.minimumf %min3A_570, %min3A_571 : vector<128x512xf32>
    %slice3A_573 = vector.extract_strided_slice %get3A_46 {offsets = [7, 0], sizes = [1, 128], strides = [1, 1]} : vector<16x128xf32> to vector<1x128xf32>
    %squeeze3A_574 = vector.shape_cast %slice3A_573 : vector<1x128xf32> to vector<128xf32>
    %broadcast_in_dim3A_575 = vector.shape_cast %squeeze3A_574 : vector<128xf32> to vector<128x1xf32>
    %broadcast_in_dim3A_576 = vector.shape_cast %squeeze3A_31 : vector<512xf32> to vector<1x512xf32>
    %min3A_577 = vector.broadcast %broadcast_in_dim3A_575 : vector<128x1xf32> to vector<128x512xf32>
    %min3A_578 = vector.broadcast %broadcast_in_dim3A_576 : vector<1x512xf32> to vector<128x512xf32>
    %min3A_579 = arith.minimumf %min3A_577, %min3A_578 : vector<128x512xf32>
    %sub3A_580 = arith.subf %min3A_572, %max3A_558 : vector<128x512xf32>
    %max3A_581 = arith.constant 0.000000e+00 : f32
    %max3A_582 = vector.broadcast %max3A_581 : f32 to vector<128x512xf32>
    %max3A_583 = arith.maximumf %sub3A_580, %max3A_582 : vector<128x512xf32>
    %sub3A_584 = arith.subf %min3A_579, %max3A_565 : vector<128x512xf32>
    %max3A_585 = arith.constant 0.000000e+00 : f32
    %max3A_586 = vector.broadcast %max3A_585 : f32 to vector<128x512xf32>
    %max3A_587 = arith.maximumf %sub3A_584, %max3A_586 : vector<128x512xf32>
    %mul3A_588 = arith.mulf %max3A_583, %max3A_587 : vector<128x512xf32>
    %broadcast_in_dim3A_589 = vector.shape_cast %mul3A_551 : vector<128xf32> to vector<128x1xf32>
    %broadcast_in_dim3A_590 = vector.shape_cast %mul3A : vector<512xf32> to vector<1x512xf32>
    %add3A_591 = vector.broadcast %broadcast_in_dim3A_589 : vector<128x1xf32> to vector<128x512xf32>
    %add3A_592 = vector.broadcast %broadcast_in_dim3A_590 : vector<1x512xf32> to vector<128x512xf32>
    %add3A_593 = arith.addf %add3A_591, %add3A_592 : vector<128x512xf32>
    %sub3A_594 = arith.subf %add3A_593, %mul3A_588 : vector<128x512xf32>
    %gt3A_595 = arith.constant 0.000000e+00 : f32
    %gt3A_596 = vector.broadcast %gt3A_595 : f32 to vector<128x512xf32>
    %gt3A_597 = arith.cmpf ogt, %mul3A_588, %gt3A_596 : vector<128x512xf32>
    %div3A_598 = arith.divf %mul3A_588, %sub3A_594 : vector<128x512xf32>
    %jit3A_599 = arith.constant 0.000000e+00 : f32
    %broadcast_in_dim3A_600 = vector.broadcast %jit3A_599 : f32 to vector<128x512xf32>
    %select_n3A_601 = arith.select %gt3A_597, %div3A_598, %broadcast_in_dim3A_600 : vector<128x512xi1>, vector<128x512xf32>
    %broadcast_in_dim3A_602 = vector.shape_cast %convert_element_type3A_540 : vector<512xf32> to vector<1x512xf32>
    %mul3A_603 = vector.broadcast %broadcast_in_dim3A_602 : vector<1x512xf32> to vector<128x512xf32>
    %mul3A_604 = arith.mulf %select_n3A_601, %mul3A_603 : vector<128x512xf32>
    %reduce_max3A_605 = arith.constant dense<0xFF800000> : vector<128xf32>
    %reduce_max3A_606 = vector.multi_reduction <maximumf>, %mul3A_604, %reduce_max3A_605 [1] : vector<128x512xf32> to vector<128xf32>
    %eq3A_607 = arith.constant 8.000000e+00 : f32
    %eq3A_608 = vector.broadcast %eq3A_607 : f32 to vector<512xf32>
    %eq3A_609 = arith.cmpf oeq, %squeeze3A_33, %eq3A_608 : vector<512xf32>
    %convert_element_type3A_610 = arith.extui %eq3A_609 : vector<512xi1> to vector<512xi32>
    %convert_element_type3A_611 = arith.sitofp %convert_element_type3A_610 : vector<512xi32> to vector<512xf32>
    %slice3A_612 = vector.extract_strided_slice %get3A_43 {offsets = [8, 0], sizes = [1, 128], strides = [1, 1]} : vector<16x128xf32> to vector<1x128xf32>
    %squeeze3A_613 = vector.shape_cast %slice3A_612 : vector<1x128xf32> to vector<128xf32>
    %slice3A_614 = vector.extract_strided_slice %get3A_37 {offsets = [8, 0], sizes = [1, 128], strides = [1, 1]} : vector<16x128xf32> to vector<1x128xf32>
    %squeeze3A_615 = vector.shape_cast %slice3A_614 : vector<1x128xf32> to vector<128xf32>
    %sub3A_616 = arith.subf %squeeze3A_613, %squeeze3A_615 : vector<128xf32>
    %slice3A_617 = vector.extract_strided_slice %get3A_46 {offsets = [8, 0], sizes = [1, 128], strides = [1, 1]} : vector<16x128xf32> to vector<1x128xf32>
    %squeeze3A_618 = vector.shape_cast %slice3A_617 : vector<1x128xf32> to vector<128xf32>
    %slice3A_619 = vector.extract_strided_slice %get3A_40 {offsets = [8, 0], sizes = [1, 128], strides = [1, 1]} : vector<16x128xf32> to vector<1x128xf32>
    %squeeze3A_620 = vector.shape_cast %slice3A_619 : vector<1x128xf32> to vector<128xf32>
    %sub3A_621 = arith.subf %squeeze3A_618, %squeeze3A_620 : vector<128xf32>
    %mul3A_622 = arith.mulf %sub3A_616, %sub3A_621 : vector<128xf32>
    %slice3A_623 = vector.extract_strided_slice %get3A_37 {offsets = [8, 0], sizes = [1, 128], strides = [1, 1]} : vector<16x128xf32> to vector<1x128xf32>
    %squeeze3A_624 = vector.shape_cast %slice3A_623 : vector<1x128xf32> to vector<128xf32>
    %broadcast_in_dim3A_625 = vector.shape_cast %squeeze3A_624 : vector<128xf32> to vector<128x1xf32>
    %broadcast_in_dim3A_626 = vector.shape_cast %squeeze3A_25 : vector<512xf32> to vector<1x512xf32>
    %max3A_627 = vector.broadcast %broadcast_in_dim3A_625 : vector<128x1xf32> to vector<128x512xf32>
    %max3A_628 = vector.broadcast %broadcast_in_dim3A_626 : vector<1x512xf32> to vector<128x512xf32>
    %max3A_629 = arith.maximumf %max3A_627, %max3A_628 : vector<128x512xf32>
    %slice3A_630 = vector.extract_strided_slice %get3A_40 {offsets = [8, 0], sizes = [1, 128], strides = [1, 1]} : vector<16x128xf32> to vector<1x128xf32>
    %squeeze3A_631 = vector.shape_cast %slice3A_630 : vector<1x128xf32> to vector<128xf32>
    %broadcast_in_dim3A_632 = vector.shape_cast %squeeze3A_631 : vector<128xf32> to vector<128x1xf32>
    %broadcast_in_dim3A_633 = vector.shape_cast %squeeze3A_27 : vector<512xf32> to vector<1x512xf32>
    %max3A_634 = vector.broadcast %broadcast_in_dim3A_632 : vector<128x1xf32> to vector<128x512xf32>
    %max3A_635 = vector.broadcast %broadcast_in_dim3A_633 : vector<1x512xf32> to vector<128x512xf32>
    %max3A_636 = arith.maximumf %max3A_634, %max3A_635 : vector<128x512xf32>
    %slice3A_637 = vector.extract_strided_slice %get3A_43 {offsets = [8, 0], sizes = [1, 128], strides = [1, 1]} : vector<16x128xf32> to vector<1x128xf32>
    %squeeze3A_638 = vector.shape_cast %slice3A_637 : vector<1x128xf32> to vector<128xf32>
    %broadcast_in_dim3A_639 = vector.shape_cast %squeeze3A_638 : vector<128xf32> to vector<128x1xf32>
    %broadcast_in_dim3A_640 = vector.shape_cast %squeeze3A_29 : vector<512xf32> to vector<1x512xf32>
    %min3A_641 = vector.broadcast %broadcast_in_dim3A_639 : vector<128x1xf32> to vector<128x512xf32>
    %min3A_642 = vector.broadcast %broadcast_in_dim3A_640 : vector<1x512xf32> to vector<128x512xf32>
    %min3A_643 = arith.minimumf %min3A_641, %min3A_642 : vector<128x512xf32>
    %slice3A_644 = vector.extract_strided_slice %get3A_46 {offsets = [8, 0], sizes = [1, 128], strides = [1, 1]} : vector<16x128xf32> to vector<1x128xf32>
    %squeeze3A_645 = vector.shape_cast %slice3A_644 : vector<1x128xf32> to vector<128xf32>
    %broadcast_in_dim3A_646 = vector.shape_cast %squeeze3A_645 : vector<128xf32> to vector<128x1xf32>
    %broadcast_in_dim3A_647 = vector.shape_cast %squeeze3A_31 : vector<512xf32> to vector<1x512xf32>
    %min3A_648 = vector.broadcast %broadcast_in_dim3A_646 : vector<128x1xf32> to vector<128x512xf32>
    %min3A_649 = vector.broadcast %broadcast_in_dim3A_647 : vector<1x512xf32> to vector<128x512xf32>
    %min3A_650 = arith.minimumf %min3A_648, %min3A_649 : vector<128x512xf32>
    %sub3A_651 = arith.subf %min3A_643, %max3A_629 : vector<128x512xf32>
    %max3A_652 = arith.constant 0.000000e+00 : f32
    %max3A_653 = vector.broadcast %max3A_652 : f32 to vector<128x512xf32>
    %max3A_654 = arith.maximumf %sub3A_651, %max3A_653 : vector<128x512xf32>
    %sub3A_655 = arith.subf %min3A_650, %max3A_636 : vector<128x512xf32>
    %max3A_656 = arith.constant 0.000000e+00 : f32
    %max3A_657 = vector.broadcast %max3A_656 : f32 to vector<128x512xf32>
    %max3A_658 = arith.maximumf %sub3A_655, %max3A_657 : vector<128x512xf32>
    %mul3A_659 = arith.mulf %max3A_654, %max3A_658 : vector<128x512xf32>
    %broadcast_in_dim3A_660 = vector.shape_cast %mul3A_622 : vector<128xf32> to vector<128x1xf32>
    %broadcast_in_dim3A_661 = vector.shape_cast %mul3A : vector<512xf32> to vector<1x512xf32>
    %add3A_662 = vector.broadcast %broadcast_in_dim3A_660 : vector<128x1xf32> to vector<128x512xf32>
    %add3A_663 = vector.broadcast %broadcast_in_dim3A_661 : vector<1x512xf32> to vector<128x512xf32>
    %add3A_664 = arith.addf %add3A_662, %add3A_663 : vector<128x512xf32>
    %sub3A_665 = arith.subf %add3A_664, %mul3A_659 : vector<128x512xf32>
    %gt3A_666 = arith.constant 0.000000e+00 : f32
    %gt3A_667 = vector.broadcast %gt3A_666 : f32 to vector<128x512xf32>
    %gt3A_668 = arith.cmpf ogt, %mul3A_659, %gt3A_667 : vector<128x512xf32>
    %div3A_669 = arith.divf %mul3A_659, %sub3A_665 : vector<128x512xf32>
    %jit3A_670 = arith.constant 0.000000e+00 : f32
    %broadcast_in_dim3A_671 = vector.broadcast %jit3A_670 : f32 to vector<128x512xf32>
    %select_n3A_672 = arith.select %gt3A_668, %div3A_669, %broadcast_in_dim3A_671 : vector<128x512xi1>, vector<128x512xf32>
    %broadcast_in_dim3A_673 = vector.shape_cast %convert_element_type3A_611 : vector<512xf32> to vector<1x512xf32>
    %mul3A_674 = vector.broadcast %broadcast_in_dim3A_673 : vector<1x512xf32> to vector<128x512xf32>
    %mul3A_675 = arith.mulf %select_n3A_672, %mul3A_674 : vector<128x512xf32>
    %reduce_max3A_676 = arith.constant dense<0xFF800000> : vector<128xf32>
    %reduce_max3A_677 = vector.multi_reduction <maximumf>, %mul3A_675, %reduce_max3A_676 [1] : vector<128x512xf32> to vector<128xf32>
    %eq3A_678 = arith.constant 9.000000e+00 : f32
    %eq3A_679 = vector.broadcast %eq3A_678 : f32 to vector<512xf32>
    %eq3A_680 = arith.cmpf oeq, %squeeze3A_33, %eq3A_679 : vector<512xf32>
    %convert_element_type3A_681 = arith.extui %eq3A_680 : vector<512xi1> to vector<512xi32>
    %convert_element_type3A_682 = arith.sitofp %convert_element_type3A_681 : vector<512xi32> to vector<512xf32>
    %slice3A_683 = vector.extract_strided_slice %get3A_43 {offsets = [9, 0], sizes = [1, 128], strides = [1, 1]} : vector<16x128xf32> to vector<1x128xf32>
    %squeeze3A_684 = vector.shape_cast %slice3A_683 : vector<1x128xf32> to vector<128xf32>
    %slice3A_685 = vector.extract_strided_slice %get3A_37 {offsets = [9, 0], sizes = [1, 128], strides = [1, 1]} : vector<16x128xf32> to vector<1x128xf32>
    %squeeze3A_686 = vector.shape_cast %slice3A_685 : vector<1x128xf32> to vector<128xf32>
    %sub3A_687 = arith.subf %squeeze3A_684, %squeeze3A_686 : vector<128xf32>
    %slice3A_688 = vector.extract_strided_slice %get3A_46 {offsets = [9, 0], sizes = [1, 128], strides = [1, 1]} : vector<16x128xf32> to vector<1x128xf32>
    %squeeze3A_689 = vector.shape_cast %slice3A_688 : vector<1x128xf32> to vector<128xf32>
    %slice3A_690 = vector.extract_strided_slice %get3A_40 {offsets = [9, 0], sizes = [1, 128], strides = [1, 1]} : vector<16x128xf32> to vector<1x128xf32>
    %squeeze3A_691 = vector.shape_cast %slice3A_690 : vector<1x128xf32> to vector<128xf32>
    %sub3A_692 = arith.subf %squeeze3A_689, %squeeze3A_691 : vector<128xf32>
    %mul3A_693 = arith.mulf %sub3A_687, %sub3A_692 : vector<128xf32>
    %slice3A_694 = vector.extract_strided_slice %get3A_37 {offsets = [9, 0], sizes = [1, 128], strides = [1, 1]} : vector<16x128xf32> to vector<1x128xf32>
    %squeeze3A_695 = vector.shape_cast %slice3A_694 : vector<1x128xf32> to vector<128xf32>
    %broadcast_in_dim3A_696 = vector.shape_cast %squeeze3A_695 : vector<128xf32> to vector<128x1xf32>
    %broadcast_in_dim3A_697 = vector.shape_cast %squeeze3A_25 : vector<512xf32> to vector<1x512xf32>
    %max3A_698 = vector.broadcast %broadcast_in_dim3A_696 : vector<128x1xf32> to vector<128x512xf32>
    %max3A_699 = vector.broadcast %broadcast_in_dim3A_697 : vector<1x512xf32> to vector<128x512xf32>
    %max3A_700 = arith.maximumf %max3A_698, %max3A_699 : vector<128x512xf32>
    %slice3A_701 = vector.extract_strided_slice %get3A_40 {offsets = [9, 0], sizes = [1, 128], strides = [1, 1]} : vector<16x128xf32> to vector<1x128xf32>
    %squeeze3A_702 = vector.shape_cast %slice3A_701 : vector<1x128xf32> to vector<128xf32>
    %broadcast_in_dim3A_703 = vector.shape_cast %squeeze3A_702 : vector<128xf32> to vector<128x1xf32>
    %broadcast_in_dim3A_704 = vector.shape_cast %squeeze3A_27 : vector<512xf32> to vector<1x512xf32>
    %max3A_705 = vector.broadcast %broadcast_in_dim3A_703 : vector<128x1xf32> to vector<128x512xf32>
    %max3A_706 = vector.broadcast %broadcast_in_dim3A_704 : vector<1x512xf32> to vector<128x512xf32>
    %max3A_707 = arith.maximumf %max3A_705, %max3A_706 : vector<128x512xf32>
    %slice3A_708 = vector.extract_strided_slice %get3A_43 {offsets = [9, 0], sizes = [1, 128], strides = [1, 1]} : vector<16x128xf32> to vector<1x128xf32>
    %squeeze3A_709 = vector.shape_cast %slice3A_708 : vector<1x128xf32> to vector<128xf32>
    %broadcast_in_dim3A_710 = vector.shape_cast %squeeze3A_709 : vector<128xf32> to vector<128x1xf32>
    %broadcast_in_dim3A_711 = vector.shape_cast %squeeze3A_29 : vector<512xf32> to vector<1x512xf32>
    %min3A_712 = vector.broadcast %broadcast_in_dim3A_710 : vector<128x1xf32> to vector<128x512xf32>
    %min3A_713 = vector.broadcast %broadcast_in_dim3A_711 : vector<1x512xf32> to vector<128x512xf32>
    %min3A_714 = arith.minimumf %min3A_712, %min3A_713 : vector<128x512xf32>
    %slice3A_715 = vector.extract_strided_slice %get3A_46 {offsets = [9, 0], sizes = [1, 128], strides = [1, 1]} : vector<16x128xf32> to vector<1x128xf32>
    %squeeze3A_716 = vector.shape_cast %slice3A_715 : vector<1x128xf32> to vector<128xf32>
    %broadcast_in_dim3A_717 = vector.shape_cast %squeeze3A_716 : vector<128xf32> to vector<128x1xf32>
    %broadcast_in_dim3A_718 = vector.shape_cast %squeeze3A_31 : vector<512xf32> to vector<1x512xf32>
    %min3A_719 = vector.broadcast %broadcast_in_dim3A_717 : vector<128x1xf32> to vector<128x512xf32>
    %min3A_720 = vector.broadcast %broadcast_in_dim3A_718 : vector<1x512xf32> to vector<128x512xf32>
    %min3A_721 = arith.minimumf %min3A_719, %min3A_720 : vector<128x512xf32>
    %sub3A_722 = arith.subf %min3A_714, %max3A_700 : vector<128x512xf32>
    %max3A_723 = arith.constant 0.000000e+00 : f32
    %max3A_724 = vector.broadcast %max3A_723 : f32 to vector<128x512xf32>
    %max3A_725 = arith.maximumf %sub3A_722, %max3A_724 : vector<128x512xf32>
    %sub3A_726 = arith.subf %min3A_721, %max3A_707 : vector<128x512xf32>
    %max3A_727 = arith.constant 0.000000e+00 : f32
    %max3A_728 = vector.broadcast %max3A_727 : f32 to vector<128x512xf32>
    %max3A_729 = arith.maximumf %sub3A_726, %max3A_728 : vector<128x512xf32>
    %mul3A_730 = arith.mulf %max3A_725, %max3A_729 : vector<128x512xf32>
    %broadcast_in_dim3A_731 = vector.shape_cast %mul3A_693 : vector<128xf32> to vector<128x1xf32>
    %broadcast_in_dim3A_732 = vector.shape_cast %mul3A : vector<512xf32> to vector<1x512xf32>
    %add3A_733 = vector.broadcast %broadcast_in_dim3A_731 : vector<128x1xf32> to vector<128x512xf32>
    %add3A_734 = vector.broadcast %broadcast_in_dim3A_732 : vector<1x512xf32> to vector<128x512xf32>
    %add3A_735 = arith.addf %add3A_733, %add3A_734 : vector<128x512xf32>
    %sub3A_736 = arith.subf %add3A_735, %mul3A_730 : vector<128x512xf32>
    %gt3A_737 = arith.constant 0.000000e+00 : f32
    %gt3A_738 = vector.broadcast %gt3A_737 : f32 to vector<128x512xf32>
    %gt3A_739 = arith.cmpf ogt, %mul3A_730, %gt3A_738 : vector<128x512xf32>
    %div3A_740 = arith.divf %mul3A_730, %sub3A_736 : vector<128x512xf32>
    %jit3A_741 = arith.constant 0.000000e+00 : f32
    %broadcast_in_dim3A_742 = vector.broadcast %jit3A_741 : f32 to vector<128x512xf32>
    %select_n3A_743 = arith.select %gt3A_739, %div3A_740, %broadcast_in_dim3A_742 : vector<128x512xi1>, vector<128x512xf32>
    %broadcast_in_dim3A_744 = vector.shape_cast %convert_element_type3A_682 : vector<512xf32> to vector<1x512xf32>
    %mul3A_745 = vector.broadcast %broadcast_in_dim3A_744 : vector<1x512xf32> to vector<128x512xf32>
    %mul3A_746 = arith.mulf %select_n3A_743, %mul3A_745 : vector<128x512xf32>
    %reduce_max3A_747 = arith.constant dense<0xFF800000> : vector<128xf32>
    %reduce_max3A_748 = vector.multi_reduction <maximumf>, %mul3A_746, %reduce_max3A_747 [1] : vector<128x512xf32> to vector<128xf32>
    %eq3A_749 = arith.constant 1.000000e+01 : f32
    %eq3A_750 = vector.broadcast %eq3A_749 : f32 to vector<512xf32>
    %eq3A_751 = arith.cmpf oeq, %squeeze3A_33, %eq3A_750 : vector<512xf32>
    %convert_element_type3A_752 = arith.extui %eq3A_751 : vector<512xi1> to vector<512xi32>
    %convert_element_type3A_753 = arith.sitofp %convert_element_type3A_752 : vector<512xi32> to vector<512xf32>
    %slice3A_754 = vector.extract_strided_slice %get3A_43 {offsets = [10, 0], sizes = [1, 128], strides = [1, 1]} : vector<16x128xf32> to vector<1x128xf32>
    %squeeze3A_755 = vector.shape_cast %slice3A_754 : vector<1x128xf32> to vector<128xf32>
    %slice3A_756 = vector.extract_strided_slice %get3A_37 {offsets = [10, 0], sizes = [1, 128], strides = [1, 1]} : vector<16x128xf32> to vector<1x128xf32>
    %squeeze3A_757 = vector.shape_cast %slice3A_756 : vector<1x128xf32> to vector<128xf32>
    %sub3A_758 = arith.subf %squeeze3A_755, %squeeze3A_757 : vector<128xf32>
    %slice3A_759 = vector.extract_strided_slice %get3A_46 {offsets = [10, 0], sizes = [1, 128], strides = [1, 1]} : vector<16x128xf32> to vector<1x128xf32>
    %squeeze3A_760 = vector.shape_cast %slice3A_759 : vector<1x128xf32> to vector<128xf32>
    %slice3A_761 = vector.extract_strided_slice %get3A_40 {offsets = [10, 0], sizes = [1, 128], strides = [1, 1]} : vector<16x128xf32> to vector<1x128xf32>
    %squeeze3A_762 = vector.shape_cast %slice3A_761 : vector<1x128xf32> to vector<128xf32>
    %sub3A_763 = arith.subf %squeeze3A_760, %squeeze3A_762 : vector<128xf32>
    %mul3A_764 = arith.mulf %sub3A_758, %sub3A_763 : vector<128xf32>
    %slice3A_765 = vector.extract_strided_slice %get3A_37 {offsets = [10, 0], sizes = [1, 128], strides = [1, 1]} : vector<16x128xf32> to vector<1x128xf32>
    %squeeze3A_766 = vector.shape_cast %slice3A_765 : vector<1x128xf32> to vector<128xf32>
    %broadcast_in_dim3A_767 = vector.shape_cast %squeeze3A_766 : vector<128xf32> to vector<128x1xf32>
    %broadcast_in_dim3A_768 = vector.shape_cast %squeeze3A_25 : vector<512xf32> to vector<1x512xf32>
    %max3A_769 = vector.broadcast %broadcast_in_dim3A_767 : vector<128x1xf32> to vector<128x512xf32>
    %max3A_770 = vector.broadcast %broadcast_in_dim3A_768 : vector<1x512xf32> to vector<128x512xf32>
    %max3A_771 = arith.maximumf %max3A_769, %max3A_770 : vector<128x512xf32>
    %slice3A_772 = vector.extract_strided_slice %get3A_40 {offsets = [10, 0], sizes = [1, 128], strides = [1, 1]} : vector<16x128xf32> to vector<1x128xf32>
    %squeeze3A_773 = vector.shape_cast %slice3A_772 : vector<1x128xf32> to vector<128xf32>
    %broadcast_in_dim3A_774 = vector.shape_cast %squeeze3A_773 : vector<128xf32> to vector<128x1xf32>
    %broadcast_in_dim3A_775 = vector.shape_cast %squeeze3A_27 : vector<512xf32> to vector<1x512xf32>
    %max3A_776 = vector.broadcast %broadcast_in_dim3A_774 : vector<128x1xf32> to vector<128x512xf32>
    %max3A_777 = vector.broadcast %broadcast_in_dim3A_775 : vector<1x512xf32> to vector<128x512xf32>
    %max3A_778 = arith.maximumf %max3A_776, %max3A_777 : vector<128x512xf32>
    %slice3A_779 = vector.extract_strided_slice %get3A_43 {offsets = [10, 0], sizes = [1, 128], strides = [1, 1]} : vector<16x128xf32> to vector<1x128xf32>
    %squeeze3A_780 = vector.shape_cast %slice3A_779 : vector<1x128xf32> to vector<128xf32>
    %broadcast_in_dim3A_781 = vector.shape_cast %squeeze3A_780 : vector<128xf32> to vector<128x1xf32>
    %broadcast_in_dim3A_782 = vector.shape_cast %squeeze3A_29 : vector<512xf32> to vector<1x512xf32>
    %min3A_783 = vector.broadcast %broadcast_in_dim3A_781 : vector<128x1xf32> to vector<128x512xf32>
    %min3A_784 = vector.broadcast %broadcast_in_dim3A_782 : vector<1x512xf32> to vector<128x512xf32>
    %min3A_785 = arith.minimumf %min3A_783, %min3A_784 : vector<128x512xf32>
    %slice3A_786 = vector.extract_strided_slice %get3A_46 {offsets = [10, 0], sizes = [1, 128], strides = [1, 1]} : vector<16x128xf32> to vector<1x128xf32>
    %squeeze3A_787 = vector.shape_cast %slice3A_786 : vector<1x128xf32> to vector<128xf32>
    %broadcast_in_dim3A_788 = vector.shape_cast %squeeze3A_787 : vector<128xf32> to vector<128x1xf32>
    %broadcast_in_dim3A_789 = vector.shape_cast %squeeze3A_31 : vector<512xf32> to vector<1x512xf32>
    %min3A_790 = vector.broadcast %broadcast_in_dim3A_788 : vector<128x1xf32> to vector<128x512xf32>
    %min3A_791 = vector.broadcast %broadcast_in_dim3A_789 : vector<1x512xf32> to vector<128x512xf32>
    %min3A_792 = arith.minimumf %min3A_790, %min3A_791 : vector<128x512xf32>
    %sub3A_793 = arith.subf %min3A_785, %max3A_771 : vector<128x512xf32>
    %max3A_794 = arith.constant 0.000000e+00 : f32
    %max3A_795 = vector.broadcast %max3A_794 : f32 to vector<128x512xf32>
    %max3A_796 = arith.maximumf %sub3A_793, %max3A_795 : vector<128x512xf32>
    %sub3A_797 = arith.subf %min3A_792, %max3A_778 : vector<128x512xf32>
    %max3A_798 = arith.constant 0.000000e+00 : f32
    %max3A_799 = vector.broadcast %max3A_798 : f32 to vector<128x512xf32>
    %max3A_800 = arith.maximumf %sub3A_797, %max3A_799 : vector<128x512xf32>
    %mul3A_801 = arith.mulf %max3A_796, %max3A_800 : vector<128x512xf32>
    %broadcast_in_dim3A_802 = vector.shape_cast %mul3A_764 : vector<128xf32> to vector<128x1xf32>
    %broadcast_in_dim3A_803 = vector.shape_cast %mul3A : vector<512xf32> to vector<1x512xf32>
    %add3A_804 = vector.broadcast %broadcast_in_dim3A_802 : vector<128x1xf32> to vector<128x512xf32>
    %add3A_805 = vector.broadcast %broadcast_in_dim3A_803 : vector<1x512xf32> to vector<128x512xf32>
    %add3A_806 = arith.addf %add3A_804, %add3A_805 : vector<128x512xf32>
    %sub3A_807 = arith.subf %add3A_806, %mul3A_801 : vector<128x512xf32>
    %gt3A_808 = arith.constant 0.000000e+00 : f32
    %gt3A_809 = vector.broadcast %gt3A_808 : f32 to vector<128x512xf32>
    %gt3A_810 = arith.cmpf ogt, %mul3A_801, %gt3A_809 : vector<128x512xf32>
    %div3A_811 = arith.divf %mul3A_801, %sub3A_807 : vector<128x512xf32>
    %jit3A_812 = arith.constant 0.000000e+00 : f32
    %broadcast_in_dim3A_813 = vector.broadcast %jit3A_812 : f32 to vector<128x512xf32>
    %select_n3A_814 = arith.select %gt3A_810, %div3A_811, %broadcast_in_dim3A_813 : vector<128x512xi1>, vector<128x512xf32>
    %broadcast_in_dim3A_815 = vector.shape_cast %convert_element_type3A_753 : vector<512xf32> to vector<1x512xf32>
    %mul3A_816 = vector.broadcast %broadcast_in_dim3A_815 : vector<1x512xf32> to vector<128x512xf32>
    %mul3A_817 = arith.mulf %select_n3A_814, %mul3A_816 : vector<128x512xf32>
    %reduce_max3A_818 = arith.constant dense<0xFF800000> : vector<128xf32>
    %reduce_max3A_819 = vector.multi_reduction <maximumf>, %mul3A_817, %reduce_max3A_818 [1] : vector<128x512xf32> to vector<128xf32>
    %eq3A_820 = arith.constant 1.100000e+01 : f32
    %eq3A_821 = vector.broadcast %eq3A_820 : f32 to vector<512xf32>
    %eq3A_822 = arith.cmpf oeq, %squeeze3A_33, %eq3A_821 : vector<512xf32>
    %convert_element_type3A_823 = arith.extui %eq3A_822 : vector<512xi1> to vector<512xi32>
    %convert_element_type3A_824 = arith.sitofp %convert_element_type3A_823 : vector<512xi32> to vector<512xf32>
    %slice3A_825 = vector.extract_strided_slice %get3A_43 {offsets = [11, 0], sizes = [1, 128], strides = [1, 1]} : vector<16x128xf32> to vector<1x128xf32>
    %squeeze3A_826 = vector.shape_cast %slice3A_825 : vector<1x128xf32> to vector<128xf32>
    %slice3A_827 = vector.extract_strided_slice %get3A_37 {offsets = [11, 0], sizes = [1, 128], strides = [1, 1]} : vector<16x128xf32> to vector<1x128xf32>
    %squeeze3A_828 = vector.shape_cast %slice3A_827 : vector<1x128xf32> to vector<128xf32>
    %sub3A_829 = arith.subf %squeeze3A_826, %squeeze3A_828 : vector<128xf32>
    %slice3A_830 = vector.extract_strided_slice %get3A_46 {offsets = [11, 0], sizes = [1, 128], strides = [1, 1]} : vector<16x128xf32> to vector<1x128xf32>
    %squeeze3A_831 = vector.shape_cast %slice3A_830 : vector<1x128xf32> to vector<128xf32>
    %slice3A_832 = vector.extract_strided_slice %get3A_40 {offsets = [11, 0], sizes = [1, 128], strides = [1, 1]} : vector<16x128xf32> to vector<1x128xf32>
    %squeeze3A_833 = vector.shape_cast %slice3A_832 : vector<1x128xf32> to vector<128xf32>
    %sub3A_834 = arith.subf %squeeze3A_831, %squeeze3A_833 : vector<128xf32>
    %mul3A_835 = arith.mulf %sub3A_829, %sub3A_834 : vector<128xf32>
    %slice3A_836 = vector.extract_strided_slice %get3A_37 {offsets = [11, 0], sizes = [1, 128], strides = [1, 1]} : vector<16x128xf32> to vector<1x128xf32>
    %squeeze3A_837 = vector.shape_cast %slice3A_836 : vector<1x128xf32> to vector<128xf32>
    %broadcast_in_dim3A_838 = vector.shape_cast %squeeze3A_837 : vector<128xf32> to vector<128x1xf32>
    %broadcast_in_dim3A_839 = vector.shape_cast %squeeze3A_25 : vector<512xf32> to vector<1x512xf32>
    %max3A_840 = vector.broadcast %broadcast_in_dim3A_838 : vector<128x1xf32> to vector<128x512xf32>
    %max3A_841 = vector.broadcast %broadcast_in_dim3A_839 : vector<1x512xf32> to vector<128x512xf32>
    %max3A_842 = arith.maximumf %max3A_840, %max3A_841 : vector<128x512xf32>
    %slice3A_843 = vector.extract_strided_slice %get3A_40 {offsets = [11, 0], sizes = [1, 128], strides = [1, 1]} : vector<16x128xf32> to vector<1x128xf32>
    %squeeze3A_844 = vector.shape_cast %slice3A_843 : vector<1x128xf32> to vector<128xf32>
    %broadcast_in_dim3A_845 = vector.shape_cast %squeeze3A_844 : vector<128xf32> to vector<128x1xf32>
    %broadcast_in_dim3A_846 = vector.shape_cast %squeeze3A_27 : vector<512xf32> to vector<1x512xf32>
    %max3A_847 = vector.broadcast %broadcast_in_dim3A_845 : vector<128x1xf32> to vector<128x512xf32>
    %max3A_848 = vector.broadcast %broadcast_in_dim3A_846 : vector<1x512xf32> to vector<128x512xf32>
    %max3A_849 = arith.maximumf %max3A_847, %max3A_848 : vector<128x512xf32>
    %slice3A_850 = vector.extract_strided_slice %get3A_43 {offsets = [11, 0], sizes = [1, 128], strides = [1, 1]} : vector<16x128xf32> to vector<1x128xf32>
    %squeeze3A_851 = vector.shape_cast %slice3A_850 : vector<1x128xf32> to vector<128xf32>
    %broadcast_in_dim3A_852 = vector.shape_cast %squeeze3A_851 : vector<128xf32> to vector<128x1xf32>
    %broadcast_in_dim3A_853 = vector.shape_cast %squeeze3A_29 : vector<512xf32> to vector<1x512xf32>
    %min3A_854 = vector.broadcast %broadcast_in_dim3A_852 : vector<128x1xf32> to vector<128x512xf32>
    %min3A_855 = vector.broadcast %broadcast_in_dim3A_853 : vector<1x512xf32> to vector<128x512xf32>
    %min3A_856 = arith.minimumf %min3A_854, %min3A_855 : vector<128x512xf32>
    %slice3A_857 = vector.extract_strided_slice %get3A_46 {offsets = [11, 0], sizes = [1, 128], strides = [1, 1]} : vector<16x128xf32> to vector<1x128xf32>
    %squeeze3A_858 = vector.shape_cast %slice3A_857 : vector<1x128xf32> to vector<128xf32>
    %broadcast_in_dim3A_859 = vector.shape_cast %squeeze3A_858 : vector<128xf32> to vector<128x1xf32>
    %broadcast_in_dim3A_860 = vector.shape_cast %squeeze3A_31 : vector<512xf32> to vector<1x512xf32>
    %min3A_861 = vector.broadcast %broadcast_in_dim3A_859 : vector<128x1xf32> to vector<128x512xf32>
    %min3A_862 = vector.broadcast %broadcast_in_dim3A_860 : vector<1x512xf32> to vector<128x512xf32>
    %min3A_863 = arith.minimumf %min3A_861, %min3A_862 : vector<128x512xf32>
    %sub3A_864 = arith.subf %min3A_856, %max3A_842 : vector<128x512xf32>
    %max3A_865 = arith.constant 0.000000e+00 : f32
    %max3A_866 = vector.broadcast %max3A_865 : f32 to vector<128x512xf32>
    %max3A_867 = arith.maximumf %sub3A_864, %max3A_866 : vector<128x512xf32>
    %sub3A_868 = arith.subf %min3A_863, %max3A_849 : vector<128x512xf32>
    %max3A_869 = arith.constant 0.000000e+00 : f32
    %max3A_870 = vector.broadcast %max3A_869 : f32 to vector<128x512xf32>
    %max3A_871 = arith.maximumf %sub3A_868, %max3A_870 : vector<128x512xf32>
    %mul3A_872 = arith.mulf %max3A_867, %max3A_871 : vector<128x512xf32>
    %broadcast_in_dim3A_873 = vector.shape_cast %mul3A_835 : vector<128xf32> to vector<128x1xf32>
    %broadcast_in_dim3A_874 = vector.shape_cast %mul3A : vector<512xf32> to vector<1x512xf32>
    %add3A_875 = vector.broadcast %broadcast_in_dim3A_873 : vector<128x1xf32> to vector<128x512xf32>
    %add3A_876 = vector.broadcast %broadcast_in_dim3A_874 : vector<1x512xf32> to vector<128x512xf32>
    %add3A_877 = arith.addf %add3A_875, %add3A_876 : vector<128x512xf32>
    %sub3A_878 = arith.subf %add3A_877, %mul3A_872 : vector<128x512xf32>
    %gt3A_879 = arith.constant 0.000000e+00 : f32
    %gt3A_880 = vector.broadcast %gt3A_879 : f32 to vector<128x512xf32>
    %gt3A_881 = arith.cmpf ogt, %mul3A_872, %gt3A_880 : vector<128x512xf32>
    %div3A_882 = arith.divf %mul3A_872, %sub3A_878 : vector<128x512xf32>
    %jit3A_883 = arith.constant 0.000000e+00 : f32
    %broadcast_in_dim3A_884 = vector.broadcast %jit3A_883 : f32 to vector<128x512xf32>
    %select_n3A_885 = arith.select %gt3A_881, %div3A_882, %broadcast_in_dim3A_884 : vector<128x512xi1>, vector<128x512xf32>
    %broadcast_in_dim3A_886 = vector.shape_cast %convert_element_type3A_824 : vector<512xf32> to vector<1x512xf32>
    %mul3A_887 = vector.broadcast %broadcast_in_dim3A_886 : vector<1x512xf32> to vector<128x512xf32>
    %mul3A_888 = arith.mulf %select_n3A_885, %mul3A_887 : vector<128x512xf32>
    %reduce_max3A_889 = arith.constant dense<0xFF800000> : vector<128xf32>
    %reduce_max3A_890 = vector.multi_reduction <maximumf>, %mul3A_888, %reduce_max3A_889 [1] : vector<128x512xf32> to vector<128xf32>
    %eq3A_891 = arith.constant 1.200000e+01 : f32
    %eq3A_892 = vector.broadcast %eq3A_891 : f32 to vector<512xf32>
    %eq3A_893 = arith.cmpf oeq, %squeeze3A_33, %eq3A_892 : vector<512xf32>
    %convert_element_type3A_894 = arith.extui %eq3A_893 : vector<512xi1> to vector<512xi32>
    %convert_element_type3A_895 = arith.sitofp %convert_element_type3A_894 : vector<512xi32> to vector<512xf32>
    %slice3A_896 = vector.extract_strided_slice %get3A_43 {offsets = [12, 0], sizes = [1, 128], strides = [1, 1]} : vector<16x128xf32> to vector<1x128xf32>
    %squeeze3A_897 = vector.shape_cast %slice3A_896 : vector<1x128xf32> to vector<128xf32>
    %slice3A_898 = vector.extract_strided_slice %get3A_37 {offsets = [12, 0], sizes = [1, 128], strides = [1, 1]} : vector<16x128xf32> to vector<1x128xf32>
    %squeeze3A_899 = vector.shape_cast %slice3A_898 : vector<1x128xf32> to vector<128xf32>
    %sub3A_900 = arith.subf %squeeze3A_897, %squeeze3A_899 : vector<128xf32>
    %slice3A_901 = vector.extract_strided_slice %get3A_46 {offsets = [12, 0], sizes = [1, 128], strides = [1, 1]} : vector<16x128xf32> to vector<1x128xf32>
    %squeeze3A_902 = vector.shape_cast %slice3A_901 : vector<1x128xf32> to vector<128xf32>
    %slice3A_903 = vector.extract_strided_slice %get3A_40 {offsets = [12, 0], sizes = [1, 128], strides = [1, 1]} : vector<16x128xf32> to vector<1x128xf32>
    %squeeze3A_904 = vector.shape_cast %slice3A_903 : vector<1x128xf32> to vector<128xf32>
    %sub3A_905 = arith.subf %squeeze3A_902, %squeeze3A_904 : vector<128xf32>
    %mul3A_906 = arith.mulf %sub3A_900, %sub3A_905 : vector<128xf32>
    %slice3A_907 = vector.extract_strided_slice %get3A_37 {offsets = [12, 0], sizes = [1, 128], strides = [1, 1]} : vector<16x128xf32> to vector<1x128xf32>
    %squeeze3A_908 = vector.shape_cast %slice3A_907 : vector<1x128xf32> to vector<128xf32>
    %broadcast_in_dim3A_909 = vector.shape_cast %squeeze3A_908 : vector<128xf32> to vector<128x1xf32>
    %broadcast_in_dim3A_910 = vector.shape_cast %squeeze3A_25 : vector<512xf32> to vector<1x512xf32>
    %max3A_911 = vector.broadcast %broadcast_in_dim3A_909 : vector<128x1xf32> to vector<128x512xf32>
    %max3A_912 = vector.broadcast %broadcast_in_dim3A_910 : vector<1x512xf32> to vector<128x512xf32>
    %max3A_913 = arith.maximumf %max3A_911, %max3A_912 : vector<128x512xf32>
    %slice3A_914 = vector.extract_strided_slice %get3A_40 {offsets = [12, 0], sizes = [1, 128], strides = [1, 1]} : vector<16x128xf32> to vector<1x128xf32>
    %squeeze3A_915 = vector.shape_cast %slice3A_914 : vector<1x128xf32> to vector<128xf32>
    %broadcast_in_dim3A_916 = vector.shape_cast %squeeze3A_915 : vector<128xf32> to vector<128x1xf32>
    %broadcast_in_dim3A_917 = vector.shape_cast %squeeze3A_27 : vector<512xf32> to vector<1x512xf32>
    %max3A_918 = vector.broadcast %broadcast_in_dim3A_916 : vector<128x1xf32> to vector<128x512xf32>
    %max3A_919 = vector.broadcast %broadcast_in_dim3A_917 : vector<1x512xf32> to vector<128x512xf32>
    %max3A_920 = arith.maximumf %max3A_918, %max3A_919 : vector<128x512xf32>
    %slice3A_921 = vector.extract_strided_slice %get3A_43 {offsets = [12, 0], sizes = [1, 128], strides = [1, 1]} : vector<16x128xf32> to vector<1x128xf32>
    %squeeze3A_922 = vector.shape_cast %slice3A_921 : vector<1x128xf32> to vector<128xf32>
    %broadcast_in_dim3A_923 = vector.shape_cast %squeeze3A_922 : vector<128xf32> to vector<128x1xf32>
    %broadcast_in_dim3A_924 = vector.shape_cast %squeeze3A_29 : vector<512xf32> to vector<1x512xf32>
    %min3A_925 = vector.broadcast %broadcast_in_dim3A_923 : vector<128x1xf32> to vector<128x512xf32>
    %min3A_926 = vector.broadcast %broadcast_in_dim3A_924 : vector<1x512xf32> to vector<128x512xf32>
    %min3A_927 = arith.minimumf %min3A_925, %min3A_926 : vector<128x512xf32>
    %slice3A_928 = vector.extract_strided_slice %get3A_46 {offsets = [12, 0], sizes = [1, 128], strides = [1, 1]} : vector<16x128xf32> to vector<1x128xf32>
    %squeeze3A_929 = vector.shape_cast %slice3A_928 : vector<1x128xf32> to vector<128xf32>
    %broadcast_in_dim3A_930 = vector.shape_cast %squeeze3A_929 : vector<128xf32> to vector<128x1xf32>
    %broadcast_in_dim3A_931 = vector.shape_cast %squeeze3A_31 : vector<512xf32> to vector<1x512xf32>
    %min3A_932 = vector.broadcast %broadcast_in_dim3A_930 : vector<128x1xf32> to vector<128x512xf32>
    %min3A_933 = vector.broadcast %broadcast_in_dim3A_931 : vector<1x512xf32> to vector<128x512xf32>
    %min3A_934 = arith.minimumf %min3A_932, %min3A_933 : vector<128x512xf32>
    %sub3A_935 = arith.subf %min3A_927, %max3A_913 : vector<128x512xf32>
    %max3A_936 = arith.constant 0.000000e+00 : f32
    %max3A_937 = vector.broadcast %max3A_936 : f32 to vector<128x512xf32>
    %max3A_938 = arith.maximumf %sub3A_935, %max3A_937 : vector<128x512xf32>
    %sub3A_939 = arith.subf %min3A_934, %max3A_920 : vector<128x512xf32>
    %max3A_940 = arith.constant 0.000000e+00 : f32
    %max3A_941 = vector.broadcast %max3A_940 : f32 to vector<128x512xf32>
    %max3A_942 = arith.maximumf %sub3A_939, %max3A_941 : vector<128x512xf32>
    %mul3A_943 = arith.mulf %max3A_938, %max3A_942 : vector<128x512xf32>
    %broadcast_in_dim3A_944 = vector.shape_cast %mul3A_906 : vector<128xf32> to vector<128x1xf32>
    %broadcast_in_dim3A_945 = vector.shape_cast %mul3A : vector<512xf32> to vector<1x512xf32>
    %add3A_946 = vector.broadcast %broadcast_in_dim3A_944 : vector<128x1xf32> to vector<128x512xf32>
    %add3A_947 = vector.broadcast %broadcast_in_dim3A_945 : vector<1x512xf32> to vector<128x512xf32>
    %add3A_948 = arith.addf %add3A_946, %add3A_947 : vector<128x512xf32>
    %sub3A_949 = arith.subf %add3A_948, %mul3A_943 : vector<128x512xf32>
    %gt3A_950 = arith.constant 0.000000e+00 : f32
    %gt3A_951 = vector.broadcast %gt3A_950 : f32 to vector<128x512xf32>
    %gt3A_952 = arith.cmpf ogt, %mul3A_943, %gt3A_951 : vector<128x512xf32>
    %div3A_953 = arith.divf %mul3A_943, %sub3A_949 : vector<128x512xf32>
    %jit3A_954 = arith.constant 0.000000e+00 : f32
    %broadcast_in_dim3A_955 = vector.broadcast %jit3A_954 : f32 to vector<128x512xf32>
    %select_n3A_956 = arith.select %gt3A_952, %div3A_953, %broadcast_in_dim3A_955 : vector<128x512xi1>, vector<128x512xf32>
    %broadcast_in_dim3A_957 = vector.shape_cast %convert_element_type3A_895 : vector<512xf32> to vector<1x512xf32>
    %mul3A_958 = vector.broadcast %broadcast_in_dim3A_957 : vector<1x512xf32> to vector<128x512xf32>
    %mul3A_959 = arith.mulf %select_n3A_956, %mul3A_958 : vector<128x512xf32>
    %reduce_max3A_960 = arith.constant dense<0xFF800000> : vector<128xf32>
    %reduce_max3A_961 = vector.multi_reduction <maximumf>, %mul3A_959, %reduce_max3A_960 [1] : vector<128x512xf32> to vector<128xf32>
    %eq3A_962 = arith.constant 1.300000e+01 : f32
    %eq3A_963 = vector.broadcast %eq3A_962 : f32 to vector<512xf32>
    %eq3A_964 = arith.cmpf oeq, %squeeze3A_33, %eq3A_963 : vector<512xf32>
    %convert_element_type3A_965 = arith.extui %eq3A_964 : vector<512xi1> to vector<512xi32>
    %convert_element_type3A_966 = arith.sitofp %convert_element_type3A_965 : vector<512xi32> to vector<512xf32>
    %slice3A_967 = vector.extract_strided_slice %get3A_43 {offsets = [13, 0], sizes = [1, 128], strides = [1, 1]} : vector<16x128xf32> to vector<1x128xf32>
    %squeeze3A_968 = vector.shape_cast %slice3A_967 : vector<1x128xf32> to vector<128xf32>
    %slice3A_969 = vector.extract_strided_slice %get3A_37 {offsets = [13, 0], sizes = [1, 128], strides = [1, 1]} : vector<16x128xf32> to vector<1x128xf32>
    %squeeze3A_970 = vector.shape_cast %slice3A_969 : vector<1x128xf32> to vector<128xf32>
    %sub3A_971 = arith.subf %squeeze3A_968, %squeeze3A_970 : vector<128xf32>
    %slice3A_972 = vector.extract_strided_slice %get3A_46 {offsets = [13, 0], sizes = [1, 128], strides = [1, 1]} : vector<16x128xf32> to vector<1x128xf32>
    %squeeze3A_973 = vector.shape_cast %slice3A_972 : vector<1x128xf32> to vector<128xf32>
    %slice3A_974 = vector.extract_strided_slice %get3A_40 {offsets = [13, 0], sizes = [1, 128], strides = [1, 1]} : vector<16x128xf32> to vector<1x128xf32>
    %squeeze3A_975 = vector.shape_cast %slice3A_974 : vector<1x128xf32> to vector<128xf32>
    %sub3A_976 = arith.subf %squeeze3A_973, %squeeze3A_975 : vector<128xf32>
    %mul3A_977 = arith.mulf %sub3A_971, %sub3A_976 : vector<128xf32>
    %slice3A_978 = vector.extract_strided_slice %get3A_37 {offsets = [13, 0], sizes = [1, 128], strides = [1, 1]} : vector<16x128xf32> to vector<1x128xf32>
    %squeeze3A_979 = vector.shape_cast %slice3A_978 : vector<1x128xf32> to vector<128xf32>
    %broadcast_in_dim3A_980 = vector.shape_cast %squeeze3A_979 : vector<128xf32> to vector<128x1xf32>
    %broadcast_in_dim3A_981 = vector.shape_cast %squeeze3A_25 : vector<512xf32> to vector<1x512xf32>
    %max3A_982 = vector.broadcast %broadcast_in_dim3A_980 : vector<128x1xf32> to vector<128x512xf32>
    %max3A_983 = vector.broadcast %broadcast_in_dim3A_981 : vector<1x512xf32> to vector<128x512xf32>
    %max3A_984 = arith.maximumf %max3A_982, %max3A_983 : vector<128x512xf32>
    %slice3A_985 = vector.extract_strided_slice %get3A_40 {offsets = [13, 0], sizes = [1, 128], strides = [1, 1]} : vector<16x128xf32> to vector<1x128xf32>
    %squeeze3A_986 = vector.shape_cast %slice3A_985 : vector<1x128xf32> to vector<128xf32>
    %broadcast_in_dim3A_987 = vector.shape_cast %squeeze3A_986 : vector<128xf32> to vector<128x1xf32>
    %broadcast_in_dim3A_988 = vector.shape_cast %squeeze3A_27 : vector<512xf32> to vector<1x512xf32>
    %max3A_989 = vector.broadcast %broadcast_in_dim3A_987 : vector<128x1xf32> to vector<128x512xf32>
    %max3A_990 = vector.broadcast %broadcast_in_dim3A_988 : vector<1x512xf32> to vector<128x512xf32>
    %max3A_991 = arith.maximumf %max3A_989, %max3A_990 : vector<128x512xf32>
    %slice3A_992 = vector.extract_strided_slice %get3A_43 {offsets = [13, 0], sizes = [1, 128], strides = [1, 1]} : vector<16x128xf32> to vector<1x128xf32>
    %squeeze3A_993 = vector.shape_cast %slice3A_992 : vector<1x128xf32> to vector<128xf32>
    %broadcast_in_dim3A_994 = vector.shape_cast %squeeze3A_993 : vector<128xf32> to vector<128x1xf32>
    %broadcast_in_dim3A_995 = vector.shape_cast %squeeze3A_29 : vector<512xf32> to vector<1x512xf32>
    %min3A_996 = vector.broadcast %broadcast_in_dim3A_994 : vector<128x1xf32> to vector<128x512xf32>
    %min3A_997 = vector.broadcast %broadcast_in_dim3A_995 : vector<1x512xf32> to vector<128x512xf32>
    %min3A_998 = arith.minimumf %min3A_996, %min3A_997 : vector<128x512xf32>
    %slice3A_999 = vector.extract_strided_slice %get3A_46 {offsets = [13, 0], sizes = [1, 128], strides = [1, 1]} : vector<16x128xf32> to vector<1x128xf32>
    %squeeze3A_1000 = vector.shape_cast %slice3A_999 : vector<1x128xf32> to vector<128xf32>
    %broadcast_in_dim3A_1001 = vector.shape_cast %squeeze3A_1000 : vector<128xf32> to vector<128x1xf32>
    %broadcast_in_dim3A_1002 = vector.shape_cast %squeeze3A_31 : vector<512xf32> to vector<1x512xf32>
    %min3A_1003 = vector.broadcast %broadcast_in_dim3A_1001 : vector<128x1xf32> to vector<128x512xf32>
    %min3A_1004 = vector.broadcast %broadcast_in_dim3A_1002 : vector<1x512xf32> to vector<128x512xf32>
    %min3A_1005 = arith.minimumf %min3A_1003, %min3A_1004 : vector<128x512xf32>
    %sub3A_1006 = arith.subf %min3A_998, %max3A_984 : vector<128x512xf32>
    %max3A_1007 = arith.constant 0.000000e+00 : f32
    %max3A_1008 = vector.broadcast %max3A_1007 : f32 to vector<128x512xf32>
    %max3A_1009 = arith.maximumf %sub3A_1006, %max3A_1008 : vector<128x512xf32>
    %sub3A_1010 = arith.subf %min3A_1005, %max3A_991 : vector<128x512xf32>
    %max3A_1011 = arith.constant 0.000000e+00 : f32
    %max3A_1012 = vector.broadcast %max3A_1011 : f32 to vector<128x512xf32>
    %max3A_1013 = arith.maximumf %sub3A_1010, %max3A_1012 : vector<128x512xf32>
    %mul3A_1014 = arith.mulf %max3A_1009, %max3A_1013 : vector<128x512xf32>
    %broadcast_in_dim3A_1015 = vector.shape_cast %mul3A_977 : vector<128xf32> to vector<128x1xf32>
    %broadcast_in_dim3A_1016 = vector.shape_cast %mul3A : vector<512xf32> to vector<1x512xf32>
    %add3A_1017 = vector.broadcast %broadcast_in_dim3A_1015 : vector<128x1xf32> to vector<128x512xf32>
    %add3A_1018 = vector.broadcast %broadcast_in_dim3A_1016 : vector<1x512xf32> to vector<128x512xf32>
    %add3A_1019 = arith.addf %add3A_1017, %add3A_1018 : vector<128x512xf32>
    %sub3A_1020 = arith.subf %add3A_1019, %mul3A_1014 : vector<128x512xf32>
    %gt3A_1021 = arith.constant 0.000000e+00 : f32
    %gt3A_1022 = vector.broadcast %gt3A_1021 : f32 to vector<128x512xf32>
    %gt3A_1023 = arith.cmpf ogt, %mul3A_1014, %gt3A_1022 : vector<128x512xf32>
    %div3A_1024 = arith.divf %mul3A_1014, %sub3A_1020 : vector<128x512xf32>
    %jit3A_1025 = arith.constant 0.000000e+00 : f32
    %broadcast_in_dim3A_1026 = vector.broadcast %jit3A_1025 : f32 to vector<128x512xf32>
    %select_n3A_1027 = arith.select %gt3A_1023, %div3A_1024, %broadcast_in_dim3A_1026 : vector<128x512xi1>, vector<128x512xf32>
    %broadcast_in_dim3A_1028 = vector.shape_cast %convert_element_type3A_966 : vector<512xf32> to vector<1x512xf32>
    %mul3A_1029 = vector.broadcast %broadcast_in_dim3A_1028 : vector<1x512xf32> to vector<128x512xf32>
    %mul3A_1030 = arith.mulf %select_n3A_1027, %mul3A_1029 : vector<128x512xf32>
    %reduce_max3A_1031 = arith.constant dense<0xFF800000> : vector<128xf32>
    %reduce_max3A_1032 = vector.multi_reduction <maximumf>, %mul3A_1030, %reduce_max3A_1031 [1] : vector<128x512xf32> to vector<128xf32>
    %eq3A_1033 = arith.constant 1.400000e+01 : f32
    %eq3A_1034 = vector.broadcast %eq3A_1033 : f32 to vector<512xf32>
    %eq3A_1035 = arith.cmpf oeq, %squeeze3A_33, %eq3A_1034 : vector<512xf32>
    %convert_element_type3A_1036 = arith.extui %eq3A_1035 : vector<512xi1> to vector<512xi32>
    %convert_element_type3A_1037 = arith.sitofp %convert_element_type3A_1036 : vector<512xi32> to vector<512xf32>
    %slice3A_1038 = vector.extract_strided_slice %get3A_43 {offsets = [14, 0], sizes = [1, 128], strides = [1, 1]} : vector<16x128xf32> to vector<1x128xf32>
    %squeeze3A_1039 = vector.shape_cast %slice3A_1038 : vector<1x128xf32> to vector<128xf32>
    %slice3A_1040 = vector.extract_strided_slice %get3A_37 {offsets = [14, 0], sizes = [1, 128], strides = [1, 1]} : vector<16x128xf32> to vector<1x128xf32>
    %squeeze3A_1041 = vector.shape_cast %slice3A_1040 : vector<1x128xf32> to vector<128xf32>
    %sub3A_1042 = arith.subf %squeeze3A_1039, %squeeze3A_1041 : vector<128xf32>
    %slice3A_1043 = vector.extract_strided_slice %get3A_46 {offsets = [14, 0], sizes = [1, 128], strides = [1, 1]} : vector<16x128xf32> to vector<1x128xf32>
    %squeeze3A_1044 = vector.shape_cast %slice3A_1043 : vector<1x128xf32> to vector<128xf32>
    %slice3A_1045 = vector.extract_strided_slice %get3A_40 {offsets = [14, 0], sizes = [1, 128], strides = [1, 1]} : vector<16x128xf32> to vector<1x128xf32>
    %squeeze3A_1046 = vector.shape_cast %slice3A_1045 : vector<1x128xf32> to vector<128xf32>
    %sub3A_1047 = arith.subf %squeeze3A_1044, %squeeze3A_1046 : vector<128xf32>
    %mul3A_1048 = arith.mulf %sub3A_1042, %sub3A_1047 : vector<128xf32>
    %slice3A_1049 = vector.extract_strided_slice %get3A_37 {offsets = [14, 0], sizes = [1, 128], strides = [1, 1]} : vector<16x128xf32> to vector<1x128xf32>
    %squeeze3A_1050 = vector.shape_cast %slice3A_1049 : vector<1x128xf32> to vector<128xf32>
    %broadcast_in_dim3A_1051 = vector.shape_cast %squeeze3A_1050 : vector<128xf32> to vector<128x1xf32>
    %broadcast_in_dim3A_1052 = vector.shape_cast %squeeze3A_25 : vector<512xf32> to vector<1x512xf32>
    %max3A_1053 = vector.broadcast %broadcast_in_dim3A_1051 : vector<128x1xf32> to vector<128x512xf32>
    %max3A_1054 = vector.broadcast %broadcast_in_dim3A_1052 : vector<1x512xf32> to vector<128x512xf32>
    %max3A_1055 = arith.maximumf %max3A_1053, %max3A_1054 : vector<128x512xf32>
    %slice3A_1056 = vector.extract_strided_slice %get3A_40 {offsets = [14, 0], sizes = [1, 128], strides = [1, 1]} : vector<16x128xf32> to vector<1x128xf32>
    %squeeze3A_1057 = vector.shape_cast %slice3A_1056 : vector<1x128xf32> to vector<128xf32>
    %broadcast_in_dim3A_1058 = vector.shape_cast %squeeze3A_1057 : vector<128xf32> to vector<128x1xf32>
    %broadcast_in_dim3A_1059 = vector.shape_cast %squeeze3A_27 : vector<512xf32> to vector<1x512xf32>
    %max3A_1060 = vector.broadcast %broadcast_in_dim3A_1058 : vector<128x1xf32> to vector<128x512xf32>
    %max3A_1061 = vector.broadcast %broadcast_in_dim3A_1059 : vector<1x512xf32> to vector<128x512xf32>
    %max3A_1062 = arith.maximumf %max3A_1060, %max3A_1061 : vector<128x512xf32>
    %slice3A_1063 = vector.extract_strided_slice %get3A_43 {offsets = [14, 0], sizes = [1, 128], strides = [1, 1]} : vector<16x128xf32> to vector<1x128xf32>
    %squeeze3A_1064 = vector.shape_cast %slice3A_1063 : vector<1x128xf32> to vector<128xf32>
    %broadcast_in_dim3A_1065 = vector.shape_cast %squeeze3A_1064 : vector<128xf32> to vector<128x1xf32>
    %broadcast_in_dim3A_1066 = vector.shape_cast %squeeze3A_29 : vector<512xf32> to vector<1x512xf32>
    %min3A_1067 = vector.broadcast %broadcast_in_dim3A_1065 : vector<128x1xf32> to vector<128x512xf32>
    %min3A_1068 = vector.broadcast %broadcast_in_dim3A_1066 : vector<1x512xf32> to vector<128x512xf32>
    %min3A_1069 = arith.minimumf %min3A_1067, %min3A_1068 : vector<128x512xf32>
    %slice3A_1070 = vector.extract_strided_slice %get3A_46 {offsets = [14, 0], sizes = [1, 128], strides = [1, 1]} : vector<16x128xf32> to vector<1x128xf32>
    %squeeze3A_1071 = vector.shape_cast %slice3A_1070 : vector<1x128xf32> to vector<128xf32>
    %broadcast_in_dim3A_1072 = vector.shape_cast %squeeze3A_1071 : vector<128xf32> to vector<128x1xf32>
    %broadcast_in_dim3A_1073 = vector.shape_cast %squeeze3A_31 : vector<512xf32> to vector<1x512xf32>
    %min3A_1074 = vector.broadcast %broadcast_in_dim3A_1072 : vector<128x1xf32> to vector<128x512xf32>
    %min3A_1075 = vector.broadcast %broadcast_in_dim3A_1073 : vector<1x512xf32> to vector<128x512xf32>
    %min3A_1076 = arith.minimumf %min3A_1074, %min3A_1075 : vector<128x512xf32>
    %sub3A_1077 = arith.subf %min3A_1069, %max3A_1055 : vector<128x512xf32>
    %max3A_1078 = arith.constant 0.000000e+00 : f32
    %max3A_1079 = vector.broadcast %max3A_1078 : f32 to vector<128x512xf32>
    %max3A_1080 = arith.maximumf %sub3A_1077, %max3A_1079 : vector<128x512xf32>
    %sub3A_1081 = arith.subf %min3A_1076, %max3A_1062 : vector<128x512xf32>
    %max3A_1082 = arith.constant 0.000000e+00 : f32
    %max3A_1083 = vector.broadcast %max3A_1082 : f32 to vector<128x512xf32>
    %max3A_1084 = arith.maximumf %sub3A_1081, %max3A_1083 : vector<128x512xf32>
    %mul3A_1085 = arith.mulf %max3A_1080, %max3A_1084 : vector<128x512xf32>
    %broadcast_in_dim3A_1086 = vector.shape_cast %mul3A_1048 : vector<128xf32> to vector<128x1xf32>
    %broadcast_in_dim3A_1087 = vector.shape_cast %mul3A : vector<512xf32> to vector<1x512xf32>
    %add3A_1088 = vector.broadcast %broadcast_in_dim3A_1086 : vector<128x1xf32> to vector<128x512xf32>
    %add3A_1089 = vector.broadcast %broadcast_in_dim3A_1087 : vector<1x512xf32> to vector<128x512xf32>
    %add3A_1090 = arith.addf %add3A_1088, %add3A_1089 : vector<128x512xf32>
    %sub3A_1091 = arith.subf %add3A_1090, %mul3A_1085 : vector<128x512xf32>
    %gt3A_1092 = arith.constant 0.000000e+00 : f32
    %gt3A_1093 = vector.broadcast %gt3A_1092 : f32 to vector<128x512xf32>
    %gt3A_1094 = arith.cmpf ogt, %mul3A_1085, %gt3A_1093 : vector<128x512xf32>
    %div3A_1095 = arith.divf %mul3A_1085, %sub3A_1091 : vector<128x512xf32>
    %jit3A_1096 = arith.constant 0.000000e+00 : f32
    %broadcast_in_dim3A_1097 = vector.broadcast %jit3A_1096 : f32 to vector<128x512xf32>
    %select_n3A_1098 = arith.select %gt3A_1094, %div3A_1095, %broadcast_in_dim3A_1097 : vector<128x512xi1>, vector<128x512xf32>
    %broadcast_in_dim3A_1099 = vector.shape_cast %convert_element_type3A_1037 : vector<512xf32> to vector<1x512xf32>
    %mul3A_1100 = vector.broadcast %broadcast_in_dim3A_1099 : vector<1x512xf32> to vector<128x512xf32>
    %mul3A_1101 = arith.mulf %select_n3A_1098, %mul3A_1100 : vector<128x512xf32>
    %reduce_max3A_1102 = arith.constant dense<0xFF800000> : vector<128xf32>
    %reduce_max3A_1103 = vector.multi_reduction <maximumf>, %mul3A_1101, %reduce_max3A_1102 [1] : vector<128x512xf32> to vector<128xf32>
    %eq3A_1104 = arith.constant 1.500000e+01 : f32
    %eq3A_1105 = vector.broadcast %eq3A_1104 : f32 to vector<512xf32>
    %eq3A_1106 = arith.cmpf oeq, %squeeze3A_33, %eq3A_1105 : vector<512xf32>
    %convert_element_type3A_1107 = arith.extui %eq3A_1106 : vector<512xi1> to vector<512xi32>
    %convert_element_type3A_1108 = arith.sitofp %convert_element_type3A_1107 : vector<512xi32> to vector<512xf32>
    %slice3A_1109 = vector.extract_strided_slice %get3A_43 {offsets = [15, 0], sizes = [1, 128], strides = [1, 1]} : vector<16x128xf32> to vector<1x128xf32>
    %squeeze3A_1110 = vector.shape_cast %slice3A_1109 : vector<1x128xf32> to vector<128xf32>
    %slice3A_1111 = vector.extract_strided_slice %get3A_37 {offsets = [15, 0], sizes = [1, 128], strides = [1, 1]} : vector<16x128xf32> to vector<1x128xf32>
    %squeeze3A_1112 = vector.shape_cast %slice3A_1111 : vector<1x128xf32> to vector<128xf32>
    %sub3A_1113 = arith.subf %squeeze3A_1110, %squeeze3A_1112 : vector<128xf32>
    %slice3A_1114 = vector.extract_strided_slice %get3A_46 {offsets = [15, 0], sizes = [1, 128], strides = [1, 1]} : vector<16x128xf32> to vector<1x128xf32>
    %squeeze3A_1115 = vector.shape_cast %slice3A_1114 : vector<1x128xf32> to vector<128xf32>
    %slice3A_1116 = vector.extract_strided_slice %get3A_40 {offsets = [15, 0], sizes = [1, 128], strides = [1, 1]} : vector<16x128xf32> to vector<1x128xf32>
    %squeeze3A_1117 = vector.shape_cast %slice3A_1116 : vector<1x128xf32> to vector<128xf32>
    %sub3A_1118 = arith.subf %squeeze3A_1115, %squeeze3A_1117 : vector<128xf32>
    %mul3A_1119 = arith.mulf %sub3A_1113, %sub3A_1118 : vector<128xf32>
    %slice3A_1120 = vector.extract_strided_slice %get3A_37 {offsets = [15, 0], sizes = [1, 128], strides = [1, 1]} : vector<16x128xf32> to vector<1x128xf32>
    %squeeze3A_1121 = vector.shape_cast %slice3A_1120 : vector<1x128xf32> to vector<128xf32>
    %broadcast_in_dim3A_1122 = vector.shape_cast %squeeze3A_1121 : vector<128xf32> to vector<128x1xf32>
    %broadcast_in_dim3A_1123 = vector.shape_cast %squeeze3A_25 : vector<512xf32> to vector<1x512xf32>
    %max3A_1124 = vector.broadcast %broadcast_in_dim3A_1122 : vector<128x1xf32> to vector<128x512xf32>
    %max3A_1125 = vector.broadcast %broadcast_in_dim3A_1123 : vector<1x512xf32> to vector<128x512xf32>
    %max3A_1126 = arith.maximumf %max3A_1124, %max3A_1125 : vector<128x512xf32>
    %slice3A_1127 = vector.extract_strided_slice %get3A_40 {offsets = [15, 0], sizes = [1, 128], strides = [1, 1]} : vector<16x128xf32> to vector<1x128xf32>
    %squeeze3A_1128 = vector.shape_cast %slice3A_1127 : vector<1x128xf32> to vector<128xf32>
    %broadcast_in_dim3A_1129 = vector.shape_cast %squeeze3A_1128 : vector<128xf32> to vector<128x1xf32>
    %broadcast_in_dim3A_1130 = vector.shape_cast %squeeze3A_27 : vector<512xf32> to vector<1x512xf32>
    %max3A_1131 = vector.broadcast %broadcast_in_dim3A_1129 : vector<128x1xf32> to vector<128x512xf32>
    %max3A_1132 = vector.broadcast %broadcast_in_dim3A_1130 : vector<1x512xf32> to vector<128x512xf32>
    %max3A_1133 = arith.maximumf %max3A_1131, %max3A_1132 : vector<128x512xf32>
    %slice3A_1134 = vector.extract_strided_slice %get3A_43 {offsets = [15, 0], sizes = [1, 128], strides = [1, 1]} : vector<16x128xf32> to vector<1x128xf32>
    %squeeze3A_1135 = vector.shape_cast %slice3A_1134 : vector<1x128xf32> to vector<128xf32>
    %broadcast_in_dim3A_1136 = vector.shape_cast %squeeze3A_1135 : vector<128xf32> to vector<128x1xf32>
    %broadcast_in_dim3A_1137 = vector.shape_cast %squeeze3A_29 : vector<512xf32> to vector<1x512xf32>
    %min3A_1138 = vector.broadcast %broadcast_in_dim3A_1136 : vector<128x1xf32> to vector<128x512xf32>
    %min3A_1139 = vector.broadcast %broadcast_in_dim3A_1137 : vector<1x512xf32> to vector<128x512xf32>
    %min3A_1140 = arith.minimumf %min3A_1138, %min3A_1139 : vector<128x512xf32>
    %slice3A_1141 = vector.extract_strided_slice %get3A_46 {offsets = [15, 0], sizes = [1, 128], strides = [1, 1]} : vector<16x128xf32> to vector<1x128xf32>
    %squeeze3A_1142 = vector.shape_cast %slice3A_1141 : vector<1x128xf32> to vector<128xf32>
    %broadcast_in_dim3A_1143 = vector.shape_cast %squeeze3A_1142 : vector<128xf32> to vector<128x1xf32>
    %broadcast_in_dim3A_1144 = vector.shape_cast %squeeze3A_31 : vector<512xf32> to vector<1x512xf32>
    %min3A_1145 = vector.broadcast %broadcast_in_dim3A_1143 : vector<128x1xf32> to vector<128x512xf32>
    %min3A_1146 = vector.broadcast %broadcast_in_dim3A_1144 : vector<1x512xf32> to vector<128x512xf32>
    %min3A_1147 = arith.minimumf %min3A_1145, %min3A_1146 : vector<128x512xf32>
    %sub3A_1148 = arith.subf %min3A_1140, %max3A_1126 : vector<128x512xf32>
    %max3A_1149 = arith.constant 0.000000e+00 : f32
    %max3A_1150 = vector.broadcast %max3A_1149 : f32 to vector<128x512xf32>
    %max3A_1151 = arith.maximumf %sub3A_1148, %max3A_1150 : vector<128x512xf32>
    %sub3A_1152 = arith.subf %min3A_1147, %max3A_1133 : vector<128x512xf32>
    %max3A_1153 = arith.constant 0.000000e+00 : f32
    %max3A_1154 = vector.broadcast %max3A_1153 : f32 to vector<128x512xf32>
    %max3A_1155 = arith.maximumf %sub3A_1152, %max3A_1154 : vector<128x512xf32>
    %mul3A_1156 = arith.mulf %max3A_1151, %max3A_1155 : vector<128x512xf32>
    %broadcast_in_dim3A_1157 = vector.shape_cast %mul3A_1119 : vector<128xf32> to vector<128x1xf32>
    %broadcast_in_dim3A_1158 = vector.shape_cast %mul3A : vector<512xf32> to vector<1x512xf32>
    %add3A_1159 = vector.broadcast %broadcast_in_dim3A_1157 : vector<128x1xf32> to vector<128x512xf32>
    %add3A_1160 = vector.broadcast %broadcast_in_dim3A_1158 : vector<1x512xf32> to vector<128x512xf32>
    %add3A_1161 = arith.addf %add3A_1159, %add3A_1160 : vector<128x512xf32>
    %sub3A_1162 = arith.subf %add3A_1161, %mul3A_1156 : vector<128x512xf32>
    %gt3A_1163 = arith.constant 0.000000e+00 : f32
    %gt3A_1164 = vector.broadcast %gt3A_1163 : f32 to vector<128x512xf32>
    %gt3A_1165 = arith.cmpf ogt, %mul3A_1156, %gt3A_1164 : vector<128x512xf32>
    %div3A_1166 = arith.divf %mul3A_1156, %sub3A_1162 : vector<128x512xf32>
    %jit3A_1167 = arith.constant 0.000000e+00 : f32
    %broadcast_in_dim3A_1168 = vector.broadcast %jit3A_1167 : f32 to vector<128x512xf32>
    %select_n3A_1169 = arith.select %gt3A_1165, %div3A_1166, %broadcast_in_dim3A_1168 : vector<128x512xi1>, vector<128x512xf32>
    %broadcast_in_dim3A_1170 = vector.shape_cast %convert_element_type3A_1108 : vector<512xf32> to vector<1x512xf32>
    %mul3A_1171 = vector.broadcast %broadcast_in_dim3A_1170 : vector<1x512xf32> to vector<128x512xf32>
    %mul3A_1172 = arith.mulf %select_n3A_1169, %mul3A_1171 : vector<128x512xf32>
    %reduce_max3A_1173 = arith.constant dense<0xFF800000> : vector<128xf32>
    %reduce_max3A_1174 = vector.multi_reduction <maximumf>, %mul3A_1172, %reduce_max3A_1173 [1] : vector<128x512xf32> to vector<128xf32>
    %stack3A = vector.shape_cast %reduce_max3A_109 : vector<128xf32> to vector<1x128xf32>
    %stack3A_1175 = vector.shape_cast %reduce_max3A_180 : vector<128xf32> to vector<1x128xf32>
    %stack3A_1176 = vector.shape_cast %reduce_max3A_251 : vector<128xf32> to vector<1x128xf32>
    %stack3A_1177 = vector.shape_cast %reduce_max3A_322 : vector<128xf32> to vector<1x128xf32>
    %stack3A_1178 = vector.shape_cast %reduce_max3A_393 : vector<128xf32> to vector<1x128xf32>
    %stack3A_1179 = vector.shape_cast %reduce_max3A_464 : vector<128xf32> to vector<1x128xf32>
    %stack3A_1180 = vector.shape_cast %reduce_max3A_535 : vector<128xf32> to vector<1x128xf32>
    %stack3A_1181 = vector.shape_cast %reduce_max3A_606 : vector<128xf32> to vector<1x128xf32>
    %stack3A_1182 = vector.shape_cast %reduce_max3A_677 : vector<128xf32> to vector<1x128xf32>
    %stack3A_1183 = vector.shape_cast %reduce_max3A_748 : vector<128xf32> to vector<1x128xf32>
    %stack3A_1184 = vector.shape_cast %reduce_max3A_819 : vector<128xf32> to vector<1x128xf32>
    %stack3A_1185 = vector.shape_cast %reduce_max3A_890 : vector<128xf32> to vector<1x128xf32>
    %stack3A_1186 = vector.shape_cast %reduce_max3A_961 : vector<128xf32> to vector<1x128xf32>
    %stack3A_1187 = vector.shape_cast %reduce_max3A_1032 : vector<128xf32> to vector<1x128xf32>
    %stack3A_1188 = vector.shape_cast %reduce_max3A_1103 : vector<128xf32> to vector<1x128xf32>
    %stack3A_1189 = vector.shape_cast %reduce_max3A_1174 : vector<128xf32> to vector<1x128xf32>
    %stack3A_1190 = tpu.concatenate %stack3A, %stack3A_1175, %stack3A_1176, %stack3A_1177, %stack3A_1178, %stack3A_1179, %stack3A_1180, %stack3A_1181, %stack3A_1182, %stack3A_1183, %stack3A_1184, %stack3A_1185, %stack3A_1186, %stack3A_1187, %stack3A_1188, %stack3A_1189 in 0 : vector<1x128xf32>, vector<1x128xf32>, vector<1x128xf32>, vector<1x128xf32>, vector<1x128xf32>, vector<1x128xf32>, vector<1x128xf32>, vector<1x128xf32>, vector<1x128xf32>, vector<1x128xf32>, vector<1x128xf32>, vector<1x128xf32>, vector<1x128xf32>, vector<1x128xf32>, vector<1x128xf32>, vector<1x128xf32> -> vector<16x128xf32>
    %mul3A_1191 = arith.mulf %stack3A_1190, %get3A_49 : vector<16x128xf32>
    %get3A_1192 = arith.constant 0 : index
    %get3A_1193 = arith.constant 0 : index
    %get3A_1194 = vector.load %arg6[%get3A_1192, %get3A_1193] : memref<16x128xf32, #tpu.memory_space<vmem>>, vector<16x128xf32>
    %jit3A_1195 = arith.constant 9.99999974E-5 : f32
    %jit3A_1196 = arith.constant 0.999899983 : f32
    %max3A_1197 = vector.broadcast %jit3A_1195 : f32 to vector<16x128xf32>
    %max3A_1198 = arith.maximumf %max3A_1197, %get3A_1194 : vector<16x128xf32>
    %min3A_1199 = vector.broadcast %jit3A_1196 : f32 to vector<16x128xf32>
    %min3A_1200 = arith.minimumf %min3A_1199, %max3A_1198 : vector<16x128xf32>
    %get3A_1201 = arith.constant 0 : index
    %get3A_1202 = arith.constant 0 : index
    %get3A_1203 = vector.load %arg7[%get3A_1201, %get3A_1202] : memref<16x128xf32, #tpu.memory_space<vmem>>, vector<16x128xf32>
    %jit3A_1204 = arith.constant 0.000000e+00 : f32
    %jit3A_1205 = arith.constant 1.000000e+00 : f32
    %max3A_1206 = vector.broadcast %jit3A_1204 : f32 to vector<16x128xf32>
    %max3A_1207 = arith.maximumf %max3A_1206, %get3A_1203 : vector<16x128xf32>
    %min3A_1208 = vector.broadcast %jit3A_1205 : f32 to vector<16x128xf32>
    %min3A_1209 = arith.minimumf %min3A_1208, %max3A_1207 : vector<16x128xf32>
    %mul3A_1210 = arith.constant 1.000000e-01 : f32
    %mul3A_1211 = vector.broadcast %mul3A_1210 : f32 to vector<16x128xf32>
    %mul3A_1212 = arith.mulf %mul3A_1191, %mul3A_1211 : vector<16x128xf32>
    %add3A_1213 = arith.addf %min3A_1209, %mul3A_1212 : vector<16x128xf32>
    %jit3A_1214 = arith.constant 0.000000e+00 : f32
    %jit3A_1215 = arith.constant 1.000000e+00 : f32
    %max3A_1216 = vector.broadcast %jit3A_1214 : f32 to vector<16x128xf32>
    %max3A_1217 = arith.maximumf %max3A_1216, %add3A_1213 : vector<16x128xf32>
    %min3A_1218 = vector.broadcast %jit3A_1215 : f32 to vector<16x128xf32>
    %min3A_1219 = arith.minimumf %min3A_1218, %max3A_1217 : vector<16x128xf32>
    %eq3A_1220 = arith.constant 1.000000e+00 : f32
    %eq3A_1221 = vector.broadcast %eq3A_1220 : f32 to vector<16x128xf32>
    %eq3A_1222 = arith.cmpf oeq, %min3A_1209, %eq3A_1221 : vector<16x128xf32>
    %convert_element_type3A_1223 = arith.extui %eq3A_1222 : vector<16x128xi1> to vector<16x128xi32>
    %convert_element_type3A_1224 = arith.sitofp %convert_element_type3A_1223 : vector<16x128xi32> to vector<16x128xf32>
    %sub3A_1225 = arith.constant 1.000000e+00 : f32
    %sub3A_1226 = vector.broadcast %sub3A_1225 : f32 to vector<16x128xf32>
    %sub3A_1227 = arith.subf %sub3A_1226, %min3A_1209 : vector<16x128xf32>
    %mul3A_1228 = arith.mulf %sub3A_1227, %sub3A_1227 : vector<16x128xf32>
    %mul3A_1229 = arith.mulf %mul3A_1228, %mul3A_1228 : vector<16x128xf32>
    %log3A = math.log %min3A_1200 : vector<16x128xf32>
    %sub3A_1230 = arith.constant 1.000000e+00 : f32
    %sub3A_1231 = vector.broadcast %sub3A_1230 : f32 to vector<16x128xf32>
    %sub3A_1232 = arith.subf %sub3A_1231, %min3A_1200 : vector<16x128xf32>
    %mul3A_1233 = arith.mulf %log3A, %sub3A_1232 : vector<16x128xf32>
    %sub3A_1234 = arith.constant 1.000000e+00 : f32
    %sub3A_1235 = vector.broadcast %sub3A_1234 : f32 to vector<16x128xf32>
    %sub3A_1236 = arith.subf %sub3A_1235, %min3A_1200 : vector<16x128xf32>
    %mul3A_1237 = arith.mulf %mul3A_1233, %sub3A_1236 : vector<16x128xf32>
    %mul3A_1238 = arith.mulf %mul3A_1237, %convert_element_type3A_1224 : vector<16x128xf32>
    %sub3A_1239 = arith.constant 1.000000e+00 : f32
    %sub3A_1240 = vector.broadcast %sub3A_1239 : f32 to vector<16x128xf32>
    %sub3A_1241 = arith.subf %sub3A_1240, %min3A_1200 : vector<16x128xf32>
    %log3A_1242 = math.log %sub3A_1241 : vector<16x128xf32>
    %mul3A_1243 = arith.mulf %log3A_1242, %min3A_1200 : vector<16x128xf32>
    %mul3A_1244 = arith.mulf %mul3A_1243, %min3A_1200 : vector<16x128xf32>
    %mul3A_1245 = arith.mulf %mul3A_1244, %mul3A_1229 : vector<16x128xf32>
    %sub3A_1246 = arith.constant 1.000000e+00 : f32
    %sub3A_1247 = vector.broadcast %sub3A_1246 : f32 to vector<16x128xf32>
    %sub3A_1248 = arith.subf %sub3A_1247, %convert_element_type3A_1224 : vector<16x128xf32>
    %mul3A_1249 = arith.mulf %mul3A_1245, %sub3A_1248 : vector<16x128xf32>
    %eq3A_1250 = arith.constant 1.000000e+00 : f32
    %eq3A_1251 = vector.broadcast %eq3A_1250 : f32 to vector<16x128xf32>
    %eq3A_1252 = arith.cmpf oeq, %min3A_1219, %eq3A_1251 : vector<16x128xf32>
    %convert_element_type3A_1253 = arith.extui %eq3A_1252 : vector<16x128xi1> to vector<16x128xi32>
    %convert_element_type3A_1254 = arith.sitofp %convert_element_type3A_1253 : vector<16x128xi32> to vector<16x128xf32>
    %sub3A_1255 = arith.constant 1.000000e+00 : f32
    %sub3A_1256 = vector.broadcast %sub3A_1255 : f32 to vector<16x128xf32>
    %sub3A_1257 = arith.subf %sub3A_1256, %min3A_1219 : vector<16x128xf32>
    %mul3A_1258 = arith.mulf %sub3A_1257, %sub3A_1257 : vector<16x128xf32>
    %mul3A_1259 = arith.mulf %mul3A_1258, %mul3A_1258 : vector<16x128xf32>
    %log3A_1260 = math.log %min3A_1200 : vector<16x128xf32>
    %sub3A_1261 = arith.constant 1.000000e+00 : f32
    %sub3A_1262 = vector.broadcast %sub3A_1261 : f32 to vector<16x128xf32>
    %sub3A_1263 = arith.subf %sub3A_1262, %min3A_1200 : vector<16x128xf32>
    %mul3A_1264 = arith.mulf %log3A_1260, %sub3A_1263 : vector<16x128xf32>
    %sub3A_1265 = arith.constant 1.000000e+00 : f32
    %sub3A_1266 = vector.broadcast %sub3A_1265 : f32 to vector<16x128xf32>
    %sub3A_1267 = arith.subf %sub3A_1266, %min3A_1200 : vector<16x128xf32>
    %mul3A_1268 = arith.mulf %mul3A_1264, %sub3A_1267 : vector<16x128xf32>
    %mul3A_1269 = arith.mulf %mul3A_1268, %convert_element_type3A_1254 : vector<16x128xf32>
    %sub3A_1270 = arith.constant 1.000000e+00 : f32
    %sub3A_1271 = vector.broadcast %sub3A_1270 : f32 to vector<16x128xf32>
    %sub3A_1272 = arith.subf %sub3A_1271, %min3A_1200 : vector<16x128xf32>
    %log3A_1273 = math.log %sub3A_1272 : vector<16x128xf32>
    %mul3A_1274 = arith.mulf %log3A_1273, %min3A_1200 : vector<16x128xf32>
    %mul3A_1275 = arith.mulf %mul3A_1274, %min3A_1200 : vector<16x128xf32>
    %mul3A_1276 = arith.mulf %mul3A_1275, %mul3A_1259 : vector<16x128xf32>
    %sub3A_1277 = arith.constant 1.000000e+00 : f32
    %sub3A_1278 = vector.broadcast %sub3A_1277 : f32 to vector<16x128xf32>
    %sub3A_1279 = arith.subf %sub3A_1278, %convert_element_type3A_1254 : vector<16x128xf32>
    %mul3A_1280 = arith.mulf %mul3A_1276, %sub3A_1279 : vector<16x128xf32>
    %sub3A_1281 = arith.subf %mul3A_1269, %mul3A_1238 : vector<16x128xf32>
    %mul3A_1282 = arith.mulf %sub3A_1281, %get3A_49 : vector<16x128xf32>
    %reduce_sum3A_1283 = vector.shape_cast %mul3A_1282 : vector<16x128xf32> to vector<1x16x128xf32>
    %reduce_sum3A_1284 = arith.constant dense<0.000000e+00> : vector<1xf32>
    %reduce_sum3A_1285 = vector.multi_reduction <add>, %reduce_sum3A_1283, %reduce_sum3A_1284 [1, 2] : vector<1x16x128xf32> to vector<1xf32>
    %reduce_sum3A_1286 = vector.shape_cast %reduce_sum3A_1285 : vector<1xf32> to vector<1x1x1xf32>
    %reduce_sum3A_1287 = vector.extract %reduce_sum3A_1286[0, 0, 0] : f32 from vector<1x1x1xf32>
    %add3A_1288 = arith.addf %reduce_sum3A_6, %reduce_sum3A_1287 : f32
    %sub3A_1289 = arith.subf %mul3A_1280, %mul3A_1249 : vector<16x128xf32>
    %mul3A_1290 = arith.mulf %sub3A_1289, %get3A_49 : vector<16x128xf32>
    %reduce_sum3A_1291 = vector.shape_cast %mul3A_1290 : vector<16x128xf32> to vector<1x16x128xf32>
    %reduce_sum3A_1292 = arith.constant dense<0.000000e+00> : vector<1xf32>
    %reduce_sum3A_1293 = vector.multi_reduction <add>, %reduce_sum3A_1291, %reduce_sum3A_1292 [1, 2] : vector<1x16x128xf32> to vector<1xf32>
    %reduce_sum3A_1294 = vector.shape_cast %reduce_sum3A_1293 : vector<1xf32> to vector<1x1x1xf32>
    %reduce_sum3A_1295 = vector.extract %reduce_sum3A_1294[0, 0, 0] : f32 from vector<1x1x1xf32>
    %add3A_1296 = arith.addf %reduce_sum3A_13, %reduce_sum3A_1295 : f32
    %sub3A_1297 = arith.subf %convert_element_type3A_1254, %convert_element_type3A_1224 : vector<16x128xf32>
    %mul3A_1298 = arith.mulf %sub3A_1297, %get3A_49 : vector<16x128xf32>
    %reduce_sum3A_1299 = vector.shape_cast %mul3A_1298 : vector<16x128xf32> to vector<1x16x128xf32>
    %reduce_sum3A_1300 = arith.constant dense<0.000000e+00> : vector<1xf32>
    %reduce_sum3A_1301 = vector.multi_reduction <add>, %reduce_sum3A_1299, %reduce_sum3A_1300 [1, 2] : vector<1x16x128xf32> to vector<1xf32>
    %reduce_sum3A_1302 = vector.shape_cast %reduce_sum3A_1301 : vector<1xf32> to vector<1x1x1xf32>
    %reduce_sum3A_1303 = vector.extract %reduce_sum3A_1302[0, 0, 0] : f32 from vector<1x1x1xf32>
    %add3A_1304 = arith.addf %reduce_sum3A_20, %reduce_sum3A_1303 : f32
    %eq3A_1305 = arith.constant 0.000000e+00 : f32
    %eq3A_1306 = arith.cmpf oeq, %add3A_1304, %eq3A_1305 : f32
    %neg3A = arith.constant 0.000000e+00 : f32
    %neg3A_1307 = arith.subf %neg3A, %add3A_1296 : f32
    %add3A_1308 = arith.addf %add3A_1288, %add3A_1296 : f32
    %neg3A_1309 = arith.constant 0.000000e+00 : f32
    %neg3A_1310 = arith.subf %neg3A_1309, %add3A_1308 : f32
    %max3A_1311 = arith.constant 1.000000e+00 : f32
    %max3A_1312 = arith.maximumf %add3A_1304, %max3A_1311 : f32
    %div3A_1313 = arith.divf %neg3A_1310, %max3A_1312 : f32
    %select_n3A_1314 = arith.select %eq3A_1306, %neg3A_1307, %div3A_1313 : f32
    %get3A_1315 = arith.constant 0 : index
    %get3A_1316 = arith.constant 0 : index
    %get3A_1317 = vector.load %arg17[%get3A_1315, %get3A_1316] : memref<16x128xf32, #tpu.memory_space<vmem>>, vector<16x128xf32>
    %get3A_1318 = arith.constant 0 : index
    %get3A_1319 = arith.constant 0 : index
    %get3A_1320 = vector.load %arg9[%get3A_1318, %get3A_1319] : memref<16x128xf32, #tpu.memory_space<vmem>>, vector<16x128xf32>
    %mul3A_1321 = arith.mulf %get3A_1320, %get3A_1317 : vector<16x128xf32>
    %get3A_1322 = arith.constant 0 : index
    %get3A_1323 = arith.constant 0 : index
    %get3A_1324 = vector.load %arg13[%get3A_1322, %get3A_1323] : memref<16x128xf32, #tpu.memory_space<vmem>>, vector<16x128xf32>
    %mul3A_1325 = arith.mulf %get3A_1324, %get3A_1317 : vector<16x128xf32>
    %sub3A_1326 = arith.subf %mul3A_1321, %mul3A_1325 : vector<16x128xf32>
    %abs3A = math.absf %sub3A_1326 : vector<16x128xf32>
    %reduce_sum3A_1327 = vector.shape_cast %abs3A : vector<16x128xf32> to vector<1x16x128xf32>
    %reduce_sum3A_1328 = arith.constant dense<0.000000e+00> : vector<1xf32>
    %reduce_sum3A_1329 = vector.multi_reduction <add>, %reduce_sum3A_1327, %reduce_sum3A_1328 [1, 2] : vector<1x16x128xf32> to vector<1xf32>
    %reduce_sum3A_1330 = vector.shape_cast %reduce_sum3A_1329 : vector<1xf32> to vector<1x1x1xf32>
    %reduce_sum3A_1331 = vector.extract %reduce_sum3A_1330[0, 0, 0] : f32 from vector<1x1x1xf32>
    %get3A_1332 = arith.constant 0 : index
    %get3A_1333 = arith.constant 0 : index
    %get3A_1334 = vector.load %arg10[%get3A_1332, %get3A_1333] : memref<16x128xf32, #tpu.memory_space<vmem>>, vector<16x128xf32>
    %mul3A_1335 = arith.mulf %get3A_1334, %get3A_1317 : vector<16x128xf32>
    %get3A_1336 = arith.constant 0 : index
    %get3A_1337 = arith.constant 0 : index
    %get3A_1338 = vector.load %arg14[%get3A_1336, %get3A_1337] : memref<16x128xf32, #tpu.memory_space<vmem>>, vector<16x128xf32>
    %mul3A_1339 = arith.mulf %get3A_1338, %get3A_1317 : vector<16x128xf32>
    %sub3A_1340 = arith.subf %mul3A_1335, %mul3A_1339 : vector<16x128xf32>
    %abs3A_1341 = math.absf %sub3A_1340 : vector<16x128xf32>
    %reduce_sum3A_1342 = vector.shape_cast %abs3A_1341 : vector<16x128xf32> to vector<1x16x128xf32>
    %reduce_sum3A_1343 = arith.constant dense<0.000000e+00> : vector<1xf32>
    %reduce_sum3A_1344 = vector.multi_reduction <add>, %reduce_sum3A_1342, %reduce_sum3A_1343 [1, 2] : vector<1x16x128xf32> to vector<1xf32>
    %reduce_sum3A_1345 = vector.shape_cast %reduce_sum3A_1344 : vector<1xf32> to vector<1x1x1xf32>
    %reduce_sum3A_1346 = vector.extract %reduce_sum3A_1345[0, 0, 0] : f32 from vector<1x1x1xf32>
    %add3A_1347 = arith.addf %reduce_sum3A_1331, %reduce_sum3A_1346 : f32
    %get3A_1348 = arith.constant 0 : index
    %get3A_1349 = arith.constant 0 : index
    %get3A_1350 = vector.load %arg11[%get3A_1348, %get3A_1349] : memref<16x128xf32, #tpu.memory_space<vmem>>, vector<16x128xf32>
    %mul3A_1351 = arith.mulf %get3A_1350, %get3A_1317 : vector<16x128xf32>
    %get3A_1352 = arith.constant 0 : index
    %get3A_1353 = arith.constant 0 : index
    %get3A_1354 = vector.load %arg15[%get3A_1352, %get3A_1353] : memref<16x128xf32, #tpu.memory_space<vmem>>, vector<16x128xf32>
    %mul3A_1355 = arith.mulf %get3A_1354, %get3A_1317 : vector<16x128xf32>
    %sub3A_1356 = arith.subf %mul3A_1351, %mul3A_1355 : vector<16x128xf32>
    %abs3A_1357 = math.absf %sub3A_1356 : vector<16x128xf32>
    %reduce_sum3A_1358 = vector.shape_cast %abs3A_1357 : vector<16x128xf32> to vector<1x16x128xf32>
    %reduce_sum3A_1359 = arith.constant dense<0.000000e+00> : vector<1xf32>
    %reduce_sum3A_1360 = vector.multi_reduction <add>, %reduce_sum3A_1358, %reduce_sum3A_1359 [1, 2] : vector<1x16x128xf32> to vector<1xf32>
    %reduce_sum3A_1361 = vector.shape_cast %reduce_sum3A_1360 : vector<1xf32> to vector<1x1x1xf32>
    %reduce_sum3A_1362 = vector.extract %reduce_sum3A_1361[0, 0, 0] : f32 from vector<1x1x1xf32>
    %get3A_1363 = arith.constant 0 : index
    %get3A_1364 = arith.constant 0 : index
    %get3A_1365 = vector.load %arg12[%get3A_1363, %get3A_1364] : memref<16x128xf32, #tpu.memory_space<vmem>>, vector<16x128xf32>
    %mul3A_1366 = arith.mulf %get3A_1365, %get3A_1317 : vector<16x128xf32>
    %get3A_1367 = arith.constant 0 : index
    %get3A_1368 = arith.constant 0 : index
    %get3A_1369 = vector.load %arg16[%get3A_1367, %get3A_1368] : memref<16x128xf32, #tpu.memory_space<vmem>>, vector<16x128xf32>
    %mul3A_1370 = arith.mulf %get3A_1369, %get3A_1317 : vector<16x128xf32>
    %sub3A_1371 = arith.subf %mul3A_1366, %mul3A_1370 : vector<16x128xf32>
    %abs3A_1372 = math.absf %sub3A_1371 : vector<16x128xf32>
    %reduce_sum3A_1373 = vector.shape_cast %abs3A_1372 : vector<16x128xf32> to vector<1x16x128xf32>
    %reduce_sum3A_1374 = arith.constant dense<0.000000e+00> : vector<1xf32>
    %reduce_sum3A_1375 = vector.multi_reduction <add>, %reduce_sum3A_1373, %reduce_sum3A_1374 [1, 2] : vector<1x16x128xf32> to vector<1xf32>
    %reduce_sum3A_1376 = vector.shape_cast %reduce_sum3A_1375 : vector<1xf32> to vector<1x1x1xf32>
    %reduce_sum3A_1377 = vector.extract %reduce_sum3A_1376[0, 0, 0] : f32 from vector<1x1x1xf32>
    %add3A_1378 = arith.addf %reduce_sum3A_1362, %reduce_sum3A_1377 : f32
    %reduce_sum3A_1379 = vector.shape_cast %get3A_1317 : vector<16x128xf32> to vector<1x16x128xf32>
    %reduce_sum3A_1380 = arith.constant dense<0.000000e+00> : vector<1xf32>
    %reduce_sum3A_1381 = vector.multi_reduction <add>, %reduce_sum3A_1379, %reduce_sum3A_1380 [1, 2] : vector<1x16x128xf32> to vector<1xf32>
    %reduce_sum3A_1382 = vector.shape_cast %reduce_sum3A_1381 : vector<1xf32> to vector<1x1x1xf32>
    %reduce_sum3A_1383 = vector.extract %reduce_sum3A_1382[0, 0, 0] : f32 from vector<1x1x1xf32>
    %mul3A_1384 = arith.constant 2.000000e+00 : f32
    %mul3A_1385 = arith.mulf %mul3A_1384, %reduce_sum3A_1383 : f32
    %add3A_1386 = arith.constant 9.99999974E-5 : f32
    %add3A_1387 = arith.addf %mul3A_1385, %add3A_1386 : f32
    %div3A_1388 = arith.divf %add3A_1347, %add3A_1387 : f32
    %add3A_1389 = arith.constant 9.99999974E-5 : f32
    %add3A_1390 = arith.addf %mul3A_1385, %add3A_1389 : f32
    %div3A_1391 = arith.divf %add3A_1378, %add3A_1390 : f32
    %mul3A_1392 = arith.constant 1.000000e-01 : f32
    %mul3A_1393 = arith.mulf %mul3A_1392, %div3A_1388 : f32
    %add3A_1394 = arith.addf %select_n3A_1314, %mul3A_1393 : f32
    %mul3A_1395 = arith.constant 1.000000e+00 : f32
    %mul3A_1396 = arith.mulf %mul3A_1395, %div3A_1391 : f32
    %add3A_1397 = arith.addf %add3A_1394, %mul3A_1396 : f32
    %broadcast_in_dim3A_1398 = vector.broadcast %add3A_1397 : f32 to vector<1x1xf32>
    %swap3A = arith.constant 0 : index
    %swap3A_1399 = arith.constant 0 : index
    %swap3A_1400 = vector.load %arg18[%swap3A, %swap3A_1399] : memref<1x1xf32, #tpu.memory_space<vmem>>, vector<1x1xf32>
    tpu.vector_store %arg18[%swap3A, %swap3A_1399], %broadcast_in_dim3A_1398 {strides = array<i32>} : memref<1x1xf32, #tpu.memory_space<vmem>>, vector<1x1xf32>,
    return
  }
}

</mosaic_0001>

<sc_bundles>
// kernel: gather_offload_async_start.10
scs
__scs_entry_jumppad:
0x0: {  	(pc) =	sbr.rel $0x88, $3  }
0x1: {  	(tag) =	ssettag $0x0;
	lr =	simm.s32 $0x1  }
0x2: {  	[smem:$0x3F98] =	sst lr;
	_ =	strace $0xD0000000  }
0x3: {  	_ = 	snop  }
0x4: {  	_ = 	snop  }
0x5: {  	_ = 	snop  }
0x6: {  	_ = 	snop  }
0x7: {  	_ = 	snop  }
__scs_overlays_trampoline_lowered:
0x8: {  	[smem:$0x3FA7] =	sst s0  }
0x9: {  	[smem:$0x3FA8] =	sst s1  }
0xa: {  	[smem:$0x3FA9] =	sst s2  }
0xb: {  	[smem:$0x3FAA] =	sst s3  }
0xc: {  	[smem:$0x3FAB] =	sst s4  }
0xd: {  	[smem:$0x3FAC] =	sst s5  }
0xe: {  	[smem:$0x3FAD] =	sst s6  }
0xf: {  	[smem:$0x3FAE] =	sst s7  }
0x10: {  	[smem:$0x3FAF] =	sst s8  }
0x11: {  	[smem:$0x3FB0] =	sst s9;
	s0 =	simm.s32 @!p0 $0x0  }
0x12: {  	s1 =	sld [smem:$0x3F96];
	s0 =	simm.s32 @p0 $0x1  }
0x13: {  	[smem:$0x3FB1] =	sst s0;
	s0 =	simm.s32 @!p1 $0x0  }
0x14: {  	s2 =	sld [smem:$0x3F95];
	s0 =	simm.s32 @p1 $0x1  }
0x15: {  	[smem:$0x3FB2] =	sst s0;
	s0 =	simm.s32 @!p2 $0x0  }
0x16: {  	s3 =	sld [smem:$0x3FDB];
	s0 =	simm.s32 @p2 $0x1  }
0x17: {  	s4 =	simm.s32 $0x1BF5;
	[smem:$0x3FB4] =	sst s0  }
0x18: {  	s0 =	sld [smem:$0x3F97];
	_ =	swait.ge [sflag:s4], $0x0  }
0x19: {  	s7 =	sld [smem:$0x3F98]  }
0x1a: {  	s8 =	sadd.s32 $0xFFFFE003, lr  }
0x1b: {  	s9 =	sadd.s32 $0xFFFFFEF7, lr;
	s5 =	simm.s32 $0xFFFFFFFF;
	p2 =	slt.u32 s8, $0xFFFFF086  }
0x1c: {  	p1 =	slt.u32 s9, $0xF7A;
	s5 =	simm.s32 @!p2 $0x0  }
0x1d: {  	s5 =	simm.s32 @p1 $0x1;
	p0 =	seq.s32 s7, s2  }
0x1e: {  	s7 =	smul.u32 @!p0 $0xF7A, s2;
	p2 =	seq.s32 @!p0 s5, $0x0  }
0x1f: {  	s9 =	smul.u32 $0xF7A, s1;
	s8 =	simm.s32 @!p0 $0x1BF5;
	p2 =	por !p2, p0  }
0x20: {  	[sflag:s8] =	ssyncset.s32 @!p0 $0xFFFFF086;
	s6 =	sadd.s32 @!p0 s3, s7;
	s7 =	simm.s32 @!p0 $0x108  }
0x21: {  	s3 =	sadd.s32 s3, s9;
	s6 =	sadd.s32 @!p0 $0x88, s6;
	s7 =	simm.s32 @p2 $0x1082  }
0x22: {  	[simem:s7], [sflag:s8] =	dma.local @!p0 [hbm:s6], $0xF7A  }
0x23: {  	s9 =	sor.u32 $0xD0000000, s2;
	s6 =	simm.s32 $0x108;
	_ =	swait.ge @!p0 [sflag:s8], $0x0  }
0x24: {  	s3 =	sadd.s32 $0x88, s3;
	s6 =	simm.s32 @!p1 $0x1082;
	[sflag:s4] =	ssyncset.s32 $0xFFFFF086  }
0x25: {  	[simem:s6], [sflag:s4] =	dma.local [hbm:s3], $0xF7A  }
0x26: {  	[smem:$0x3F98] =	sst s1;
	(tag) =	ssettag s2;
	_ =	strace s9  }
0x27: {  	s1 =	sld [smem:$0x3FA8]  }
0x28: {  	s2 =	sld [smem:$0x3FA9]  }
0x29: {  	s4 =	sld [smem:$0x3FAB]  }
0x2a: {  	p0 =	seq.s32 s5, $0x0;
	s5 =	sld [smem:$0x3FAC]  }
0x2b: {  	s6 =	sld [smem:$0x3FAD]  }
0x2c: {  	s7 =	sld [smem:$0x3FAE]  }
0x2d: {  	s3 =	simm.s32 $0x108;
	s8 =	sld [smem:$0x3FAF]  }
0x2e: {  	s3 =	simm.s32 @!p0 $0x1082;
	s9 =	sld [smem:$0x3FB0]  }
0x2f: {  	lr =	sadd.s32 s0, s3;
	s0 =	sld [smem:$0x3FA7]  }
0x30: {  	s3 =	sld [smem:$0x3FAA]  }
0x31: {  	[smem:$0x3FB3] =	sst s10  }
0x32: {  	s10 =	sld [smem:$0x3FB1];
	_ =	sdelay $0x3  }
0x33: {  	p0 =	seq.s32 s10, $0x1;
	s10 =	sld [smem:$0x3FB3];
	_ =	sdelay $0x3  }
0x34: {  	[smem:$0x3FB3] =	sst s10  }
0x35: {  	s10 =	sld [smem:$0x3FB2];
	_ =	sdelay $0x3  }
0x36: {  	p1 =	seq.s32 s10, $0x1;
	s10 =	sld [smem:$0x3FB3];
	_ =	sdelay $0x3  }
0x37: {  	[smem:$0x3FB3] =	sst s10  }
0x38: {  	s10 =	sld [smem:$0x3FB4]  }
0x39: {  	_ = 	snop;
	(pc) =	sbr.ind lr, $3  }
0x3a: {  	_ = 	snop  }
0x3b: {  	_ = 	snop  }
0x3c: {  	p2 =	seq.s32 s10, $0x1;
	s10 =	sld [smem:$0x3FB3]  }
0x3d: {  	_ =	shalt  }
0x3e: {  	_ =	shalt  }
0x3f: {  	_ =	shalt  }
0x40: {  	_ =	shalt  }
0x41: {  	_ =	shalt  }
0x42: {  	_ =	shalt  }
0x43: {  	_ =	shalt  }
0x44: {  	_ =	shalt  }
0x45: {  	_ =	shalt  }
0x46: {  	_ =	shalt  }
0x47: {  	_ =	shalt  }
0x48: {  	_ =	shalt  }
0x49: {  	_ =	shalt  }
0x4a: {  	_ =	shalt  }
0x4b: {  	_ =	shalt  }
0x4c: {  	_ =	shalt  }
0x4d: {  	_ =	shalt  }
0x4e: {  	_ =	shalt  }
0x4f: {  	_ =	shalt  }
0x50: {  	_ =	shalt  }
0x51: {  	_ =	shalt  }
0x52: {  	_ =	shalt  }
0x53: {  	_ =	shalt  }
0x54: {  	_ =	shalt  }
0x55: {  	_ =	shalt  }
0x56: {  	_ =	shalt  }
0x57: {  	_ =	shalt  }
0x58: {  	_ =	shalt  }
0x59: {  	_ =	shalt  }
0x5a: {  	_ =	shalt  }
0x5b: {  	_ =	shalt  }
0x5c: {  	_ =	shalt  }
0x5d: {  	_ =	shalt  }
0x5e: {  	_ =	shalt  }
0x5f: {  	_ =	shalt  }
0x60: {  	_ =	shalt  }
0x61: {  	_ =	shalt  }
0x62: {  	_ =	shalt  }
0x63: {  	_ =	shalt  }
0x64: {  	_ =	shalt  }
0x65: {  	_ =	shalt  }
0x66: {  	_ =	shalt  }
0x67: {  	_ =	shalt  }
0x68: {  	_ =	shalt  }
0x69: {  	_ =	shalt  }
0x6a: {  	_ =	shalt  }
0x6b: {  	_ =	shalt  }
0x6c: {  	_ =	shalt  }
0x6d: {  	_ =	shalt  }
0x6e: {  	_ =	shalt  }
0x6f: {  	_ =	shalt  }
0x70: {  	_ =	shalt  }
0x71: {  	_ =	shalt  }
0x72: {  	_ =	shalt  }
0x73: {  	_ =	shalt  }
0x74: {  	_ =	shalt  }
0x75: {  	_ =	shalt  }
0x76: {  	_ =	shalt  }
0x77: {  	_ =	shalt  }
0x78: {  	_ =	shalt  }
0x79: {  	_ =	shalt  }
0x7a: {  	_ =	shalt  }
0x7b: {  	_ =	shalt  }
0x7c: {  	_ =	shalt  }
0x7d: {  	_ =	shalt  }
0x7e: {  	_ =	shalt  }
0x7f: {  	_ =	shalt  }
0x80: {  	_ =	shalt  }
0x81: {  	_ =	shalt  }
0x82: {  	_ =	shalt  }
0x83: {  	_ =	shalt  }
0x84: {  	_ =	shalt  }
0x85: {  	_ =	shalt  }
0x86: {  	_ =	shalt  }
0x87: {  	_ =	shalt  }
.Lfunc_end0:
.L_simem_size_0:
called_computation.10_lowered:
.L_overlay_start_0:
0x88: {  	s2 =	sld [smem:$0x3FD9]  }
0x89: {  	s3 =	sld [smem:$0x3FFE];
	_ =	sdelay $0x1  }
0x8a: {  	s1 =	srdreg.scid  }
0x8b: {  	s0 =	sand.u32 $0x1, s1  }
0x8c: {  	s17 =	sshll.u32 s0, $0xA;
	s2 =	sadd.s32 s3, s2  }
0x8d: {  	s2 =	sadd.s32 s2, s17  }
0x8e: {  	[smem:$0x3FBF] =	sst s2  }
0x8f: {  	_ = 	snop  }
0x90: {  	(tm) =	ssettm $0x1  }
0x91: {  	s18 =	sld [smem:$0x3FFB];
	_ =	sdelay $0x3  }
0x92: {  	_ =	strace s18  }
0x93: {  	s2 =	sld [smem:$0x3FFC];
	_ =	sdelay $0x3  }
0x94: {  	_ =	strace s2  }
0x95: {  	s2 =	sld [smem:$0x3FFD];
	_ =	sdelay $0x3  }
0x96: {  	_ =	strace s2  }
0x97: {  	_ =	strace $0x8FFFFFFF  }
0x98: {  	s19 =	sld [smem:$0x3FDB];
	_ =	sdelay $0x1  }
0x99: {  	s20 =	simm.s32 $_scs_section_size  }
0x9a: {  	s4 =	simm.s32 $_size__tile_overlayer_lowered;
	s5 =	simm.s32 $_tile_overlayer_lowered  }
0x9b: {  	s6 =	simm.s32 $0x1BFF;
	s21 =	sshll.u32 s5, $0x1;
	s3 =	sadd.s32 s20, s19  }
0x9c: {  	s22 =	simm.s32 $0x0;
	s4 =	sshll.u32 s4, $0x1;
	s5 =	sadd.s32 s21, s3  }
0x9d: {  	[timem:s22], [sflag:s6] =	dma.local [hbm:s5], s4  }
0x9e: {  	_ =	swait.ge [sflag:s6], s4  }
0x9f: {  	s4 =	ssub.s32 $0x0, s4;
	[sflag:s6] =	ssyncset.done $0x0  }
0xa0: {  	[sflag:s6] =	ssyncadd.s32 s4;
	_ =	sdelay $0x1  }
0xa1: {  	s23 =	simm.s32 $0x1B8B  }
0xa2: {  	_ =	swait.ge [sflag:s23], $0x1  }
0xa3: {  	[sflag:s23] =	ssyncset.done $0x0  }
0xa4: {  	[sflag:s23] =	ssyncadd.s32 $0xFFFFFFFF  }
0xa5: {  	s4 =	sld [smem:$0x0]  }
0xa6: {  	s5 =	sand.u32 $0xFFFFFFFE, s1  }
0xa7: {  	p0 =	sne.s32 s1, s5  }
0xa8: {  	s5 =	sshll.u32 @p0 s5, $0xE  }
0xa9: {  	s5 =	sadd.s32 @p0 $0x11B8D, s5;
	s6 =	sshll.u32 @p0 s4, $0x11  }
0xaa: {  	s5 =	sor.u32 @p0 s6, s5  }
0xab: {  	[sflag:s5] =	ssyncadd.remote.s32 @p0 $0x1;
	_ =	sdelay $0x1  }
0xac: {  	s5 =	simm.s32 @p0 $0x1B8D  }
0xad: {  	_ =	swait.eq @p0 [sflag:s5], $0x1  }
0xae: {  	[sflag:s5] =	ssyncadd.s32 @p0 $0xFFFFFFFF  }
0xaf: {  	s6 =	sshll.u32 @!p0 s1, $0xE  }
0xb0: {  	s6 =	sor.u32 @!p0 $0x4000, s6;
	s5 =	simm.s32 @!p0 $0x1B8D  }
0xb1: {  	s4 =	sshll.u32 @!p0 s4, $0x11;
	s6 =	sadd.s32 @!p0 $0x11B8D, s6;
	_ =	swait.eq @!p0 [sflag:s5], $0x1  }
0xb2: {  	s4 =	sor.u32 @!p0 s4, s6;
	[sflag:s5] =	ssyncadd.s32 @!p0 $0xFFFFFFFF  }
0xb3: {  	s25 =	simm.s32 $0x1B8E;
	s24 =	sld [smem:$0x3FFE];
	[sflag:s4] =	ssyncadd.remote.s32 @!p0 $0x1  }
0xb4: {  	s26 =	simm.s32 $execute0_lowered;
	[smem:$0x3FD2] =	sst s25  }
0xb5: {  	s5 =	sshll.u32 s26, $0x1;
	_ =	strace $0x8000004C;
	[dreg:$0x1] =	wrdreg $0xFFFFFFFF  }
0xb6: {  	s28 =	simm.s32 $_size_execute0_lowered;
	s3 =	sadd.s32 s3, s5;
	[dreg:$0x0] =	wrdreg $0x0  }
0xb7: {  	s5 =	sshll.u32 s28, $0x1;
	[dreg:$0x2] =	wrdreg s3  }
0xb8: {  	[dreg:$0x3] =	wrdreg s5  }
0xb9: {  	[dreg:$0x4] =	wrdreg $0xC0  }
0xba: {  	_ =	task [dreg:s22], $0x5FFFF  }
0xbb: {  	[dreg:$0x1] =	wrdreg $0xFFFFFFFF  }
0xbc: {  	[dreg:$0x0] =	wrdreg $0x60  }
0xbd: {  	[dreg:$0x2] =	wrdreg s24  }
0xbe: {  	[dreg:$0x3] =	wrdreg $0xB  }
0xbf: {  	_ =	task.clear_ibuf [dreg:s22], $0x4FFFF;
	_ =	strace $0x9000004C  }
0xc0: {  	s29 =	simm.s32 $0xB;
	_ =	strace $0x8000004E  }
0xc1: {  	_ =	swait.ge [sflag:s29], $0x1  }
0xc2: {  	[sflag:s29] =	ssyncadd.s32 $0xFFFFFFFF  }
0xc3: {  	_ =	strace $0x9000004E  }
0xc4: {  	_ =	sfence  }
0xc5: {  	s30 =	sld [smem:$0x0];
	_ =	sdelay $0x2  }
0xc6: {  	s31 =	sshll.u32 s1, $0xD;
	s1 =	sshrl.u32 s1, $0x2  }
0xc7: {  	s4 =	sand.u32 $0x4000, s31;
	s1 =	sadd.s32 s1, s30  }
0xc8: {  	s0 =	sor.u32 s4, s0;
	s1 =	sshll.u32 s1, $0x11  }
0xc9: {  	s0 =	sor.u32 s1, s0  }
0xca: {  	s0 =	sadd.s32 $0x8F2B, s0  }
0xcb: {  	[sflag:s0] =	ssyncadd.remote.s32 $0x1  }
0xcc: {  	_ =	sfence.sel $0xFFFF  }
0xcd: {  	[dreg:$0x0] =	wrdreg $0xFFFFFFFF;
	(pc) =	sbr.abs _section_cstart, $3  }
0xce: {  	[dreg:$0x1] =	wrdreg $0xFFFFFFFF  }
0xcf: {  	_ =	task.clear_ibuf [dreg:s22], $0x2FFFF;
	_ =	strace $0x9FFFFFFF  }
0xd0: {  	(tm) =	ssettm $0x7FFFFFFF  }
0xd1: {  	_ =	shalt  }
tec
execute0_lowered:
.L_overlay_start_1:
0x0: {  	(tag) =	ssettag $0x1  }
0x1: {  	s1 =	srdreg.scid  }
0x2: {  	s0 =	stileid.u32;
	s8 =	rddreg [dreg:$0x0];
	s5 =	simm.s32 $0x1  }
0x3: {  	s9 =	simm.s32 $0x1;
	s10 =	simm.s32 $0x3;
	s1 =	sshll.u32 s1, $0x5  }
0x4: {  	s13 =	simm.s32 $0x0;
	s2 =	sshll.u32 s0, $0x6;
	s3 =	sand.u32 $0x20, s1  }
0x5: {  	s12 =	simm.s32 $0x0;
	s4 =	sadd.s32 $0x2800, s8;
	s2 =	sor.u32 s2, s3  }
0x6: {  	s1 =	rddreg [dreg:$0x1];
	_ =	strace $0x8000004D;
	s7 =	ssub.s32 $0x800, s2  }
.Ltmp0:
0x7: {  	s3 =	sadd.s32 $0x21E00, s8;
	s6 =	sand.u32 $0x3E0, s7;
	(pc) =	sbr.rel .LBB2_1-.Ltmp0, $4  }
0x8: {  	[sflag:s5] =	ssyncpa.u1 $0x0;
	s8 =	sadd.s32 $0xCA00, s8;
	p0 =	sne.s32 s6, $0x0  }
0x9: {  	s7 =	sshrl.u32 s7, $0xA;
	s6 =	simm.s32 $0x2;
	s9 =	simm.s32 @!p0 $0x0  }
0xa: {  	s11 =	smov.u32 s2;
	[sflag:s6] =	ssyncpa.u1 $0x0;
	s7 =	sadd.s32 s9, s7  }
0xb: {  	vm0 =	vmmov $0xffff;
	[sflag:s10] =	ssyncpa.u1 $0x0;
	s10 =	simm.s32 $0x0;
	s9 =	sadd.s32 $0x1, s7  }
.LBB2_5:
0xc: {  	s15 =	sadd.s32 $0x400, s11  }
0xd: {  	p1 =	sgt.s32 s15, $0x7FF  }
0xe: {  	s15 =	smov.u32 @p1 s2;
	p1 =	sne.s32 s12, s9  }
.Ltmp1:
0xf: {  	p0 =	slt.u32 s12, $0x2;
	(pc) =	sbr.rel @!p1 .LBB2_6-.Ltmp1, $4  }
0x10: {  	s14 =	simm.s32 @!p0 $0x3  }
0x11: {  	_ =	swait.ge @!p0 [sflag:s14], $0x20  }
0x12: {  	s16 =	sadd.s32 $0x1, s12;
	s13 =	smov.u32 s11;
	[sflag:s14] =	ssyncset.done @!p0 $0x0  }
0x13: {  	s12 =	smov.u32 s16;
	s11 =	smov.u32 s15;
	[sflag:s14] =	ssyncadd.s32 @!p0 $0xFFFFFFE0  }
.LBB2_1:
0x14: {  	p0 =	sge.u32 s12, s7  }
0x15: {  	s14 =	sxor.u32 @!p0 $0xFFFFFFFF, s12  }
0x16: {  	s31 =	sadd.s32 $0xFFFFFFFF, s12;
	s15 =	sshrl.u32 @!p0 s11, $0x3;
	s14 =	sshll.u32 @!p0 s14, $0x5  }
0x17: {  	s16 =	sand.u32 @!p0 $0x7, s11;
	s15 =	sadd.s32 @!p0 s4, s15;
	s14 =	sand.u32 @!p0 $0x20, s14  }
0x18: {  	[tilespmem:s14], [sflag:$0x2] =	stream.linear.gather @!p0 [hbm4b:s15+s16], $0x20, $0x38;
	[tilespmem:$0x80] =	vst v63  }
0x19: {  	p0 =	sge.u32 s31, s7  }
.Ltmp2:
0x1a: {  	_ = 	snop;
	(pc) =	sbr.rel @p0 .LBB2_5-.Ltmp2, $1  }
0x1b: {  	_ =	sdelay $0x3  }
0x1c: {  	_ =	swait.ge [sflag:s6], $0x20;
	s14 =	sshll.u32 s12, $0x5;
	s16 =	simm.s32 $0x0  }
0x1d: {  	p0 =	por $0x1, $0x1;
	[sflag:s6] =	ssyncset.done $0x0;
	s15 =	sand.u32 $0x20, s14  }
0x1e: {  	[sflag:s6] =	ssyncadd.s32 $0xFFFFFFE0;
	(ifvalue) =	ssetifvalue $0x7FFFFFFF;
	s14 =	sor.u32 $0x40, s15  }
.LBB2_3:
0x1f: {  	s17 =	sadd.s32 s16, s15  }
0x20: {  	v0 =	vld.msk [tilespmem:s17+$0x0 ss:$0x1], $0xffff;
	_ =	sdelay $0x4  }
0x21: {  	v1 =	vshrl.u32 v0, $0x4  }
0x22: {  	vm1 =	veq.s32 v0, $0x80000000;
	v0 =	vand.u32 $0xF, v0;
	v1 =	vand.u32 $0x3FFF, v1  }
0x23: {  	v0 =	vsel vm1, $0xFFFFFFFF, v0;
	v1 =	vsel vm1, $0xFFFFFFFF, v1  }
0x24: {  	v2 =	vshll.u32 v0, $0xE;
	v3 =	vshll.u32 v1, $0x3  }
0x25: {  	v0 =	vshll.u32 v0, $0x7;
	v2 =	vand.u32 $0xFFFE0000, v2;
	v3 =	vand.u32 $0xFFFFFC00, v3  }
0x26: {  	v0 =	vand.u32 $0x380, v0;
	v2 =	vadd.s32 v2, v3  }
0x27: {  	v1 =	vand.u32 $0x7F, v1;
	v0 =	vor.u32 v0, v2  }
0x28: {  	p1 =	por p0, p0;
	v0 =	vor.u32 v1, v0  }
.Ltmp3:
0x29: {  	_ = 	snop;
	(pc) =	sbr.rel @p1 .LBB2_3-.Ltmp3, $4  }
0x2a: {  	_ = 	snop  }
0x2b: {  	s31 =	sadd.s32 s16, s14  }
0x2c: {  	s16 =	simm.s32 $0x10;
	p0 =	por $0x0, $0x0;
	(ifvalue) =	ssetifvalue $0x7FFFFFFF  }
0x2d: {  	[tilespmem:s31], [sflag:$0x1] =	stream.indirect_vreg.gather [hbm4b:s3+s10], $0x1, v0, vm0, $0x4038;
	[tilespmem:$0x80] =	vst v63  }
.Ltmp4:
0x2e: {  	(pc) =	sbr.rel .LBB2_5-.Ltmp4, $4  }
0x2f: {  	_ =	swait.ge [sflag:s5], $0x20  }
0x30: {  	s15 =	sshrl.u32 s13, $0x3;
	[sflag:s5] =	ssyncset.done $0x0  }
0x31: {  	s31 =	sand.u32 $0x7, s13;
	s15 =	sadd.s32 s8, s15;
	[sflag:s5] =	ssyncadd.s32 $0xFFFFFFE0  }
0x32: {  	[hbm4b:s15+s31] =	stream.linear.scatter [tilespmem:s14], [sflag:$0x3], $0x20, $0x38;
	[tilespmem:$0x80] =	vst v63  }
.LBB2_6:
0x33: {  	_ =	sfence.sel $0x180000  }
0x34: {  	s2 =	simm.s32 $0x2;
	[bflag:$0x0] =	sbarrier.arrive $0xFFFF  }
0x35: {  	s30 =	simm.s32 $0x3;
	[sflag:s2] =	ssyncpa.u1 $0x1  }
0x36: {  	s31 =	simm.s32 $0x1;
	[sflag:s30] =	ssyncpa.u1 $0x1  }
0x37: {  	[sflag:s31] =	ssyncpa.u1 $0x1  }
0x38: {  	p0 =	sne.s32 s0, $0x0;
	_ =	strace $0x9000004D  }
0x39: {  	s0 =	sadd.s32 @!p0 $0x100000, s1;
	[bflag:$0x2] =	sbarrier.arrive $0xFFFF  }
0x3a: {  	[sflag:s0] =	ssyncadd.tile.s32 @!p0 $0x1;
	_ =	shalt  }
.Lfunc_end2:
_tile_overlayer_lowered:
.L_overlay_start_2:
0x3b: {  	(tag) =	ssettag $0x2  }
0x3c: {  	s0 =	rddreg [dreg:$0x0];
	s2 =	stileid.u32  }
0x3d: {  	s1 =	rddreg [dreg:$0x1];
	p0 =	sne.s32 s2, $0x0  }
0x3e: {  	s3 =	rddreg [dreg:$0x2];
	[bflag:$0x3] =	sbarrier.arrive $0xFFFF;
	s2 =	simm.s32 @!p0 $0x1C01  }
0x3f: {  	[timem:s3], [sflag:s2] =	dma.local @!p0 [hbm:s0], s1  }
0x40: {  	s0 =	simm.s32 @!p0 $0x1  }
0x41: {  	_ =	swait.ge @!p0 [sflag:s0], s1  }
0x42: {  	s1 =	ssub.s32 @!p0 $0x0, s1;
	[sflag:s0] =	ssyncset.done @!p0 $0x0  }
0x43: {  	[sflag:s0] =	ssyncadd.s32 @!p0 s1  }
0x44: {  	[bflag:$0x3] =	sbarrier.arrive $0xFFFF  }
0x45: {  	_ =	shalt  }

// kernel: gather_offload_async_start.1
scs
__scs_entry_jumppad:
0x0: {  	(pc) =	sbr.rel $0x88, $3  }
0x1: {  	(tag) =	ssettag $0x0;
	lr =	simm.s32 $0x1  }
0x2: {  	[smem:$0x3F98] =	sst lr;
	_ =	strace $0xD0000000  }
0x3: {  	_ = 	snop  }
0x4: {  	_ = 	snop  }
0x5: {  	_ = 	snop  }
0x6: {  	_ = 	snop  }
0x7: {  	_ = 	snop  }
__scs_overlays_trampoline_lowered:
0x8: {  	[smem:$0x3FA7] =	sst s0  }
0x9: {  	[smem:$0x3FA8] =	sst s1  }
0xa: {  	[smem:$0x3FA9] =	sst s2  }
0xb: {  	[smem:$0x3FAA] =	sst s3  }
0xc: {  	[smem:$0x3FAB] =	sst s4  }
0xd: {  	[smem:$0x3FAC] =	sst s5  }
0xe: {  	[smem:$0x3FAD] =	sst s6  }
0xf: {  	[smem:$0x3FAE] =	sst s7  }
0x10: {  	[smem:$0x3FAF] =	sst s8  }
0x11: {  	[smem:$0x3FB0] =	sst s9;
	s0 =	simm.s32 @!p0 $0x0  }
0x12: {  	s1 =	sld [smem:$0x3F96];
	s0 =	simm.s32 @p0 $0x1  }
0x13: {  	[smem:$0x3FB1] =	sst s0;
	s0 =	simm.s32 @!p1 $0x0  }
0x14: {  	s2 =	sld [smem:$0x3F95];
	s0 =	simm.s32 @p1 $0x1  }
0x15: {  	[smem:$0x3FB2] =	sst s0;
	s0 =	simm.s32 @!p2 $0x0  }
0x16: {  	s3 =	sld [smem:$0x3FDB];
	s0 =	simm.s32 @p2 $0x1  }
0x17: {  	s4 =	simm.s32 $0x1BF5;
	[smem:$0x3FB4] =	sst s0  }
0x18: {  	s0 =	sld [smem:$0x3F97];
	_ =	swait.ge [sflag:s4], $0x0  }
0x19: {  	s7 =	sld [smem:$0x3F98]  }
0x1a: {  	s8 =	sadd.s32 $0xFFFFE003, lr  }
0x1b: {  	s9 =	sadd.s32 $0xFFFFFEF7, lr;
	s5 =	simm.s32 $0xFFFFFFFF;
	p2 =	slt.u32 s8, $0xFFFFF086  }
0x1c: {  	p1 =	slt.u32 s9, $0xF7A;
	s5 =	simm.s32 @!p2 $0x0  }
0x1d: {  	s5 =	simm.s32 @p1 $0x1;
	p0 =	seq.s32 s7, s2  }
0x1e: {  	s7 =	smul.u32 @!p0 $0xF7A, s2;
	p2 =	seq.s32 @!p0 s5, $0x0  }
0x1f: {  	s9 =	smul.u32 $0xF7A, s1;
	s8 =	simm.s32 @!p0 $0x1BF5;
	p2 =	por !p2, p0  }
0x20: {  	[sflag:s8] =	ssyncset.s32 @!p0 $0xFFFFF086;
	s6 =	sadd.s32 @!p0 s3, s7;
	s7 =	simm.s32 @!p0 $0x108  }
0x21: {  	s3 =	sadd.s32 s3, s9;
	s6 =	sadd.s32 @!p0 $0x88, s6;
	s7 =	simm.s32 @p2 $0x1082  }
0x22: {  	[simem:s7], [sflag:s8] =	dma.local @!p0 [hbm:s6], $0xF7A  }
0x23: {  	s9 =	sor.u32 $0xD0000000, s2;
	s6 =	simm.s32 $0x108;
	_ =	swait.ge @!p0 [sflag:s8], $0x0  }
0x24: {  	s3 =	sadd.s32 $0x88, s3;
	s6 =	simm.s32 @!p1 $0x1082;
	[sflag:s4] =	ssyncset.s32 $0xFFFFF086  }
0x25: {  	[simem:s6], [sflag:s4] =	dma.local [hbm:s3], $0xF7A  }
0x26: {  	[smem:$0x3F98] =	sst s1;
	(tag) =	ssettag s2;
	_ =	strace s9  }
0x27: {  	s1 =	sld [smem:$0x3FA8]  }
0x28: {  	s2 =	sld [smem:$0x3FA9]  }
0x29: {  	s4 =	sld [smem:$0x3FAB]  }
0x2a: {  	p0 =	seq.s32 s5, $0x0;
	s5 =	sld [smem:$0x3FAC]  }
0x2b: {  	s6 =	sld [smem:$0x3FAD]  }
0x2c: {  	s7 =	sld [smem:$0x3FAE]  }
0x2d: {  	s3 =	simm.s32 $0x108;
	s8 =	sld [smem:$0x3FAF]  }
0x2e: {  	s3 =	simm.s32 @!p0 $0x1082;
	s9 =	sld [smem:$0x3FB0]  }
0x2f: {  	lr =	sadd.s32 s0, s3;
	s0 =	sld [smem:$0x3FA7]  }
0x30: {  	s3 =	sld [smem:$0x3FAA]  }
0x31: {  	[smem:$0x3FB3] =	sst s10  }
0x32: {  	s10 =	sld [smem:$0x3FB1];
	_ =	sdelay $0x3  }
0x33: {  	p0 =	seq.s32 s10, $0x1;
	s10 =	sld [smem:$0x3FB3];
	_ =	sdelay $0x3  }
0x34: {  	[smem:$0x3FB3] =	sst s10  }
0x35: {  	s10 =	sld [smem:$0x3FB2];
	_ =	sdelay $0x3  }
0x36: {  	p1 =	seq.s32 s10, $0x1;
	s10 =	sld [smem:$0x3FB3];
	_ =	sdelay $0x3  }
0x37: {  	[smem:$0x3FB3] =	sst s10  }
0x38: {  	s10 =	sld [smem:$0x3FB4]  }
0x39: {  	_ = 	snop;
	(pc) =	sbr.ind lr, $3  }
0x3a: {  	_ = 	snop  }
0x3b: {  	_ = 	snop  }
0x3c: {  	p2 =	seq.s32 s10, $0x1;
	s10 =	sld [smem:$0x3FB3]  }
0x3d: {  	_ =	shalt  }
0x3e: {  	_ =	shalt  }
0x3f: {  	_ =	shalt  }
0x40: {  	_ =	shalt  }
0x41: {  	_ =	shalt  }
0x42: {  	_ =	shalt  }
0x43: {  	_ =	shalt  }
0x44: {  	_ =	shalt  }
0x45: {  	_ =	shalt  }
0x46: {  	_ =	shalt  }
0x47: {  	_ =	shalt  }
0x48: {  	_ =	shalt  }
0x49: {  	_ =	shalt  }
0x4a: {  	_ =	shalt  }
0x4b: {  	_ =	shalt  }
0x4c: {  	_ =	shalt  }
0x4d: {  	_ =	shalt  }
0x4e: {  	_ =	shalt  }
0x4f: {  	_ =	shalt  }
0x50: {  	_ =	shalt  }
0x51: {  	_ =	shalt  }
0x52: {  	_ =	shalt  }
0x53: {  	_ =	shalt  }
0x54: {  	_ =	shalt  }
0x55: {  	_ =	shalt  }
0x56: {  	_ =	shalt  }
0x57: {  	_ =	shalt  }
0x58: {  	_ =	shalt  }
0x59: {  	_ =	shalt  }
0x5a: {  	_ =	shalt  }
0x5b: {  	_ =	shalt  }
0x5c: {  	_ =	shalt  }
0x5d: {  	_ =	shalt  }
0x5e: {  	_ =	shalt  }
0x5f: {  	_ =	shalt  }
0x60: {  	_ =	shalt  }
0x61: {  	_ =	shalt  }
0x62: {  	_ =	shalt  }
0x63: {  	_ =	shalt  }
0x64: {  	_ =	shalt  }
0x65: {  	_ =	shalt  }
0x66: {  	_ =	shalt  }
0x67: {  	_ =	shalt  }
0x68: {  	_ =	shalt  }
0x69: {  	_ =	shalt  }
0x6a: {  	_ =	shalt  }
0x6b: {  	_ =	shalt  }
0x6c: {  	_ =	shalt  }
0x6d: {  	_ =	shalt  }
0x6e: {  	_ =	shalt  }
0x6f: {  	_ =	shalt  }
0x70: {  	_ =	shalt  }
0x71: {  	_ =	shalt  }
0x72: {  	_ =	shalt  }
0x73: {  	_ =	shalt  }
0x74: {  	_ =	shalt  }
0x75: {  	_ =	shalt  }
0x76: {  	_ =	shalt  }
0x77: {  	_ =	shalt  }
0x78: {  	_ =	shalt  }
0x79: {  	_ =	shalt  }
0x7a: {  	_ =	shalt  }
0x7b: {  	_ =	shalt  }
0x7c: {  	_ =	shalt  }
0x7d: {  	_ =	shalt  }
0x7e: {  	_ =	shalt  }
0x7f: {  	_ =	shalt  }
0x80: {  	_ =	shalt  }
0x81: {  	_ =	shalt  }
0x82: {  	_ =	shalt  }
0x83: {  	_ =	shalt  }
0x84: {  	_ =	shalt  }
0x85: {  	_ =	shalt  }
0x86: {  	_ =	shalt  }
0x87: {  	_ =	shalt  }
.Lfunc_end0:
.L_simem_size_0:
called_computation.1_lowered:
.L_overlay_start_0:
0x88: {  	s2 =	sld [smem:$0x3FD9]  }
0x89: {  	s3 =	sld [smem:$0x3FFE];
	_ =	sdelay $0x1  }
0x8a: {  	s1 =	srdreg.scid  }
0x8b: {  	s0 =	sand.u32 $0x1, s1  }
0x8c: {  	s17 =	sshll.u32 s0, $0xA;
	s2 =	sadd.s32 s3, s2  }
0x8d: {  	s2 =	sadd.s32 s2, s17  }
0x8e: {  	[smem:$0x3FBF] =	sst s2  }
0x8f: {  	_ = 	snop  }
0x90: {  	(tm) =	ssettm $0x1  }
0x91: {  	s18 =	sld [smem:$0x3FFB];
	_ =	sdelay $0x3  }
0x92: {  	_ =	strace s18  }
0x93: {  	s2 =	sld [smem:$0x3FFC];
	_ =	sdelay $0x3  }
0x94: {  	_ =	strace s2  }
0x95: {  	s2 =	sld [smem:$0x3FFD];
	_ =	sdelay $0x3  }
0x96: {  	_ =	strace s2  }
0x97: {  	_ =	strace $0x8FFFFFFF  }
0x98: {  	s19 =	sld [smem:$0x3FDB];
	_ =	sdelay $0x1  }
0x99: {  	s20 =	simm.s32 $_scs_section_size  }
0x9a: {  	s4 =	simm.s32 $_size__tile_overlayer_lowered;
	s5 =	simm.s32 $_tile_overlayer_lowered  }
0x9b: {  	s6 =	simm.s32 $0x1BFF;
	s21 =	sshll.u32 s5, $0x1;
	s3 =	sadd.s32 s20, s19  }
0x9c: {  	s22 =	simm.s32 $0x0;
	s4 =	sshll.u32 s4, $0x1;
	s5 =	sadd.s32 s21, s3  }
0x9d: {  	[timem:s22], [sflag:s6] =	dma.local [hbm:s5], s4  }
0x9e: {  	_ =	swait.ge [sflag:s6], s4  }
0x9f: {  	s4 =	ssub.s32 $0x0, s4;
	[sflag:s6] =	ssyncset.done $0x0  }
0xa0: {  	[sflag:s6] =	ssyncadd.s32 s4;
	_ =	sdelay $0x1  }
0xa1: {  	s23 =	simm.s32 $0x1B8B  }
0xa2: {  	_ =	swait.ge [sflag:s23], $0x1  }
0xa3: {  	[sflag:s23] =	ssyncset.done $0x0  }
0xa4: {  	[sflag:s23] =	ssyncadd.s32 $0xFFFFFFFF  }
0xa5: {  	s4 =	sld [smem:$0x0]  }
0xa6: {  	s5 =	sand.u32 $0xFFFFFFFE, s1  }
0xa7: {  	p0 =	sne.s32 s1, s5  }
0xa8: {  	s5 =	sshll.u32 @p0 s5, $0xE  }
0xa9: {  	s5 =	sadd.s32 @p0 $0x11B8D, s5;
	s6 =	sshll.u32 @p0 s4, $0x11  }
0xaa: {  	s5 =	sor.u32 @p0 s6, s5  }
0xab: {  	[sflag:s5] =	ssyncadd.remote.s32 @p0 $0x1;
	_ =	sdelay $0x1  }
0xac: {  	s5 =	simm.s32 @p0 $0x1B8D  }
0xad: {  	_ =	swait.eq @p0 [sflag:s5], $0x1  }
0xae: {  	[sflag:s5] =	ssyncadd.s32 @p0 $0xFFFFFFFF  }
0xaf: {  	s6 =	sshll.u32 @!p0 s1, $0xE  }
0xb0: {  	s6 =	sor.u32 @!p0 $0x4000, s6;
	s5 =	simm.s32 @!p0 $0x1B8D  }
0xb1: {  	s4 =	sshll.u32 @!p0 s4, $0x11;
	s6 =	sadd.s32 @!p0 $0x11B8D, s6;
	_ =	swait.eq @!p0 [sflag:s5], $0x1  }
0xb2: {  	s4 =	sor.u32 @!p0 s4, s6;
	[sflag:s5] =	ssyncadd.s32 @!p0 $0xFFFFFFFF  }
0xb3: {  	s25 =	simm.s32 $0x1B8E;
	s24 =	sld [smem:$0x3FFE];
	[sflag:s4] =	ssyncadd.remote.s32 @!p0 $0x1  }
0xb4: {  	s26 =	simm.s32 $execute0_lowered;
	[smem:$0x3FD2] =	sst s25  }
0xb5: {  	s5 =	sshll.u32 s26, $0x1;
	_ =	strace $0x80000064;
	[dreg:$0x1] =	wrdreg $0xFFFFFFFF  }
0xb6: {  	s28 =	simm.s32 $_size_execute0_lowered;
	s3 =	sadd.s32 s3, s5;
	[dreg:$0x0] =	wrdreg $0x0  }
0xb7: {  	s5 =	sshll.u32 s28, $0x1;
	[dreg:$0x2] =	wrdreg s3  }
0xb8: {  	[dreg:$0x3] =	wrdreg s5  }
0xb9: {  	[dreg:$0x4] =	wrdreg $0xC0  }
0xba: {  	_ =	task [dreg:s22], $0x5FFFF  }
0xbb: {  	[dreg:$0x1] =	wrdreg $0xFFFFFFFF  }
0xbc: {  	[dreg:$0x0] =	wrdreg $0x60  }
0xbd: {  	[dreg:$0x2] =	wrdreg s24  }
0xbe: {  	[dreg:$0x3] =	wrdreg $0x9  }
0xbf: {  	_ =	task.clear_ibuf [dreg:s22], $0x4FFFF;
	_ =	strace $0x90000064  }
0xc0: {  	s29 =	simm.s32 $0x9;
	_ =	strace $0x80000066  }
0xc1: {  	_ =	swait.ge [sflag:s29], $0x1  }
0xc2: {  	[sflag:s29] =	ssyncadd.s32 $0xFFFFFFFF  }
0xc3: {  	_ =	strace $0x90000066  }
0xc4: {  	_ =	sfence  }
0xc5: {  	s30 =	sld [smem:$0x0];
	_ =	sdelay $0x2  }
0xc6: {  	s31 =	sshll.u32 s1, $0xD;
	s1 =	sshrl.u32 s1, $0x2  }
0xc7: {  	s4 =	sand.u32 $0x4000, s31;
	s1 =	sadd.s32 s1, s30  }
0xc8: {  	s0 =	sor.u32 s4, s0;
	s1 =	sshll.u32 s1, $0x11  }
0xc9: {  	s0 =	sor.u32 s1, s0  }
0xca: {  	s0 =	sadd.s32 $0x8F2B, s0  }
0xcb: {  	[sflag:s0] =	ssyncadd.remote.s32 $0x1  }
0xcc: {  	_ =	sfence.sel $0xFFFF  }
0xcd: {  	[dreg:$0x0] =	wrdreg $0xFFFFFFFF;
	(pc) =	sbr.abs _section_cstart, $3  }
0xce: {  	[dreg:$0x1] =	wrdreg $0xFFFFFFFF  }
0xcf: {  	_ =	task.clear_ibuf [dreg:s22], $0x2FFFF;
	_ =	strace $0x9FFFFFFF  }
0xd0: {  	(tm) =	ssettm $0x7FFFFFFF  }
0xd1: {  	_ =	shalt  }
tec
execute0_lowered:
.L_overlay_start_1:
0x0: {  	(tag) =	ssettag $0x1  }
0x1: {  	s1 =	srdreg.scid  }
0x2: {  	s0 =	stileid.u32;
	s8 =	rddreg [dreg:$0x0];
	s5 =	simm.s32 $0x1  }
0x3: {  	s9 =	simm.s32 $0x1;
	s10 =	simm.s32 $0x3;
	s1 =	sshll.u32 s1, $0x5  }
0x4: {  	s13 =	simm.s32 $0x0;
	s2 =	sshll.u32 s0, $0x6;
	s3 =	sand.u32 $0x20, s1  }
0x5: {  	s12 =	simm.s32 $0x0;
	s4 =	sadd.s32 $0xD200, s8;
	s2 =	sor.u32 s2, s3  }
0x6: {  	s1 =	rddreg [dreg:$0x1];
	_ =	strace $0x80000065;
	s7 =	ssub.s32 $0x800, s2  }
.Ltmp0:
0x7: {  	s3 =	sadd.s32 $0x29E00, s8;
	s6 =	sand.u32 $0x3E0, s7;
	(pc) =	sbr.rel .LBB2_1-.Ltmp0, $4  }
0x8: {  	[sflag:s5] =	ssyncpa.u1 $0x0;
	s8 =	sadd.s32 $0xDA00, s8;
	p0 =	sne.s32 s6, $0x0  }
0x9: {  	s7 =	sshrl.u32 s7, $0xA;
	s6 =	simm.s32 $0x2;
	s9 =	simm.s32 @!p0 $0x0  }
0xa: {  	s11 =	smov.u32 s2;
	[sflag:s6] =	ssyncpa.u1 $0x0;
	s7 =	sadd.s32 s9, s7  }
0xb: {  	vm0 =	vmmov $0xffff;
	[sflag:s10] =	ssyncpa.u1 $0x0;
	s10 =	simm.s32 $0x0;
	s9 =	sadd.s32 $0x1, s7  }
.LBB2_5:
0xc: {  	s15 =	sadd.s32 $0x400, s11  }
0xd: {  	p1 =	sgt.s32 s15, $0x7FF  }
0xe: {  	s15 =	smov.u32 @p1 s2;
	p1 =	sne.s32 s12, s9  }
.Ltmp1:
0xf: {  	p0 =	slt.u32 s12, $0x2;
	(pc) =	sbr.rel @!p1 .LBB2_6-.Ltmp1, $4  }
0x10: {  	s14 =	simm.s32 @!p0 $0x3  }
0x11: {  	_ =	swait.ge @!p0 [sflag:s14], $0x20  }
0x12: {  	s16 =	sadd.s32 $0x1, s12;
	s13 =	smov.u32 s11;
	[sflag:s14] =	ssyncset.done @!p0 $0x0  }
0x13: {  	s12 =	smov.u32 s16;
	s11 =	smov.u32 s15;
	[sflag:s14] =	ssyncadd.s32 @!p0 $0xFFFFFFE0  }
.LBB2_1:
0x14: {  	p0 =	sge.u32 s12, s7  }
0x15: {  	s14 =	sxor.u32 @!p0 $0xFFFFFFFF, s12  }
0x16: {  	s31 =	sadd.s32 $0xFFFFFFFF, s12;
	s15 =	sshrl.u32 @!p0 s11, $0x3;
	s14 =	sshll.u32 @!p0 s14, $0x5  }
0x17: {  	s16 =	sand.u32 @!p0 $0x7, s11;
	s15 =	sadd.s32 @!p0 s4, s15;
	s14 =	sand.u32 @!p0 $0x20, s14  }
0x18: {  	[tilespmem:s14], [sflag:$0x2] =	stream.linear.gather @!p0 [hbm4b:s15+s16], $0x20, $0x38;
	[tilespmem:$0x80] =	vst v63  }
0x19: {  	p0 =	sge.u32 s31, s7  }
.Ltmp2:
0x1a: {  	_ = 	snop;
	(pc) =	sbr.rel @p0 .LBB2_5-.Ltmp2, $1  }
0x1b: {  	_ =	sdelay $0x3  }
0x1c: {  	_ =	swait.ge [sflag:s6], $0x20;
	s14 =	sshll.u32 s12, $0x5;
	s16 =	simm.s32 $0x0  }
0x1d: {  	p0 =	por $0x1, $0x1;
	[sflag:s6] =	ssyncset.done $0x0;
	s15 =	sand.u32 $0x20, s14  }
0x1e: {  	[sflag:s6] =	ssyncadd.s32 $0xFFFFFFE0;
	(ifvalue) =	ssetifvalue $0x7FFFFFFF;
	s14 =	sor.u32 $0x40, s15  }
.LBB2_3:
0x1f: {  	s17 =	sadd.s32 s16, s15  }
0x20: {  	v0 =	vld.msk [tilespmem:s17+$0x0 ss:$0x1], $0xffff;
	_ =	sdelay $0x4  }
0x21: {  	v1 =	vshrl.u32 v0, $0x4  }
0x22: {  	vm1 =	veq.s32 v0, $0x80000000;
	v0 =	vand.u32 $0xF, v0;
	v1 =	vand.u32 $0x3FFF, v1  }
0x23: {  	v0 =	vsel vm1, $0xFFFFFFFF, v0;
	v1 =	vsel vm1, $0xFFFFFFFF, v1  }
0x24: {  	v2 =	vshll.u32 v0, $0xE;
	v3 =	vshll.u32 v1, $0x3  }
0x25: {  	v0 =	vshll.u32 v0, $0x7;
	v2 =	vand.u32 $0xFFFE0000, v2;
	v3 =	vand.u32 $0xFFFFFC00, v3  }
0x26: {  	v0 =	vand.u32 $0x380, v0;
	v2 =	vadd.s32 v2, v3  }
0x27: {  	v1 =	vand.u32 $0x7F, v1;
	v0 =	vor.u32 v0, v2  }
0x28: {  	p1 =	por p0, p0;
	v0 =	vor.u32 v1, v0  }
.Ltmp3:
0x29: {  	_ = 	snop;
	(pc) =	sbr.rel @p1 .LBB2_3-.Ltmp3, $4  }
0x2a: {  	_ = 	snop  }
0x2b: {  	s31 =	sadd.s32 s16, s14  }
0x2c: {  	s16 =	simm.s32 $0x10;
	p0 =	por $0x0, $0x0;
	(ifvalue) =	ssetifvalue $0x7FFFFFFF  }
0x2d: {  	[tilespmem:s31], [sflag:$0x1] =	stream.indirect_vreg.gather [hbm4b:s3+s10], $0x1, v0, vm0, $0x4038;
	[tilespmem:$0x80] =	vst v63  }
.Ltmp4:
0x2e: {  	(pc) =	sbr.rel .LBB2_5-.Ltmp4, $4  }
0x2f: {  	_ =	swait.ge [sflag:s5], $0x20  }
0x30: {  	s15 =	sshrl.u32 s13, $0x3;
	[sflag:s5] =	ssyncset.done $0x0  }
0x31: {  	s31 =	sand.u32 $0x7, s13;
	s15 =	sadd.s32 s8, s15;
	[sflag:s5] =	ssyncadd.s32 $0xFFFFFFE0  }
0x32: {  	[hbm4b:s15+s31] =	stream.linear.scatter [tilespmem:s14], [sflag:$0x3], $0x20, $0x38;
	[tilespmem:$0x80] =	vst v63  }
.LBB2_6:
0x33: {  	_ =	sfence.sel $0x180000  }
0x34: {  	s2 =	simm.s32 $0x2;
	[bflag:$0x0] =	sbarrier.arrive $0xFFFF  }
0x35: {  	s30 =	simm.s32 $0x3;
	[sflag:s2] =	ssyncpa.u1 $0x1  }
0x36: {  	s31 =	simm.s32 $0x1;
	[sflag:s30] =	ssyncpa.u1 $0x1  }
0x37: {  	[sflag:s31] =	ssyncpa.u1 $0x1  }
0x38: {  	p0 =	sne.s32 s0, $0x0;
	_ =	strace $0x90000065  }
0x39: {  	s0 =	sadd.s32 @!p0 $0x100000, s1;
	[bflag:$0x2] =	sbarrier.arrive $0xFFFF  }
0x3a: {  	[sflag:s0] =	ssyncadd.tile.s32 @!p0 $0x1;
	_ =	shalt  }
.Lfunc_end2:
_tile_overlayer_lowered:
.L_overlay_start_2:
0x3b: {  	(tag) =	ssettag $0x2  }
0x3c: {  	s0 =	rddreg [dreg:$0x0];
	s2 =	stileid.u32  }
0x3d: {  	s1 =	rddreg [dreg:$0x1];
	p0 =	sne.s32 s2, $0x0  }
0x3e: {  	s3 =	rddreg [dreg:$0x2];
	[bflag:$0x3] =	sbarrier.arrive $0xFFFF;
	s2 =	simm.s32 @!p0 $0x1C01  }
0x3f: {  	[timem:s3], [sflag:s2] =	dma.local @!p0 [hbm:s0], s1  }
0x40: {  	s0 =	simm.s32 @!p0 $0x1  }
0x41: {  	_ =	swait.ge @!p0 [sflag:s0], s1  }
0x42: {  	s1 =	ssub.s32 @!p0 $0x0, s1;
	[sflag:s0] =	ssyncset.done @!p0 $0x0  }
0x43: {  	[sflag:s0] =	ssyncadd.s32 @!p0 s1  }
0x44: {  	[bflag:$0x3] =	sbarrier.arrive $0xFFFF  }
0x45: {  	_ =	shalt  }

// kernel: gather_offload_async_start.2
scs
__scs_entry_jumppad:
0x0: {  	(pc) =	sbr.rel $0x88, $3  }
0x1: {  	(tag) =	ssettag $0x0;
	lr =	simm.s32 $0x1  }
0x2: {  	[smem:$0x3F98] =	sst lr;
	_ =	strace $0xD0000000  }
0x3: {  	_ = 	snop  }
0x4: {  	_ = 	snop  }
0x5: {  	_ = 	snop  }
0x6: {  	_ = 	snop  }
0x7: {  	_ = 	snop  }
__scs_overlays_trampoline_lowered:
0x8: {  	[smem:$0x3FA7] =	sst s0  }
0x9: {  	[smem:$0x3FA8] =	sst s1  }
0xa: {  	[smem:$0x3FA9] =	sst s2  }
0xb: {  	[smem:$0x3FAA] =	sst s3  }
0xc: {  	[smem:$0x3FAB] =	sst s4  }
0xd: {  	[smem:$0x3FAC] =	sst s5  }
0xe: {  	[smem:$0x3FAD] =	sst s6  }
0xf: {  	[smem:$0x3FAE] =	sst s7  }
0x10: {  	[smem:$0x3FAF] =	sst s8  }
0x11: {  	[smem:$0x3FB0] =	sst s9;
	s0 =	simm.s32 @!p0 $0x0  }
0x12: {  	s1 =	sld [smem:$0x3F96];
	s0 =	simm.s32 @p0 $0x1  }
0x13: {  	[smem:$0x3FB1] =	sst s0;
	s0 =	simm.s32 @!p1 $0x0  }
0x14: {  	s2 =	sld [smem:$0x3F95];
	s0 =	simm.s32 @p1 $0x1  }
0x15: {  	[smem:$0x3FB2] =	sst s0;
	s0 =	simm.s32 @!p2 $0x0  }
0x16: {  	s3 =	sld [smem:$0x3FDB];
	s0 =	simm.s32 @p2 $0x1  }
0x17: {  	s4 =	simm.s32 $0x1BF5;
	[smem:$0x3FB4] =	sst s0  }
0x18: {  	s0 =	sld [smem:$0x3F97];
	_ =	swait.ge [sflag:s4], $0x0  }
0x19: {  	s7 =	sld [smem:$0x3F98]  }
0x1a: {  	s8 =	sadd.s32 $0xFFFFE003, lr  }
0x1b: {  	s9 =	sadd.s32 $0xFFFFFEF7, lr;
	s5 =	simm.s32 $0xFFFFFFFF;
	p2 =	slt.u32 s8, $0xFFFFF086  }
0x1c: {  	p1 =	slt.u32 s9, $0xF7A;
	s5 =	simm.s32 @!p2 $0x0  }
0x1d: {  	s5 =	simm.s32 @p1 $0x1;
	p0 =	seq.s32 s7, s2  }
0x1e: {  	s7 =	smul.u32 @!p0 $0xF7A, s2;
	p2 =	seq.s32 @!p0 s5, $0x0  }
0x1f: {  	s9 =	smul.u32 $0xF7A, s1;
	s8 =	simm.s32 @!p0 $0x1BF5;
	p2 =	por !p2, p0  }
0x20: {  	[sflag:s8] =	ssyncset.s32 @!p0 $0xFFFFF086;
	s6 =	sadd.s32 @!p0 s3, s7;
	s7 =	simm.s32 @!p0 $0x108  }
0x21: {  	s3 =	sadd.s32 s3, s9;
	s6 =	sadd.s32 @!p0 $0x88, s6;
	s7 =	simm.s32 @p2 $0x1082  }
0x22: {  	[simem:s7], [sflag:s8] =	dma.local @!p0 [hbm:s6], $0xF7A  }
0x23: {  	s9 =	sor.u32 $0xD0000000, s2;
	s6 =	simm.s32 $0x108;
	_ =	swait.ge @!p0 [sflag:s8], $0x0  }
0x24: {  	s3 =	sadd.s32 $0x88, s3;
	s6 =	simm.s32 @!p1 $0x1082;
	[sflag:s4] =	ssyncset.s32 $0xFFFFF086  }
0x25: {  	[simem:s6], [sflag:s4] =	dma.local [hbm:s3], $0xF7A  }
0x26: {  	[smem:$0x3F98] =	sst s1;
	(tag) =	ssettag s2;
	_ =	strace s9  }
0x27: {  	s1 =	sld [smem:$0x3FA8]  }
0x28: {  	s2 =	sld [smem:$0x3FA9]  }
0x29: {  	s4 =	sld [smem:$0x3FAB]  }
0x2a: {  	p0 =	seq.s32 s5, $0x0;
	s5 =	sld [smem:$0x3FAC]  }
0x2b: {  	s6 =	sld [smem:$0x3FAD]  }
0x2c: {  	s7 =	sld [smem:$0x3FAE]  }
0x2d: {  	s3 =	simm.s32 $0x108;
	s8 =	sld [smem:$0x3FAF]  }
0x2e: {  	s3 =	simm.s32 @!p0 $0x1082;
	s9 =	sld [smem:$0x3FB0]  }
0x2f: {  	lr =	sadd.s32 s0, s3;
	s0 =	sld [smem:$0x3FA7]  }
0x30: {  	s3 =	sld [smem:$0x3FAA]  }
0x31: {  	[smem:$0x3FB3] =	sst s10  }
0x32: {  	s10 =	sld [smem:$0x3FB1];
	_ =	sdelay $0x3  }
0x33: {  	p0 =	seq.s32 s10, $0x1;
	s10 =	sld [smem:$0x3FB3];
	_ =	sdelay $0x3  }
0x34: {  	[smem:$0x3FB3] =	sst s10  }
0x35: {  	s10 =	sld [smem:$0x3FB2];
	_ =	sdelay $0x3  }
0x36: {  	p1 =	seq.s32 s10, $0x1;
	s10 =	sld [smem:$0x3FB3];
	_ =	sdelay $0x3  }
0x37: {  	[smem:$0x3FB3] =	sst s10  }
0x38: {  	s10 =	sld [smem:$0x3FB4]  }
0x39: {  	_ = 	snop;
	(pc) =	sbr.ind lr, $3  }
0x3a: {  	_ = 	snop  }
0x3b: {  	_ = 	snop  }
0x3c: {  	p2 =	seq.s32 s10, $0x1;
	s10 =	sld [smem:$0x3FB3]  }
0x3d: {  	_ =	shalt  }
0x3e: {  	_ =	shalt  }
0x3f: {  	_ =	shalt  }
0x40: {  	_ =	shalt  }
0x41: {  	_ =	shalt  }
0x42: {  	_ =	shalt  }
0x43: {  	_ =	shalt  }
0x44: {  	_ =	shalt  }
0x45: {  	_ =	shalt  }
0x46: {  	_ =	shalt  }
0x47: {  	_ =	shalt  }
0x48: {  	_ =	shalt  }
0x49: {  	_ =	shalt  }
0x4a: {  	_ =	shalt  }
0x4b: {  	_ =	shalt  }
0x4c: {  	_ =	shalt  }
0x4d: {  	_ =	shalt  }
0x4e: {  	_ =	shalt  }
0x4f: {  	_ =	shalt  }
0x50: {  	_ =	shalt  }
0x51: {  	_ =	shalt  }
0x52: {  	_ =	shalt  }
0x53: {  	_ =	shalt  }
0x54: {  	_ =	shalt  }
0x55: {  	_ =	shalt  }
0x56: {  	_ =	shalt  }
0x57: {  	_ =	shalt  }
0x58: {  	_ =	shalt  }
0x59: {  	_ =	shalt  }
0x5a: {  	_ =	shalt  }
0x5b: {  	_ =	shalt  }
0x5c: {  	_ =	shalt  }
0x5d: {  	_ =	shalt  }
0x5e: {  	_ =	shalt  }
0x5f: {  	_ =	shalt  }
0x60: {  	_ =	shalt  }
0x61: {  	_ =	shalt  }
0x62: {  	_ =	shalt  }
0x63: {  	_ =	shalt  }
0x64: {  	_ =	shalt  }
0x65: {  	_ =	shalt  }
0x66: {  	_ =	shalt  }
0x67: {  	_ =	shalt  }
0x68: {  	_ =	shalt  }
0x69: {  	_ =	shalt  }
0x6a: {  	_ =	shalt  }
0x6b: {  	_ =	shalt  }
0x6c: {  	_ =	shalt  }
0x6d: {  	_ =	shalt  }
0x6e: {  	_ =	shalt  }
0x6f: {  	_ =	shalt  }
0x70: {  	_ =	shalt  }
0x71: {  	_ =	shalt  }
0x72: {  	_ =	shalt  }
0x73: {  	_ =	shalt  }
0x74: {  	_ =	shalt  }
0x75: {  	_ =	shalt  }
0x76: {  	_ =	shalt  }
0x77: {  	_ =	shalt  }
0x78: {  	_ =	shalt  }
0x79: {  	_ =	shalt  }
0x7a: {  	_ =	shalt  }
0x7b: {  	_ =	shalt  }
0x7c: {  	_ =	shalt  }
0x7d: {  	_ =	shalt  }
0x7e: {  	_ =	shalt  }
0x7f: {  	_ =	shalt  }
0x80: {  	_ =	shalt  }
0x81: {  	_ =	shalt  }
0x82: {  	_ =	shalt  }
0x83: {  	_ =	shalt  }
0x84: {  	_ =	shalt  }
0x85: {  	_ =	shalt  }
0x86: {  	_ =	shalt  }
0x87: {  	_ =	shalt  }
.Lfunc_end0:
.L_simem_size_0:
called_computation.2_lowered:
.L_overlay_start_0:
0x88: {  	s2 =	sld [smem:$0x3FD9]  }
0x89: {  	s3 =	sld [smem:$0x3FFE];
	_ =	sdelay $0x1  }
0x8a: {  	s1 =	srdreg.scid  }
0x8b: {  	s0 =	sand.u32 $0x1, s1  }
0x8c: {  	s17 =	sshll.u32 s0, $0xA;
	s2 =	sadd.s32 s3, s2  }
0x8d: {  	s2 =	sadd.s32 s2, s17  }
0x8e: {  	[smem:$0x3FBF] =	sst s2  }
0x8f: {  	_ = 	snop  }
0x90: {  	(tm) =	ssettm $0x1  }
0x91: {  	s18 =	sld [smem:$0x3FFB];
	_ =	sdelay $0x3  }
0x92: {  	_ =	strace s18  }
0x93: {  	s2 =	sld [smem:$0x3FFC];
	_ =	sdelay $0x3  }
0x94: {  	_ =	strace s2  }
0x95: {  	s2 =	sld [smem:$0x3FFD];
	_ =	sdelay $0x3  }
0x96: {  	_ =	strace s2  }
0x97: {  	_ =	strace $0x8FFFFFFF  }
0x98: {  	s19 =	sld [smem:$0x3FDB];
	_ =	sdelay $0x1  }
0x99: {  	s20 =	simm.s32 $_scs_section_size  }
0x9a: {  	s4 =	simm.s32 $_size__tile_overlayer_lowered;
	s5 =	simm.s32 $_tile_overlayer_lowered  }
0x9b: {  	s6 =	simm.s32 $0x1BFF;
	s21 =	sshll.u32 s5, $0x1;
	s3 =	sadd.s32 s20, s19  }
0x9c: {  	s22 =	simm.s32 $0x0;
	s4 =	sshll.u32 s4, $0x1;
	s5 =	sadd.s32 s21, s3  }
0x9d: {  	[timem:s22], [sflag:s6] =	dma.local [hbm:s5], s4  }
0x9e: {  	_ =	swait.ge [sflag:s6], s4  }
0x9f: {  	s4 =	ssub.s32 $0x0, s4;
	[sflag:s6] =	ssyncset.done $0x0  }
0xa0: {  	[sflag:s6] =	ssyncadd.s32 s4;
	_ =	sdelay $0x1  }
0xa1: {  	s23 =	simm.s32 $0x1B8B  }
0xa2: {  	_ =	swait.ge [sflag:s23], $0x1  }
0xa3: {  	[sflag:s23] =	ssyncset.done $0x0  }
0xa4: {  	[sflag:s23] =	ssyncadd.s32 $0xFFFFFFFF  }
0xa5: {  	s4 =	sld [smem:$0x0]  }
0xa6: {  	s5 =	sand.u32 $0xFFFFFFFE, s1  }
0xa7: {  	p0 =	sne.s32 s1, s5  }
0xa8: {  	s5 =	sshll.u32 @p0 s5, $0xE  }
0xa9: {  	s5 =	sadd.s32 @p0 $0x11B8D, s5;
	s6 =	sshll.u32 @p0 s4, $0x11  }
0xaa: {  	s5 =	sor.u32 @p0 s6, s5  }
0xab: {  	[sflag:s5] =	ssyncadd.remote.s32 @p0 $0x1;
	_ =	sdelay $0x1  }
0xac: {  	s5 =	simm.s32 @p0 $0x1B8D  }
0xad: {  	_ =	swait.eq @p0 [sflag:s5], $0x1  }
0xae: {  	[sflag:s5] =	ssyncadd.s32 @p0 $0xFFFFFFFF  }
0xaf: {  	s6 =	sshll.u32 @!p0 s1, $0xE  }
0xb0: {  	s6 =	sor.u32 @!p0 $0x4000, s6;
	s5 =	simm.s32 @!p0 $0x1B8D  }
0xb1: {  	s4 =	sshll.u32 @!p0 s4, $0x11;
	s6 =	sadd.s32 @!p0 $0x11B8D, s6;
	_ =	swait.eq @!p0 [sflag:s5], $0x1  }
0xb2: {  	s4 =	sor.u32 @!p0 s4, s6;
	[sflag:s5] =	ssyncadd.s32 @!p0 $0xFFFFFFFF  }
0xb3: {  	s25 =	simm.s32 $0x1B8E;
	s24 =	sld [smem:$0x3FFE];
	[sflag:s4] =	ssyncadd.remote.s32 @!p0 $0x1  }
0xb4: {  	s26 =	simm.s32 $execute0_lowered;
	[smem:$0x3FD2] =	sst s25  }
0xb5: {  	s5 =	sshll.u32 s26, $0x1;
	_ =	strace $0x80000061;
	[dreg:$0x1] =	wrdreg $0xFFFFFFFF  }
0xb6: {  	s28 =	simm.s32 $_size_execute0_lowered;
	s3 =	sadd.s32 s3, s5;
	[dreg:$0x0] =	wrdreg $0x0  }
0xb7: {  	s5 =	sshll.u32 s28, $0x1;
	[dreg:$0x2] =	wrdreg s3  }
0xb8: {  	[dreg:$0x3] =	wrdreg s5  }
0xb9: {  	[dreg:$0x4] =	wrdreg $0xC0  }
0xba: {  	_ =	task [dreg:s22], $0x5FFFF  }
0xbb: {  	[dreg:$0x1] =	wrdreg $0xFFFFFFFF  }
0xbc: {  	[dreg:$0x0] =	wrdreg $0x60  }
0xbd: {  	[dreg:$0x2] =	wrdreg s24  }
0xbe: {  	[dreg:$0x3] =	wrdreg $0xC  }
0xbf: {  	_ =	task.clear_ibuf [dreg:s22], $0x4FFFF;
	_ =	strace $0x90000061  }
0xc0: {  	s29 =	simm.s32 $0xC;
	_ =	strace $0x80000063  }
0xc1: {  	_ =	swait.ge [sflag:s29], $0x1  }
0xc2: {  	[sflag:s29] =	ssyncadd.s32 $0xFFFFFFFF  }
0xc3: {  	_ =	strace $0x90000063  }
0xc4: {  	_ =	sfence  }
0xc5: {  	s30 =	sld [smem:$0x0];
	_ =	sdelay $0x2  }
0xc6: {  	s31 =	sshll.u32 s1, $0xD;
	s1 =	sshrl.u32 s1, $0x2  }
0xc7: {  	s4 =	sand.u32 $0x4000, s31;
	s1 =	sadd.s32 s1, s30  }
0xc8: {  	s0 =	sor.u32 s4, s0;
	s1 =	sshll.u32 s1, $0x11  }
0xc9: {  	s0 =	sor.u32 s1, s0  }
0xca: {  	s0 =	sadd.s32 $0x8F2B, s0  }
0xcb: {  	[sflag:s0] =	ssyncadd.remote.s32 $0x1  }
0xcc: {  	_ =	sfence.sel $0xFFFF  }
0xcd: {  	[dreg:$0x0] =	wrdreg $0xFFFFFFFF;
	(pc) =	sbr.abs _section_cstart, $3  }
0xce: {  	[dreg:$0x1] =	wrdreg $0xFFFFFFFF  }
0xcf: {  	_ =	task.clear_ibuf [dreg:s22], $0x2FFFF;
	_ =	strace $0x9FFFFFFF  }
0xd0: {  	(tm) =	ssettm $0x7FFFFFFF  }
0xd1: {  	_ =	shalt  }
tec
execute0_lowered:
.L_overlay_start_1:
0x0: {  	(tag) =	ssettag $0x1  }
0x1: {  	s1 =	srdreg.scid  }
0x2: {  	s0 =	stileid.u32;
	s8 =	rddreg [dreg:$0x0];
	s5 =	simm.s32 $0x1  }
0x3: {  	s9 =	simm.s32 $0x1;
	s10 =	simm.s32 $0x3;
	s1 =	sshll.u32 s1, $0x5  }
0x4: {  	s13 =	simm.s32 $0x0;
	s2 =	sshll.u32 s0, $0x6;
	s3 =	sand.u32 $0x20, s1  }
0x5: {  	s12 =	simm.s32 $0x0;
	s4 =	sadd.s32 $0xD200, s8;
	s2 =	sor.u32 s2, s3  }
0x6: {  	s1 =	rddreg [dreg:$0x1];
	_ =	strace $0x80000062;
	s7 =	ssub.s32 $0x800, s2  }
.Ltmp0:
0x7: {  	s3 =	sadd.s32 $0x19C00, s8;
	s6 =	sand.u32 $0x3E0, s7;
	(pc) =	sbr.rel .LBB2_1-.Ltmp0, $4  }
0x8: {  	[sflag:s5] =	ssyncpa.u1 $0x0;
	s8 =	sadd.s32 $0x2800, s8;
	p0 =	sne.s32 s6, $0x0  }
0x9: {  	s7 =	sshrl.u32 s7, $0xA;
	s6 =	simm.s32 $0x2;
	s9 =	simm.s32 @!p0 $0x0  }
0xa: {  	s11 =	smov.u32 s2;
	[sflag:s6] =	ssyncpa.u1 $0x0;
	s7 =	sadd.s32 s9, s7  }
0xb: {  	vm0 =	vmmov $0xffff;
	[sflag:s10] =	ssyncpa.u1 $0x0;
	s10 =	simm.s32 $0x0;
	s9 =	sadd.s32 $0x1, s7  }
.LBB2_5:
0xc: {  	s15 =	sadd.s32 $0x400, s11  }
0xd: {  	p1 =	sgt.s32 s15, $0x7FF  }
0xe: {  	s15 =	smov.u32 @p1 s2;
	p1 =	sne.s32 s12, s9  }
.Ltmp1:
0xf: {  	p0 =	slt.u32 s12, $0x2;
	(pc) =	sbr.rel @!p1 .LBB2_6-.Ltmp1, $4  }
0x10: {  	s14 =	simm.s32 @!p0 $0x3  }
0x11: {  	_ =	swait.ge @!p0 [sflag:s14], $0x20  }
0x12: {  	s16 =	sadd.s32 $0x1, s12;
	s13 =	smov.u32 s11;
	[sflag:s14] =	ssyncset.done @!p0 $0x0  }
0x13: {  	s12 =	smov.u32 s16;
	s11 =	smov.u32 s15;
	[sflag:s14] =	ssyncadd.s32 @!p0 $0xFFFFFFE0  }
.LBB2_1:
0x14: {  	p0 =	sge.u32 s12, s7  }
0x15: {  	s14 =	sxor.u32 @!p0 $0xFFFFFFFF, s12  }
0x16: {  	s31 =	sadd.s32 $0xFFFFFFFF, s12;
	s15 =	sshrl.u32 @!p0 s11, $0x3;
	s14 =	sshll.u32 @!p0 s14, $0x5  }
0x17: {  	s16 =	sand.u32 @!p0 $0x7, s11;
	s15 =	sadd.s32 @!p0 s4, s15;
	s14 =	sand.u32 @!p0 $0x20, s14  }
0x18: {  	[tilespmem:s14], [sflag:$0x2] =	stream.linear.gather @!p0 [hbm4b:s15+s16], $0x20, $0x38;
	[tilespmem:$0x80] =	vst v63  }
0x19: {  	p0 =	sge.u32 s31, s7  }
.Ltmp2:
0x1a: {  	_ = 	snop;
	(pc) =	sbr.rel @p0 .LBB2_5-.Ltmp2, $1  }
0x1b: {  	_ =	sdelay $0x3  }
0x1c: {  	_ =	swait.ge [sflag:s6], $0x20;
	s14 =	sshll.u32 s12, $0x5;
	s16 =	simm.s32 $0x0  }
0x1d: {  	p0 =	por $0x1, $0x1;
	[sflag:s6] =	ssyncset.done $0x0;
	s15 =	sand.u32 $0x20, s14  }
0x1e: {  	[sflag:s6] =	ssyncadd.s32 $0xFFFFFFE0;
	(ifvalue) =	ssetifvalue $0x7FFFFFFF;
	s14 =	sor.u32 $0x40, s15  }
.LBB2_3:
0x1f: {  	s17 =	sadd.s32 s16, s15  }
0x20: {  	v0 =	vld.msk [tilespmem:s17+$0x0 ss:$0x1], $0xffff;
	_ =	sdelay $0x4  }
0x21: {  	v1 =	vshrl.u32 v0, $0x4  }
0x22: {  	vm1 =	veq.s32 v0, $0x80000000;
	v0 =	vand.u32 $0xF, v0;
	v1 =	vand.u32 $0x3FFF, v1  }
0x23: {  	v0 =	vsel vm1, $0xFFFFFFFF, v0;
	v1 =	vsel vm1, $0xFFFFFFFF, v1  }
0x24: {  	v2 =	vshll.u32 v0, $0xE;
	v3 =	vshll.u32 v1, $0x3  }
0x25: {  	v0 =	vshll.u32 v0, $0x7;
	v2 =	vand.u32 $0xFFFE0000, v2;
	v3 =	vand.u32 $0xFFFFFC00, v3  }
0x26: {  	v0 =	vand.u32 $0x380, v0;
	v2 =	vadd.s32 v2, v3  }
0x27: {  	v1 =	vand.u32 $0x7F, v1;
	v0 =	vor.u32 v0, v2  }
0x28: {  	p1 =	por p0, p0;
	v0 =	vor.u32 v1, v0  }
.Ltmp3:
0x29: {  	_ = 	snop;
	(pc) =	sbr.rel @p1 .LBB2_3-.Ltmp3, $4  }
0x2a: {  	_ = 	snop  }
0x2b: {  	s31 =	sadd.s32 s16, s14  }
0x2c: {  	s16 =	simm.s32 $0x10;
	p0 =	por $0x0, $0x0;
	(ifvalue) =	ssetifvalue $0x7FFFFFFF  }
0x2d: {  	[tilespmem:s31], [sflag:$0x1] =	stream.indirect_vreg.gather [hbm4b:s3+s10], $0x1, v0, vm0, $0x4038;
	[tilespmem:$0x80] =	vst v63  }
.Ltmp4:
0x2e: {  	(pc) =	sbr.rel .LBB2_5-.Ltmp4, $4  }
0x2f: {  	_ =	swait.ge [sflag:s5], $0x20  }
0x30: {  	s15 =	sshrl.u32 s13, $0x3;
	[sflag:s5] =	ssyncset.done $0x0  }
0x31: {  	s31 =	sand.u32 $0x7, s13;
	s15 =	sadd.s32 s8, s15;
	[sflag:s5] =	ssyncadd.s32 $0xFFFFFFE0  }
0x32: {  	[hbm4b:s15+s31] =	stream.linear.scatter [tilespmem:s14], [sflag:$0x3], $0x20, $0x38;
	[tilespmem:$0x80] =	vst v63  }
.LBB2_6:
0x33: {  	_ =	sfence.sel $0x180000  }
0x34: {  	s2 =	simm.s32 $0x2;
	[bflag:$0x0] =	sbarrier.arrive $0xFFFF  }
0x35: {  	s30 =	simm.s32 $0x3;
	[sflag:s2] =	ssyncpa.u1 $0x1  }
0x36: {  	s31 =	simm.s32 $0x1;
	[sflag:s30] =	ssyncpa.u1 $0x1  }
0x37: {  	[sflag:s31] =	ssyncpa.u1 $0x1  }
0x38: {  	p0 =	sne.s32 s0, $0x0;
	_ =	strace $0x90000062  }
0x39: {  	s0 =	sadd.s32 @!p0 $0x100000, s1;
	[bflag:$0x2] =	sbarrier.arrive $0xFFFF  }
0x3a: {  	[sflag:s0] =	ssyncadd.tile.s32 @!p0 $0x1;
	_ =	shalt  }
.Lfunc_end2:
_tile_overlayer_lowered:
.L_overlay_start_2:
0x3b: {  	(tag) =	ssettag $0x2  }
0x3c: {  	s0 =	rddreg [dreg:$0x0];
	s2 =	stileid.u32  }
0x3d: {  	s1 =	rddreg [dreg:$0x1];
	p0 =	sne.s32 s2, $0x0  }
0x3e: {  	s3 =	rddreg [dreg:$0x2];
	[bflag:$0x3] =	sbarrier.arrive $0xFFFF;
	s2 =	simm.s32 @!p0 $0x1C01  }
0x3f: {  	[timem:s3], [sflag:s2] =	dma.local @!p0 [hbm:s0], s1  }
0x40: {  	s0 =	simm.s32 @!p0 $0x1  }
0x41: {  	_ =	swait.ge @!p0 [sflag:s0], s1  }
0x42: {  	s1 =	ssub.s32 @!p0 $0x0, s1;
	[sflag:s0] =	ssyncset.done @!p0 $0x0  }
0x43: {  	[sflag:s0] =	ssyncadd.s32 @!p0 s1  }
0x44: {  	[bflag:$0x3] =	sbarrier.arrive $0xFFFF  }
0x45: {  	_ =	shalt  }

// kernel: gather_offload_async_start.3
scs
__scs_entry_jumppad:
0x0: {  	(pc) =	sbr.rel $0x88, $3  }
0x1: {  	(tag) =	ssettag $0x0;
	lr =	simm.s32 $0x1  }
0x2: {  	[smem:$0x3F98] =	sst lr;
	_ =	strace $0xD0000000  }
0x3: {  	_ = 	snop  }
0x4: {  	_ = 	snop  }
0x5: {  	_ = 	snop  }
0x6: {  	_ = 	snop  }
0x7: {  	_ = 	snop  }
__scs_overlays_trampoline_lowered:
0x8: {  	[smem:$0x3FA7] =	sst s0  }
0x9: {  	[smem:$0x3FA8] =	sst s1  }
0xa: {  	[smem:$0x3FA9] =	sst s2  }
0xb: {  	[smem:$0x3FAA] =	sst s3  }
0xc: {  	[smem:$0x3FAB] =	sst s4  }
0xd: {  	[smem:$0x3FAC] =	sst s5  }
0xe: {  	[smem:$0x3FAD] =	sst s6  }
0xf: {  	[smem:$0x3FAE] =	sst s7  }
0x10: {  	[smem:$0x3FAF] =	sst s8  }
0x11: {  	[smem:$0x3FB0] =	sst s9;
	s0 =	simm.s32 @!p0 $0x0  }
0x12: {  	s1 =	sld [smem:$0x3F96];
	s0 =	simm.s32 @p0 $0x1  }
0x13: {  	[smem:$0x3FB1] =	sst s0;
	s0 =	simm.s32 @!p1 $0x0  }
0x14: {  	s2 =	sld [smem:$0x3F95];
	s0 =	simm.s32 @p1 $0x1  }
0x15: {  	[smem:$0x3FB2] =	sst s0;
	s0 =	simm.s32 @!p2 $0x0  }
0x16: {  	s3 =	sld [smem:$0x3FDB];
	s0 =	simm.s32 @p2 $0x1  }
0x17: {  	s4 =	simm.s32 $0x1BF5;
	[smem:$0x3FB4] =	sst s0  }
0x18: {  	s0 =	sld [smem:$0x3F97];
	_ =	swait.ge [sflag:s4], $0x0  }
0x19: {  	s7 =	sld [smem:$0x3F98]  }
0x1a: {  	s8 =	sadd.s32 $0xFFFFE003, lr  }
0x1b: {  	s9 =	sadd.s32 $0xFFFFFEF7, lr;
	s5 =	simm.s32 $0xFFFFFFFF;
	p2 =	slt.u32 s8, $0xFFFFF086  }
0x1c: {  	p1 =	slt.u32 s9, $0xF7A;
	s5 =	simm.s32 @!p2 $0x0  }
0x1d: {  	s5 =	simm.s32 @p1 $0x1;
	p0 =	seq.s32 s7, s2  }
0x1e: {  	s7 =	smul.u32 @!p0 $0xF7A, s2;
	p2 =	seq.s32 @!p0 s5, $0x0  }
0x1f: {  	s9 =	smul.u32 $0xF7A, s1;
	s8 =	simm.s32 @!p0 $0x1BF5;
	p2 =	por !p2, p0  }
0x20: {  	[sflag:s8] =	ssyncset.s32 @!p0 $0xFFFFF086;
	s6 =	sadd.s32 @!p0 s3, s7;
	s7 =	simm.s32 @!p0 $0x108  }
0x21: {  	s3 =	sadd.s32 s3, s9;
	s6 =	sadd.s32 @!p0 $0x88, s6;
	s7 =	simm.s32 @p2 $0x1082  }
0x22: {  	[simem:s7], [sflag:s8] =	dma.local @!p0 [hbm:s6], $0xF7A  }
0x23: {  	s9 =	sor.u32 $0xD0000000, s2;
	s6 =	simm.s32 $0x108;
	_ =	swait.ge @!p0 [sflag:s8], $0x0  }
0x24: {  	s3 =	sadd.s32 $0x88, s3;
	s6 =	simm.s32 @!p1 $0x1082;
	[sflag:s4] =	ssyncset.s32 $0xFFFFF086  }
0x25: {  	[simem:s6], [sflag:s4] =	dma.local [hbm:s3], $0xF7A  }
0x26: {  	[smem:$0x3F98] =	sst s1;
	(tag) =	ssettag s2;
	_ =	strace s9  }
0x27: {  	s1 =	sld [smem:$0x3FA8]  }
0x28: {  	s2 =	sld [smem:$0x3FA9]  }
0x29: {  	s4 =	sld [smem:$0x3FAB]  }
0x2a: {  	p0 =	seq.s32 s5, $0x0;
	s5 =	sld [smem:$0x3FAC]  }
0x2b: {  	s6 =	sld [smem:$0x3FAD]  }
0x2c: {  	s7 =	sld [smem:$0x3FAE]  }
0x2d: {  	s3 =	simm.s32 $0x108;
	s8 =	sld [smem:$0x3FAF]  }
0x2e: {  	s3 =	simm.s32 @!p0 $0x1082;
	s9 =	sld [smem:$0x3FB0]  }
0x2f: {  	lr =	sadd.s32 s0, s3;
	s0 =	sld [smem:$0x3FA7]  }
0x30: {  	s3 =	sld [smem:$0x3FAA]  }
0x31: {  	[smem:$0x3FB3] =	sst s10  }
0x32: {  	s10 =	sld [smem:$0x3FB1];
	_ =	sdelay $0x3  }
0x33: {  	p0 =	seq.s32 s10, $0x1;
	s10 =	sld [smem:$0x3FB3];
	_ =	sdelay $0x3  }
0x34: {  	[smem:$0x3FB3] =	sst s10  }
0x35: {  	s10 =	sld [smem:$0x3FB2];
	_ =	sdelay $0x3  }
0x36: {  	p1 =	seq.s32 s10, $0x1;
	s10 =	sld [smem:$0x3FB3];
	_ =	sdelay $0x3  }
0x37: {  	[smem:$0x3FB3] =	sst s10  }
0x38: {  	s10 =	sld [smem:$0x3FB4]  }
0x39: {  	_ = 	snop;
	(pc) =	sbr.ind lr, $3  }
0x3a: {  	_ = 	snop  }
0x3b: {  	_ = 	snop  }
0x3c: {  	p2 =	seq.s32 s10, $0x1;
	s10 =	sld [smem:$0x3FB3]  }
0x3d: {  	_ =	shalt  }
0x3e: {  	_ =	shalt  }
0x3f: {  	_ =	shalt  }
0x40: {  	_ =	shalt  }
0x41: {  	_ =	shalt  }
0x42: {  	_ =	shalt  }
0x43: {  	_ =	shalt  }
0x44: {  	_ =	shalt  }
0x45: {  	_ =	shalt  }
0x46: {  	_ =	shalt  }
0x47: {  	_ =	shalt  }
0x48: {  	_ =	shalt  }
0x49: {  	_ =	shalt  }
0x4a: {  	_ =	shalt  }
0x4b: {  	_ =	shalt  }
0x4c: {  	_ =	shalt  }
0x4d: {  	_ =	shalt  }
0x4e: {  	_ =	shalt  }
0x4f: {  	_ =	shalt  }
0x50: {  	_ =	shalt  }
0x51: {  	_ =	shalt  }
0x52: {  	_ =	shalt  }
0x53: {  	_ =	shalt  }
0x54: {  	_ =	shalt  }
0x55: {  	_ =	shalt  }
0x56: {  	_ =	shalt  }
0x57: {  	_ =	shalt  }
0x58: {  	_ =	shalt  }
0x59: {  	_ =	shalt  }
0x5a: {  	_ =	shalt  }
0x5b: {  	_ =	shalt  }
0x5c: {  	_ =	shalt  }
0x5d: {  	_ =	shalt  }
0x5e: {  	_ =	shalt  }
0x5f: {  	_ =	shalt  }
0x60: {  	_ =	shalt  }
0x61: {  	_ =	shalt  }
0x62: {  	_ =	shalt  }
0x63: {  	_ =	shalt  }
0x64: {  	_ =	shalt  }
0x65: {  	_ =	shalt  }
0x66: {  	_ =	shalt  }
0x67: {  	_ =	shalt  }
0x68: {  	_ =	shalt  }
0x69: {  	_ =	shalt  }
0x6a: {  	_ =	shalt  }
0x6b: {  	_ =	shalt  }
0x6c: {  	_ =	shalt  }
0x6d: {  	_ =	shalt  }
0x6e: {  	_ =	shalt  }
0x6f: {  	_ =	shalt  }
0x70: {  	_ =	shalt  }
0x71: {  	_ =	shalt  }
0x72: {  	_ =	shalt  }
0x73: {  	_ =	shalt  }
0x74: {  	_ =	shalt  }
0x75: {  	_ =	shalt  }
0x76: {  	_ =	shalt  }
0x77: {  	_ =	shalt  }
0x78: {  	_ =	shalt  }
0x79: {  	_ =	shalt  }
0x7a: {  	_ =	shalt  }
0x7b: {  	_ =	shalt  }
0x7c: {  	_ =	shalt  }
0x7d: {  	_ =	shalt  }
0x7e: {  	_ =	shalt  }
0x7f: {  	_ =	shalt  }
0x80: {  	_ =	shalt  }
0x81: {  	_ =	shalt  }
0x82: {  	_ =	shalt  }
0x83: {  	_ =	shalt  }
0x84: {  	_ =	shalt  }
0x85: {  	_ =	shalt  }
0x86: {  	_ =	shalt  }
0x87: {  	_ =	shalt  }
.Lfunc_end0:
.L_simem_size_0:
called_computation.3_lowered:
.L_overlay_start_0:
0x88: {  	s2 =	sld [smem:$0x3FD9]  }
0x89: {  	s3 =	sld [smem:$0x3FFE];
	_ =	sdelay $0x1  }
0x8a: {  	s1 =	srdreg.scid  }
0x8b: {  	s0 =	sand.u32 $0x1, s1  }
0x8c: {  	s17 =	sshll.u32 s0, $0xA;
	s2 =	sadd.s32 s3, s2  }
0x8d: {  	s2 =	sadd.s32 s2, s17  }
0x8e: {  	[smem:$0x3FBF] =	sst s2  }
0x8f: {  	_ = 	snop  }
0x90: {  	(tm) =	ssettm $0x1  }
0x91: {  	s18 =	sld [smem:$0x3FFB];
	_ =	sdelay $0x3  }
0x92: {  	_ =	strace s18  }
0x93: {  	s2 =	sld [smem:$0x3FFC];
	_ =	sdelay $0x3  }
0x94: {  	_ =	strace s2  }
0x95: {  	s2 =	sld [smem:$0x3FFD];
	_ =	sdelay $0x3  }
0x96: {  	_ =	strace s2  }
0x97: {  	_ =	strace $0x8FFFFFFF  }
0x98: {  	s19 =	sld [smem:$0x3FDB];
	_ =	sdelay $0x1  }
0x99: {  	s20 =	simm.s32 $_scs_section_size  }
0x9a: {  	s4 =	simm.s32 $_size__tile_overlayer_lowered;
	s5 =	simm.s32 $_tile_overlayer_lowered  }
0x9b: {  	s6 =	simm.s32 $0x1BFF;
	s21 =	sshll.u32 s5, $0x1;
	s3 =	sadd.s32 s20, s19  }
0x9c: {  	s22 =	simm.s32 $0x0;
	s4 =	sshll.u32 s4, $0x1;
	s5 =	sadd.s32 s21, s3  }
0x9d: {  	[timem:s22], [sflag:s6] =	dma.local [hbm:s5], s4  }
0x9e: {  	_ =	swait.ge [sflag:s6], s4  }
0x9f: {  	s4 =	ssub.s32 $0x0, s4;
	[sflag:s6] =	ssyncset.done $0x0  }
0xa0: {  	[sflag:s6] =	ssyncadd.s32 s4;
	_ =	sdelay $0x1  }
0xa1: {  	s23 =	simm.s32 $0x1B8B  }
0xa2: {  	_ =	swait.ge [sflag:s23], $0x1  }
0xa3: {  	[sflag:s23] =	ssyncset.done $0x0  }
0xa4: {  	[sflag:s23] =	ssyncadd.s32 $0xFFFFFFFF  }
0xa5: {  	s4 =	sld [smem:$0x0]  }
0xa6: {  	s5 =	sand.u32 $0xFFFFFFFE, s1  }
0xa7: {  	p0 =	sne.s32 s1, s5  }
0xa8: {  	s5 =	sshll.u32 @p0 s5, $0xE  }
0xa9: {  	s5 =	sadd.s32 @p0 $0x11B8D, s5;
	s6 =	sshll.u32 @p0 s4, $0x11  }
0xaa: {  	s5 =	sor.u32 @p0 s6, s5  }
0xab: {  	[sflag:s5] =	ssyncadd.remote.s32 @p0 $0x1;
	_ =	sdelay $0x1  }
0xac: {  	s5 =	simm.s32 @p0 $0x1B8D  }
0xad: {  	_ =	swait.eq @p0 [sflag:s5], $0x1  }
0xae: {  	[sflag:s5] =	ssyncadd.s32 @p0 $0xFFFFFFFF  }
0xaf: {  	s6 =	sshll.u32 @!p0 s1, $0xE  }
0xb0: {  	s6 =	sor.u32 @!p0 $0x4000, s6;
	s5 =	simm.s32 @!p0 $0x1B8D  }
0xb1: {  	s4 =	sshll.u32 @!p0 s4, $0x11;
	s6 =	sadd.s32 @!p0 $0x11B8D, s6;
	_ =	swait.eq @!p0 [sflag:s5], $0x1  }
0xb2: {  	s4 =	sor.u32 @!p0 s4, s6;
	[sflag:s5] =	ssyncadd.s32 @!p0 $0xFFFFFFFF  }
0xb3: {  	s25 =	simm.s32 $0x1B8E;
	s24 =	sld [smem:$0x3FFE];
	[sflag:s4] =	ssyncadd.remote.s32 @!p0 $0x1  }
0xb4: {  	s26 =	simm.s32 $execute0_lowered;
	[smem:$0x3FD2] =	sst s25  }
0xb5: {  	s5 =	sshll.u32 s26, $0x1;
	_ =	strace $0x8000005B;
	[dreg:$0x1] =	wrdreg $0xFFFFFFFF  }
0xb6: {  	s28 =	simm.s32 $_size_execute0_lowered;
	s3 =	sadd.s32 s3, s5;
	[dreg:$0x0] =	wrdreg $0x0  }
0xb7: {  	s5 =	sshll.u32 s28, $0x1;
	[dreg:$0x2] =	wrdreg s3  }
0xb8: {  	[dreg:$0x3] =	wrdreg s5  }
0xb9: {  	[dreg:$0x4] =	wrdreg $0xC0  }
0xba: {  	_ =	task [dreg:s22], $0x5FFFF  }
0xbb: {  	[dreg:$0x1] =	wrdreg $0xFFFFFFFF  }
0xbc: {  	[dreg:$0x0] =	wrdreg $0x60  }
0xbd: {  	[dreg:$0x2] =	wrdreg s24  }
0xbe: {  	[dreg:$0x3] =	wrdreg $0x9  }
0xbf: {  	_ =	task.clear_ibuf [dreg:s22], $0x4FFFF;
	_ =	strace $0x9000005B  }
0xc0: {  	s29 =	simm.s32 $0x9;
	_ =	strace $0x8000005D  }
0xc1: {  	_ =	swait.ge [sflag:s29], $0x1  }
0xc2: {  	[sflag:s29] =	ssyncadd.s32 $0xFFFFFFFF  }
0xc3: {  	_ =	strace $0x9000005D  }
0xc4: {  	_ =	sfence  }
0xc5: {  	s30 =	sld [smem:$0x0];
	_ =	sdelay $0x2  }
0xc6: {  	s31 =	sshll.u32 s1, $0xD;
	s1 =	sshrl.u32 s1, $0x2  }
0xc7: {  	s4 =	sand.u32 $0x4000, s31;
	s1 =	sadd.s32 s1, s30  }
0xc8: {  	s0 =	sor.u32 s4, s0;
	s1 =	sshll.u32 s1, $0x11  }
0xc9: {  	s0 =	sor.u32 s1, s0  }
0xca: {  	s0 =	sadd.s32 $0x8F2B, s0  }
0xcb: {  	[sflag:s0] =	ssyncadd.remote.s32 $0x1  }
0xcc: {  	_ =	sfence.sel $0xFFFF  }
0xcd: {  	[dreg:$0x0] =	wrdreg $0xFFFFFFFF;
	(pc) =	sbr.abs _section_cstart, $3  }
0xce: {  	[dreg:$0x1] =	wrdreg $0xFFFFFFFF  }
0xcf: {  	_ =	task.clear_ibuf [dreg:s22], $0x2FFFF;
	_ =	strace $0x9FFFFFFF  }
0xd0: {  	(tm) =	ssettm $0x7FFFFFFF  }
0xd1: {  	_ =	shalt  }
tec
execute0_lowered:
.L_overlay_start_1:
0x0: {  	(tag) =	ssettag $0x1  }
0x1: {  	s1 =	srdreg.scid  }
0x2: {  	s0 =	stileid.u32;
	s8 =	rddreg [dreg:$0x0];
	s5 =	simm.s32 $0x1  }
0x3: {  	s9 =	simm.s32 $0x1;
	s10 =	simm.s32 $0x3;
	s1 =	sshll.u32 s1, $0x5  }
0x4: {  	s13 =	simm.s32 $0x0;
	s2 =	sshll.u32 s0, $0x6;
	s3 =	sand.u32 $0x20, s1  }
0x5: {  	s12 =	simm.s32 $0x0;
	s4 =	sadd.s32 $0xD200, s8;
	s2 =	sor.u32 s2, s3  }
0x6: {  	s1 =	rddreg [dreg:$0x1];
	_ =	strace $0x8000005C;
	s7 =	ssub.s32 $0x800, s2  }
.Ltmp0:
0x7: {  	s3 =	sadd.s32 $0x21E00, s8;
	s6 =	sand.u32 $0x3E0, s7;
	(pc) =	sbr.rel .LBB2_1-.Ltmp0, $4  }
0x8: {  	[sflag:s5] =	ssyncpa.u1 $0x0;
	s8 =	sadd.s32 $0xD600, s8;
	p0 =	sne.s32 s6, $0x0  }
0x9: {  	s7 =	sshrl.u32 s7, $0xA;
	s6 =	simm.s32 $0x2;
	s9 =	simm.s32 @!p0 $0x0  }
0xa: {  	s11 =	smov.u32 s2;
	[sflag:s6] =	ssyncpa.u1 $0x0;
	s7 =	sadd.s32 s9, s7  }
0xb: {  	vm0 =	vmmov $0xffff;
	[sflag:s10] =	ssyncpa.u1 $0x0;
	s10 =	simm.s32 $0x0;
	s9 =	sadd.s32 $0x1, s7  }
.LBB2_5:
0xc: {  	s15 =	sadd.s32 $0x400, s11  }
0xd: {  	p1 =	sgt.s32 s15, $0x7FF  }
0xe: {  	s15 =	smov.u32 @p1 s2;
	p1 =	sne.s32 s12, s9  }
.Ltmp1:
0xf: {  	p0 =	slt.u32 s12, $0x2;
	(pc) =	sbr.rel @!p1 .LBB2_6-.Ltmp1, $4  }
0x10: {  	s14 =	simm.s32 @!p0 $0x3  }
0x11: {  	_ =	swait.ge @!p0 [sflag:s14], $0x20  }
0x12: {  	s16 =	sadd.s32 $0x1, s12;
	s13 =	smov.u32 s11;
	[sflag:s14] =	ssyncset.done @!p0 $0x0  }
0x13: {  	s12 =	smov.u32 s16;
	s11 =	smov.u32 s15;
	[sflag:s14] =	ssyncadd.s32 @!p0 $0xFFFFFFE0  }
.LBB2_1:
0x14: {  	p0 =	sge.u32 s12, s7  }
0x15: {  	s14 =	sxor.u32 @!p0 $0xFFFFFFFF, s12  }
0x16: {  	s31 =	sadd.s32 $0xFFFFFFFF, s12;
	s15 =	sshrl.u32 @!p0 s11, $0x3;
	s14 =	sshll.u32 @!p0 s14, $0x5  }
0x17: {  	s16 =	sand.u32 @!p0 $0x7, s11;
	s15 =	sadd.s32 @!p0 s4, s15;
	s14 =	sand.u32 @!p0 $0x20, s14  }
0x18: {  	[tilespmem:s14], [sflag:$0x2] =	stream.linear.gather @!p0 [hbm4b:s15+s16], $0x20, $0x38;
	[tilespmem:$0x80] =	vst v63  }
0x19: {  	p0 =	sge.u32 s31, s7  }
.Ltmp2:
0x1a: {  	_ = 	snop;
	(pc) =	sbr.rel @p0 .LBB2_5-.Ltmp2, $1  }
0x1b: {  	_ =	sdelay $0x3  }
0x1c: {  	_ =	swait.ge [sflag:s6], $0x20;
	s14 =	sshll.u32 s12, $0x5;
	s16 =	simm.s32 $0x0  }
0x1d: {  	p0 =	por $0x1, $0x1;
	[sflag:s6] =	ssyncset.done $0x0;
	s15 =	sand.u32 $0x20, s14  }
0x1e: {  	[sflag:s6] =	ssyncadd.s32 $0xFFFFFFE0;
	(ifvalue) =	ssetifvalue $0x7FFFFFFF;
	s14 =	sor.u32 $0x40, s15  }
.LBB2_3:
0x1f: {  	s17 =	sadd.s32 s16, s15  }
0x20: {  	v0 =	vld.msk [tilespmem:s17+$0x0 ss:$0x1], $0xffff;
	_ =	sdelay $0x4  }
0x21: {  	v1 =	vshrl.u32 v0, $0x4  }
0x22: {  	vm1 =	veq.s32 v0, $0x80000000;
	v0 =	vand.u32 $0xF, v0;
	v1 =	vand.u32 $0x3FFF, v1  }
0x23: {  	v0 =	vsel vm1, $0xFFFFFFFF, v0;
	v1 =	vsel vm1, $0xFFFFFFFF, v1  }
0x24: {  	v2 =	vshll.u32 v0, $0xE;
	v3 =	vshll.u32 v1, $0x3  }
0x25: {  	v0 =	vshll.u32 v0, $0x7;
	v2 =	vand.u32 $0xFFFE0000, v2;
	v3 =	vand.u32 $0xFFFFFC00, v3  }
0x26: {  	v0 =	vand.u32 $0x380, v0;
	v2 =	vadd.s32 v2, v3  }
0x27: {  	v1 =	vand.u32 $0x7F, v1;
	v0 =	vor.u32 v0, v2  }
0x28: {  	p1 =	por p0, p0;
	v0 =	vor.u32 v1, v0  }
.Ltmp3:
0x29: {  	_ = 	snop;
	(pc) =	sbr.rel @p1 .LBB2_3-.Ltmp3, $4  }
0x2a: {  	_ = 	snop  }
0x2b: {  	s31 =	sadd.s32 s16, s14  }
0x2c: {  	s16 =	simm.s32 $0x10;
	p0 =	por $0x0, $0x0;
	(ifvalue) =	ssetifvalue $0x7FFFFFFF  }
0x2d: {  	[tilespmem:s31], [sflag:$0x1] =	stream.indirect_vreg.gather [hbm4b:s3+s10], $0x1, v0, vm0, $0x4038;
	[tilespmem:$0x80] =	vst v63  }
.Ltmp4:
0x2e: {  	(pc) =	sbr.rel .LBB2_5-.Ltmp4, $4  }
0x2f: {  	_ =	swait.ge [sflag:s5], $0x20  }
0x30: {  	s15 =	sshrl.u32 s13, $0x3;
	[sflag:s5] =	ssyncset.done $0x0  }
0x31: {  	s31 =	sand.u32 $0x7, s13;
	s15 =	sadd.s32 s8, s15;
	[sflag:s5] =	ssyncadd.s32 $0xFFFFFFE0  }
0x32: {  	[hbm4b:s15+s31] =	stream.linear.scatter [tilespmem:s14], [sflag:$0x3], $0x20, $0x38;
	[tilespmem:$0x80] =	vst v63  }
.LBB2_6:
0x33: {  	_ =	sfence.sel $0x180000  }
0x34: {  	s2 =	simm.s32 $0x2;
	[bflag:$0x0] =	sbarrier.arrive $0xFFFF  }
0x35: {  	s30 =	simm.s32 $0x3;
	[sflag:s2] =	ssyncpa.u1 $0x1  }
0x36: {  	s31 =	simm.s32 $0x1;
	[sflag:s30] =	ssyncpa.u1 $0x1  }
0x37: {  	[sflag:s31] =	ssyncpa.u1 $0x1  }
0x38: {  	p0 =	sne.s32 s0, $0x0;
	_ =	strace $0x9000005C  }
0x39: {  	s0 =	sadd.s32 @!p0 $0x100000, s1;
	[bflag:$0x2] =	sbarrier.arrive $0xFFFF  }
0x3a: {  	[sflag:s0] =	ssyncadd.tile.s32 @!p0 $0x1;
	_ =	shalt  }
.Lfunc_end2:
_tile_overlayer_lowered:
.L_overlay_start_2:
0x3b: {  	(tag) =	ssettag $0x2  }
0x3c: {  	s0 =	rddreg [dreg:$0x0];
	s2 =	stileid.u32  }
0x3d: {  	s1 =	rddreg [dreg:$0x1];
	p0 =	sne.s32 s2, $0x0  }
0x3e: {  	s3 =	rddreg [dreg:$0x2];
	[bflag:$0x3] =	sbarrier.arrive $0xFFFF;
	s2 =	simm.s32 @!p0 $0x1C01  }
0x3f: {  	[timem:s3], [sflag:s2] =	dma.local @!p0 [hbm:s0], s1  }
0x40: {  	s0 =	simm.s32 @!p0 $0x1  }
0x41: {  	_ =	swait.ge @!p0 [sflag:s0], s1  }
0x42: {  	s1 =	ssub.s32 @!p0 $0x0, s1;
	[sflag:s0] =	ssyncset.done @!p0 $0x0  }
0x43: {  	[sflag:s0] =	ssyncadd.s32 @!p0 s1  }
0x44: {  	[bflag:$0x3] =	sbarrier.arrive $0xFFFF  }
0x45: {  	_ =	shalt  }

// kernel: gather_offload_async_start.4
scs
__scs_entry_jumppad:
0x0: {  	(pc) =	sbr.rel $0x88, $3  }
0x1: {  	(tag) =	ssettag $0x0;
	lr =	simm.s32 $0x1  }
0x2: {  	[smem:$0x3F98] =	sst lr;
	_ =	strace $0xD0000000  }
0x3: {  	_ = 	snop  }
0x4: {  	_ = 	snop  }
0x5: {  	_ = 	snop  }
0x6: {  	_ = 	snop  }
0x7: {  	_ = 	snop  }
__scs_overlays_trampoline_lowered:
0x8: {  	[smem:$0x3FA7] =	sst s0  }
0x9: {  	[smem:$0x3FA8] =	sst s1  }
0xa: {  	[smem:$0x3FA9] =	sst s2  }
0xb: {  	[smem:$0x3FAA] =	sst s3  }
0xc: {  	[smem:$0x3FAB] =	sst s4  }
0xd: {  	[smem:$0x3FAC] =	sst s5  }
0xe: {  	[smem:$0x3FAD] =	sst s6  }
0xf: {  	[smem:$0x3FAE] =	sst s7  }
0x10: {  	[smem:$0x3FAF] =	sst s8  }
0x11: {  	[smem:$0x3FB0] =	sst s9;
	s0 =	simm.s32 @!p0 $0x0  }
0x12: {  	s1 =	sld [smem:$0x3F96];
	s0 =	simm.s32 @p0 $0x1  }
0x13: {  	[smem:$0x3FB1] =	sst s0;
	s0 =	simm.s32 @!p1 $0x0  }
0x14: {  	s2 =	sld [smem:$0x3F95];
	s0 =	simm.s32 @p1 $0x1  }
0x15: {  	[smem:$0x3FB2] =	sst s0;
	s0 =	simm.s32 @!p2 $0x0  }
0x16: {  	s3 =	sld [smem:$0x3FDB];
	s0 =	simm.s32 @p2 $0x1  }
0x17: {  	s4 =	simm.s32 $0x1BF5;
	[smem:$0x3FB4] =	sst s0  }
0x18: {  	s0 =	sld [smem:$0x3F97];
	_ =	swait.ge [sflag:s4], $0x0  }
0x19: {  	s7 =	sld [smem:$0x3F98]  }
0x1a: {  	s8 =	sadd.s32 $0xFFFFE003, lr  }
0x1b: {  	s9 =	sadd.s32 $0xFFFFFEF7, lr;
	s5 =	simm.s32 $0xFFFFFFFF;
	p2 =	slt.u32 s8, $0xFFFFF086  }
0x1c: {  	p1 =	slt.u32 s9, $0xF7A;
	s5 =	simm.s32 @!p2 $0x0  }
0x1d: {  	s5 =	simm.s32 @p1 $0x1;
	p0 =	seq.s32 s7, s2  }
0x1e: {  	s7 =	smul.u32 @!p0 $0xF7A, s2;
	p2 =	seq.s32 @!p0 s5, $0x0  }
0x1f: {  	s9 =	smul.u32 $0xF7A, s1;
	s8 =	simm.s32 @!p0 $0x1BF5;
	p2 =	por !p2, p0  }
0x20: {  	[sflag:s8] =	ssyncset.s32 @!p0 $0xFFFFF086;
	s6 =	sadd.s32 @!p0 s3, s7;
	s7 =	simm.s32 @!p0 $0x108  }
0x21: {  	s3 =	sadd.s32 s3, s9;
	s6 =	sadd.s32 @!p0 $0x88, s6;
	s7 =	simm.s32 @p2 $0x1082  }
0x22: {  	[simem:s7], [sflag:s8] =	dma.local @!p0 [hbm:s6], $0xF7A  }
0x23: {  	s9 =	sor.u32 $0xD0000000, s2;
	s6 =	simm.s32 $0x108;
	_ =	swait.ge @!p0 [sflag:s8], $0x0  }
0x24: {  	s3 =	sadd.s32 $0x88, s3;
	s6 =	simm.s32 @!p1 $0x1082;
	[sflag:s4] =	ssyncset.s32 $0xFFFFF086  }
0x25: {  	[simem:s6], [sflag:s4] =	dma.local [hbm:s3], $0xF7A  }
0x26: {  	[smem:$0x3F98] =	sst s1;
	(tag) =	ssettag s2;
	_ =	strace s9  }
0x27: {  	s1 =	sld [smem:$0x3FA8]  }
0x28: {  	s2 =	sld [smem:$0x3FA9]  }
0x29: {  	s4 =	sld [smem:$0x3FAB]  }
0x2a: {  	p0 =	seq.s32 s5, $0x0;
	s5 =	sld [smem:$0x3FAC]  }
0x2b: {  	s6 =	sld [smem:$0x3FAD]  }
0x2c: {  	s7 =	sld [smem:$0x3FAE]  }
0x2d: {  	s3 =	simm.s32 $0x108;
	s8 =	sld [smem:$0x3FAF]  }
0x2e: {  	s3 =	simm.s32 @!p0 $0x1082;
	s9 =	sld [smem:$0x3FB0]  }
0x2f: {  	lr =	sadd.s32 s0, s3;
	s0 =	sld [smem:$0x3FA7]  }
0x30: {  	s3 =	sld [smem:$0x3FAA]  }
0x31: {  	[smem:$0x3FB3] =	sst s10  }
0x32: {  	s10 =	sld [smem:$0x3FB1];
	_ =	sdelay $0x3  }
0x33: {  	p0 =	seq.s32 s10, $0x1;
	s10 =	sld [smem:$0x3FB3];
	_ =	sdelay $0x3  }
0x34: {  	[smem:$0x3FB3] =	sst s10  }
0x35: {  	s10 =	sld [smem:$0x3FB2];
	_ =	sdelay $0x3  }
0x36: {  	p1 =	seq.s32 s10, $0x1;
	s10 =	sld [smem:$0x3FB3];
	_ =	sdelay $0x3  }
0x37: {  	[smem:$0x3FB3] =	sst s10  }
0x38: {  	s10 =	sld [smem:$0x3FB4]  }
0x39: {  	_ = 	snop;
	(pc) =	sbr.ind lr, $3  }
0x3a: {  	_ = 	snop  }
0x3b: {  	_ = 	snop  }
0x3c: {  	p2 =	seq.s32 s10, $0x1;
	s10 =	sld [smem:$0x3FB3]  }
0x3d: {  	_ =	shalt  }
0x3e: {  	_ =	shalt  }
0x3f: {  	_ =	shalt  }
0x40: {  	_ =	shalt  }
0x41: {  	_ =	shalt  }
0x42: {  	_ =	shalt  }
0x43: {  	_ =	shalt  }
0x44: {  	_ =	shalt  }
0x45: {  	_ =	shalt  }
0x46: {  	_ =	shalt  }
0x47: {  	_ =	shalt  }
0x48: {  	_ =	shalt  }
0x49: {  	_ =	shalt  }
0x4a: {  	_ =	shalt  }
0x4b: {  	_ =	shalt  }
0x4c: {  	_ =	shalt  }
0x4d: {  	_ =	shalt  }
0x4e: {  	_ =	shalt  }
0x4f: {  	_ =	shalt  }
0x50: {  	_ =	shalt  }
0x51: {  	_ =	shalt  }
0x52: {  	_ =	shalt  }
0x53: {  	_ =	shalt  }
0x54: {  	_ =	shalt  }
0x55: {  	_ =	shalt  }
0x56: {  	_ =	shalt  }
0x57: {  	_ =	shalt  }
0x58: {  	_ =	shalt  }
0x59: {  	_ =	shalt  }
0x5a: {  	_ =	shalt  }
0x5b: {  	_ =	shalt  }
0x5c: {  	_ =	shalt  }
0x5d: {  	_ =	shalt  }
0x5e: {  	_ =	shalt  }
0x5f: {  	_ =	shalt  }
0x60: {  	_ =	shalt  }
0x61: {  	_ =	shalt  }
0x62: {  	_ =	shalt  }
0x63: {  	_ =	shalt  }
0x64: {  	_ =	shalt  }
0x65: {  	_ =	shalt  }
0x66: {  	_ =	shalt  }
0x67: {  	_ =	shalt  }
0x68: {  	_ =	shalt  }
0x69: {  	_ =	shalt  }
0x6a: {  	_ =	shalt  }
0x6b: {  	_ =	shalt  }
0x6c: {  	_ =	shalt  }
0x6d: {  	_ =	shalt  }
0x6e: {  	_ =	shalt  }
0x6f: {  	_ =	shalt  }
0x70: {  	_ =	shalt  }
0x71: {  	_ =	shalt  }
0x72: {  	_ =	shalt  }
0x73: {  	_ =	shalt  }
0x74: {  	_ =	shalt  }
0x75: {  	_ =	shalt  }
0x76: {  	_ =	shalt  }
0x77: {  	_ =	shalt  }
0x78: {  	_ =	shalt  }
0x79: {  	_ =	shalt  }
0x7a: {  	_ =	shalt  }
0x7b: {  	_ =	shalt  }
0x7c: {  	_ =	shalt  }
0x7d: {  	_ =	shalt  }
0x7e: {  	_ =	shalt  }
0x7f: {  	_ =	shalt  }
0x80: {  	_ =	shalt  }
0x81: {  	_ =	shalt  }
0x82: {  	_ =	shalt  }
0x83: {  	_ =	shalt  }
0x84: {  	_ =	shalt  }
0x85: {  	_ =	shalt  }
0x86: {  	_ =	shalt  }
0x87: {  	_ =	shalt  }
.Lfunc_end0:
.L_simem_size_0:
called_computation.4_lowered:
.L_overlay_start_0:
0x88: {  	s2 =	sld [smem:$0x3FD9]  }
0x89: {  	s3 =	sld [smem:$0x3FFE];
	_ =	sdelay $0x1  }
0x8a: {  	s1 =	srdreg.scid  }
0x8b: {  	s0 =	sand.u32 $0x1, s1  }
0x8c: {  	s17 =	sshll.u32 s0, $0xA;
	s2 =	sadd.s32 s3, s2  }
0x8d: {  	s2 =	sadd.s32 s2, s17  }
0x8e: {  	[smem:$0x3FBF] =	sst s2  }
0x8f: {  	_ = 	snop  }
0x90: {  	(tm) =	ssettm $0x1  }
0x91: {  	s18 =	sld [smem:$0x3FFB];
	_ =	sdelay $0x3  }
0x92: {  	_ =	strace s18  }
0x93: {  	s2 =	sld [smem:$0x3FFC];
	_ =	sdelay $0x3  }
0x94: {  	_ =	strace s2  }
0x95: {  	s2 =	sld [smem:$0x3FFD];
	_ =	sdelay $0x3  }
0x96: {  	_ =	strace s2  }
0x97: {  	_ =	strace $0x8FFFFFFF  }
0x98: {  	s19 =	sld [smem:$0x3FDB];
	_ =	sdelay $0x1  }
0x99: {  	s20 =	simm.s32 $_scs_section_size  }
0x9a: {  	s4 =	simm.s32 $_size__tile_overlayer_lowered;
	s5 =	simm.s32 $_tile_overlayer_lowered  }
0x9b: {  	s6 =	simm.s32 $0x1BFF;
	s21 =	sshll.u32 s5, $0x1;
	s3 =	sadd.s32 s20, s19  }
0x9c: {  	s22 =	simm.s32 $0x0;
	s4 =	sshll.u32 s4, $0x1;
	s5 =	sadd.s32 s21, s3  }
0x9d: {  	[timem:s22], [sflag:s6] =	dma.local [hbm:s5], s4  }
0x9e: {  	_ =	swait.ge [sflag:s6], s4  }
0x9f: {  	s4 =	ssub.s32 $0x0, s4;
	[sflag:s6] =	ssyncset.done $0x0  }
0xa0: {  	[sflag:s6] =	ssyncadd.s32 s4;
	_ =	sdelay $0x1  }
0xa1: {  	s23 =	simm.s32 $0x1B8B  }
0xa2: {  	_ =	swait.ge [sflag:s23], $0x1  }
0xa3: {  	[sflag:s23] =	ssyncset.done $0x0  }
0xa4: {  	[sflag:s23] =	ssyncadd.s32 $0xFFFFFFFF  }
0xa5: {  	s4 =	sld [smem:$0x0]  }
0xa6: {  	s5 =	sand.u32 $0xFFFFFFFE, s1  }
0xa7: {  	p0 =	sne.s32 s1, s5  }
0xa8: {  	s5 =	sshll.u32 @p0 s5, $0xE  }
0xa9: {  	s5 =	sadd.s32 @p0 $0x11B8D, s5;
	s6 =	sshll.u32 @p0 s4, $0x11  }
0xaa: {  	s5 =	sor.u32 @p0 s6, s5  }
0xab: {  	[sflag:s5] =	ssyncadd.remote.s32 @p0 $0x1;
	_ =	sdelay $0x1  }
0xac: {  	s5 =	simm.s32 @p0 $0x1B8D  }
0xad: {  	_ =	swait.eq @p0 [sflag:s5], $0x1  }
0xae: {  	[sflag:s5] =	ssyncadd.s32 @p0 $0xFFFFFFFF  }
0xaf: {  	s6 =	sshll.u32 @!p0 s1, $0xE  }
0xb0: {  	s6 =	sor.u32 @!p0 $0x4000, s6;
	s5 =	simm.s32 @!p0 $0x1B8D  }
0xb1: {  	s4 =	sshll.u32 @!p0 s4, $0x11;
	s6 =	sadd.s32 @!p0 $0x11B8D, s6;
	_ =	swait.eq @!p0 [sflag:s5], $0x1  }
0xb2: {  	s4 =	sor.u32 @!p0 s4, s6;
	[sflag:s5] =	ssyncadd.s32 @!p0 $0xFFFFFFFF  }
0xb3: {  	s25 =	simm.s32 $0x1B8E;
	s24 =	sld [smem:$0x3FFE];
	[sflag:s4] =	ssyncadd.remote.s32 @!p0 $0x1  }
0xb4: {  	s26 =	simm.s32 $execute0_lowered;
	[smem:$0x3FD2] =	sst s25  }
0xb5: {  	s5 =	sshll.u32 s26, $0x1;
	_ =	strace $0x80000058;
	[dreg:$0x1] =	wrdreg $0xFFFFFFFF  }
0xb6: {  	s28 =	simm.s32 $_size_execute0_lowered;
	s3 =	sadd.s32 s3, s5;
	[dreg:$0x0] =	wrdreg $0x0  }
0xb7: {  	s5 =	sshll.u32 s28, $0x1;
	[dreg:$0x2] =	wrdreg s3  }
0xb8: {  	[dreg:$0x3] =	wrdreg s5  }
0xb9: {  	[dreg:$0x4] =	wrdreg $0xC0  }
0xba: {  	_ =	task [dreg:s22], $0x5FFFF  }
0xbb: {  	[dreg:$0x1] =	wrdreg $0xFFFFFFFF  }
0xbc: {  	[dreg:$0x0] =	wrdreg $0x60  }
0xbd: {  	[dreg:$0x2] =	wrdreg s24  }
0xbe: {  	[dreg:$0x3] =	wrdreg $0xA  }
0xbf: {  	_ =	task.clear_ibuf [dreg:s22], $0x4FFFF;
	_ =	strace $0x90000058  }
0xc0: {  	s29 =	simm.s32 $0xA;
	_ =	strace $0x8000005A  }
0xc1: {  	_ =	swait.ge [sflag:s29], $0x1  }
0xc2: {  	[sflag:s29] =	ssyncadd.s32 $0xFFFFFFFF  }
0xc3: {  	_ =	strace $0x9000005A  }
0xc4: {  	_ =	sfence  }
0xc5: {  	s30 =	sld [smem:$0x0];
	_ =	sdelay $0x2  }
0xc6: {  	s31 =	sshll.u32 s1, $0xD;
	s1 =	sshrl.u32 s1, $0x2  }
0xc7: {  	s4 =	sand.u32 $0x4000, s31;
	s1 =	sadd.s32 s1, s30  }
0xc8: {  	s0 =	sor.u32 s4, s0;
	s1 =	sshll.u32 s1, $0x11  }
0xc9: {  	s0 =	sor.u32 s1, s0  }
0xca: {  	s0 =	sadd.s32 $0x8F2B, s0  }
0xcb: {  	[sflag:s0] =	ssyncadd.remote.s32 $0x1  }
0xcc: {  	_ =	sfence.sel $0xFFFF  }
0xcd: {  	[dreg:$0x0] =	wrdreg $0xFFFFFFFF;
	(pc) =	sbr.abs _section_cstart, $3  }
0xce: {  	[dreg:$0x1] =	wrdreg $0xFFFFFFFF  }
0xcf: {  	_ =	task.clear_ibuf [dreg:s22], $0x2FFFF;
	_ =	strace $0x9FFFFFFF  }
0xd0: {  	(tm) =	ssettm $0x7FFFFFFF  }
0xd1: {  	_ =	shalt  }
tec
execute0_lowered:
.L_overlay_start_1:
0x0: {  	(tag) =	ssettag $0x1  }
0x1: {  	s1 =	srdreg.scid  }
0x2: {  	s0 =	stileid.u32;
	s8 =	rddreg [dreg:$0x0];
	s5 =	simm.s32 $0x1  }
0x3: {  	s9 =	simm.s32 $0x1;
	s10 =	simm.s32 $0x3;
	s1 =	sshll.u32 s1, $0x5  }
0x4: {  	s13 =	simm.s32 $0x0;
	s2 =	sshll.u32 s0, $0x6;
	s3 =	sand.u32 $0x20, s1  }
0x5: {  	s12 =	simm.s32 $0x0;
	s4 =	sadd.s32 $0xD200, s8;
	s2 =	sor.u32 s2, s3  }
0x6: {  	s1 =	rddreg [dreg:$0x1];
	_ =	strace $0x80000059;
	s7 =	ssub.s32 $0x800, s2  }
.Ltmp0:
0x7: {  	s3 =	sadd.s32 $0x11C00, s8;
	s6 =	sand.u32 $0x3E0, s7;
	(pc) =	sbr.rel .LBB2_1-.Ltmp0, $4  }
0x8: {  	[sflag:s5] =	ssyncpa.u1 $0x0;
	s8 =	sadd.s32 $0xD400, s8;
	p0 =	sne.s32 s6, $0x0  }
0x9: {  	s7 =	sshrl.u32 s7, $0xA;
	s6 =	simm.s32 $0x2;
	s9 =	simm.s32 @!p0 $0x0  }
0xa: {  	s11 =	smov.u32 s2;
	[sflag:s6] =	ssyncpa.u1 $0x0;
	s7 =	sadd.s32 s9, s7  }
0xb: {  	vm0 =	vmmov $0xffff;
	[sflag:s10] =	ssyncpa.u1 $0x0;
	s10 =	simm.s32 $0x0;
	s9 =	sadd.s32 $0x1, s7  }
.LBB2_5:
0xc: {  	s15 =	sadd.s32 $0x400, s11  }
0xd: {  	p1 =	sgt.s32 s15, $0x7FF  }
0xe: {  	s15 =	smov.u32 @p1 s2;
	p1 =	sne.s32 s12, s9  }
.Ltmp1:
0xf: {  	p0 =	slt.u32 s12, $0x2;
	(pc) =	sbr.rel @!p1 .LBB2_6-.Ltmp1, $4  }
0x10: {  	s14 =	simm.s32 @!p0 $0x3  }
0x11: {  	_ =	swait.ge @!p0 [sflag:s14], $0x20  }
0x12: {  	s16 =	sadd.s32 $0x1, s12;
	s13 =	smov.u32 s11;
	[sflag:s14] =	ssyncset.done @!p0 $0x0  }
0x13: {  	s12 =	smov.u32 s16;
	s11 =	smov.u32 s15;
	[sflag:s14] =	ssyncadd.s32 @!p0 $0xFFFFFFE0  }
.LBB2_1:
0x14: {  	p0 =	sge.u32 s12, s7  }
0x15: {  	s14 =	sxor.u32 @!p0 $0xFFFFFFFF, s12  }
0x16: {  	s31 =	sadd.s32 $0xFFFFFFFF, s12;
	s15 =	sshrl.u32 @!p0 s11, $0x3;
	s14 =	sshll.u32 @!p0 s14, $0x5  }
0x17: {  	s16 =	sand.u32 @!p0 $0x7, s11;
	s15 =	sadd.s32 @!p0 s4, s15;
	s14 =	sand.u32 @!p0 $0x20, s14  }
0x18: {  	[tilespmem:s14], [sflag:$0x2] =	stream.linear.gather @!p0 [hbm4b:s15+s16], $0x20, $0x38;
	[tilespmem:$0x80] =	vst v63  }
0x19: {  	p0 =	sge.u32 s31, s7  }
.Ltmp2:
0x1a: {  	_ = 	snop;
	(pc) =	sbr.rel @p0 .LBB2_5-.Ltmp2, $1  }
0x1b: {  	_ =	sdelay $0x3  }
0x1c: {  	_ =	swait.ge [sflag:s6], $0x20;
	s14 =	sshll.u32 s12, $0x5;
	s16 =	simm.s32 $0x0  }
0x1d: {  	p0 =	por $0x1, $0x1;
	[sflag:s6] =	ssyncset.done $0x0;
	s15 =	sand.u32 $0x20, s14  }
0x1e: {  	[sflag:s6] =	ssyncadd.s32 $0xFFFFFFE0;
	(ifvalue) =	ssetifvalue $0x7FFFFFFF;
	s14 =	sor.u32 $0x40, s15  }
.LBB2_3:
0x1f: {  	s17 =	sadd.s32 s16, s15  }
0x20: {  	v0 =	vld.msk [tilespmem:s17+$0x0 ss:$0x1], $0xffff;
	_ =	sdelay $0x4  }
0x21: {  	v1 =	vshrl.u32 v0, $0x4  }
0x22: {  	vm1 =	veq.s32 v0, $0x80000000;
	v0 =	vand.u32 $0xF, v0;
	v1 =	vand.u32 $0x3FFF, v1  }
0x23: {  	v0 =	vsel vm1, $0xFFFFFFFF, v0;
	v1 =	vsel vm1, $0xFFFFFFFF, v1  }
0x24: {  	v2 =	vshll.u32 v0, $0xE;
	v3 =	vshll.u32 v1, $0x3  }
0x25: {  	v0 =	vshll.u32 v0, $0x7;
	v2 =	vand.u32 $0xFFFE0000, v2;
	v3 =	vand.u32 $0xFFFFFC00, v3  }
0x26: {  	v0 =	vand.u32 $0x380, v0;
	v2 =	vadd.s32 v2, v3  }
0x27: {  	v1 =	vand.u32 $0x7F, v1;
	v0 =	vor.u32 v0, v2  }
0x28: {  	p1 =	por p0, p0;
	v0 =	vor.u32 v1, v0  }
.Ltmp3:
0x29: {  	_ = 	snop;
	(pc) =	sbr.rel @p1 .LBB2_3-.Ltmp3, $4  }
0x2a: {  	_ = 	snop  }
0x2b: {  	s31 =	sadd.s32 s16, s14  }
0x2c: {  	s16 =	simm.s32 $0x10;
	p0 =	por $0x0, $0x0;
	(ifvalue) =	ssetifvalue $0x7FFFFFFF  }
0x2d: {  	[tilespmem:s31], [sflag:$0x1] =	stream.indirect_vreg.gather [hbm4b:s3+s10], $0x1, v0, vm0, $0x4038;
	[tilespmem:$0x80] =	vst v63  }
.Ltmp4:
0x2e: {  	(pc) =	sbr.rel .LBB2_5-.Ltmp4, $4  }
0x2f: {  	_ =	swait.ge [sflag:s5], $0x20  }
0x30: {  	s15 =	sshrl.u32 s13, $0x3;
	[sflag:s5] =	ssyncset.done $0x0  }
0x31: {  	s31 =	sand.u32 $0x7, s13;
	s15 =	sadd.s32 s8, s15;
	[sflag:s5] =	ssyncadd.s32 $0xFFFFFFE0  }
0x32: {  	[hbm4b:s15+s31] =	stream.linear.scatter [tilespmem:s14], [sflag:$0x3], $0x20, $0x38;
	[tilespmem:$0x80] =	vst v63  }
.LBB2_6:
0x33: {  	_ =	sfence.sel $0x180000  }
0x34: {  	s2 =	simm.s32 $0x2;
	[bflag:$0x0] =	sbarrier.arrive $0xFFFF  }
0x35: {  	s30 =	simm.s32 $0x3;
	[sflag:s2] =	ssyncpa.u1 $0x1  }
0x36: {  	s31 =	simm.s32 $0x1;
	[sflag:s30] =	ssyncpa.u1 $0x1  }
0x37: {  	[sflag:s31] =	ssyncpa.u1 $0x1  }
0x38: {  	p0 =	sne.s32 s0, $0x0;
	_ =	strace $0x90000059  }
0x39: {  	s0 =	sadd.s32 @!p0 $0x100000, s1;
	[bflag:$0x2] =	sbarrier.arrive $0xFFFF  }
0x3a: {  	[sflag:s0] =	ssyncadd.tile.s32 @!p0 $0x1;
	_ =	shalt  }
.Lfunc_end2:
_tile_overlayer_lowered:
.L_overlay_start_2:
0x3b: {  	(tag) =	ssettag $0x2  }
0x3c: {  	s0 =	rddreg [dreg:$0x0];
	s2 =	stileid.u32  }
0x3d: {  	s1 =	rddreg [dreg:$0x1];
	p0 =	sne.s32 s2, $0x0  }
0x3e: {  	s3 =	rddreg [dreg:$0x2];
	[bflag:$0x3] =	sbarrier.arrive $0xFFFF;
	s2 =	simm.s32 @!p0 $0x1C01  }
0x3f: {  	[timem:s3], [sflag:s2] =	dma.local @!p0 [hbm:s0], s1  }
0x40: {  	s0 =	simm.s32 @!p0 $0x1  }
0x41: {  	_ =	swait.ge @!p0 [sflag:s0], s1  }
0x42: {  	s1 =	ssub.s32 @!p0 $0x0, s1;
	[sflag:s0] =	ssyncset.done @!p0 $0x0  }
0x43: {  	[sflag:s0] =	ssyncadd.s32 @!p0 s1  }
0x44: {  	[bflag:$0x3] =	sbarrier.arrive $0xFFFF  }
0x45: {  	_ =	shalt  }

// kernel: gather_offload_async_start.5
scs
__scs_entry_jumppad:
0x0: {  	(pc) =	sbr.rel $0x88, $3  }
0x1: {  	(tag) =	ssettag $0x0;
	lr =	simm.s32 $0x1  }
0x2: {  	[smem:$0x3F98] =	sst lr;
	_ =	strace $0xD0000000  }
0x3: {  	_ = 	snop  }
0x4: {  	_ = 	snop  }
0x5: {  	_ = 	snop  }
0x6: {  	_ = 	snop  }
0x7: {  	_ = 	snop  }
__scs_overlays_trampoline_lowered:
0x8: {  	[smem:$0x3FA7] =	sst s0  }
0x9: {  	[smem:$0x3FA8] =	sst s1  }
0xa: {  	[smem:$0x3FA9] =	sst s2  }
0xb: {  	[smem:$0x3FAA] =	sst s3  }
0xc: {  	[smem:$0x3FAB] =	sst s4  }
0xd: {  	[smem:$0x3FAC] =	sst s5  }
0xe: {  	[smem:$0x3FAD] =	sst s6  }
0xf: {  	[smem:$0x3FAE] =	sst s7  }
0x10: {  	[smem:$0x3FAF] =	sst s8  }
0x11: {  	[smem:$0x3FB0] =	sst s9;
	s0 =	simm.s32 @!p0 $0x0  }
0x12: {  	s1 =	sld [smem:$0x3F96];
	s0 =	simm.s32 @p0 $0x1  }
0x13: {  	[smem:$0x3FB1] =	sst s0;
	s0 =	simm.s32 @!p1 $0x0  }
0x14: {  	s2 =	sld [smem:$0x3F95];
	s0 =	simm.s32 @p1 $0x1  }
0x15: {  	[smem:$0x3FB2] =	sst s0;
	s0 =	simm.s32 @!p2 $0x0  }
0x16: {  	s3 =	sld [smem:$0x3FDB];
	s0 =	simm.s32 @p2 $0x1  }
0x17: {  	s4 =	simm.s32 $0x1BF5;
	[smem:$0x3FB4] =	sst s0  }
0x18: {  	s0 =	sld [smem:$0x3F97];
	_ =	swait.ge [sflag:s4], $0x0  }
0x19: {  	s7 =	sld [smem:$0x3F98]  }
0x1a: {  	s8 =	sadd.s32 $0xFFFFE003, lr  }
0x1b: {  	s9 =	sadd.s32 $0xFFFFFEF7, lr;
	s5 =	simm.s32 $0xFFFFFFFF;
	p2 =	slt.u32 s8, $0xFFFFF086  }
0x1c: {  	p1 =	slt.u32 s9, $0xF7A;
	s5 =	simm.s32 @!p2 $0x0  }
0x1d: {  	s5 =	simm.s32 @p1 $0x1;
	p0 =	seq.s32 s7, s2  }
0x1e: {  	s7 =	smul.u32 @!p0 $0xF7A, s2;
	p2 =	seq.s32 @!p0 s5, $0x0  }
0x1f: {  	s9 =	smul.u32 $0xF7A, s1;
	s8 =	simm.s32 @!p0 $0x1BF5;
	p2 =	por !p2, p0  }
0x20: {  	[sflag:s8] =	ssyncset.s32 @!p0 $0xFFFFF086;
	s6 =	sadd.s32 @!p0 s3, s7;
	s7 =	simm.s32 @!p0 $0x108  }
0x21: {  	s3 =	sadd.s32 s3, s9;
	s6 =	sadd.s32 @!p0 $0x88, s6;
	s7 =	simm.s32 @p2 $0x1082  }
0x22: {  	[simem:s7], [sflag:s8] =	dma.local @!p0 [hbm:s6], $0xF7A  }
0x23: {  	s9 =	sor.u32 $0xD0000000, s2;
	s6 =	simm.s32 $0x108;
	_ =	swait.ge @!p0 [sflag:s8], $0x0  }
0x24: {  	s3 =	sadd.s32 $0x88, s3;
	s6 =	simm.s32 @!p1 $0x1082;
	[sflag:s4] =	ssyncset.s32 $0xFFFFF086  }
0x25: {  	[simem:s6], [sflag:s4] =	dma.local [hbm:s3], $0xF7A  }
0x26: {  	[smem:$0x3F98] =	sst s1;
	(tag) =	ssettag s2;
	_ =	strace s9  }
0x27: {  	s1 =	sld [smem:$0x3FA8]  }
0x28: {  	s2 =	sld [smem:$0x3FA9]  }
0x29: {  	s4 =	sld [smem:$0x3FAB]  }
0x2a: {  	p0 =	seq.s32 s5, $0x0;
	s5 =	sld [smem:$0x3FAC]  }
0x2b: {  	s6 =	sld [smem:$0x3FAD]  }
0x2c: {  	s7 =	sld [smem:$0x3FAE]  }
0x2d: {  	s3 =	simm.s32 $0x108;
	s8 =	sld [smem:$0x3FAF]  }
0x2e: {  	s3 =	simm.s32 @!p0 $0x1082;
	s9 =	sld [smem:$0x3FB0]  }
0x2f: {  	lr =	sadd.s32 s0, s3;
	s0 =	sld [smem:$0x3FA7]  }
0x30: {  	s3 =	sld [smem:$0x3FAA]  }
0x31: {  	[smem:$0x3FB3] =	sst s10  }
0x32: {  	s10 =	sld [smem:$0x3FB1];
	_ =	sdelay $0x3  }
0x33: {  	p0 =	seq.s32 s10, $0x1;
	s10 =	sld [smem:$0x3FB3];
	_ =	sdelay $0x3  }
0x34: {  	[smem:$0x3FB3] =	sst s10  }
0x35: {  	s10 =	sld [smem:$0x3FB2];
	_ =	sdelay $0x3  }
0x36: {  	p1 =	seq.s32 s10, $0x1;
	s10 =	sld [smem:$0x3FB3];
	_ =	sdelay $0x3  }
0x37: {  	[smem:$0x3FB3] =	sst s10  }
0x38: {  	s10 =	sld [smem:$0x3FB4]  }
0x39: {  	_ = 	snop;
	(pc) =	sbr.ind lr, $3  }
0x3a: {  	_ = 	snop  }
0x3b: {  	_ = 	snop  }
0x3c: {  	p2 =	seq.s32 s10, $0x1;
	s10 =	sld [smem:$0x3FB3]  }
0x3d: {  	_ =	shalt  }
0x3e: {  	_ =	shalt  }
0x3f: {  	_ =	shalt  }
0x40: {  	_ =	shalt  }
0x41: {  	_ =	shalt  }
0x42: {  	_ =	shalt  }
0x43: {  	_ =	shalt  }
0x44: {  	_ =	shalt  }
0x45: {  	_ =	shalt  }
0x46: {  	_ =	shalt  }
0x47: {  	_ =	shalt  }
0x48: {  	_ =	shalt  }
0x49: {  	_ =	shalt  }
0x4a: {  	_ =	shalt  }
0x4b: {  	_ =	shalt  }
0x4c: {  	_ =	shalt  }
0x4d: {  	_ =	shalt  }
0x4e: {  	_ =	shalt  }
0x4f: {  	_ =	shalt  }
0x50: {  	_ =	shalt  }
0x51: {  	_ =	shalt  }
0x52: {  	_ =	shalt  }
0x53: {  	_ =	shalt  }
0x54: {  	_ =	shalt  }
0x55: {  	_ =	shalt  }
0x56: {  	_ =	shalt  }
0x57: {  	_ =	shalt  }
0x58: {  	_ =	shalt  }
0x59: {  	_ =	shalt  }
0x5a: {  	_ =	shalt  }
0x5b: {  	_ =	shalt  }
0x5c: {  	_ =	shalt  }
0x5d: {  	_ =	shalt  }
0x5e: {  	_ =	shalt  }
0x5f: {  	_ =	shalt  }
0x60: {  	_ =	shalt  }
0x61: {  	_ =	shalt  }
0x62: {  	_ =	shalt  }
0x63: {  	_ =	shalt  }
0x64: {  	_ =	shalt  }
0x65: {  	_ =	shalt  }
0x66: {  	_ =	shalt  }
0x67: {  	_ =	shalt  }
0x68: {  	_ =	shalt  }
0x69: {  	_ =	shalt  }
0x6a: {  	_ =	shalt  }
0x6b: {  	_ =	shalt  }
0x6c: {  	_ =	shalt  }
0x6d: {  	_ =	shalt  }
0x6e: {  	_ =	shalt  }
0x6f: {  	_ =	shalt  }
0x70: {  	_ =	shalt  }
0x71: {  	_ =	shalt  }
0x72: {  	_ =	shalt  }
0x73: {  	_ =	shalt  }
0x74: {  	_ =	shalt  }
0x75: {  	_ =	shalt  }
0x76: {  	_ =	shalt  }
0x77: {  	_ =	shalt  }
0x78: {  	_ =	shalt  }
0x79: {  	_ =	shalt  }
0x7a: {  	_ =	shalt  }
0x7b: {  	_ =	shalt  }
0x7c: {  	_ =	shalt  }
0x7d: {  	_ =	shalt  }
0x7e: {  	_ =	shalt  }
0x7f: {  	_ =	shalt  }
0x80: {  	_ =	shalt  }
0x81: {  	_ =	shalt  }
0x82: {  	_ =	shalt  }
0x83: {  	_ =	shalt  }
0x84: {  	_ =	shalt  }
0x85: {  	_ =	shalt  }
0x86: {  	_ =	shalt  }
0x87: {  	_ =	shalt  }
.Lfunc_end0:
.L_simem_size_0:
called_computation.5_lowered:
.L_overlay_start_0:
0x88: {  	s2 =	sld [smem:$0x3FD9]  }
0x89: {  	s3 =	sld [smem:$0x3FFE];
	_ =	sdelay $0x1  }
0x8a: {  	s1 =	srdreg.scid  }
0x8b: {  	s0 =	sand.u32 $0x1, s1  }
0x8c: {  	s17 =	sshll.u32 s0, $0xA;
	s2 =	sadd.s32 s3, s2  }
0x8d: {  	s2 =	sadd.s32 s2, s17  }
0x8e: {  	[smem:$0x3FBF] =	sst s2  }
0x8f: {  	_ = 	snop  }
0x90: {  	(tm) =	ssettm $0x1  }
0x91: {  	s18 =	sld [smem:$0x3FFB];
	_ =	sdelay $0x3  }
0x92: {  	_ =	strace s18  }
0x93: {  	s2 =	sld [smem:$0x3FFC];
	_ =	sdelay $0x3  }
0x94: {  	_ =	strace s2  }
0x95: {  	s2 =	sld [smem:$0x3FFD];
	_ =	sdelay $0x3  }
0x96: {  	_ =	strace s2  }
0x97: {  	_ =	strace $0x8FFFFFFF  }
0x98: {  	s19 =	sld [smem:$0x3FDB];
	_ =	sdelay $0x1  }
0x99: {  	s20 =	simm.s32 $_scs_section_size  }
0x9a: {  	s4 =	simm.s32 $_size__tile_overlayer_lowered;
	s5 =	simm.s32 $_tile_overlayer_lowered  }
0x9b: {  	s6 =	simm.s32 $0x1BFF;
	s21 =	sshll.u32 s5, $0x1;
	s3 =	sadd.s32 s20, s19  }
0x9c: {  	s22 =	simm.s32 $0x0;
	s4 =	sshll.u32 s4, $0x1;
	s5 =	sadd.s32 s21, s3  }
0x9d: {  	[timem:s22], [sflag:s6] =	dma.local [hbm:s5], s4  }
0x9e: {  	_ =	swait.ge [sflag:s6], s4  }
0x9f: {  	s4 =	ssub.s32 $0x0, s4;
	[sflag:s6] =	ssyncset.done $0x0  }
0xa0: {  	[sflag:s6] =	ssyncadd.s32 s4;
	_ =	sdelay $0x1  }
0xa1: {  	s23 =	simm.s32 $0x1B8B  }
0xa2: {  	_ =	swait.ge [sflag:s23], $0x1  }
0xa3: {  	[sflag:s23] =	ssyncset.done $0x0  }
0xa4: {  	[sflag:s23] =	ssyncadd.s32 $0xFFFFFFFF  }
0xa5: {  	s4 =	sld [smem:$0x0]  }
0xa6: {  	s5 =	sand.u32 $0xFFFFFFFE, s1  }
0xa7: {  	p0 =	sne.s32 s1, s5  }
0xa8: {  	s5 =	sshll.u32 @p0 s5, $0xE  }
0xa9: {  	s5 =	sadd.s32 @p0 $0x11B8D, s5;
	s6 =	sshll.u32 @p0 s4, $0x11  }
0xaa: {  	s5 =	sor.u32 @p0 s6, s5  }
0xab: {  	[sflag:s5] =	ssyncadd.remote.s32 @p0 $0x1;
	_ =	sdelay $0x1  }
0xac: {  	s5 =	simm.s32 @p0 $0x1B8D  }
0xad: {  	_ =	swait.eq @p0 [sflag:s5], $0x1  }
0xae: {  	[sflag:s5] =	ssyncadd.s32 @p0 $0xFFFFFFFF  }
0xaf: {  	s6 =	sshll.u32 @!p0 s1, $0xE  }
0xb0: {  	s6 =	sor.u32 @!p0 $0x4000, s6;
	s5 =	simm.s32 @!p0 $0x1B8D  }
0xb1: {  	s4 =	sshll.u32 @!p0 s4, $0x11;
	s6 =	sadd.s32 @!p0 $0x11B8D, s6;
	_ =	swait.eq @!p0 [sflag:s5], $0x1  }
0xb2: {  	s4 =	sor.u32 @!p0 s4, s6;
	[sflag:s5] =	ssyncadd.s32 @!p0 $0xFFFFFFFF  }
0xb3: {  	s25 =	simm.s32 $0x1B8E;
	s24 =	sld [smem:$0x3FFE];
	[sflag:s4] =	ssyncadd.remote.s32 @!p0 $0x1  }
0xb4: {  	s26 =	simm.s32 $execute0_lowered;
	[smem:$0x3FD2] =	sst s25  }
0xb5: {  	s5 =	sshll.u32 s26, $0x1;
	_ =	strace $0x8000005E;
	[dreg:$0x1] =	wrdreg $0xFFFFFFFF  }
0xb6: {  	s28 =	simm.s32 $_size_execute0_lowered;
	s3 =	sadd.s32 s3, s5;
	[dreg:$0x0] =	wrdreg $0x0  }
0xb7: {  	s5 =	sshll.u32 s28, $0x1;
	[dreg:$0x2] =	wrdreg s3  }
0xb8: {  	[dreg:$0x3] =	wrdreg s5  }
0xb9: {  	[dreg:$0x4] =	wrdreg $0xC0  }
0xba: {  	_ =	task [dreg:s22], $0x5FFFF  }
0xbb: {  	[dreg:$0x1] =	wrdreg $0xFFFFFFFF  }
0xbc: {  	[dreg:$0x0] =	wrdreg $0x60  }
0xbd: {  	[dreg:$0x2] =	wrdreg s24  }
0xbe: {  	[dreg:$0x3] =	wrdreg $0xB  }
0xbf: {  	_ =	task.clear_ibuf [dreg:s22], $0x4FFFF;
	_ =	strace $0x9000005E  }
0xc0: {  	s29 =	simm.s32 $0xB;
	_ =	strace $0x80000060  }
0xc1: {  	_ =	swait.ge [sflag:s29], $0x1  }
0xc2: {  	[sflag:s29] =	ssyncadd.s32 $0xFFFFFFFF  }
0xc3: {  	_ =	strace $0x90000060  }
0xc4: {  	_ =	sfence  }
0xc5: {  	s30 =	sld [smem:$0x0];
	_ =	sdelay $0x2  }
0xc6: {  	s31 =	sshll.u32 s1, $0xD;
	s1 =	sshrl.u32 s1, $0x2  }
0xc7: {  	s4 =	sand.u32 $0x4000, s31;
	s1 =	sadd.s32 s1, s30  }
0xc8: {  	s0 =	sor.u32 s4, s0;
	s1 =	sshll.u32 s1, $0x11  }
0xc9: {  	s0 =	sor.u32 s1, s0  }
0xca: {  	s0 =	sadd.s32 $0x8F2B, s0  }
0xcb: {  	[sflag:s0] =	ssyncadd.remote.s32 $0x1  }
0xcc: {  	_ =	sfence.sel $0xFFFF  }
0xcd: {  	[dreg:$0x0] =	wrdreg $0xFFFFFFFF;
	(pc) =	sbr.abs _section_cstart, $3  }
0xce: {  	[dreg:$0x1] =	wrdreg $0xFFFFFFFF  }
0xcf: {  	_ =	task.clear_ibuf [dreg:s22], $0x2FFFF;
	_ =	strace $0x9FFFFFFF  }
0xd0: {  	(tm) =	ssettm $0x7FFFFFFF  }
0xd1: {  	_ =	shalt  }
tec
execute0_lowered:
.L_overlay_start_1:
0x0: {  	(tag) =	ssettag $0x1  }
0x1: {  	s1 =	srdreg.scid  }
0x2: {  	s0 =	stileid.u32;
	s8 =	rddreg [dreg:$0x0];
	s5 =	simm.s32 $0x1  }
0x3: {  	s9 =	simm.s32 $0x1;
	s10 =	simm.s32 $0x3;
	s1 =	sshll.u32 s1, $0x5  }
0x4: {  	s13 =	simm.s32 $0x0;
	s2 =	sshll.u32 s0, $0x6;
	s3 =	sand.u32 $0x20, s1  }
0x5: {  	s12 =	simm.s32 $0x0;
	s4 =	sadd.s32 $0x11A00, s8;
	s2 =	sor.u32 s2, s3  }
0x6: {  	s1 =	rddreg [dreg:$0x1];
	_ =	strace $0x8000005F;
	s7 =	ssub.s32 $0x800, s2  }
.Ltmp0:
0x7: {  	s3 =	sadd.s32 $0x2A00, s8;
	s6 =	sand.u32 $0x3E0, s7;
	(pc) =	sbr.rel .LBB2_1-.Ltmp0, $4  }
0x8: {  	[sflag:s5] =	ssyncpa.u1 $0x0;
	s8 =	sadd.s32 $0xD800, s8;
	p0 =	sne.s32 s6, $0x0  }
0x9: {  	s7 =	sshrl.u32 s7, $0xA;
	s6 =	simm.s32 $0x2;
	s9 =	simm.s32 @!p0 $0x0  }
0xa: {  	s11 =	smov.u32 s2;
	[sflag:s6] =	ssyncpa.u1 $0x0;
	s7 =	sadd.s32 s9, s7  }
0xb: {  	vm0 =	vmmov $0xffff;
	[sflag:s10] =	ssyncpa.u1 $0x0;
	s10 =	simm.s32 $0x0;
	s9 =	sadd.s32 $0x1, s7  }
.LBB2_5:
0xc: {  	s15 =	sadd.s32 $0x400, s11  }
0xd: {  	p1 =	sgt.s32 s15, $0x7FF  }
0xe: {  	s15 =	smov.u32 @p1 s2;
	p1 =	sne.s32 s12, s9  }
.Ltmp1:
0xf: {  	p0 =	slt.u32 s12, $0x2;
	(pc) =	sbr.rel @!p1 .LBB2_6-.Ltmp1, $4  }
0x10: {  	s14 =	simm.s32 @!p0 $0x3  }
0x11: {  	_ =	swait.ge @!p0 [sflag:s14], $0x20  }
0x12: {  	s16 =	sadd.s32 $0x1, s12;
	s13 =	smov.u32 s11;
	[sflag:s14] =	ssyncset.done @!p0 $0x0  }
0x13: {  	s12 =	smov.u32 s16;
	s11 =	smov.u32 s15;
	[sflag:s14] =	ssyncadd.s32 @!p0 $0xFFFFFFE0  }
.LBB2_1:
0x14: {  	p0 =	sge.u32 s12, s7  }
0x15: {  	s14 =	sxor.u32 @!p0 $0xFFFFFFFF, s12  }
0x16: {  	s31 =	sadd.s32 $0xFFFFFFFF, s12;
	s15 =	sshrl.u32 @!p0 s11, $0x3;
	s14 =	sshll.u32 @!p0 s14, $0x5  }
0x17: {  	s16 =	sand.u32 @!p0 $0x7, s11;
	s15 =	sadd.s32 @!p0 s4, s15;
	s14 =	sand.u32 @!p0 $0x20, s14  }
0x18: {  	[tilespmem:s14], [sflag:$0x2] =	stream.linear.gather @!p0 [hbm4b:s15+s16], $0x20, $0x38;
	[tilespmem:$0x80] =	vst v63  }
0x19: {  	p0 =	sge.u32 s31, s7  }
.Ltmp2:
0x1a: {  	_ = 	snop;
	(pc) =	sbr.rel @p0 .LBB2_5-.Ltmp2, $1  }
0x1b: {  	_ =	sdelay $0x3  }
0x1c: {  	_ =	swait.ge [sflag:s6], $0x20;
	s14 =	sshll.u32 s12, $0x5;
	s16 =	simm.s32 $0x0  }
0x1d: {  	p0 =	por $0x1, $0x1;
	[sflag:s6] =	ssyncset.done $0x0;
	s15 =	sand.u32 $0x20, s14  }
0x1e: {  	[sflag:s6] =	ssyncadd.s32 $0xFFFFFFE0;
	(ifvalue) =	ssetifvalue $0x7FFFFFFF;
	s14 =	sor.u32 $0x40, s15  }
.LBB2_3:
0x1f: {  	s17 =	sadd.s32 s16, s15  }
0x20: {  	v0 =	vld.msk [tilespmem:s17+$0x0 ss:$0x1], $0xffff;
	_ =	sdelay $0x4  }
0x21: {  	vm1 =	veq.s32 v0, $0x80000000;
	v1 =	vand.u32 $0xF, v0;
	v0 =	vshrl.u32 v0, $0x4  }
0x22: {  	v1 =	vsel vm1, $0xFFFFFFFF, v1;
	v0 =	vand.u32 $0x3FFF, v0  }
0x23: {  	v0 =	vsel vm1, $0xFFFFFFFF, v0;
	v2 =	vshrl.u32 v1, $0x3  }
0x24: {  	v2 =	vmul.u32 $0x14000, v2;
	v3 =	vshll.u32 v0, $0x3  }
0x25: {  	v1 =	vshll.u32 v1, $0x7;
	v3 =	vand.u32 $0xFFFFFC00, v3  }
0x26: {  	v1 =	vand.u32 $0x380, v1;
	v2 =	vadd.s32 v2, v3  }
0x27: {  	v0 =	vand.u32 $0x7F, v0;
	v1 =	vor.u32 v1, v2  }
0x28: {  	p1 =	por p0, p0;
	v0 =	vor.u32 v0, v1  }
.Ltmp3:
0x29: {  	_ = 	snop;
	(pc) =	sbr.rel @p1 .LBB2_3-.Ltmp3, $4  }
0x2a: {  	_ = 	snop  }
0x2b: {  	s31 =	sadd.s32 s16, s14  }
0x2c: {  	s16 =	simm.s32 $0x10;
	p0 =	por $0x0, $0x0;
	(ifvalue) =	ssetifvalue $0x7FFFFFFF  }
0x2d: {  	[tilespmem:s31], [sflag:$0x1] =	stream.indirect_vreg.gather [hbm4b:s3+s10], $0x1, v0, vm0, $0x4038;
	[tilespmem:$0x80] =	vst v63  }
.Ltmp4:
0x2e: {  	(pc) =	sbr.rel .LBB2_5-.Ltmp4, $4  }
0x2f: {  	_ =	swait.ge [sflag:s5], $0x20  }
0x30: {  	s15 =	sshrl.u32 s13, $0x3;
	[sflag:s5] =	ssyncset.done $0x0  }
0x31: {  	s31 =	sand.u32 $0x7, s13;
	s15 =	sadd.s32 s8, s15;
	[sflag:s5] =	ssyncadd.s32 $0xFFFFFFE0  }
0x32: {  	[hbm4b:s15+s31] =	stream.linear.scatter [tilespmem:s14], [sflag:$0x3], $0x20, $0x38;
	[tilespmem:$0x80] =	vst v63  }
.LBB2_6:
0x33: {  	_ =	sfence.sel $0x180000  }
0x34: {  	s2 =	simm.s32 $0x2;
	[bflag:$0x0] =	sbarrier.arrive $0xFFFF  }
0x35: {  	s30 =	simm.s32 $0x3;
	[sflag:s2] =	ssyncpa.u1 $0x1  }
0x36: {  	s31 =	simm.s32 $0x1;
	[sflag:s30] =	ssyncpa.u1 $0x1  }
0x37: {  	[sflag:s31] =	ssyncpa.u1 $0x1  }
0x38: {  	p0 =	sne.s32 s0, $0x0;
	_ =	strace $0x9000005F  }
0x39: {  	s0 =	sadd.s32 @!p0 $0x100000, s1;
	[bflag:$0x2] =	sbarrier.arrive $0xFFFF  }
0x3a: {  	[sflag:s0] =	ssyncadd.tile.s32 @!p0 $0x1;
	_ =	shalt  }
.Lfunc_end2:
_tile_overlayer_lowered:
.L_overlay_start_2:
0x3b: {  	(tag) =	ssettag $0x2  }
0x3c: {  	s0 =	rddreg [dreg:$0x0];
	s2 =	stileid.u32  }
0x3d: {  	s1 =	rddreg [dreg:$0x1];
	p0 =	sne.s32 s2, $0x0  }
0x3e: {  	s3 =	rddreg [dreg:$0x2];
	[bflag:$0x3] =	sbarrier.arrive $0xFFFF;
	s2 =	simm.s32 @!p0 $0x1C01  }
0x3f: {  	[timem:s3], [sflag:s2] =	dma.local @!p0 [hbm:s0], s1  }
0x40: {  	s0 =	simm.s32 @!p0 $0x1  }
0x41: {  	_ =	swait.ge @!p0 [sflag:s0], s1  }
0x42: {  	s1 =	ssub.s32 @!p0 $0x0, s1;
	[sflag:s0] =	ssyncset.done @!p0 $0x0  }
0x43: {  	[sflag:s0] =	ssyncadd.s32 @!p0 s1  }
0x44: {  	[bflag:$0x3] =	sbarrier.arrive $0xFFFF  }
0x45: {  	_ =	shalt  }

// kernel: gather_offload_async_start.6
scs
__scs_entry_jumppad:
0x0: {  	(pc) =	sbr.rel $0x88, $3  }
0x1: {  	(tag) =	ssettag $0x0;
	lr =	simm.s32 $0x1  }
0x2: {  	[smem:$0x3F98] =	sst lr;
	_ =	strace $0xD0000000  }
0x3: {  	_ = 	snop  }
0x4: {  	_ = 	snop  }
0x5: {  	_ = 	snop  }
0x6: {  	_ = 	snop  }
0x7: {  	_ = 	snop  }
__scs_overlays_trampoline_lowered:
0x8: {  	[smem:$0x3FA7] =	sst s0  }
0x9: {  	[smem:$0x3FA8] =	sst s1  }
0xa: {  	[smem:$0x3FA9] =	sst s2  }
0xb: {  	[smem:$0x3FAA] =	sst s3  }
0xc: {  	[smem:$0x3FAB] =	sst s4  }
0xd: {  	[smem:$0x3FAC] =	sst s5  }
0xe: {  	[smem:$0x3FAD] =	sst s6  }
0xf: {  	[smem:$0x3FAE] =	sst s7  }
0x10: {  	[smem:$0x3FAF] =	sst s8  }
0x11: {  	[smem:$0x3FB0] =	sst s9;
	s0 =	simm.s32 @!p0 $0x0  }
0x12: {  	s1 =	sld [smem:$0x3F96];
	s0 =	simm.s32 @p0 $0x1  }
0x13: {  	[smem:$0x3FB1] =	sst s0;
	s0 =	simm.s32 @!p1 $0x0  }
0x14: {  	s2 =	sld [smem:$0x3F95];
	s0 =	simm.s32 @p1 $0x1  }
0x15: {  	[smem:$0x3FB2] =	sst s0;
	s0 =	simm.s32 @!p2 $0x0  }
0x16: {  	s3 =	sld [smem:$0x3FDB];
	s0 =	simm.s32 @p2 $0x1  }
0x17: {  	s4 =	simm.s32 $0x1BF5;
	[smem:$0x3FB4] =	sst s0  }
0x18: {  	s0 =	sld [smem:$0x3F97];
	_ =	swait.ge [sflag:s4], $0x0  }
0x19: {  	s7 =	sld [smem:$0x3F98]  }
0x1a: {  	s8 =	sadd.s32 $0xFFFFE003, lr  }
0x1b: {  	s9 =	sadd.s32 $0xFFFFFEF7, lr;
	s5 =	simm.s32 $0xFFFFFFFF;
	p2 =	slt.u32 s8, $0xFFFFF086  }
0x1c: {  	p1 =	slt.u32 s9, $0xF7A;
	s5 =	simm.s32 @!p2 $0x0  }
0x1d: {  	s5 =	simm.s32 @p1 $0x1;
	p0 =	seq.s32 s7, s2  }
0x1e: {  	s7 =	smul.u32 @!p0 $0xF7A, s2;
	p2 =	seq.s32 @!p0 s5, $0x0  }
0x1f: {  	s9 =	smul.u32 $0xF7A, s1;
	s8 =	simm.s32 @!p0 $0x1BF5;
	p2 =	por !p2, p0  }
0x20: {  	[sflag:s8] =	ssyncset.s32 @!p0 $0xFFFFF086;
	s6 =	sadd.s32 @!p0 s3, s7;
	s7 =	simm.s32 @!p0 $0x108  }
0x21: {  	s3 =	sadd.s32 s3, s9;
	s6 =	sadd.s32 @!p0 $0x88, s6;
	s7 =	simm.s32 @p2 $0x1082  }
0x22: {  	[simem:s7], [sflag:s8] =	dma.local @!p0 [hbm:s6], $0xF7A  }
0x23: {  	s9 =	sor.u32 $0xD0000000, s2;
	s6 =	simm.s32 $0x108;
	_ =	swait.ge @!p0 [sflag:s8], $0x0  }
0x24: {  	s3 =	sadd.s32 $0x88, s3;
	s6 =	simm.s32 @!p1 $0x1082;
	[sflag:s4] =	ssyncset.s32 $0xFFFFF086  }
0x25: {  	[simem:s6], [sflag:s4] =	dma.local [hbm:s3], $0xF7A  }
0x26: {  	[smem:$0x3F98] =	sst s1;
	(tag) =	ssettag s2;
	_ =	strace s9  }
0x27: {  	s1 =	sld [smem:$0x3FA8]  }
0x28: {  	s2 =	sld [smem:$0x3FA9]  }
0x29: {  	s4 =	sld [smem:$0x3FAB]  }
0x2a: {  	p0 =	seq.s32 s5, $0x0;
	s5 =	sld [smem:$0x3FAC]  }
0x2b: {  	s6 =	sld [smem:$0x3FAD]  }
0x2c: {  	s7 =	sld [smem:$0x3FAE]  }
0x2d: {  	s3 =	simm.s32 $0x108;
	s8 =	sld [smem:$0x3FAF]  }
0x2e: {  	s3 =	simm.s32 @!p0 $0x1082;
	s9 =	sld [smem:$0x3FB0]  }
0x2f: {  	lr =	sadd.s32 s0, s3;
	s0 =	sld [smem:$0x3FA7]  }
0x30: {  	s3 =	sld [smem:$0x3FAA]  }
0x31: {  	[smem:$0x3FB3] =	sst s10  }
0x32: {  	s10 =	sld [smem:$0x3FB1];
	_ =	sdelay $0x3  }
0x33: {  	p0 =	seq.s32 s10, $0x1;
	s10 =	sld [smem:$0x3FB3];
	_ =	sdelay $0x3  }
0x34: {  	[smem:$0x3FB3] =	sst s10  }
0x35: {  	s10 =	sld [smem:$0x3FB2];
	_ =	sdelay $0x3  }
0x36: {  	p1 =	seq.s32 s10, $0x1;
	s10 =	sld [smem:$0x3FB3];
	_ =	sdelay $0x3  }
0x37: {  	[smem:$0x3FB3] =	sst s10  }
0x38: {  	s10 =	sld [smem:$0x3FB4]  }
0x39: {  	_ = 	snop;
	(pc) =	sbr.ind lr, $3  }
0x3a: {  	_ = 	snop  }
0x3b: {  	_ = 	snop  }
0x3c: {  	p2 =	seq.s32 s10, $0x1;
	s10 =	sld [smem:$0x3FB3]  }
0x3d: {  	_ =	shalt  }
0x3e: {  	_ =	shalt  }
0x3f: {  	_ =	shalt  }
0x40: {  	_ =	shalt  }
0x41: {  	_ =	shalt  }
0x42: {  	_ =	shalt  }
0x43: {  	_ =	shalt  }
0x44: {  	_ =	shalt  }
0x45: {  	_ =	shalt  }
0x46: {  	_ =	shalt  }
0x47: {  	_ =	shalt  }
0x48: {  	_ =	shalt  }
0x49: {  	_ =	shalt  }
0x4a: {  	_ =	shalt  }
0x4b: {  	_ =	shalt  }
0x4c: {  	_ =	shalt  }
0x4d: {  	_ =	shalt  }
0x4e: {  	_ =	shalt  }
0x4f: {  	_ =	shalt  }
0x50: {  	_ =	shalt  }
0x51: {  	_ =	shalt  }
0x52: {  	_ =	shalt  }
0x53: {  	_ =	shalt  }
0x54: {  	_ =	shalt  }
0x55: {  	_ =	shalt  }
0x56: {  	_ =	shalt  }
0x57: {  	_ =	shalt  }
0x58: {  	_ =	shalt  }
0x59: {  	_ =	shalt  }
0x5a: {  	_ =	shalt  }
0x5b: {  	_ =	shalt  }
0x5c: {  	_ =	shalt  }
0x5d: {  	_ =	shalt  }
0x5e: {  	_ =	shalt  }
0x5f: {  	_ =	shalt  }
0x60: {  	_ =	shalt  }
0x61: {  	_ =	shalt  }
0x62: {  	_ =	shalt  }
0x63: {  	_ =	shalt  }
0x64: {  	_ =	shalt  }
0x65: {  	_ =	shalt  }
0x66: {  	_ =	shalt  }
0x67: {  	_ =	shalt  }
0x68: {  	_ =	shalt  }
0x69: {  	_ =	shalt  }
0x6a: {  	_ =	shalt  }
0x6b: {  	_ =	shalt  }
0x6c: {  	_ =	shalt  }
0x6d: {  	_ =	shalt  }
0x6e: {  	_ =	shalt  }
0x6f: {  	_ =	shalt  }
0x70: {  	_ =	shalt  }
0x71: {  	_ =	shalt  }
0x72: {  	_ =	shalt  }
0x73: {  	_ =	shalt  }
0x74: {  	_ =	shalt  }
0x75: {  	_ =	shalt  }
0x76: {  	_ =	shalt  }
0x77: {  	_ =	shalt  }
0x78: {  	_ =	shalt  }
0x79: {  	_ =	shalt  }
0x7a: {  	_ =	shalt  }
0x7b: {  	_ =	shalt  }
0x7c: {  	_ =	shalt  }
0x7d: {  	_ =	shalt  }
0x7e: {  	_ =	shalt  }
0x7f: {  	_ =	shalt  }
0x80: {  	_ =	shalt  }
0x81: {  	_ =	shalt  }
0x82: {  	_ =	shalt  }
0x83: {  	_ =	shalt  }
0x84: {  	_ =	shalt  }
0x85: {  	_ =	shalt  }
0x86: {  	_ =	shalt  }
0x87: {  	_ =	shalt  }
.Lfunc_end0:
.L_simem_size_0:
called_computation.6_lowered:
.L_overlay_start_0:
0x88: {  	s2 =	sld [smem:$0x3FD9]  }
0x89: {  	s3 =	sld [smem:$0x3FFE];
	_ =	sdelay $0x1  }
0x8a: {  	s1 =	srdreg.scid  }
0x8b: {  	s0 =	sand.u32 $0x1, s1  }
0x8c: {  	s16 =	sshll.u32 s0, $0xA;
	s2 =	sadd.s32 s3, s2  }
0x8d: {  	s2 =	sadd.s32 s2, s16  }
0x8e: {  	[smem:$0x3FBF] =	sst s2  }
0x8f: {  	_ = 	snop  }
0x90: {  	(tm) =	ssettm $0x1  }
0x91: {  	s17 =	sld [smem:$0x3FFB];
	_ =	sdelay $0x3  }
0x92: {  	_ =	strace s17  }
0x93: {  	s2 =	sld [smem:$0x3FFC];
	_ =	sdelay $0x3  }
0x94: {  	_ =	strace s2  }
0x95: {  	s2 =	sld [smem:$0x3FFD];
	_ =	sdelay $0x3  }
0x96: {  	_ =	strace s2  }
0x97: {  	_ =	strace $0x8FFFFFFF  }
0x98: {  	s18 =	sld [smem:$0x3FDB];
	_ =	sdelay $0x1  }
0x99: {  	s19 =	simm.s32 $_scs_section_size  }
0x9a: {  	s4 =	simm.s32 $_size__tile_overlayer_lowered;
	s5 =	simm.s32 $_tile_overlayer_lowered  }
0x9b: {  	s22 =	simm.s32 $0x1BFF;
	s21 =	sshll.u32 s5, $0x1;
	s2 =	sadd.s32 s19, s18  }
0x9c: {  	s6 =	simm.s32 $0x0;
	s20 =	sshll.u32 s4, $0x1;
	s4 =	sadd.s32 s21, s2  }
0x9d: {  	[timem:s6], [sflag:s22] =	dma.local [hbm:s4], s20  }
0x9e: {  	_ =	swait.ge [sflag:s22], s20  }
0x9f: {  	s3 =	ssub.s32 $0x0, s20;
	[sflag:s22] =	ssyncset.done $0x0  }
0xa0: {  	[sflag:s22] =	ssyncadd.s32 s3;
	_ =	sdelay $0x1  }
0xa1: {  	s23 =	simm.s32 $0x1B8B  }
0xa2: {  	_ =	swait.ge [sflag:s23], $0x1  }
0xa3: {  	[sflag:s23] =	ssyncset.done $0x0  }
0xa4: {  	s25 =	simm.s32 $0x1B8E;
	s24 =	sld [smem:$0x3FFE];
	[sflag:s23] =	ssyncadd.s32 $0xFFFFFFFF  }
0xa5: {  	s26 =	simm.s32 $execute0_lowered;
	[smem:$0x3FD2] =	sst s25  }
0xa6: {  	s4 =	sshll.u32 s26, $0x1;
	_ =	strace $0x80000046;
	[dreg:$0x1] =	wrdreg $0xFFFFFFFF  }
0xa7: {  	s28 =	simm.s32 $_size_execute0_lowered;
	s2 =	sadd.s32 s2, s4;
	[dreg:$0x0] =	wrdreg $0x0  }
0xa8: {  	s4 =	sshll.u32 s28, $0x1;
	[dreg:$0x2] =	wrdreg s2  }
0xa9: {  	[dreg:$0x3] =	wrdreg s4  }
0xaa: {  	[dreg:$0x4] =	wrdreg $0xC0  }
0xab: {  	_ =	task [dreg:s6], $0x5FFFF  }
0xac: {  	[dreg:$0x1] =	wrdreg $0xFFFFFFFF  }
0xad: {  	[dreg:$0x0] =	wrdreg $0x60  }
0xae: {  	[dreg:$0x2] =	wrdreg s24  }
0xaf: {  	[dreg:$0x3] =	wrdreg $0x9  }
0xb0: {  	_ =	task.clear_ibuf [dreg:s6], $0x4FFFF;
	_ =	strace $0x90000046  }
0xb1: {  	s29 =	simm.s32 $0x9;
	_ =	strace $0x80000048  }
0xb2: {  	_ =	swait.ge [sflag:s29], $0x1  }
0xb3: {  	[sflag:s29] =	ssyncadd.s32 $0xFFFFFFFF  }
0xb4: {  	_ =	strace $0x90000048  }
0xb5: {  	_ =	sfence  }
0xb6: {  	s30 =	sld [smem:$0x0];
	_ =	sdelay $0x2  }
0xb7: {  	s31 =	sshll.u32 s1, $0xD;
	s1 =	sshrl.u32 s1, $0x2  }
0xb8: {  	s3 =	sand.u32 $0x4000, s31;
	s1 =	sadd.s32 s1, s30  }
0xb9: {  	s0 =	sor.u32 s3, s0;
	s1 =	sshll.u32 s1, $0x11  }
0xba: {  	s0 =	sor.u32 s1, s0  }
0xbb: {  	s0 =	sadd.s32 $0x8F2B, s0  }
0xbc: {  	[sflag:s0] =	ssyncadd.remote.s32 $0x1  }
0xbd: {  	_ =	sfence.sel $0xFFFF  }
0xbe: {  	[dreg:$0x0] =	wrdreg $0xFFFFFFFF;
	(pc) =	sbr.abs _section_cstart, $3  }
0xbf: {  	[dreg:$0x1] =	wrdreg $0xFFFFFFFF  }
0xc0: {  	_ =	task.clear_ibuf [dreg:s6], $0x2FFFF;
	_ =	strace $0x9FFFFFFF  }
0xc1: {  	(tm) =	ssettm $0x7FFFFFFF  }
tec
execute0_lowered:
.L_overlay_start_1:
0x0: {  	(tag) =	ssettag $0x1  }
0x1: {  	s1 =	srdreg.scid  }
0x2: {  	s0 =	stileid.u32;
	s8 =	rddreg [dreg:$0x0];
	s5 =	simm.s32 $0x1  }
0x3: {  	s9 =	simm.s32 $0x1;
	s10 =	simm.s32 $0x3;
	s1 =	sshll.u32 s1, $0x5  }
0x4: {  	s13 =	simm.s32 $0x0;
	s2 =	sshll.u32 s0, $0x6;
	s3 =	sand.u32 $0x20, s1  }
0x5: {  	s12 =	simm.s32 $0x0;
	s4 =	sadd.s32 $0x11A00, s8;
	s2 =	sor.u32 s2, s3  }
0x6: {  	s1 =	rddreg [dreg:$0x1];
	_ =	strace $0x80000047;
	s7 =	ssub.s32 $0x800, s2  }
.Ltmp0:
0x7: {  	s3 =	sadd.s32 $0xCA00, s8;
	s6 =	sand.u32 $0x3E0, s7;
	(pc) =	sbr.rel .LBB2_1-.Ltmp0, $4  }
0x8: {  	[sflag:s5] =	ssyncpa.u1 $0x0;
	s8 =	sadd.s32 $0x21C00, s8;
	p0 =	sne.s32 s6, $0x0  }
0x9: {  	s7 =	sshrl.u32 s7, $0xA;
	s6 =	simm.s32 $0x2;
	s9 =	simm.s32 @!p0 $0x0  }
0xa: {  	s11 =	smov.u32 s2;
	[sflag:s6] =	ssyncpa.u1 $0x0;
	s7 =	sadd.s32 s9, s7  }
0xb: {  	vm0 =	vmmov $0xffff;
	[sflag:s10] =	ssyncpa.u1 $0x0;
	s10 =	simm.s32 $0x0;
	s9 =	sadd.s32 $0x1, s7  }
.LBB2_5:
0xc: {  	s15 =	sadd.s32 $0x400, s11  }
0xd: {  	p1 =	sgt.s32 s15, $0x7FF  }
0xe: {  	s15 =	smov.u32 @p1 s2;
	p1 =	sne.s32 s12, s9  }
.Ltmp1:
0xf: {  	p0 =	slt.u32 s12, $0x2;
	(pc) =	sbr.rel @!p1 .LBB2_6-.Ltmp1, $4  }
0x10: {  	s14 =	simm.s32 @!p0 $0x3  }
0x11: {  	_ =	swait.ge @!p0 [sflag:s14], $0x20  }
0x12: {  	s16 =	sadd.s32 $0x1, s12;
	s13 =	smov.u32 s11;
	[sflag:s14] =	ssyncset.done @!p0 $0x0  }
0x13: {  	s12 =	smov.u32 s16;
	s11 =	smov.u32 s15;
	[sflag:s14] =	ssyncadd.s32 @!p0 $0xFFFFFFE0  }
.LBB2_1:
0x14: {  	p0 =	sge.u32 s12, s7  }
0x15: {  	s14 =	sxor.u32 @!p0 $0xFFFFFFFF, s12  }
0x16: {  	s31 =	sadd.s32 $0xFFFFFFFF, s12;
	s15 =	sshrl.u32 @!p0 s11, $0x3;
	s14 =	sshll.u32 @!p0 s14, $0x5  }
0x17: {  	s16 =	sand.u32 @!p0 $0x7, s11;
	s15 =	sadd.s32 @!p0 s4, s15;
	s14 =	sand.u32 @!p0 $0x20, s14  }
0x18: {  	[tilespmem:s14], [sflag:$0x2] =	stream.linear.gather @!p0 [hbm4b:s15+s16], $0x20, $0x38;
	[tilespmem:$0x80] =	vst v63  }
0x19: {  	p0 =	sge.u32 s31, s7  }
.Ltmp2:
0x1a: {  	_ = 	snop;
	(pc) =	sbr.rel @p0 .LBB2_5-.Ltmp2, $1  }
0x1b: {  	_ =	sdelay $0x3  }
0x1c: {  	_ =	swait.ge [sflag:s6], $0x20;
	s14 =	sshll.u32 s12, $0x5;
	s16 =	simm.s32 $0x0  }
0x1d: {  	p0 =	por $0x1, $0x1;
	[sflag:s6] =	ssyncset.done $0x0;
	s15 =	sand.u32 $0x20, s14  }
0x1e: {  	[sflag:s6] =	ssyncadd.s32 $0xFFFFFFE0;
	(ifvalue) =	ssetifvalue $0x7FFFFFFF;
	s14 =	sor.u32 $0x40, s15  }
.LBB2_3:
0x1f: {  	s17 =	sadd.s32 s16, s15  }
0x20: {  	v0 =	vld.msk [tilespmem:s17+$0x0 ss:$0x1], $0xffff;
	_ =	sdelay $0x4  }
0x21: {  	vm1 =	veq.s32 v0, $0x80000000;
	v1 =	vand.u32 $0xF, v0;
	v0 =	vshrl.u32 v0, $0x4  }
0x22: {  	v1 =	vsel vm1, $0xFFFFFFFF, v1;
	v0 =	vand.u32 $0x3FFF, v0  }
0x23: {  	v0 =	vsel vm1, $0xFFFFFFFF, v0;
	v2 =	vshrl.u32 v1, $0x3  }
0x24: {  	v2 =	vmul.u32 $0x14000, v2;
	v3 =	vshll.u32 v0, $0x3  }
0x25: {  	v1 =	vshll.u32 v1, $0x7;
	v3 =	vand.u32 $0xFFFFFC00, v3  }
0x26: {  	v1 =	vand.u32 $0x380, v1;
	v2 =	vadd.s32 v2, v3  }
0x27: {  	v0 =	vand.u32 $0x7F, v0;
	v1 =	vor.u32 v1, v2  }
0x28: {  	p1 =	por p0, p0;
	v0 =	vor.u32 v0, v1  }
.Ltmp3:
0x29: {  	_ = 	snop;
	(pc) =	sbr.rel @p1 .LBB2_3-.Ltmp3, $4  }
0x2a: {  	_ = 	snop  }
0x2b: {  	s31 =	sadd.s32 s16, s14  }
0x2c: {  	s16 =	simm.s32 $0x10;
	p0 =	por $0x0, $0x0;
	(ifvalue) =	ssetifvalue $0x7FFFFFFF  }
0x2d: {  	[tilespmem:s31], [sflag:$0x1] =	stream.indirect_vreg.gather [hbm4b:s3+s10], $0x1, v0, vm0, $0x4038;
	[tilespmem:$0x80] =	vst v63  }
.Ltmp4:
0x2e: {  	(pc) =	sbr.rel .LBB2_5-.Ltmp4, $4  }
0x2f: {  	_ =	swait.ge [sflag:s5], $0x20  }
0x30: {  	s15 =	sshrl.u32 s13, $0x3;
	[sflag:s5] =	ssyncset.done $0x0  }
0x31: {  	s31 =	sand.u32 $0x7, s13;
	s15 =	sadd.s32 s8, s15;
	[sflag:s5] =	ssyncadd.s32 $0xFFFFFFE0  }
0x32: {  	[hbm4b:s15+s31] =	stream.linear.scatter [tilespmem:s14], [sflag:$0x3], $0x20, $0x38;
	[tilespmem:$0x80] =	vst v63  }
.LBB2_6:
0x33: {  	_ =	sfence.sel $0x180000  }
0x34: {  	s2 =	simm.s32 $0x2;
	[bflag:$0x0] =	sbarrier.arrive $0xFFFF  }
0x35: {  	s30 =	simm.s32 $0x3;
	[sflag:s2] =	ssyncpa.u1 $0x1  }
0x36: {  	s31 =	simm.s32 $0x1;
	[sflag:s30] =	ssyncpa.u1 $0x1  }
0x37: {  	[sflag:s31] =	ssyncpa.u1 $0x1  }
0x38: {  	p0 =	sne.s32 s0, $0x0;
	_ =	strace $0x90000047  }
0x39: {  	s0 =	sadd.s32 @!p0 $0x100000, s1;
	[bflag:$0x2] =	sbarrier.arrive $0xFFFF  }
0x3a: {  	[sflag:s0] =	ssyncadd.tile.s32 @!p0 $0x1;
	_ =	shalt  }
.Lfunc_end2:
_tile_overlayer_lowered:
.L_overlay_start_2:
0x3b: {  	(tag) =	ssettag $0x2  }
0x3c: {  	s0 =	rddreg [dreg:$0x0];
	s2 =	stileid.u32  }
0x3d: {  	s1 =	rddreg [dreg:$0x1];
	p0 =	sne.s32 s2, $0x0  }
0x3e: {  	s3 =	rddreg [dreg:$0x2];
	[bflag:$0x3] =	sbarrier.arrive $0xFFFF;
	s2 =	simm.s32 @!p0 $0x1C01  }
0x3f: {  	[timem:s3], [sflag:s2] =	dma.local @!p0 [hbm:s0], s1  }
0x40: {  	s0 =	simm.s32 @!p0 $0x1  }
0x41: {  	_ =	swait.ge @!p0 [sflag:s0], s1  }
0x42: {  	s1 =	ssub.s32 @!p0 $0x0, s1;
	[sflag:s0] =	ssyncset.done @!p0 $0x0  }
0x43: {  	[sflag:s0] =	ssyncadd.s32 @!p0 s1  }
0x44: {  	[bflag:$0x3] =	sbarrier.arrive $0xFFFF  }
0x45: {  	_ =	shalt  }

// kernel: gather_offload_async_start.7
scs
__scs_entry_jumppad:
0x0: {  	(pc) =	sbr.rel $0x88, $3  }
0x1: {  	(tag) =	ssettag $0x0;
	lr =	simm.s32 $0x1  }
0x2: {  	[smem:$0x3F98] =	sst lr;
	_ =	strace $0xD0000000  }
0x3: {  	_ = 	snop  }
0x4: {  	_ = 	snop  }
0x5: {  	_ = 	snop  }
0x6: {  	_ = 	snop  }
0x7: {  	_ = 	snop  }
__scs_overlays_trampoline_lowered:
0x8: {  	[smem:$0x3FA7] =	sst s0  }
0x9: {  	[smem:$0x3FA8] =	sst s1  }
0xa: {  	[smem:$0x3FA9] =	sst s2  }
0xb: {  	[smem:$0x3FAA] =	sst s3  }
0xc: {  	[smem:$0x3FAB] =	sst s4  }
0xd: {  	[smem:$0x3FAC] =	sst s5  }
0xe: {  	[smem:$0x3FAD] =	sst s6  }
0xf: {  	[smem:$0x3FAE] =	sst s7  }
0x10: {  	[smem:$0x3FAF] =	sst s8  }
0x11: {  	[smem:$0x3FB0] =	sst s9;
	s0 =	simm.s32 @!p0 $0x0  }
0x12: {  	s1 =	sld [smem:$0x3F96];
	s0 =	simm.s32 @p0 $0x1  }
0x13: {  	[smem:$0x3FB1] =	sst s0;
	s0 =	simm.s32 @!p1 $0x0  }
0x14: {  	s2 =	sld [smem:$0x3F95];
	s0 =	simm.s32 @p1 $0x1  }
0x15: {  	[smem:$0x3FB2] =	sst s0;
	s0 =	simm.s32 @!p2 $0x0  }
0x16: {  	s3 =	sld [smem:$0x3FDB];
	s0 =	simm.s32 @p2 $0x1  }
0x17: {  	s4 =	simm.s32 $0x1BF5;
	[smem:$0x3FB4] =	sst s0  }
0x18: {  	s0 =	sld [smem:$0x3F97];
	_ =	swait.ge [sflag:s4], $0x0  }
0x19: {  	s7 =	sld [smem:$0x3F98]  }
0x1a: {  	s8 =	sadd.s32 $0xFFFFE003, lr  }
0x1b: {  	s9 =	sadd.s32 $0xFFFFFEF7, lr;
	s5 =	simm.s32 $0xFFFFFFFF;
	p2 =	slt.u32 s8, $0xFFFFF086  }
0x1c: {  	p1 =	slt.u32 s9, $0xF7A;
	s5 =	simm.s32 @!p2 $0x0  }
0x1d: {  	s5 =	simm.s32 @p1 $0x1;
	p0 =	seq.s32 s7, s2  }
0x1e: {  	s7 =	smul.u32 @!p0 $0xF7A, s2;
	p2 =	seq.s32 @!p0 s5, $0x0  }
0x1f: {  	s9 =	smul.u32 $0xF7A, s1;
	s8 =	simm.s32 @!p0 $0x1BF5;
	p2 =	por !p2, p0  }
0x20: {  	[sflag:s8] =	ssyncset.s32 @!p0 $0xFFFFF086;
	s6 =	sadd.s32 @!p0 s3, s7;
	s7 =	simm.s32 @!p0 $0x108  }
0x21: {  	s3 =	sadd.s32 s3, s9;
	s6 =	sadd.s32 @!p0 $0x88, s6;
	s7 =	simm.s32 @p2 $0x1082  }
0x22: {  	[simem:s7], [sflag:s8] =	dma.local @!p0 [hbm:s6], $0xF7A  }
0x23: {  	s9 =	sor.u32 $0xD0000000, s2;
	s6 =	simm.s32 $0x108;
	_ =	swait.ge @!p0 [sflag:s8], $0x0  }
0x24: {  	s3 =	sadd.s32 $0x88, s3;
	s6 =	simm.s32 @!p1 $0x1082;
	[sflag:s4] =	ssyncset.s32 $0xFFFFF086  }
0x25: {  	[simem:s6], [sflag:s4] =	dma.local [hbm:s3], $0xF7A  }
0x26: {  	[smem:$0x3F98] =	sst s1;
	(tag) =	ssettag s2;
	_ =	strace s9  }
0x27: {  	s1 =	sld [smem:$0x3FA8]  }
0x28: {  	s2 =	sld [smem:$0x3FA9]  }
0x29: {  	s4 =	sld [smem:$0x3FAB]  }
0x2a: {  	p0 =	seq.s32 s5, $0x0;
	s5 =	sld [smem:$0x3FAC]  }
0x2b: {  	s6 =	sld [smem:$0x3FAD]  }
0x2c: {  	s7 =	sld [smem:$0x3FAE]  }
0x2d: {  	s3 =	simm.s32 $0x108;
	s8 =	sld [smem:$0x3FAF]  }
0x2e: {  	s3 =	simm.s32 @!p0 $0x1082;
	s9 =	sld [smem:$0x3FB0]  }
0x2f: {  	lr =	sadd.s32 s0, s3;
	s0 =	sld [smem:$0x3FA7]  }
0x30: {  	s3 =	sld [smem:$0x3FAA]  }
0x31: {  	[smem:$0x3FB3] =	sst s10  }
0x32: {  	s10 =	sld [smem:$0x3FB1];
	_ =	sdelay $0x3  }
0x33: {  	p0 =	seq.s32 s10, $0x1;
	s10 =	sld [smem:$0x3FB3];
	_ =	sdelay $0x3  }
0x34: {  	[smem:$0x3FB3] =	sst s10  }
0x35: {  	s10 =	sld [smem:$0x3FB2];
	_ =	sdelay $0x3  }
0x36: {  	p1 =	seq.s32 s10, $0x1;
	s10 =	sld [smem:$0x3FB3];
	_ =	sdelay $0x3  }
0x37: {  	[smem:$0x3FB3] =	sst s10  }
0x38: {  	s10 =	sld [smem:$0x3FB4]  }
0x39: {  	_ = 	snop;
	(pc) =	sbr.ind lr, $3  }
0x3a: {  	_ = 	snop  }
0x3b: {  	_ = 	snop  }
0x3c: {  	p2 =	seq.s32 s10, $0x1;
	s10 =	sld [smem:$0x3FB3]  }
0x3d: {  	_ =	shalt  }
0x3e: {  	_ =	shalt  }
0x3f: {  	_ =	shalt  }
0x40: {  	_ =	shalt  }
0x41: {  	_ =	shalt  }
0x42: {  	_ =	shalt  }
0x43: {  	_ =	shalt  }
0x44: {  	_ =	shalt  }
0x45: {  	_ =	shalt  }
0x46: {  	_ =	shalt  }
0x47: {  	_ =	shalt  }
0x48: {  	_ =	shalt  }
0x49: {  	_ =	shalt  }
0x4a: {  	_ =	shalt  }
0x4b: {  	_ =	shalt  }
0x4c: {  	_ =	shalt  }
0x4d: {  	_ =	shalt  }
0x4e: {  	_ =	shalt  }
0x4f: {  	_ =	shalt  }
0x50: {  	_ =	shalt  }
0x51: {  	_ =	shalt  }
0x52: {  	_ =	shalt  }
0x53: {  	_ =	shalt  }
0x54: {  	_ =	shalt  }
0x55: {  	_ =	shalt  }
0x56: {  	_ =	shalt  }
0x57: {  	_ =	shalt  }
0x58: {  	_ =	shalt  }
0x59: {  	_ =	shalt  }
0x5a: {  	_ =	shalt  }
0x5b: {  	_ =	shalt  }
0x5c: {  	_ =	shalt  }
0x5d: {  	_ =	shalt  }
0x5e: {  	_ =	shalt  }
0x5f: {  	_ =	shalt  }
0x60: {  	_ =	shalt  }
0x61: {  	_ =	shalt  }
0x62: {  	_ =	shalt  }
0x63: {  	_ =	shalt  }
0x64: {  	_ =	shalt  }
0x65: {  	_ =	shalt  }
0x66: {  	_ =	shalt  }
0x67: {  	_ =	shalt  }
0x68: {  	_ =	shalt  }
0x69: {  	_ =	shalt  }
0x6a: {  	_ =	shalt  }
0x6b: {  	_ =	shalt  }
0x6c: {  	_ =	shalt  }
0x6d: {  	_ =	shalt  }
0x6e: {  	_ =	shalt  }
0x6f: {  	_ =	shalt  }
0x70: {  	_ =	shalt  }
0x71: {  	_ =	shalt  }
0x72: {  	_ =	shalt  }
0x73: {  	_ =	shalt  }
0x74: {  	_ =	shalt  }
0x75: {  	_ =	shalt  }
0x76: {  	_ =	shalt  }
0x77: {  	_ =	shalt  }
0x78: {  	_ =	shalt  }
0x79: {  	_ =	shalt  }
0x7a: {  	_ =	shalt  }
0x7b: {  	_ =	shalt  }
0x7c: {  	_ =	shalt  }
0x7d: {  	_ =	shalt  }
0x7e: {  	_ =	shalt  }
0x7f: {  	_ =	shalt  }
0x80: {  	_ =	shalt  }
0x81: {  	_ =	shalt  }
0x82: {  	_ =	shalt  }
0x83: {  	_ =	shalt  }
0x84: {  	_ =	shalt  }
0x85: {  	_ =	shalt  }
0x86: {  	_ =	shalt  }
0x87: {  	_ =	shalt  }
.Lfunc_end0:
.L_simem_size_0:
called_computation.7_lowered:
.L_overlay_start_0:
0x88: {  	s2 =	sld [smem:$0x3FD9]  }
0x89: {  	s3 =	sld [smem:$0x3FFE];
	_ =	sdelay $0x1  }
0x8a: {  	s1 =	srdreg.scid  }
0x8b: {  	s0 =	sand.u32 $0x1, s1  }
0x8c: {  	s17 =	sshll.u32 s0, $0xA;
	s2 =	sadd.s32 s3, s2  }
0x8d: {  	s2 =	sadd.s32 s2, s17  }
0x8e: {  	[smem:$0x3FBF] =	sst s2  }
0x8f: {  	_ = 	snop  }
0x90: {  	(tm) =	ssettm $0x1  }
0x91: {  	s18 =	sld [smem:$0x3FFB];
	_ =	sdelay $0x3  }
0x92: {  	_ =	strace s18  }
0x93: {  	s2 =	sld [smem:$0x3FFC];
	_ =	sdelay $0x3  }
0x94: {  	_ =	strace s2  }
0x95: {  	s2 =	sld [smem:$0x3FFD];
	_ =	sdelay $0x3  }
0x96: {  	_ =	strace s2  }
0x97: {  	_ =	strace $0x8FFFFFFF  }
0x98: {  	s19 =	sld [smem:$0x3FDB];
	_ =	sdelay $0x1  }
0x99: {  	s20 =	simm.s32 $_scs_section_size  }
0x9a: {  	s4 =	simm.s32 $_size__tile_overlayer_lowered;
	s5 =	simm.s32 $_tile_overlayer_lowered  }
0x9b: {  	s6 =	simm.s32 $0x1BFF;
	s21 =	sshll.u32 s5, $0x1;
	s3 =	sadd.s32 s20, s19  }
0x9c: {  	s22 =	simm.s32 $0x0;
	s4 =	sshll.u32 s4, $0x1;
	s5 =	sadd.s32 s21, s3  }
0x9d: {  	[timem:s22], [sflag:s6] =	dma.local [hbm:s5], s4  }
0x9e: {  	_ =	swait.ge [sflag:s6], s4  }
0x9f: {  	s4 =	ssub.s32 $0x0, s4;
	[sflag:s6] =	ssyncset.done $0x0  }
0xa0: {  	[sflag:s6] =	ssyncadd.s32 s4;
	_ =	sdelay $0x1  }
0xa1: {  	s23 =	simm.s32 $0x1B8B  }
0xa2: {  	_ =	swait.ge [sflag:s23], $0x1  }
0xa3: {  	[sflag:s23] =	ssyncset.done $0x0  }
0xa4: {  	[sflag:s23] =	ssyncadd.s32 $0xFFFFFFFF  }
0xa5: {  	s4 =	sld [smem:$0x0]  }
0xa6: {  	s5 =	sand.u32 $0xFFFFFFFE, s1  }
0xa7: {  	p0 =	sne.s32 s1, s5  }
0xa8: {  	s5 =	sshll.u32 @p0 s5, $0xE  }
0xa9: {  	s5 =	sadd.s32 @p0 $0x11B8D, s5;
	s6 =	sshll.u32 @p0 s4, $0x11  }
0xaa: {  	s5 =	sor.u32 @p0 s6, s5  }
0xab: {  	[sflag:s5] =	ssyncadd.remote.s32 @p0 $0x1;
	_ =	sdelay $0x1  }
0xac: {  	s5 =	simm.s32 @p0 $0x1B8D  }
0xad: {  	_ =	swait.eq @p0 [sflag:s5], $0x1  }
0xae: {  	[sflag:s5] =	ssyncadd.s32 @p0 $0xFFFFFFFF  }
0xaf: {  	s6 =	sshll.u32 @!p0 s1, $0xE  }
0xb0: {  	s6 =	sor.u32 @!p0 $0x4000, s6;
	s5 =	simm.s32 @!p0 $0x1B8D  }
0xb1: {  	s4 =	sshll.u32 @!p0 s4, $0x11;
	s6 =	sadd.s32 @!p0 $0x11B8D, s6;
	_ =	swait.eq @!p0 [sflag:s5], $0x1  }
0xb2: {  	s4 =	sor.u32 @!p0 s4, s6;
	[sflag:s5] =	ssyncadd.s32 @!p0 $0xFFFFFFFF  }
0xb3: {  	s25 =	simm.s32 $0x1B8E;
	s24 =	sld [smem:$0x3FFE];
	[sflag:s4] =	ssyncadd.remote.s32 @!p0 $0x1  }
0xb4: {  	s26 =	simm.s32 $execute0_lowered;
	[smem:$0x3FD2] =	sst s25  }
0xb5: {  	s5 =	sshll.u32 s26, $0x1;
	_ =	strace $0x80000052;
	[dreg:$0x1] =	wrdreg $0xFFFFFFFF  }
0xb6: {  	s28 =	simm.s32 $_size_execute0_lowered;
	s3 =	sadd.s32 s3, s5;
	[dreg:$0x0] =	wrdreg $0x0  }
0xb7: {  	s5 =	sshll.u32 s28, $0x1;
	[dreg:$0x2] =	wrdreg s3  }
0xb8: {  	[dreg:$0x3] =	wrdreg s5  }
0xb9: {  	[dreg:$0x4] =	wrdreg $0xC0  }
0xba: {  	_ =	task [dreg:s22], $0x5FFFF  }
0xbb: {  	[dreg:$0x1] =	wrdreg $0xFFFFFFFF  }
0xbc: {  	[dreg:$0x0] =	wrdreg $0x60  }
0xbd: {  	[dreg:$0x2] =	wrdreg s24  }
0xbe: {  	[dreg:$0x3] =	wrdreg $0xC  }
0xbf: {  	_ =	task.clear_ibuf [dreg:s22], $0x4FFFF;
	_ =	strace $0x90000052  }
0xc0: {  	s29 =	simm.s32 $0xC;
	_ =	strace $0x80000054  }
0xc1: {  	_ =	swait.ge [sflag:s29], $0x1  }
0xc2: {  	[sflag:s29] =	ssyncadd.s32 $0xFFFFFFFF  }
0xc3: {  	_ =	strace $0x90000054  }
0xc4: {  	_ =	sfence  }
0xc5: {  	s30 =	sld [smem:$0x0];
	_ =	sdelay $0x2  }
0xc6: {  	s31 =	sshll.u32 s1, $0xD;
	s1 =	sshrl.u32 s1, $0x2  }
0xc7: {  	s4 =	sand.u32 $0x4000, s31;
	s1 =	sadd.s32 s1, s30  }
0xc8: {  	s0 =	sor.u32 s4, s0;
	s1 =	sshll.u32 s1, $0x11  }
0xc9: {  	s0 =	sor.u32 s1, s0  }
0xca: {  	s0 =	sadd.s32 $0x8F2B, s0  }
0xcb: {  	[sflag:s0] =	ssyncadd.remote.s32 $0x1  }
0xcc: {  	_ =	sfence.sel $0xFFFF  }
0xcd: {  	[dreg:$0x0] =	wrdreg $0xFFFFFFFF;
	(pc) =	sbr.abs _section_cstart, $3  }
0xce: {  	[dreg:$0x1] =	wrdreg $0xFFFFFFFF  }
0xcf: {  	_ =	task.clear_ibuf [dreg:s22], $0x2FFFF;
	_ =	strace $0x9FFFFFFF  }
0xd0: {  	(tm) =	ssettm $0x7FFFFFFF  }
0xd1: {  	_ =	shalt  }
tec
execute0_lowered:
.L_overlay_start_1:
0x0: {  	(tag) =	ssettag $0x1  }
0x1: {  	s1 =	srdreg.scid  }
0x2: {  	s0 =	stileid.u32;
	s8 =	rddreg [dreg:$0x0];
	s5 =	simm.s32 $0x1  }
0x3: {  	s9 =	simm.s32 $0x1;
	s10 =	simm.s32 $0x3;
	s1 =	sshll.u32 s1, $0x5  }
0x4: {  	s13 =	simm.s32 $0x0;
	s2 =	sshll.u32 s0, $0x6;
	s3 =	sand.u32 $0x20, s1  }
0x5: {  	s12 =	simm.s32 $0x0;
	s4 =	sadd.s32 $0x2800, s8;
	s2 =	sor.u32 s2, s3  }
0x6: {  	s1 =	rddreg [dreg:$0x1];
	_ =	strace $0x80000053;
	s7 =	ssub.s32 $0x800, s2  }
.Ltmp0:
0x7: {  	s3 =	sadd.s32 $0x19C00, s8;
	s6 =	sand.u32 $0x3E0, s7;
	(pc) =	sbr.rel .LBB2_1-.Ltmp0, $4  }
0x8: {  	[sflag:s5] =	ssyncpa.u1 $0x0;
	s8 =	sadd.s32 $0xCE00, s8;
	p0 =	sne.s32 s6, $0x0  }
0x9: {  	s7 =	sshrl.u32 s7, $0xA;
	s6 =	simm.s32 $0x2;
	s9 =	simm.s32 @!p0 $0x0  }
0xa: {  	s11 =	smov.u32 s2;
	[sflag:s6] =	ssyncpa.u1 $0x0;
	s7 =	sadd.s32 s9, s7  }
0xb: {  	vm0 =	vmmov $0xffff;
	[sflag:s10] =	ssyncpa.u1 $0x0;
	s10 =	simm.s32 $0x0;
	s9 =	sadd.s32 $0x1, s7  }
.LBB2_5:
0xc: {  	s15 =	sadd.s32 $0x400, s11  }
0xd: {  	p1 =	sgt.s32 s15, $0x7FF  }
0xe: {  	s15 =	smov.u32 @p1 s2;
	p1 =	sne.s32 s12, s9  }
.Ltmp1:
0xf: {  	p0 =	slt.u32 s12, $0x2;
	(pc) =	sbr.rel @!p1 .LBB2_6-.Ltmp1, $4  }
0x10: {  	s14 =	simm.s32 @!p0 $0x3  }
0x11: {  	_ =	swait.ge @!p0 [sflag:s14], $0x20  }
0x12: {  	s16 =	sadd.s32 $0x1, s12;
	s13 =	smov.u32 s11;
	[sflag:s14] =	ssyncset.done @!p0 $0x0  }
0x13: {  	s12 =	smov.u32 s16;
	s11 =	smov.u32 s15;
	[sflag:s14] =	ssyncadd.s32 @!p0 $0xFFFFFFE0  }
.LBB2_1:
0x14: {  	p0 =	sge.u32 s12, s7  }
0x15: {  	s14 =	sxor.u32 @!p0 $0xFFFFFFFF, s12  }
0x16: {  	s31 =	sadd.s32 $0xFFFFFFFF, s12;
	s15 =	sshrl.u32 @!p0 s11, $0x3;
	s14 =	sshll.u32 @!p0 s14, $0x5  }
0x17: {  	s16 =	sand.u32 @!p0 $0x7, s11;
	s15 =	sadd.s32 @!p0 s4, s15;
	s14 =	sand.u32 @!p0 $0x20, s14  }
0x18: {  	[tilespmem:s14], [sflag:$0x2] =	stream.linear.gather @!p0 [hbm4b:s15+s16], $0x20, $0x38;
	[tilespmem:$0x80] =	vst v63  }
0x19: {  	p0 =	sge.u32 s31, s7  }
.Ltmp2:
0x1a: {  	_ = 	snop;
	(pc) =	sbr.rel @p0 .LBB2_5-.Ltmp2, $1  }
0x1b: {  	_ =	sdelay $0x3  }
0x1c: {  	_ =	swait.ge [sflag:s6], $0x20;
	s14 =	sshll.u32 s12, $0x5;
	s16 =	simm.s32 $0x0  }
0x1d: {  	p0 =	por $0x1, $0x1;
	[sflag:s6] =	ssyncset.done $0x0;
	s15 =	sand.u32 $0x20, s14  }
0x1e: {  	[sflag:s6] =	ssyncadd.s32 $0xFFFFFFE0;
	(ifvalue) =	ssetifvalue $0x7FFFFFFF;
	s14 =	sor.u32 $0x40, s15  }
.LBB2_3:
0x1f: {  	s17 =	sadd.s32 s16, s15  }
0x20: {  	v0 =	vld.msk [tilespmem:s17+$0x0 ss:$0x1], $0xffff;
	_ =	sdelay $0x4  }
0x21: {  	v1 =	vshrl.u32 v0, $0x4  }
0x22: {  	vm1 =	veq.s32 v0, $0x80000000;
	v0 =	vand.u32 $0xF, v0;
	v1 =	vand.u32 $0x3FFF, v1  }
0x23: {  	v0 =	vsel vm1, $0xFFFFFFFF, v0;
	v1 =	vsel vm1, $0xFFFFFFFF, v1  }
0x24: {  	v2 =	vshll.u32 v0, $0xE;
	v3 =	vshll.u32 v1, $0x3  }
0x25: {  	v0 =	vshll.u32 v0, $0x7;
	v2 =	vand.u32 $0xFFFE0000, v2;
	v3 =	vand.u32 $0xFFFFFC00, v3  }
0x26: {  	v0 =	vand.u32 $0x380, v0;
	v2 =	vadd.s32 v2, v3  }
0x27: {  	v1 =	vand.u32 $0x7F, v1;
	v0 =	vor.u32 v0, v2  }
0x28: {  	p1 =	por p0, p0;
	v0 =	vor.u32 v1, v0  }
.Ltmp3:
0x29: {  	_ = 	snop;
	(pc) =	sbr.rel @p1 .LBB2_3-.Ltmp3, $4  }
0x2a: {  	_ = 	snop  }
0x2b: {  	s31 =	sadd.s32 s16, s14  }
0x2c: {  	s16 =	simm.s32 $0x10;
	p0 =	por $0x0, $0x0;
	(ifvalue) =	ssetifvalue $0x7FFFFFFF  }
0x2d: {  	[tilespmem:s31], [sflag:$0x1] =	stream.indirect_vreg.gather [hbm4b:s3+s10], $0x1, v0, vm0, $0x4038;
	[tilespmem:$0x80] =	vst v63  }
.Ltmp4:
0x2e: {  	(pc) =	sbr.rel .LBB2_5-.Ltmp4, $4  }
0x2f: {  	_ =	swait.ge [sflag:s5], $0x20  }
0x30: {  	s15 =	sshrl.u32 s13, $0x3;
	[sflag:s5] =	ssyncset.done $0x0  }
0x31: {  	s31 =	sand.u32 $0x7, s13;
	s15 =	sadd.s32 s8, s15;
	[sflag:s5] =	ssyncadd.s32 $0xFFFFFFE0  }
0x32: {  	[hbm4b:s15+s31] =	stream.linear.scatter [tilespmem:s14], [sflag:$0x3], $0x20, $0x38;
	[tilespmem:$0x80] =	vst v63  }
.LBB2_6:
0x33: {  	_ =	sfence.sel $0x180000  }
0x34: {  	s2 =	simm.s32 $0x2;
	[bflag:$0x0] =	sbarrier.arrive $0xFFFF  }
0x35: {  	s30 =	simm.s32 $0x3;
	[sflag:s2] =	ssyncpa.u1 $0x1  }
0x36: {  	s31 =	simm.s32 $0x1;
	[sflag:s30] =	ssyncpa.u1 $0x1  }
0x37: {  	[sflag:s31] =	ssyncpa.u1 $0x1  }
0x38: {  	p0 =	sne.s32 s0, $0x0;
	_ =	strace $0x90000053  }
0x39: {  	s0 =	sadd.s32 @!p0 $0x100000, s1;
	[bflag:$0x2] =	sbarrier.arrive $0xFFFF  }
0x3a: {  	[sflag:s0] =	ssyncadd.tile.s32 @!p0 $0x1;
	_ =	shalt  }
.Lfunc_end2:
_tile_overlayer_lowered:
.L_overlay_start_2:
0x3b: {  	(tag) =	ssettag $0x2  }
0x3c: {  	s0 =	rddreg [dreg:$0x0];
	s2 =	stileid.u32  }
0x3d: {  	s1 =	rddreg [dreg:$0x1];
	p0 =	sne.s32 s2, $0x0  }
0x3e: {  	s3 =	rddreg [dreg:$0x2];
	[bflag:$0x3] =	sbarrier.arrive $0xFFFF;
	s2 =	simm.s32 @!p0 $0x1C01  }
0x3f: {  	[timem:s3], [sflag:s2] =	dma.local @!p0 [hbm:s0], s1  }
0x40: {  	s0 =	simm.s32 @!p0 $0x1  }
0x41: {  	_ =	swait.ge @!p0 [sflag:s0], s1  }
0x42: {  	s1 =	ssub.s32 @!p0 $0x0, s1;
	[sflag:s0] =	ssyncset.done @!p0 $0x0  }
0x43: {  	[sflag:s0] =	ssyncadd.s32 @!p0 s1  }
0x44: {  	[bflag:$0x3] =	sbarrier.arrive $0xFFFF  }
0x45: {  	_ =	shalt  }

// kernel: gather_offload_async_start.8
scs
__scs_entry_jumppad:
0x0: {  	(pc) =	sbr.rel $0x88, $3  }
0x1: {  	(tag) =	ssettag $0x0;
	lr =	simm.s32 $0x1  }
0x2: {  	[smem:$0x3F98] =	sst lr;
	_ =	strace $0xD0000000  }
0x3: {  	_ = 	snop  }
0x4: {  	_ = 	snop  }
0x5: {  	_ = 	snop  }
0x6: {  	_ = 	snop  }
0x7: {  	_ = 	snop  }
__scs_overlays_trampoline_lowered:
0x8: {  	[smem:$0x3FA7] =	sst s0  }
0x9: {  	[smem:$0x3FA8] =	sst s1  }
0xa: {  	[smem:$0x3FA9] =	sst s2  }
0xb: {  	[smem:$0x3FAA] =	sst s3  }
0xc: {  	[smem:$0x3FAB] =	sst s4  }
0xd: {  	[smem:$0x3FAC] =	sst s5  }
0xe: {  	[smem:$0x3FAD] =	sst s6  }
0xf: {  	[smem:$0x3FAE] =	sst s7  }
0x10: {  	[smem:$0x3FAF] =	sst s8  }
0x11: {  	[smem:$0x3FB0] =	sst s9;
	s0 =	simm.s32 @!p0 $0x0  }
0x12: {  	s1 =	sld [smem:$0x3F96];
	s0 =	simm.s32 @p0 $0x1  }
0x13: {  	[smem:$0x3FB1] =	sst s0;
	s0 =	simm.s32 @!p1 $0x0  }
0x14: {  	s2 =	sld [smem:$0x3F95];
	s0 =	simm.s32 @p1 $0x1  }
0x15: {  	[smem:$0x3FB2] =	sst s0;
	s0 =	simm.s32 @!p2 $0x0  }
0x16: {  	s3 =	sld [smem:$0x3FDB];
	s0 =	simm.s32 @p2 $0x1  }
0x17: {  	s4 =	simm.s32 $0x1BF5;
	[smem:$0x3FB4] =	sst s0  }
0x18: {  	s0 =	sld [smem:$0x3F97];
	_ =	swait.ge [sflag:s4], $0x0  }
0x19: {  	s7 =	sld [smem:$0x3F98]  }
0x1a: {  	s8 =	sadd.s32 $0xFFFFE003, lr  }
0x1b: {  	s9 =	sadd.s32 $0xFFFFFEF7, lr;
	s5 =	simm.s32 $0xFFFFFFFF;
	p2 =	slt.u32 s8, $0xFFFFF086  }
0x1c: {  	p1 =	slt.u32 s9, $0xF7A;
	s5 =	simm.s32 @!p2 $0x0  }
0x1d: {  	s5 =	simm.s32 @p1 $0x1;
	p0 =	seq.s32 s7, s2  }
0x1e: {  	s7 =	smul.u32 @!p0 $0xF7A, s2;
	p2 =	seq.s32 @!p0 s5, $0x0  }
0x1f: {  	s9 =	smul.u32 $0xF7A, s1;
	s8 =	simm.s32 @!p0 $0x1BF5;
	p2 =	por !p2, p0  }
0x20: {  	[sflag:s8] =	ssyncset.s32 @!p0 $0xFFFFF086;
	s6 =	sadd.s32 @!p0 s3, s7;
	s7 =	simm.s32 @!p0 $0x108  }
0x21: {  	s3 =	sadd.s32 s3, s9;
	s6 =	sadd.s32 @!p0 $0x88, s6;
	s7 =	simm.s32 @p2 $0x1082  }
0x22: {  	[simem:s7], [sflag:s8] =	dma.local @!p0 [hbm:s6], $0xF7A  }
0x23: {  	s9 =	sor.u32 $0xD0000000, s2;
	s6 =	simm.s32 $0x108;
	_ =	swait.ge @!p0 [sflag:s8], $0x0  }
0x24: {  	s3 =	sadd.s32 $0x88, s3;
	s6 =	simm.s32 @!p1 $0x1082;
	[sflag:s4] =	ssyncset.s32 $0xFFFFF086  }
0x25: {  	[simem:s6], [sflag:s4] =	dma.local [hbm:s3], $0xF7A  }
0x26: {  	[smem:$0x3F98] =	sst s1;
	(tag) =	ssettag s2;
	_ =	strace s9  }
0x27: {  	s1 =	sld [smem:$0x3FA8]  }
0x28: {  	s2 =	sld [smem:$0x3FA9]  }
0x29: {  	s4 =	sld [smem:$0x3FAB]  }
0x2a: {  	p0 =	seq.s32 s5, $0x0;
	s5 =	sld [smem:$0x3FAC]  }
0x2b: {  	s6 =	sld [smem:$0x3FAD]  }
0x2c: {  	s7 =	sld [smem:$0x3FAE]  }
0x2d: {  	s3 =	simm.s32 $0x108;
	s8 =	sld [smem:$0x3FAF]  }
0x2e: {  	s3 =	simm.s32 @!p0 $0x1082;
	s9 =	sld [smem:$0x3FB0]  }
0x2f: {  	lr =	sadd.s32 s0, s3;
	s0 =	sld [smem:$0x3FA7]  }
0x30: {  	s3 =	sld [smem:$0x3FAA]  }
0x31: {  	[smem:$0x3FB3] =	sst s10  }
0x32: {  	s10 =	sld [smem:$0x3FB1];
	_ =	sdelay $0x3  }
0x33: {  	p0 =	seq.s32 s10, $0x1;
	s10 =	sld [smem:$0x3FB3];
	_ =	sdelay $0x3  }
0x34: {  	[smem:$0x3FB3] =	sst s10  }
0x35: {  	s10 =	sld [smem:$0x3FB2];
	_ =	sdelay $0x3  }
0x36: {  	p1 =	seq.s32 s10, $0x1;
	s10 =	sld [smem:$0x3FB3];
	_ =	sdelay $0x3  }
0x37: {  	[smem:$0x3FB3] =	sst s10  }
0x38: {  	s10 =	sld [smem:$0x3FB4]  }
0x39: {  	_ = 	snop;
	(pc) =	sbr.ind lr, $3  }
0x3a: {  	_ = 	snop  }
0x3b: {  	_ = 	snop  }
0x3c: {  	p2 =	seq.s32 s10, $0x1;
	s10 =	sld [smem:$0x3FB3]  }
0x3d: {  	_ =	shalt  }
0x3e: {  	_ =	shalt  }
0x3f: {  	_ =	shalt  }
0x40: {  	_ =	shalt  }
0x41: {  	_ =	shalt  }
0x42: {  	_ =	shalt  }
0x43: {  	_ =	shalt  }
0x44: {  	_ =	shalt  }
0x45: {  	_ =	shalt  }
0x46: {  	_ =	shalt  }
0x47: {  	_ =	shalt  }
0x48: {  	_ =	shalt  }
0x49: {  	_ =	shalt  }
0x4a: {  	_ =	shalt  }
0x4b: {  	_ =	shalt  }
0x4c: {  	_ =	shalt  }
0x4d: {  	_ =	shalt  }
0x4e: {  	_ =	shalt  }
0x4f: {  	_ =	shalt  }
0x50: {  	_ =	shalt  }
0x51: {  	_ =	shalt  }
0x52: {  	_ =	shalt  }
0x53: {  	_ =	shalt  }
0x54: {  	_ =	shalt  }
0x55: {  	_ =	shalt  }
0x56: {  	_ =	shalt  }
0x57: {  	_ =	shalt  }
0x58: {  	_ =	shalt  }
0x59: {  	_ =	shalt  }
0x5a: {  	_ =	shalt  }
0x5b: {  	_ =	shalt  }
0x5c: {  	_ =	shalt  }
0x5d: {  	_ =	shalt  }
0x5e: {  	_ =	shalt  }
0x5f: {  	_ =	shalt  }
0x60: {  	_ =	shalt  }
0x61: {  	_ =	shalt  }
0x62: {  	_ =	shalt  }
0x63: {  	_ =	shalt  }
0x64: {  	_ =	shalt  }
0x65: {  	_ =	shalt  }
0x66: {  	_ =	shalt  }
0x67: {  	_ =	shalt  }
0x68: {  	_ =	shalt  }
0x69: {  	_ =	shalt  }
0x6a: {  	_ =	shalt  }
0x6b: {  	_ =	shalt  }
0x6c: {  	_ =	shalt  }
0x6d: {  	_ =	shalt  }
0x6e: {  	_ =	shalt  }
0x6f: {  	_ =	shalt  }
0x70: {  	_ =	shalt  }
0x71: {  	_ =	shalt  }
0x72: {  	_ =	shalt  }
0x73: {  	_ =	shalt  }
0x74: {  	_ =	shalt  }
0x75: {  	_ =	shalt  }
0x76: {  	_ =	shalt  }
0x77: {  	_ =	shalt  }
0x78: {  	_ =	shalt  }
0x79: {  	_ =	shalt  }
0x7a: {  	_ =	shalt  }
0x7b: {  	_ =	shalt  }
0x7c: {  	_ =	shalt  }
0x7d: {  	_ =	shalt  }
0x7e: {  	_ =	shalt  }
0x7f: {  	_ =	shalt  }
0x80: {  	_ =	shalt  }
0x81: {  	_ =	shalt  }
0x82: {  	_ =	shalt  }
0x83: {  	_ =	shalt  }
0x84: {  	_ =	shalt  }
0x85: {  	_ =	shalt  }
0x86: {  	_ =	shalt  }
0x87: {  	_ =	shalt  }
.Lfunc_end0:
.L_simem_size_0:
called_computation.8_lowered:
.L_overlay_start_0:
0x88: {  	s2 =	sld [smem:$0x3FD9]  }
0x89: {  	s3 =	sld [smem:$0x3FFE];
	_ =	sdelay $0x1  }
0x8a: {  	s1 =	srdreg.scid  }
0x8b: {  	s0 =	sand.u32 $0x1, s1  }
0x8c: {  	s17 =	sshll.u32 s0, $0xA;
	s2 =	sadd.s32 s3, s2  }
0x8d: {  	s2 =	sadd.s32 s2, s17  }
0x8e: {  	[smem:$0x3FBF] =	sst s2  }
0x8f: {  	_ = 	snop  }
0x90: {  	(tm) =	ssettm $0x1  }
0x91: {  	s18 =	sld [smem:$0x3FFB];
	_ =	sdelay $0x3  }
0x92: {  	_ =	strace s18  }
0x93: {  	s2 =	sld [smem:$0x3FFC];
	_ =	sdelay $0x3  }
0x94: {  	_ =	strace s2  }
0x95: {  	s2 =	sld [smem:$0x3FFD];
	_ =	sdelay $0x3  }
0x96: {  	_ =	strace s2  }
0x97: {  	_ =	strace $0x8FFFFFFF  }
0x98: {  	s19 =	sld [smem:$0x3FDB];
	_ =	sdelay $0x1  }
0x99: {  	s20 =	simm.s32 $_scs_section_size  }
0x9a: {  	s4 =	simm.s32 $_size__tile_overlayer_lowered;
	s5 =	simm.s32 $_tile_overlayer_lowered  }
0x9b: {  	s6 =	simm.s32 $0x1BFF;
	s21 =	sshll.u32 s5, $0x1;
	s3 =	sadd.s32 s20, s19  }
0x9c: {  	s22 =	simm.s32 $0x0;
	s4 =	sshll.u32 s4, $0x1;
	s5 =	sadd.s32 s21, s3  }
0x9d: {  	[timem:s22], [sflag:s6] =	dma.local [hbm:s5], s4  }
0x9e: {  	_ =	swait.ge [sflag:s6], s4  }
0x9f: {  	s4 =	ssub.s32 $0x0, s4;
	[sflag:s6] =	ssyncset.done $0x0  }
0xa0: {  	[sflag:s6] =	ssyncadd.s32 s4;
	_ =	sdelay $0x1  }
0xa1: {  	s23 =	simm.s32 $0x1B8B  }
0xa2: {  	_ =	swait.ge [sflag:s23], $0x1  }
0xa3: {  	[sflag:s23] =	ssyncset.done $0x0  }
0xa4: {  	[sflag:s23] =	ssyncadd.s32 $0xFFFFFFFF  }
0xa5: {  	s4 =	sld [smem:$0x0]  }
0xa6: {  	s5 =	sand.u32 $0xFFFFFFFE, s1  }
0xa7: {  	p0 =	sne.s32 s1, s5  }
0xa8: {  	s5 =	sshll.u32 @p0 s5, $0xE  }
0xa9: {  	s5 =	sadd.s32 @p0 $0x11B8D, s5;
	s6 =	sshll.u32 @p0 s4, $0x11  }
0xaa: {  	s5 =	sor.u32 @p0 s6, s5  }
0xab: {  	[sflag:s5] =	ssyncadd.remote.s32 @p0 $0x1;
	_ =	sdelay $0x1  }
0xac: {  	s5 =	simm.s32 @p0 $0x1B8D  }
0xad: {  	_ =	swait.eq @p0 [sflag:s5], $0x1  }
0xae: {  	[sflag:s5] =	ssyncadd.s32 @p0 $0xFFFFFFFF  }
0xaf: {  	s6 =	sshll.u32 @!p0 s1, $0xE  }
0xb0: {  	s6 =	sor.u32 @!p0 $0x4000, s6;
	s5 =	simm.s32 @!p0 $0x1B8D  }
0xb1: {  	s4 =	sshll.u32 @!p0 s4, $0x11;
	s6 =	sadd.s32 @!p0 $0x11B8D, s6;
	_ =	swait.eq @!p0 [sflag:s5], $0x1  }
0xb2: {  	s4 =	sor.u32 @!p0 s4, s6;
	[sflag:s5] =	ssyncadd.s32 @!p0 $0xFFFFFFFF  }
0xb3: {  	s25 =	simm.s32 $0x1B8E;
	s24 =	sld [smem:$0x3FFE];
	[sflag:s4] =	ssyncadd.remote.s32 @!p0 $0x1  }
0xb4: {  	s26 =	simm.s32 $execute0_lowered;
	[smem:$0x3FD2] =	sst s25  }
0xb5: {  	s5 =	sshll.u32 s26, $0x1;
	_ =	strace $0x8000004F;
	[dreg:$0x1] =	wrdreg $0xFFFFFFFF  }
0xb6: {  	s28 =	simm.s32 $_size_execute0_lowered;
	s3 =	sadd.s32 s3, s5;
	[dreg:$0x0] =	wrdreg $0x0  }
0xb7: {  	s5 =	sshll.u32 s28, $0x1;
	[dreg:$0x2] =	wrdreg s3  }
0xb8: {  	[dreg:$0x3] =	wrdreg s5  }
0xb9: {  	[dreg:$0x4] =	wrdreg $0xC0  }
0xba: {  	_ =	task [dreg:s22], $0x5FFFF  }
0xbb: {  	[dreg:$0x1] =	wrdreg $0xFFFFFFFF  }
0xbc: {  	[dreg:$0x0] =	wrdreg $0x60  }
0xbd: {  	[dreg:$0x2] =	wrdreg s24  }
0xbe: {  	[dreg:$0x3] =	wrdreg $0xD  }
0xbf: {  	_ =	task.clear_ibuf [dreg:s22], $0x4FFFF;
	_ =	strace $0x9000004F  }
0xc0: {  	s29 =	simm.s32 $0xD;
	_ =	strace $0x80000051  }
0xc1: {  	_ =	swait.ge [sflag:s29], $0x1  }
0xc2: {  	[sflag:s29] =	ssyncadd.s32 $0xFFFFFFFF  }
0xc3: {  	_ =	strace $0x90000051  }
0xc4: {  	_ =	sfence  }
0xc5: {  	s30 =	sld [smem:$0x0];
	_ =	sdelay $0x2  }
0xc6: {  	s31 =	sshll.u32 s1, $0xD;
	s1 =	sshrl.u32 s1, $0x2  }
0xc7: {  	s4 =	sand.u32 $0x4000, s31;
	s1 =	sadd.s32 s1, s30  }
0xc8: {  	s0 =	sor.u32 s4, s0;
	s1 =	sshll.u32 s1, $0x11  }
0xc9: {  	s0 =	sor.u32 s1, s0  }
0xca: {  	s0 =	sadd.s32 $0x8F2B, s0  }
0xcb: {  	[sflag:s0] =	ssyncadd.remote.s32 $0x1  }
0xcc: {  	_ =	sfence.sel $0xFFFF  }
0xcd: {  	[dreg:$0x0] =	wrdreg $0xFFFFFFFF;
	(pc) =	sbr.abs _section_cstart, $3  }
0xce: {  	[dreg:$0x1] =	wrdreg $0xFFFFFFFF  }
0xcf: {  	_ =	task.clear_ibuf [dreg:s22], $0x2FFFF;
	_ =	strace $0x9FFFFFFF  }
0xd0: {  	(tm) =	ssettm $0x7FFFFFFF  }
0xd1: {  	_ =	shalt  }
tec
execute0_lowered:
.L_overlay_start_1:
0x0: {  	(tag) =	ssettag $0x1  }
0x1: {  	s1 =	srdreg.scid  }
0x2: {  	s0 =	stileid.u32;
	s8 =	rddreg [dreg:$0x0];
	s5 =	simm.s32 $0x1  }
0x3: {  	s9 =	simm.s32 $0x1;
	s10 =	simm.s32 $0x3;
	s1 =	sshll.u32 s1, $0x5  }
0x4: {  	s13 =	simm.s32 $0x0;
	s2 =	sshll.u32 s0, $0x6;
	s3 =	sand.u32 $0x20, s1  }
0x5: {  	s12 =	simm.s32 $0x0;
	s4 =	sadd.s32 $0x2800, s8;
	s2 =	sor.u32 s2, s3  }
0x6: {  	s1 =	rddreg [dreg:$0x1];
	_ =	strace $0x80000050;
	s7 =	ssub.s32 $0x800, s2  }
.Ltmp0:
0x7: {  	s3 =	sadd.s32 $0x11C00, s8;
	s6 =	sand.u32 $0x3E0, s7;
	(pc) =	sbr.rel .LBB2_1-.Ltmp0, $4  }
0x8: {  	[sflag:s5] =	ssyncpa.u1 $0x0;
	s8 =	sadd.s32 $0xCC00, s8;
	p0 =	sne.s32 s6, $0x0  }
0x9: {  	s7 =	sshrl.u32 s7, $0xA;
	s6 =	simm.s32 $0x2;
	s9 =	simm.s32 @!p0 $0x0  }
0xa: {  	s11 =	smov.u32 s2;
	[sflag:s6] =	ssyncpa.u1 $0x0;
	s7 =	sadd.s32 s9, s7  }
0xb: {  	vm0 =	vmmov $0xffff;
	[sflag:s10] =	ssyncpa.u1 $0x0;
	s10 =	simm.s32 $0x0;
	s9 =	sadd.s32 $0x1, s7  }
.LBB2_5:
0xc: {  	s15 =	sadd.s32 $0x400, s11  }
0xd: {  	p1 =	sgt.s32 s15, $0x7FF  }
0xe: {  	s15 =	smov.u32 @p1 s2;
	p1 =	sne.s32 s12, s9  }
.Ltmp1:
0xf: {  	p0 =	slt.u32 s12, $0x2;
	(pc) =	sbr.rel @!p1 .LBB2_6-.Ltmp1, $4  }
0x10: {  	s14 =	simm.s32 @!p0 $0x3  }
0x11: {  	_ =	swait.ge @!p0 [sflag:s14], $0x20  }
0x12: {  	s16 =	sadd.s32 $0x1, s12;
	s13 =	smov.u32 s11;
	[sflag:s14] =	ssyncset.done @!p0 $0x0  }
0x13: {  	s12 =	smov.u32 s16;
	s11 =	smov.u32 s15;
	[sflag:s14] =	ssyncadd.s32 @!p0 $0xFFFFFFE0  }
.LBB2_1:
0x14: {  	p0 =	sge.u32 s12, s7  }
0x15: {  	s14 =	sxor.u32 @!p0 $0xFFFFFFFF, s12  }
0x16: {  	s31 =	sadd.s32 $0xFFFFFFFF, s12;
	s15 =	sshrl.u32 @!p0 s11, $0x3;
	s14 =	sshll.u32 @!p0 s14, $0x5  }
0x17: {  	s16 =	sand.u32 @!p0 $0x7, s11;
	s15 =	sadd.s32 @!p0 s4, s15;
	s14 =	sand.u32 @!p0 $0x20, s14  }
0x18: {  	[tilespmem:s14], [sflag:$0x2] =	stream.linear.gather @!p0 [hbm4b:s15+s16], $0x20, $0x38;
	[tilespmem:$0x80] =	vst v63  }
0x19: {  	p0 =	sge.u32 s31, s7  }
.Ltmp2:
0x1a: {  	_ = 	snop;
	(pc) =	sbr.rel @p0 .LBB2_5-.Ltmp2, $1  }
0x1b: {  	_ =	sdelay $0x3  }
0x1c: {  	_ =	swait.ge [sflag:s6], $0x20;
	s14 =	sshll.u32 s12, $0x5;
	s16 =	simm.s32 $0x0  }
0x1d: {  	p0 =	por $0x1, $0x1;
	[sflag:s6] =	ssyncset.done $0x0;
	s15 =	sand.u32 $0x20, s14  }
0x1e: {  	[sflag:s6] =	ssyncadd.s32 $0xFFFFFFE0;
	(ifvalue) =	ssetifvalue $0x7FFFFFFF;
	s14 =	sor.u32 $0x40, s15  }
.LBB2_3:
0x1f: {  	s17 =	sadd.s32 s16, s15  }
0x20: {  	v0 =	vld.msk [tilespmem:s17+$0x0 ss:$0x1], $0xffff;
	_ =	sdelay $0x4  }
0x21: {  	v1 =	vshrl.u32 v0, $0x4  }
0x22: {  	vm1 =	veq.s32 v0, $0x80000000;
	v0 =	vand.u32 $0xF, v0;
	v1 =	vand.u32 $0x3FFF, v1  }
0x23: {  	v0 =	vsel vm1, $0xFFFFFFFF, v0;
	v1 =	vsel vm1, $0xFFFFFFFF, v1  }
0x24: {  	v2 =	vshll.u32 v0, $0xE;
	v3 =	vshll.u32 v1, $0x3  }
0x25: {  	v0 =	vshll.u32 v0, $0x7;
	v2 =	vand.u32 $0xFFFE0000, v2;
	v3 =	vand.u32 $0xFFFFFC00, v3  }
0x26: {  	v0 =	vand.u32 $0x380, v0;
	v2 =	vadd.s32 v2, v3  }
0x27: {  	v1 =	vand.u32 $0x7F, v1;
	v0 =	vor.u32 v0, v2  }
0x28: {  	p1 =	por p0, p0;
	v0 =	vor.u32 v1, v0  }
.Ltmp3:
0x29: {  	_ = 	snop;
	(pc) =	sbr.rel @p1 .LBB2_3-.Ltmp3, $4  }
0x2a: {  	_ = 	snop  }
0x2b: {  	s31 =	sadd.s32 s16, s14  }
0x2c: {  	s16 =	simm.s32 $0x10;
	p0 =	por $0x0, $0x0;
	(ifvalue) =	ssetifvalue $0x7FFFFFFF  }
0x2d: {  	[tilespmem:s31], [sflag:$0x1] =	stream.indirect_vreg.gather [hbm4b:s3+s10], $0x1, v0, vm0, $0x4038;
	[tilespmem:$0x80] =	vst v63  }
.Ltmp4:
0x2e: {  	(pc) =	sbr.rel .LBB2_5-.Ltmp4, $4  }
0x2f: {  	_ =	swait.ge [sflag:s5], $0x20  }
0x30: {  	s15 =	sshrl.u32 s13, $0x3;
	[sflag:s5] =	ssyncset.done $0x0  }
0x31: {  	s31 =	sand.u32 $0x7, s13;
	s15 =	sadd.s32 s8, s15;
	[sflag:s5] =	ssyncadd.s32 $0xFFFFFFE0  }
0x32: {  	[hbm4b:s15+s31] =	stream.linear.scatter [tilespmem:s14], [sflag:$0x3], $0x20, $0x38;
	[tilespmem:$0x80] =	vst v63  }
.LBB2_6:
0x33: {  	_ =	sfence.sel $0x180000  }
0x34: {  	s2 =	simm.s32 $0x2;
	[bflag:$0x0] =	sbarrier.arrive $0xFFFF  }
0x35: {  	s30 =	simm.s32 $0x3;
	[sflag:s2] =	ssyncpa.u1 $0x1  }
0x36: {  	s31 =	simm.s32 $0x1;
	[sflag:s30] =	ssyncpa.u1 $0x1  }
0x37: {  	[sflag:s31] =	ssyncpa.u1 $0x1  }
0x38: {  	p0 =	sne.s32 s0, $0x0;
	_ =	strace $0x90000050  }
0x39: {  	s0 =	sadd.s32 @!p0 $0x100000, s1;
	[bflag:$0x2] =	sbarrier.arrive $0xFFFF  }
0x3a: {  	[sflag:s0] =	ssyncadd.tile.s32 @!p0 $0x1;
	_ =	shalt  }
.Lfunc_end2:
_tile_overlayer_lowered:
.L_overlay_start_2:
0x3b: {  	(tag) =	ssettag $0x2  }
0x3c: {  	s0 =	rddreg [dreg:$0x0];
	s2 =	stileid.u32  }
0x3d: {  	s1 =	rddreg [dreg:$0x1];
	p0 =	sne.s32 s2, $0x0  }
0x3e: {  	s3 =	rddreg [dreg:$0x2];
	[bflag:$0x3] =	sbarrier.arrive $0xFFFF;
	s2 =	simm.s32 @!p0 $0x1C01  }
0x3f: {  	[timem:s3], [sflag:s2] =	dma.local @!p0 [hbm:s0], s1  }
0x40: {  	s0 =	simm.s32 @!p0 $0x1  }
0x41: {  	_ =	swait.ge @!p0 [sflag:s0], s1  }
0x42: {  	s1 =	ssub.s32 @!p0 $0x0, s1;
	[sflag:s0] =	ssyncset.done @!p0 $0x0  }
0x43: {  	[sflag:s0] =	ssyncadd.s32 @!p0 s1  }
0x44: {  	[bflag:$0x3] =	sbarrier.arrive $0xFFFF  }
0x45: {  	_ =	shalt  }

// kernel: gather_offload_async_start.9
scs
__scs_entry_jumppad:
0x0: {  	(pc) =	sbr.rel $0x88, $3  }
0x1: {  	(tag) =	ssettag $0x0;
	lr =	simm.s32 $0x1  }
0x2: {  	[smem:$0x3F98] =	sst lr;
	_ =	strace $0xD0000000  }
0x3: {  	_ = 	snop  }
0x4: {  	_ = 	snop  }
0x5: {  	_ = 	snop  }
0x6: {  	_ = 	snop  }
0x7: {  	_ = 	snop  }
__scs_overlays_trampoline_lowered:
0x8: {  	[smem:$0x3FA7] =	sst s0  }
0x9: {  	[smem:$0x3FA8] =	sst s1  }
0xa: {  	[smem:$0x3FA9] =	sst s2  }
0xb: {  	[smem:$0x3FAA] =	sst s3  }
0xc: {  	[smem:$0x3FAB] =	sst s4  }
0xd: {  	[smem:$0x3FAC] =	sst s5  }
0xe: {  	[smem:$0x3FAD] =	sst s6  }
0xf: {  	[smem:$0x3FAE] =	sst s7  }
0x10: {  	[smem:$0x3FAF] =	sst s8  }
0x11: {  	[smem:$0x3FB0] =	sst s9;
	s0 =	simm.s32 @!p0 $0x0  }
0x12: {  	s1 =	sld [smem:$0x3F96];
	s0 =	simm.s32 @p0 $0x1  }
0x13: {  	[smem:$0x3FB1] =	sst s0;
	s0 =	simm.s32 @!p1 $0x0  }
0x14: {  	s2 =	sld [smem:$0x3F95];
	s0 =	simm.s32 @p1 $0x1  }
0x15: {  	[smem:$0x3FB2] =	sst s0;
	s0 =	simm.s32 @!p2 $0x0  }
0x16: {  	s3 =	sld [smem:$0x3FDB];
	s0 =	simm.s32 @p2 $0x1  }
0x17: {  	s4 =	simm.s32 $0x1BF5;
	[smem:$0x3FB4] =	sst s0  }
0x18: {  	s0 =	sld [smem:$0x3F97];
	_ =	swait.ge [sflag:s4], $0x0  }
0x19: {  	s7 =	sld [smem:$0x3F98]  }
0x1a: {  	s8 =	sadd.s32 $0xFFFFE003, lr  }
0x1b: {  	s9 =	sadd.s32 $0xFFFFFEF7, lr;
	s5 =	simm.s32 $0xFFFFFFFF;
	p2 =	slt.u32 s8, $0xFFFFF086  }
0x1c: {  	p1 =	slt.u32 s9, $0xF7A;
	s5 =	simm.s32 @!p2 $0x0  }
0x1d: {  	s5 =	simm.s32 @p1 $0x1;
	p0 =	seq.s32 s7, s2  }
0x1e: {  	s7 =	smul.u32 @!p0 $0xF7A, s2;
	p2 =	seq.s32 @!p0 s5, $0x0  }
0x1f: {  	s9 =	smul.u32 $0xF7A, s1;
	s8 =	simm.s32 @!p0 $0x1BF5;
	p2 =	por !p2, p0  }
0x20: {  	[sflag:s8] =	ssyncset.s32 @!p0 $0xFFFFF086;
	s6 =	sadd.s32 @!p0 s3, s7;
	s7 =	simm.s32 @!p0 $0x108  }
0x21: {  	s3 =	sadd.s32 s3, s9;
	s6 =	sadd.s32 @!p0 $0x88, s6;
	s7 =	simm.s32 @p2 $0x1082  }
0x22: {  	[simem:s7], [sflag:s8] =	dma.local @!p0 [hbm:s6], $0xF7A  }
0x23: {  	s9 =	sor.u32 $0xD0000000, s2;
	s6 =	simm.s32 $0x108;
	_ =	swait.ge @!p0 [sflag:s8], $0x0  }
0x24: {  	s3 =	sadd.s32 $0x88, s3;
	s6 =	simm.s32 @!p1 $0x1082;
	[sflag:s4] =	ssyncset.s32 $0xFFFFF086  }
0x25: {  	[simem:s6], [sflag:s4] =	dma.local [hbm:s3], $0xF7A  }
0x26: {  	[smem:$0x3F98] =	sst s1;
	(tag) =	ssettag s2;
	_ =	strace s9  }
0x27: {  	s1 =	sld [smem:$0x3FA8]  }
0x28: {  	s2 =	sld [smem:$0x3FA9]  }
0x29: {  	s4 =	sld [smem:$0x3FAB]  }
0x2a: {  	p0 =	seq.s32 s5, $0x0;
	s5 =	sld [smem:$0x3FAC]  }
0x2b: {  	s6 =	sld [smem:$0x3FAD]  }
0x2c: {  	s7 =	sld [smem:$0x3FAE]  }
0x2d: {  	s3 =	simm.s32 $0x108;
	s8 =	sld [smem:$0x3FAF]  }
0x2e: {  	s3 =	simm.s32 @!p0 $0x1082;
	s9 =	sld [smem:$0x3FB0]  }
0x2f: {  	lr =	sadd.s32 s0, s3;
	s0 =	sld [smem:$0x3FA7]  }
0x30: {  	s3 =	sld [smem:$0x3FAA]  }
0x31: {  	[smem:$0x3FB3] =	sst s10  }
0x32: {  	s10 =	sld [smem:$0x3FB1];
	_ =	sdelay $0x3  }
0x33: {  	p0 =	seq.s32 s10, $0x1;
	s10 =	sld [smem:$0x3FB3];
	_ =	sdelay $0x3  }
0x34: {  	[smem:$0x3FB3] =	sst s10  }
0x35: {  	s10 =	sld [smem:$0x3FB2];
	_ =	sdelay $0x3  }
0x36: {  	p1 =	seq.s32 s10, $0x1;
	s10 =	sld [smem:$0x3FB3];
	_ =	sdelay $0x3  }
0x37: {  	[smem:$0x3FB3] =	sst s10  }
0x38: {  	s10 =	sld [smem:$0x3FB4]  }
0x39: {  	_ = 	snop;
	(pc) =	sbr.ind lr, $3  }
0x3a: {  	_ = 	snop  }
0x3b: {  	_ = 	snop  }
0x3c: {  	p2 =	seq.s32 s10, $0x1;
	s10 =	sld [smem:$0x3FB3]  }
0x3d: {  	_ =	shalt  }
0x3e: {  	_ =	shalt  }
0x3f: {  	_ =	shalt  }
0x40: {  	_ =	shalt  }
0x41: {  	_ =	shalt  }
0x42: {  	_ =	shalt  }
0x43: {  	_ =	shalt  }
0x44: {  	_ =	shalt  }
0x45: {  	_ =	shalt  }
0x46: {  	_ =	shalt  }
0x47: {  	_ =	shalt  }
0x48: {  	_ =	shalt  }
0x49: {  	_ =	shalt  }
0x4a: {  	_ =	shalt  }
0x4b: {  	_ =	shalt  }
0x4c: {  	_ =	shalt  }
0x4d: {  	_ =	shalt  }
0x4e: {  	_ =	shalt  }
0x4f: {  	_ =	shalt  }
0x50: {  	_ =	shalt  }
0x51: {  	_ =	shalt  }
0x52: {  	_ =	shalt  }
0x53: {  	_ =	shalt  }
0x54: {  	_ =	shalt  }
0x55: {  	_ =	shalt  }
0x56: {  	_ =	shalt  }
0x57: {  	_ =	shalt  }
0x58: {  	_ =	shalt  }
0x59: {  	_ =	shalt  }
0x5a: {  	_ =	shalt  }
0x5b: {  	_ =	shalt  }
0x5c: {  	_ =	shalt  }
0x5d: {  	_ =	shalt  }
0x5e: {  	_ =	shalt  }
0x5f: {  	_ =	shalt  }
0x60: {  	_ =	shalt  }
0x61: {  	_ =	shalt  }
0x62: {  	_ =	shalt  }
0x63: {  	_ =	shalt  }
0x64: {  	_ =	shalt  }
0x65: {  	_ =	shalt  }
0x66: {  	_ =	shalt  }
0x67: {  	_ =	shalt  }
0x68: {  	_ =	shalt  }
0x69: {  	_ =	shalt  }
0x6a: {  	_ =	shalt  }
0x6b: {  	_ =	shalt  }
0x6c: {  	_ =	shalt  }
0x6d: {  	_ =	shalt  }
0x6e: {  	_ =	shalt  }
0x6f: {  	_ =	shalt  }
0x70: {  	_ =	shalt  }
0x71: {  	_ =	shalt  }
0x72: {  	_ =	shalt  }
0x73: {  	_ =	shalt  }
0x74: {  	_ =	shalt  }
0x75: {  	_ =	shalt  }
0x76: {  	_ =	shalt  }
0x77: {  	_ =	shalt  }
0x78: {  	_ =	shalt  }
0x79: {  	_ =	shalt  }
0x7a: {  	_ =	shalt  }
0x7b: {  	_ =	shalt  }
0x7c: {  	_ =	shalt  }
0x7d: {  	_ =	shalt  }
0x7e: {  	_ =	shalt  }
0x7f: {  	_ =	shalt  }
0x80: {  	_ =	shalt  }
0x81: {  	_ =	shalt  }
0x82: {  	_ =	shalt  }
0x83: {  	_ =	shalt  }
0x84: {  	_ =	shalt  }
0x85: {  	_ =	shalt  }
0x86: {  	_ =	shalt  }
0x87: {  	_ =	shalt  }
.Lfunc_end0:
.L_simem_size_0:
called_computation.9_lowered:
.L_overlay_start_0:
0x88: {  	s2 =	sld [smem:$0x3FD9]  }
0x89: {  	s3 =	sld [smem:$0x3FFE];
	_ =	sdelay $0x1  }
0x8a: {  	s1 =	srdreg.scid  }
0x8b: {  	s0 =	sand.u32 $0x1, s1  }
0x8c: {  	s17 =	sshll.u32 s0, $0xA;
	s2 =	sadd.s32 s3, s2  }
0x8d: {  	s2 =	sadd.s32 s2, s17  }
0x8e: {  	[smem:$0x3FBF] =	sst s2  }
0x8f: {  	_ = 	snop  }
0x90: {  	(tm) =	ssettm $0x1  }
0x91: {  	s18 =	sld [smem:$0x3FFB];
	_ =	sdelay $0x3  }
0x92: {  	_ =	strace s18  }
0x93: {  	s2 =	sld [smem:$0x3FFC];
	_ =	sdelay $0x3  }
0x94: {  	_ =	strace s2  }
0x95: {  	s2 =	sld [smem:$0x3FFD];
	_ =	sdelay $0x3  }
0x96: {  	_ =	strace s2  }
0x97: {  	_ =	strace $0x8FFFFFFF  }
0x98: {  	s19 =	sld [smem:$0x3FDB];
	_ =	sdelay $0x1  }
0x99: {  	s20 =	simm.s32 $_scs_section_size  }
0x9a: {  	s4 =	simm.s32 $_size__tile_overlayer_lowered;
	s5 =	simm.s32 $_tile_overlayer_lowered  }
0x9b: {  	s6 =	simm.s32 $0x1BFF;
	s21 =	sshll.u32 s5, $0x1;
	s3 =	sadd.s32 s20, s19  }
0x9c: {  	s22 =	simm.s32 $0x0;
	s4 =	sshll.u32 s4, $0x1;
	s5 =	sadd.s32 s21, s3  }
0x9d: {  	[timem:s22], [sflag:s6] =	dma.local [hbm:s5], s4  }
0x9e: {  	_ =	swait.ge [sflag:s6], s4  }
0x9f: {  	s4 =	ssub.s32 $0x0, s4;
	[sflag:s6] =	ssyncset.done $0x0  }
0xa0: {  	[sflag:s6] =	ssyncadd.s32 s4;
	_ =	sdelay $0x1  }
0xa1: {  	s23 =	simm.s32 $0x1B8B  }
0xa2: {  	_ =	swait.ge [sflag:s23], $0x1  }
0xa3: {  	[sflag:s23] =	ssyncset.done $0x0  }
0xa4: {  	[sflag:s23] =	ssyncadd.s32 $0xFFFFFFFF  }
0xa5: {  	s4 =	sld [smem:$0x0]  }
0xa6: {  	s5 =	sand.u32 $0xFFFFFFFE, s1  }
0xa7: {  	p0 =	sne.s32 s1, s5  }
0xa8: {  	s5 =	sshll.u32 @p0 s5, $0xE  }
0xa9: {  	s5 =	sadd.s32 @p0 $0x11B8D, s5;
	s6 =	sshll.u32 @p0 s4, $0x11  }
0xaa: {  	s5 =	sor.u32 @p0 s6, s5  }
0xab: {  	[sflag:s5] =	ssyncadd.remote.s32 @p0 $0x1;
	_ =	sdelay $0x1  }
0xac: {  	s5 =	simm.s32 @p0 $0x1B8D  }
0xad: {  	_ =	swait.eq @p0 [sflag:s5], $0x1  }
0xae: {  	[sflag:s5] =	ssyncadd.s32 @p0 $0xFFFFFFFF  }
0xaf: {  	s6 =	sshll.u32 @!p0 s1, $0xE  }
0xb0: {  	s6 =	sor.u32 @!p0 $0x4000, s6;
	s5 =	simm.s32 @!p0 $0x1B8D  }
0xb1: {  	s4 =	sshll.u32 @!p0 s4, $0x11;
	s6 =	sadd.s32 @!p0 $0x11B8D, s6;
	_ =	swait.eq @!p0 [sflag:s5], $0x1  }
0xb2: {  	s4 =	sor.u32 @!p0 s4, s6;
	[sflag:s5] =	ssyncadd.s32 @!p0 $0xFFFFFFFF  }
0xb3: {  	s25 =	simm.s32 $0x1B8E;
	s24 =	sld [smem:$0x3FFE];
	[sflag:s4] =	ssyncadd.remote.s32 @!p0 $0x1  }
0xb4: {  	s26 =	simm.s32 $execute0_lowered;
	[smem:$0x3FD2] =	sst s25  }
0xb5: {  	s5 =	sshll.u32 s26, $0x1;
	_ =	strace $0x80000055;
	[dreg:$0x1] =	wrdreg $0xFFFFFFFF  }
0xb6: {  	s28 =	simm.s32 $_size_execute0_lowered;
	s3 =	sadd.s32 s3, s5;
	[dreg:$0x0] =	wrdreg $0x0  }
0xb7: {  	s5 =	sshll.u32 s28, $0x1;
	[dreg:$0x2] =	wrdreg s3  }
0xb8: {  	[dreg:$0x3] =	wrdreg s5  }
0xb9: {  	[dreg:$0x4] =	wrdreg $0xC0  }
0xba: {  	_ =	task [dreg:s22], $0x5FFFF  }
0xbb: {  	[dreg:$0x1] =	wrdreg $0xFFFFFFFF  }
0xbc: {  	[dreg:$0x0] =	wrdreg $0x60  }
0xbd: {  	[dreg:$0x2] =	wrdreg s24  }
0xbe: {  	[dreg:$0x3] =	wrdreg $0xE  }
0xbf: {  	_ =	task.clear_ibuf [dreg:s22], $0x4FFFF;
	_ =	strace $0x90000055  }
0xc0: {  	s29 =	simm.s32 $0xE;
	_ =	strace $0x80000057  }
0xc1: {  	_ =	swait.ge [sflag:s29], $0x1  }
0xc2: {  	[sflag:s29] =	ssyncadd.s32 $0xFFFFFFFF  }
0xc3: {  	_ =	strace $0x90000057  }
0xc4: {  	_ =	sfence  }
0xc5: {  	s30 =	sld [smem:$0x0];
	_ =	sdelay $0x2  }
0xc6: {  	s31 =	sshll.u32 s1, $0xD;
	s1 =	sshrl.u32 s1, $0x2  }
0xc7: {  	s4 =	sand.u32 $0x4000, s31;
	s1 =	sadd.s32 s1, s30  }
0xc8: {  	s0 =	sor.u32 s4, s0;
	s1 =	sshll.u32 s1, $0x11  }
0xc9: {  	s0 =	sor.u32 s1, s0  }
0xca: {  	s0 =	sadd.s32 $0x8F2B, s0  }
0xcb: {  	[sflag:s0] =	ssyncadd.remote.s32 $0x1  }
0xcc: {  	_ =	sfence.sel $0xFFFF  }
0xcd: {  	[dreg:$0x0] =	wrdreg $0xFFFFFFFF;
	(pc) =	sbr.abs _section_cstart, $3  }
0xce: {  	[dreg:$0x1] =	wrdreg $0xFFFFFFFF  }
0xcf: {  	_ =	task.clear_ibuf [dreg:s22], $0x2FFFF;
	_ =	strace $0x9FFFFFFF  }
0xd0: {  	(tm) =	ssettm $0x7FFFFFFF  }
0xd1: {  	_ =	shalt  }
tec
execute0_lowered:
.L_overlay_start_1:
0x0: {  	(tag) =	ssettag $0x1  }
0x1: {  	s1 =	srdreg.scid  }
0x2: {  	s0 =	stileid.u32;
	s8 =	rddreg [dreg:$0x0];
	s5 =	simm.s32 $0x1  }
0x3: {  	s9 =	simm.s32 $0x1;
	s10 =	simm.s32 $0x3;
	s1 =	sshll.u32 s1, $0x5  }
0x4: {  	s13 =	simm.s32 $0x0;
	s2 =	sshll.u32 s0, $0x6;
	s3 =	sand.u32 $0x20, s1  }
0x5: {  	s12 =	simm.s32 $0x0;
	s4 =	sadd.s32 $0x2800, s8;
	s2 =	sor.u32 s2, s3  }
0x6: {  	s1 =	rddreg [dreg:$0x1];
	_ =	strace $0x80000056;
	s7 =	ssub.s32 $0x800, s2  }
.Ltmp0:
0x7: {  	s3 =	sadd.s32 $0x29E00, s8;
	s6 =	sand.u32 $0x3E0, s7;
	(pc) =	sbr.rel .LBB2_1-.Ltmp0, $4  }
0x8: {  	[sflag:s5] =	ssyncpa.u1 $0x0;
	s8 =	sadd.s32 $0xD000, s8;
	p0 =	sne.s32 s6, $0x0  }
0x9: {  	s7 =	sshrl.u32 s7, $0xA;
	s6 =	simm.s32 $0x2;
	s9 =	simm.s32 @!p0 $0x0  }
0xa: {  	s11 =	smov.u32 s2;
	[sflag:s6] =	ssyncpa.u1 $0x0;
	s7 =	sadd.s32 s9, s7  }
0xb: {  	vm0 =	vmmov $0xffff;
	[sflag:s10] =	ssyncpa.u1 $0x0;
	s10 =	simm.s32 $0x0;
	s9 =	sadd.s32 $0x1, s7  }
.LBB2_5:
0xc: {  	s15 =	sadd.s32 $0x400, s11  }
0xd: {  	p1 =	sgt.s32 s15, $0x7FF  }
0xe: {  	s15 =	smov.u32 @p1 s2;
	p1 =	sne.s32 s12, s9  }
.Ltmp1:
0xf: {  	p0 =	slt.u32 s12, $0x2;
	(pc) =	sbr.rel @!p1 .LBB2_6-.Ltmp1, $4  }
0x10: {  	s14 =	simm.s32 @!p0 $0x3  }
0x11: {  	_ =	swait.ge @!p0 [sflag:s14], $0x20  }
0x12: {  	s16 =	sadd.s32 $0x1, s12;
	s13 =	smov.u32 s11;
	[sflag:s14] =	ssyncset.done @!p0 $0x0  }
0x13: {  	s12 =	smov.u32 s16;
	s11 =	smov.u32 s15;
	[sflag:s14] =	ssyncadd.s32 @!p0 $0xFFFFFFE0  }
.LBB2_1:
0x14: {  	p0 =	sge.u32 s12, s7  }
0x15: {  	s14 =	sxor.u32 @!p0 $0xFFFFFFFF, s12  }
0x16: {  	s31 =	sadd.s32 $0xFFFFFFFF, s12;
	s15 =	sshrl.u32 @!p0 s11, $0x3;
	s14 =	sshll.u32 @!p0 s14, $0x5  }
0x17: {  	s16 =	sand.u32 @!p0 $0x7, s11;
	s15 =	sadd.s32 @!p0 s4, s15;
	s14 =	sand.u32 @!p0 $0x20, s14  }
0x18: {  	[tilespmem:s14], [sflag:$0x2] =	stream.linear.gather @!p0 [hbm4b:s15+s16], $0x20, $0x38;
	[tilespmem:$0x80] =	vst v63  }
0x19: {  	p0 =	sge.u32 s31, s7  }
.Ltmp2:
0x1a: {  	_ = 	snop;
	(pc) =	sbr.rel @p0 .LBB2_5-.Ltmp2, $1  }
0x1b: {  	_ =	sdelay $0x3  }
0x1c: {  	_ =	swait.ge [sflag:s6], $0x20;
	s14 =	sshll.u32 s12, $0x5;
	s16 =	simm.s32 $0x0  }
0x1d: {  	p0 =	por $0x1, $0x1;
	[sflag:s6] =	ssyncset.done $0x0;
	s15 =	sand.u32 $0x20, s14  }
0x1e: {  	[sflag:s6] =	ssyncadd.s32 $0xFFFFFFE0;
	(ifvalue) =	ssetifvalue $0x7FFFFFFF;
	s14 =	sor.u32 $0x40, s15  }
.LBB2_3:
0x1f: {  	s17 =	sadd.s32 s16, s15  }
0x20: {  	v0 =	vld.msk [tilespmem:s17+$0x0 ss:$0x1], $0xffff;
	_ =	sdelay $0x4  }
0x21: {  	v1 =	vshrl.u32 v0, $0x4  }
0x22: {  	vm1 =	veq.s32 v0, $0x80000000;
	v0 =	vand.u32 $0xF, v0;
	v1 =	vand.u32 $0x3FFF, v1  }
0x23: {  	v0 =	vsel vm1, $0xFFFFFFFF, v0;
	v1 =	vsel vm1, $0xFFFFFFFF, v1  }
0x24: {  	v2 =	vshll.u32 v0, $0xE;
	v3 =	vshll.u32 v1, $0x3  }
0x25: {  	v0 =	vshll.u32 v0, $0x7;
	v2 =	vand.u32 $0xFFFE0000, v2;
	v3 =	vand.u32 $0xFFFFFC00, v3  }
0x26: {  	v0 =	vand.u32 $0x380, v0;
	v2 =	vadd.s32 v2, v3  }
0x27: {  	v1 =	vand.u32 $0x7F, v1;
	v0 =	vor.u32 v0, v2  }
0x28: {  	p1 =	por p0, p0;
	v0 =	vor.u32 v1, v0  }
.Ltmp3:
0x29: {  	_ = 	snop;
	(pc) =	sbr.rel @p1 .LBB2_3-.Ltmp3, $4  }
0x2a: {  	_ = 	snop  }
0x2b: {  	s31 =	sadd.s32 s16, s14  }
0x2c: {  	s16 =	simm.s32 $0x10;
	p0 =	por $0x0, $0x0;
	(ifvalue) =	ssetifvalue $0x7FFFFFFF  }
0x2d: {  	[tilespmem:s31], [sflag:$0x1] =	stream.indirect_vreg.gather [hbm4b:s3+s10], $0x1, v0, vm0, $0x4038;
	[tilespmem:$0x80] =	vst v63  }
.Ltmp4:
0x2e: {  	(pc) =	sbr.rel .LBB2_5-.Ltmp4, $4  }
0x2f: {  	_ =	swait.ge [sflag:s5], $0x20  }
0x30: {  	s15 =	sshrl.u32 s13, $0x3;
	[sflag:s5] =	ssyncset.done $0x0  }
0x31: {  	s31 =	sand.u32 $0x7, s13;
	s15 =	sadd.s32 s8, s15;
	[sflag:s5] =	ssyncadd.s32 $0xFFFFFFE0  }
0x32: {  	[hbm4b:s15+s31] =	stream.linear.scatter [tilespmem:s14], [sflag:$0x3], $0x20, $0x38;
	[tilespmem:$0x80] =	vst v63  }
.LBB2_6:
0x33: {  	_ =	sfence.sel $0x180000  }
0x34: {  	s2 =	simm.s32 $0x2;
	[bflag:$0x0] =	sbarrier.arrive $0xFFFF  }
0x35: {  	s30 =	simm.s32 $0x3;
	[sflag:s2] =	ssyncpa.u1 $0x1  }
0x36: {  	s31 =	simm.s32 $0x1;
	[sflag:s30] =	ssyncpa.u1 $0x1  }
0x37: {  	[sflag:s31] =	ssyncpa.u1 $0x1  }
0x38: {  	p0 =	sne.s32 s0, $0x0;
	_ =	strace $0x90000056  }
0x39: {  	s0 =	sadd.s32 @!p0 $0x100000, s1;
	[bflag:$0x2] =	sbarrier.arrive $0xFFFF  }
0x3a: {  	[sflag:s0] =	ssyncadd.tile.s32 @!p0 $0x1;
	_ =	shalt  }
.Lfunc_end2:
_tile_overlayer_lowered:
.L_overlay_start_2:
0x3b: {  	(tag) =	ssettag $0x2  }
0x3c: {  	s0 =	rddreg [dreg:$0x0];
	s2 =	stileid.u32  }
0x3d: {  	s1 =	rddreg [dreg:$0x1];
	p0 =	sne.s32 s2, $0x0  }
0x3e: {  	s3 =	rddreg [dreg:$0x2];
	[bflag:$0x3] =	sbarrier.arrive $0xFFFF;
	s2 =	simm.s32 @!p0 $0x1C01  }
0x3f: {  	[timem:s3], [sflag:s2] =	dma.local @!p0 [hbm:s0], s1  }
0x40: {  	s0 =	simm.s32 @!p0 $0x1  }
0x41: {  	_ =	swait.ge @!p0 [sflag:s0], s1  }
0x42: {  	s1 =	ssub.s32 @!p0 $0x0, s1;
	[sflag:s0] =	ssyncset.done @!p0 $0x0  }
0x43: {  	[sflag:s0] =	ssyncadd.s32 @!p0 s1  }
0x44: {  	[bflag:$0x3] =	sbarrier.arrive $0xFFFF  }
0x45: {  	_ =	shalt  }

// kernel: gather_offload_async_start
scs
__scs_entry_jumppad:
0x0: {  	(pc) =	sbr.rel $0x88, $3  }
0x1: {  	(tag) =	ssettag $0x0;
	lr =	simm.s32 $0x1  }
0x2: {  	[smem:$0x3F98] =	sst lr;
	_ =	strace $0xD0000000  }
0x3: {  	_ = 	snop  }
0x4: {  	_ = 	snop  }
0x5: {  	_ = 	snop  }
0x6: {  	_ = 	snop  }
0x7: {  	_ = 	snop  }
__scs_overlays_trampoline_lowered:
0x8: {  	[smem:$0x3FA7] =	sst s0  }
0x9: {  	[smem:$0x3FA8] =	sst s1  }
0xa: {  	[smem:$0x3FA9] =	sst s2  }
0xb: {  	[smem:$0x3FAA] =	sst s3  }
0xc: {  	[smem:$0x3FAB] =	sst s4  }
0xd: {  	[smem:$0x3FAC] =	sst s5  }
0xe: {  	[smem:$0x3FAD] =	sst s6  }
0xf: {  	[smem:$0x3FAE] =	sst s7  }
0x10: {  	[smem:$0x3FAF] =	sst s8  }
0x11: {  	[smem:$0x3FB0] =	sst s9;
	s0 =	simm.s32 @!p0 $0x0  }
0x12: {  	s1 =	sld [smem:$0x3F96];
	s0 =	simm.s32 @p0 $0x1  }
0x13: {  	[smem:$0x3FB1] =	sst s0;
	s0 =	simm.s32 @!p1 $0x0  }
0x14: {  	s2 =	sld [smem:$0x3F95];
	s0 =	simm.s32 @p1 $0x1  }
0x15: {  	[smem:$0x3FB2] =	sst s0;
	s0 =	simm.s32 @!p2 $0x0  }
0x16: {  	s3 =	sld [smem:$0x3FDB];
	s0 =	simm.s32 @p2 $0x1  }
0x17: {  	s4 =	simm.s32 $0x1BF5;
	[smem:$0x3FB4] =	sst s0  }
0x18: {  	s0 =	sld [smem:$0x3F97];
	_ =	swait.ge [sflag:s4], $0x0  }
0x19: {  	s7 =	sld [smem:$0x3F98]  }
0x1a: {  	s8 =	sadd.s32 $0xFFFFE003, lr  }
0x1b: {  	s9 =	sadd.s32 $0xFFFFFEF7, lr;
	s5 =	simm.s32 $0xFFFFFFFF;
	p2 =	slt.u32 s8, $0xFFFFF086  }
0x1c: {  	p1 =	slt.u32 s9, $0xF7A;
	s5 =	simm.s32 @!p2 $0x0  }
0x1d: {  	s5 =	simm.s32 @p1 $0x1;
	p0 =	seq.s32 s7, s2  }
0x1e: {  	s7 =	smul.u32 @!p0 $0xF7A, s2;
	p2 =	seq.s32 @!p0 s5, $0x0  }
0x1f: {  	s9 =	smul.u32 $0xF7A, s1;
	s8 =	simm.s32 @!p0 $0x1BF5;
	p2 =	por !p2, p0  }
0x20: {  	[sflag:s8] =	ssyncset.s32 @!p0 $0xFFFFF086;
	s6 =	sadd.s32 @!p0 s3, s7;
	s7 =	simm.s32 @!p0 $0x108  }
0x21: {  	s3 =	sadd.s32 s3, s9;
	s6 =	sadd.s32 @!p0 $0x88, s6;
	s7 =	simm.s32 @p2 $0x1082  }
0x22: {  	[simem:s7], [sflag:s8] =	dma.local @!p0 [hbm:s6], $0xF7A  }
0x23: {  	s9 =	sor.u32 $0xD0000000, s2;
	s6 =	simm.s32 $0x108;
	_ =	swait.ge @!p0 [sflag:s8], $0x0  }
0x24: {  	s3 =	sadd.s32 $0x88, s3;
	s6 =	simm.s32 @!p1 $0x1082;
	[sflag:s4] =	ssyncset.s32 $0xFFFFF086  }
0x25: {  	[simem:s6], [sflag:s4] =	dma.local [hbm:s3], $0xF7A  }
0x26: {  	[smem:$0x3F98] =	sst s1;
	(tag) =	ssettag s2;
	_ =	strace s9  }
0x27: {  	s1 =	sld [smem:$0x3FA8]  }
0x28: {  	s2 =	sld [smem:$0x3FA9]  }
0x29: {  	s4 =	sld [smem:$0x3FAB]  }
0x2a: {  	p0 =	seq.s32 s5, $0x0;
	s5 =	sld [smem:$0x3FAC]  }
0x2b: {  	s6 =	sld [smem:$0x3FAD]  }
0x2c: {  	s7 =	sld [smem:$0x3FAE]  }
0x2d: {  	s3 =	simm.s32 $0x108;
	s8 =	sld [smem:$0x3FAF]  }
0x2e: {  	s3 =	simm.s32 @!p0 $0x1082;
	s9 =	sld [smem:$0x3FB0]  }
0x2f: {  	lr =	sadd.s32 s0, s3;
	s0 =	sld [smem:$0x3FA7]  }
0x30: {  	s3 =	sld [smem:$0x3FAA]  }
0x31: {  	[smem:$0x3FB3] =	sst s10  }
0x32: {  	s10 =	sld [smem:$0x3FB1];
	_ =	sdelay $0x3  }
0x33: {  	p0 =	seq.s32 s10, $0x1;
	s10 =	sld [smem:$0x3FB3];
	_ =	sdelay $0x3  }
0x34: {  	[smem:$0x3FB3] =	sst s10  }
0x35: {  	s10 =	sld [smem:$0x3FB2];
	_ =	sdelay $0x3  }
0x36: {  	p1 =	seq.s32 s10, $0x1;
	s10 =	sld [smem:$0x3FB3];
	_ =	sdelay $0x3  }
0x37: {  	[smem:$0x3FB3] =	sst s10  }
0x38: {  	s10 =	sld [smem:$0x3FB4]  }
0x39: {  	_ = 	snop;
	(pc) =	sbr.ind lr, $3  }
0x3a: {  	_ = 	snop  }
0x3b: {  	_ = 	snop  }
0x3c: {  	p2 =	seq.s32 s10, $0x1;
	s10 =	sld [smem:$0x3FB3]  }
0x3d: {  	_ =	shalt  }
0x3e: {  	_ =	shalt  }
0x3f: {  	_ =	shalt  }
0x40: {  	_ =	shalt  }
0x41: {  	_ =	shalt  }
0x42: {  	_ =	shalt  }
0x43: {  	_ =	shalt  }
0x44: {  	_ =	shalt  }
0x45: {  	_ =	shalt  }
0x46: {  	_ =	shalt  }
0x47: {  	_ =	shalt  }
0x48: {  	_ =	shalt  }
0x49: {  	_ =	shalt  }
0x4a: {  	_ =	shalt  }
0x4b: {  	_ =	shalt  }
0x4c: {  	_ =	shalt  }
0x4d: {  	_ =	shalt  }
0x4e: {  	_ =	shalt  }
0x4f: {  	_ =	shalt  }
0x50: {  	_ =	shalt  }
0x51: {  	_ =	shalt  }
0x52: {  	_ =	shalt  }
0x53: {  	_ =	shalt  }
0x54: {  	_ =	shalt  }
0x55: {  	_ =	shalt  }
0x56: {  	_ =	shalt  }
0x57: {  	_ =	shalt  }
0x58: {  	_ =	shalt  }
0x59: {  	_ =	shalt  }
0x5a: {  	_ =	shalt  }
0x5b: {  	_ =	shalt  }
0x5c: {  	_ =	shalt  }
0x5d: {  	_ =	shalt  }
0x5e: {  	_ =	shalt  }
0x5f: {  	_ =	shalt  }
0x60: {  	_ =	shalt  }
0x61: {  	_ =	shalt  }
0x62: {  	_ =	shalt  }
0x63: {  	_ =	shalt  }
0x64: {  	_ =	shalt  }
0x65: {  	_ =	shalt  }
0x66: {  	_ =	shalt  }
0x67: {  	_ =	shalt  }
0x68: {  	_ =	shalt  }
0x69: {  	_ =	shalt  }
0x6a: {  	_ =	shalt  }
0x6b: {  	_ =	shalt  }
0x6c: {  	_ =	shalt  }
0x6d: {  	_ =	shalt  }
0x6e: {  	_ =	shalt  }
0x6f: {  	_ =	shalt  }
0x70: {  	_ =	shalt  }
0x71: {  	_ =	shalt  }
0x72: {  	_ =	shalt  }
0x73: {  	_ =	shalt  }
0x74: {  	_ =	shalt  }
0x75: {  	_ =	shalt  }
0x76: {  	_ =	shalt  }
0x77: {  	_ =	shalt  }
0x78: {  	_ =	shalt  }
0x79: {  	_ =	shalt  }
0x7a: {  	_ =	shalt  }
0x7b: {  	_ =	shalt  }
0x7c: {  	_ =	shalt  }
0x7d: {  	_ =	shalt  }
0x7e: {  	_ =	shalt  }
0x7f: {  	_ =	shalt  }
0x80: {  	_ =	shalt  }
0x81: {  	_ =	shalt  }
0x82: {  	_ =	shalt  }
0x83: {  	_ =	shalt  }
0x84: {  	_ =	shalt  }
0x85: {  	_ =	shalt  }
0x86: {  	_ =	shalt  }
0x87: {  	_ =	shalt  }
.Lfunc_end0:
.L_simem_size_0:
called_computation_lowered:
.L_overlay_start_0:
0x88: {  	s2 =	sld [smem:$0x3FD9]  }
0x89: {  	s3 =	sld [smem:$0x3FFE];
	_ =	sdelay $0x1  }
0x8a: {  	s1 =	srdreg.scid  }
0x8b: {  	s0 =	sand.u32 $0x1, s1  }
0x8c: {  	s16 =	sshll.u32 s0, $0xA;
	s2 =	sadd.s32 s3, s2  }
0x8d: {  	s2 =	sadd.s32 s2, s16  }
0x8e: {  	[smem:$0x3FBF] =	sst s2  }
0x8f: {  	_ = 	snop  }
0x90: {  	(tm) =	ssettm $0x1  }
0x91: {  	s17 =	sld [smem:$0x3FFB];
	_ =	sdelay $0x3  }
0x92: {  	_ =	strace s17  }
0x93: {  	s2 =	sld [smem:$0x3FFC];
	_ =	sdelay $0x3  }
0x94: {  	_ =	strace s2  }
0x95: {  	s2 =	sld [smem:$0x3FFD];
	_ =	sdelay $0x3  }
0x96: {  	_ =	strace s2  }
0x97: {  	_ =	strace $0x8FFFFFFF  }
0x98: {  	s18 =	sld [smem:$0x3FDB];
	_ =	sdelay $0x1  }
0x99: {  	s19 =	simm.s32 $_scs_section_size  }
0x9a: {  	s4 =	simm.s32 $_size__tile_overlayer_lowered;
	s5 =	simm.s32 $_tile_overlayer_lowered  }
0x9b: {  	s22 =	simm.s32 $0x1BFF;
	s21 =	sshll.u32 s5, $0x1;
	s2 =	sadd.s32 s19, s18  }
0x9c: {  	s6 =	simm.s32 $0x0;
	s20 =	sshll.u32 s4, $0x1;
	s4 =	sadd.s32 s21, s2  }
0x9d: {  	[timem:s6], [sflag:s22] =	dma.local [hbm:s4], s20  }
0x9e: {  	_ =	swait.ge [sflag:s22], s20  }
0x9f: {  	s3 =	ssub.s32 $0x0, s20;
	[sflag:s22] =	ssyncset.done $0x0  }
0xa0: {  	[sflag:s22] =	ssyncadd.s32 s3;
	_ =	sdelay $0x1  }
0xa1: {  	s23 =	simm.s32 $0x1B8B  }
0xa2: {  	_ =	swait.ge [sflag:s23], $0x1  }
0xa3: {  	[sflag:s23] =	ssyncset.done $0x0  }
0xa4: {  	s25 =	simm.s32 $0x1B8E;
	s24 =	sld [smem:$0x3FFE];
	[sflag:s23] =	ssyncadd.s32 $0xFFFFFFFF  }
0xa5: {  	s26 =	simm.s32 $execute0_lowered;
	[smem:$0x3FD2] =	sst s25  }
0xa6: {  	s4 =	sshll.u32 s26, $0x1;
	_ =	strace $0x80000049;
	[dreg:$0x1] =	wrdreg $0xFFFFFFFF  }
0xa7: {  	s28 =	simm.s32 $_size_execute0_lowered;
	s2 =	sadd.s32 s2, s4;
	[dreg:$0x0] =	wrdreg $0x0  }
0xa8: {  	s4 =	sshll.u32 s28, $0x1;
	[dreg:$0x2] =	wrdreg s2  }
0xa9: {  	[dreg:$0x3] =	wrdreg s4  }
0xaa: {  	[dreg:$0x4] =	wrdreg $0xC0  }
0xab: {  	_ =	task [dreg:s6], $0x5FFFF  }
0xac: {  	[dreg:$0x1] =	wrdreg $0xFFFFFFFF  }
0xad: {  	[dreg:$0x0] =	wrdreg $0x60  }
0xae: {  	[dreg:$0x2] =	wrdreg s24  }
0xaf: {  	[dreg:$0x3] =	wrdreg $0x9  }
0xb0: {  	_ =	task.clear_ibuf [dreg:s6], $0x4FFFF;
	_ =	strace $0x90000049  }
0xb1: {  	s29 =	simm.s32 $0x9;
	_ =	strace $0x8000004B  }
0xb2: {  	_ =	swait.ge [sflag:s29], $0x1  }
0xb3: {  	[sflag:s29] =	ssyncadd.s32 $0xFFFFFFFF  }
0xb4: {  	_ =	strace $0x9000004B  }
0xb5: {  	_ =	sfence  }
0xb6: {  	s30 =	sld [smem:$0x0];
	_ =	sdelay $0x2  }
0xb7: {  	s31 =	sshll.u32 s1, $0xD;
	s1 =	sshrl.u32 s1, $0x2  }
0xb8: {  	s3 =	sand.u32 $0x4000, s31;
	s1 =	sadd.s32 s1, s30  }
0xb9: {  	s0 =	sor.u32 s3, s0;
	s1 =	sshll.u32 s1, $0x11  }
0xba: {  	s0 =	sor.u32 s1, s0  }
0xbb: {  	s0 =	sadd.s32 $0x8F2B, s0  }
0xbc: {  	[sflag:s0] =	ssyncadd.remote.s32 $0x1  }
0xbd: {  	_ =	sfence.sel $0xFFFF  }
0xbe: {  	[dreg:$0x0] =	wrdreg $0xFFFFFFFF;
	(pc) =	sbr.abs _section_cstart, $3  }
0xbf: {  	[dreg:$0x1] =	wrdreg $0xFFFFFFFF  }
0xc0: {  	_ =	task.clear_ibuf [dreg:s6], $0x2FFFF;
	_ =	strace $0x9FFFFFFF  }
0xc1: {  	(tm) =	ssettm $0x7FFFFFFF  }
tec
execute0_lowered:
.L_overlay_start_1:
0x0: {  	(tag) =	ssettag $0x1  }
0x1: {  	s1 =	srdreg.scid  }
0x2: {  	s0 =	stileid.u32;
	s8 =	rddreg [dreg:$0x0];
	s5 =	simm.s32 $0x1  }
0x3: {  	s9 =	simm.s32 $0x1;
	s10 =	simm.s32 $0x3;
	s1 =	sshll.u32 s1, $0x5  }
0x4: {  	s13 =	simm.s32 $0x0;
	s2 =	sshll.u32 s0, $0x6;
	s3 =	sand.u32 $0x20, s1  }
0x5: {  	s12 =	simm.s32 $0x0;
	s4 =	sadd.s32 $0x11A00, s8;
	s2 =	sor.u32 s2, s3  }
0x6: {  	s1 =	rddreg [dreg:$0x1];
	_ =	strace $0x8000004A;
	s7 =	ssub.s32 $0x800, s2  }
.Ltmp0:
0x7: {  	s3 =	sadd.s32 $0x7A00, s8;
	s6 =	sand.u32 $0x3E0, s7;
	(pc) =	sbr.rel .LBB2_1-.Ltmp0, $4  }
0x8: {  	[sflag:s5] =	ssyncpa.u1 $0x0;
	s8 =	sadd.s32 $0x21C00, s8;
	p0 =	sne.s32 s6, $0x0  }
0x9: {  	s7 =	sshrl.u32 s7, $0xA;
	s6 =	simm.s32 $0x2;
	s9 =	simm.s32 @!p0 $0x0  }
0xa: {  	s11 =	smov.u32 s2;
	[sflag:s6] =	ssyncpa.u1 $0x0;
	s7 =	sadd.s32 s9, s7  }
0xb: {  	vm0 =	vmmov $0xffff;
	[sflag:s10] =	ssyncpa.u1 $0x0;
	s10 =	simm.s32 $0x0;
	s9 =	sadd.s32 $0x1, s7  }
.LBB2_5:
0xc: {  	s15 =	sadd.s32 $0x400, s11  }
0xd: {  	p1 =	sgt.s32 s15, $0x7FF  }
0xe: {  	s15 =	smov.u32 @p1 s2;
	p1 =	sne.s32 s12, s9  }
.Ltmp1:
0xf: {  	p0 =	slt.u32 s12, $0x2;
	(pc) =	sbr.rel @!p1 .LBB2_6-.Ltmp1, $4  }
0x10: {  	s14 =	simm.s32 @!p0 $0x3  }
0x11: {  	_ =	swait.ge @!p0 [sflag:s14], $0x20  }
0x12: {  	s16 =	sadd.s32 $0x1, s12;
	s13 =	smov.u32 s11;
	[sflag:s14] =	ssyncset.done @!p0 $0x0  }
0x13: {  	s12 =	smov.u32 s16;
	s11 =	smov.u32 s15;
	[sflag:s14] =	ssyncadd.s32 @!p0 $0xFFFFFFE0  }
.LBB2_1:
0x14: {  	p0 =	sge.u32 s12, s7  }
0x15: {  	s14 =	sxor.u32 @!p0 $0xFFFFFFFF, s12  }
0x16: {  	s31 =	sadd.s32 $0xFFFFFFFF, s12;
	s15 =	sshrl.u32 @!p0 s11, $0x3;
	s14 =	sshll.u32 @!p0 s14, $0x5  }
0x17: {  	s16 =	sand.u32 @!p0 $0x7, s11;
	s15 =	sadd.s32 @!p0 s4, s15;
	s14 =	sand.u32 @!p0 $0x20, s14  }
0x18: {  	[tilespmem:s14], [sflag:$0x2] =	stream.linear.gather @!p0 [hbm4b:s15+s16], $0x20, $0x38;
	[tilespmem:$0x80] =	vst v63  }
0x19: {  	p0 =	sge.u32 s31, s7  }
.Ltmp2:
0x1a: {  	_ = 	snop;
	(pc) =	sbr.rel @p0 .LBB2_5-.Ltmp2, $1  }
0x1b: {  	_ =	sdelay $0x3  }
0x1c: {  	_ =	swait.ge [sflag:s6], $0x20;
	s14 =	sshll.u32 s12, $0x5;
	s16 =	simm.s32 $0x0  }
0x1d: {  	p0 =	por $0x1, $0x1;
	[sflag:s6] =	ssyncset.done $0x0;
	s15 =	sand.u32 $0x20, s14  }
0x1e: {  	[sflag:s6] =	ssyncadd.s32 $0xFFFFFFE0;
	(ifvalue) =	ssetifvalue $0x7FFFFFFF;
	s14 =	sor.u32 $0x40, s15  }
.LBB2_3:
0x1f: {  	s17 =	sadd.s32 s16, s15  }
0x20: {  	v0 =	vld.msk [tilespmem:s17+$0x0 ss:$0x1], $0xffff;
	_ =	sdelay $0x4  }
0x21: {  	vm1 =	veq.s32 v0, $0x80000000;
	v1 =	vand.u32 $0xF, v0;
	v0 =	vshrl.u32 v0, $0x4  }
0x22: {  	v1 =	vsel vm1, $0xFFFFFFFF, v1;
	v0 =	vand.u32 $0x3FFF, v0  }
0x23: {  	v0 =	vsel vm1, $0xFFFFFFFF, v0;
	v2 =	vshrl.u32 v1, $0x3  }
0x24: {  	v2 =	vmul.u32 $0x14000, v2;
	v3 =	vshll.u32 v0, $0x3  }
0x25: {  	v1 =	vshll.u32 v1, $0x7;
	v3 =	vand.u32 $0xFFFFFC00, v3  }
0x26: {  	v1 =	vand.u32 $0x380, v1;
	v2 =	vadd.s32 v2, v3  }
0x27: {  	v0 =	vand.u32 $0x7F, v0;
	v1 =	vor.u32 v1, v2  }
0x28: {  	p1 =	por p0, p0;
	v0 =	vor.u32 v0, v1  }
.Ltmp3:
0x29: {  	_ = 	snop;
	(pc) =	sbr.rel @p1 .LBB2_3-.Ltmp3, $4  }
0x2a: {  	_ = 	snop  }
0x2b: {  	s31 =	sadd.s32 s16, s14  }
0x2c: {  	s16 =	simm.s32 $0x10;
	p0 =	por $0x0, $0x0;
	(ifvalue) =	ssetifvalue $0x7FFFFFFF  }
0x2d: {  	[tilespmem:s31], [sflag:$0x1] =	stream.indirect_vreg.gather [hbm4b:s3+s10], $0x1, v0, vm0, $0x4038;
	[tilespmem:$0x80] =	vst v63  }
.Ltmp4:
0x2e: {  	(pc) =	sbr.rel .LBB2_5-.Ltmp4, $4  }
0x2f: {  	_ =	swait.ge [sflag:s5], $0x20  }
0x30: {  	s15 =	sshrl.u32 s13, $0x3;
	[sflag:s5] =	ssyncset.done $0x0  }
0x31: {  	s31 =	sand.u32 $0x7, s13;
	s15 =	sadd.s32 s8, s15;
	[sflag:s5] =	ssyncadd.s32 $0xFFFFFFE0  }
0x32: {  	[hbm4b:s15+s31] =	stream.linear.scatter [tilespmem:s14], [sflag:$0x3], $0x20, $0x38;
	[tilespmem:$0x80] =	vst v63  }
.LBB2_6:
0x33: {  	_ =	sfence.sel $0x180000  }
0x34: {  	s2 =	simm.s32 $0x2;
	[bflag:$0x0] =	sbarrier.arrive $0xFFFF  }
0x35: {  	s30 =	simm.s32 $0x3;
	[sflag:s2] =	ssyncpa.u1 $0x1  }
0x36: {  	s31 =	simm.s32 $0x1;
	[sflag:s30] =	ssyncpa.u1 $0x1  }
0x37: {  	[sflag:s31] =	ssyncpa.u1 $0x1  }
0x38: {  	p0 =	sne.s32 s0, $0x0;
	_ =	strace $0x9000004A  }
0x39: {  	s0 =	sadd.s32 @!p0 $0x100000, s1;
	[bflag:$0x2] =	sbarrier.arrive $0xFFFF  }
0x3a: {  	[sflag:s0] =	ssyncadd.tile.s32 @!p0 $0x1;
	_ =	shalt  }
.Lfunc_end2:
_tile_overlayer_lowered:
.L_overlay_start_2:
0x3b: {  	(tag) =	ssettag $0x2  }
0x3c: {  	s0 =	rddreg [dreg:$0x0];
	s2 =	stileid.u32  }
0x3d: {  	s1 =	rddreg [dreg:$0x1];
	p0 =	sne.s32 s2, $0x0  }
0x3e: {  	s3 =	rddreg [dreg:$0x2];
	[bflag:$0x3] =	sbarrier.arrive $0xFFFF;
	s2 =	simm.s32 @!p0 $0x1C01  }
0x3f: {  	[timem:s3], [sflag:s2] =	dma.local @!p0 [hbm:s0], s1  }
0x40: {  	s0 =	simm.s32 @!p0 $0x1  }
0x41: {  	_ =	swait.ge @!p0 [sflag:s0], s1  }
0x42: {  	s1 =	ssub.s32 @!p0 $0x0, s1;
	[sflag:s0] =	ssyncset.done @!p0 $0x0  }
0x43: {  	[sflag:s0] =	ssyncadd.s32 @!p0 s1  }
0x44: {  	[bflag:$0x3] =	sbarrier.arrive $0xFFFF  }
0x45: {  	_ =	shalt  }

</sc_bundles>
